<compile_context>
chip_gen: v7x
topology: tpu7x:2x2x1
jax: 0.10.2.dev20260603
libtpu: 0.0.44.dev20260713+nightly
codegen_flags: <defaults>
</compile_context>

<pallas_src>
import functools

import jax
import jax.numpy as jnp
from jax import lax
from jax.experimental import pallas as pl
from jax.experimental.pallas import tpu as pltpu
from jax.experimental.pallas import tpu_sc as plsc

_N = 10000
_NPAD = 10240
_E = 320000
_NSUB = 16
_NW = 32

@functools.lru_cache(maxsize=None)
def _mesh():
    return plsc.VectorSubcoreMesh(core_axis_name="c", subcore_axis_name="s")

_DEG_CH = 4000
_LW_CH = 2000


def _f32(shape):
    return jax.ShapeDtypeStruct(shape, jnp.float32)


def _i32(shape):
    return jax.ShapeDtypeStruct(shape, jnp.int32)


@functools.lru_cache(maxsize=None)
def _get_prep():
    return pl.kernel(
        _prep_body,
        out_type=(_i32((_E,)), _f32((_E,)), _f32((_E,)), _f32((_E,))),
        mesh=_mesh(),
        compiler_params=pltpu.CompilerParams(needs_layout_passes=False),
        scratch_types=[
            pltpu.VMEM((_NPAD,), jnp.float32),
            pltpu.VMEM((640,), jnp.float32),
            pltpu.VMEM((640,), jnp.float32),
            pltpu.VMEM((_NPAD,), jnp.float32),
            pltpu.VMEM((_DEG_CH,), jnp.int32),
            pltpu.VMEM((_DEG_CH,), jnp.float32),
            pltpu.VMEM((_LW_CH,), jnp.int32),
            pltpu.VMEM((_LW_CH,), jnp.int32),
            pltpu.VMEM((_LW_CH,), jnp.float32),
            pltpu.VMEM((_LW_CH,), jnp.float32),
            pltpu.VMEM((_LW_CH,), jnp.float32),
            pltpu.VMEM_SHARED((_NSUB, _NPAD), jnp.float32),
            pltpu.VMEM_SHARED((_NPAD,), jnp.float32),
        ],
    )


def _prep_body(row_h, col_h, ew, pc_o, lw_o, lw2_o, lwm2_o,
          deg_loc, acc, tmp, dis_loc, rowb, ewb, colb,
          pcb, lwb, lw2b, lwm2b, sh_deg, sh_dis):
    cid = lax.axis_index("c")
    sid = lax.axis_index("s")
    wid = cid * _NSUB + sid

    zeros16 = jnp.zeros((16,), jnp.float32)

    def zero_deg(i, _):
        deg_loc[pl.ds(i * 16, 16)] = zeros16
        return 0
    lax.fori_loop(0, _NPAD // 16, zero_deg, 0)

    ebase = sid * (_E // _NSUB)

    def deg_chunk(c, _):
        off = ebase + c * _DEG_CH
        pltpu.sync_copy(row_h.at[pl.ds(off, _DEG_CH)], rowb)
        pltpu.sync_copy(ew.at[pl.ds(off, _DEG_CH)], ewb)

        @plsc.parallel_loop(0, _DEG_CH // 16, 1, unroll=2)
        def g(j):
            s = pl.ds(j * 16, 16)
            plsc.addupdate_scatter(deg_loc, [rowb[s]], ewb[s])
        return 0
    lax.fori_loop(0, (_E // _NSUB) // _DEG_CH, deg_chunk, 0)

    pltpu.sync_copy(deg_loc, sh_deg.at[sid])
    plsc.subcore_barrier()

    nbase = sid * 640

    def zero_acc(i, _):
        acc[pl.ds(i * 16, 16)] = zeros16
        return 0
    lax.fori_loop(0, 40, zero_acc, 0)

    def red(j, _):
        pltpu.sync_copy(sh_deg.at[j, pl.ds(nbase, 640)], tmp)

        def addv(i, _):
            s = pl.ds(i * 16, 16)
            acc[s] = acc[s] + tmp[s]
            return 0
        lax.fori_loop(0, 40, addv, 0)
        return 0
    lax.fori_loop(0, _NSUB, red, 0)

    magic = jnp.int32(0x5F3759DF)

    def disv(i, _):
        s = pl.ds(i * 16, 16)
        d = acc[s]
        bits = plsc.bitcast(d, jnp.int32)
        y = plsc.bitcast(magic - jnp.right_shift(bits, 1), jnp.float32)
        for _unused in range(3):
            t = d * y
            y = y * (1.5 - 0.5 * (t * y))
        tmp[s] = jnp.where(d > 0.0, y, 0.0)
        return 0
    lax.fori_loop(0, 40, disv, 0)

    pltpu.sync_copy(tmp, sh_dis.at[pl.ds(nbase, 640)])
    plsc.subcore_barrier()
    pltpu.sync_copy(sh_dis, dis_loc)

    lbase = wid * (_E // _NW)

    def lw_chunk(c, _):
        off = lbase + c * _LW_CH
        pltpu.sync_copy(row_h.at[pl.ds(off, _LW_CH)], rowb.at[pl.ds(0, _LW_CH)])
        pltpu.sync_copy(col_h.at[pl.ds(off, _LW_CH)], colb)
        pltpu.sync_copy(ew.at[pl.ds(off, _LW_CH)], ewb.at[pl.ds(0, _LW_CH)])

        @plsc.parallel_loop(0, _LW_CH // 16, 1, unroll=2)
        def g(j):
            s = pl.ds(j * 16, 16)
            r16 = rowb[s]
            c16 = colb[s]
            w16 = ewb[s]
            dr = plsc.load_gather(dis_loc, [r16])
            dc = plsc.load_gather(dis_loc, [c16])
            lwv = -(dr * dc * w16)
            lw2v = lwv + lwv
            pcb[s] = jnp.bitwise_or(jnp.left_shift(r16, 16), c16)
            lwb[s] = lwv
            lw2b[s] = lw2v
            lwm2b[s] = -lw2v

        pltpu.sync_copy(pcb, pc_o.at[pl.ds(off, _LW_CH)])
        pltpu.sync_copy(lwb, lw_o.at[pl.ds(off, _LW_CH)])
        pltpu.sync_copy(lw2b, lw2_o.at[pl.ds(off, _LW_CH)])
        pltpu.sync_copy(lwm2b, lwm2_o.at[pl.ds(off, _LW_CH)])
        return 0
    lax.fori_loop(0, (_E // _NW) // _LW_CH, lw_chunk, 0)


@functools.lru_cache(maxsize=None)
def _make_layer(D):
    Dt = D // _NW
    CH = 8000 if D == 128 else 16000
    NCH = _E // CH

    def lk(xt, pc, lw1, lw2, lwm2, tx, Q, P, pcb, lwb, pcb1, lwb1,
           semA, semB, semP, semQ):
        cid = lax.axis_index("c")
        sid = lax.axis_index("s")
        wid = cid * _NSUB + sid
        cbase = wid * Dt

        for d in range(Dt):
            pltpu.sync_copy(xt.at[pl.ds((cbase + d) * _NPAD, _N)],
                            Q.at[pl.ds(d * _N, _N)])

        zeros16 = jnp.zeros((16,), jnp.float32)

        @plsc.parallel_loop(0, Dt * _N // 16, 1, unroll=4)
        def zp(i):
            P[pl.ds(i * 16, 16)] = zeros16

        def process(src, dst, pcbuf, lwbuf):
            @plsc.parallel_loop(0, CH // 16, 1, unroll=2)
            def g(j):
                s = pl.ds(j * 16, 16)
                pcv = pcbuf[s]
                lwv = lwbuf[s]
                c16 = jnp.bitwise_and(pcv, 0xFFFF)
                r16 = jnp.right_shift(pcv, 16)
                for d in range(Dt):
                    gi = c16 + (d * _N) if d else c16
                    si = r16 + (d * _N) if d else r16
                    v = plsc.load_gather(src, [gi])
                    plsc.addupdate_scatter(dst, [si], v * lwv)

        def mv(src, dst, lw_hbm, k_out, out_sem, pend_sem):
            if pend_sem is not None:
                for d in range(Dt):
                    pltpu.make_async_copy(
                        dst.at[pl.ds(d * _N, _N)],
                        tx.at[pl.ds(((k_out - 2) * D + cbase + d) * _NPAD,
                                    _N)],
                        pend_sem).wait()

            pltpu.async_copy(pc.at[pl.ds(0, CH)], pcb, semA)
            pltpu.async_copy(lw_hbm.at[pl.ds(0, CH)], lwb, semA)

            def pair(cp, _):
                off1 = (2 * cp + 1) * CH
                d1p = pltpu.async_copy(pc.at[pl.ds(off1, CH)], pcb1, semB)
                d1l = pltpu.async_copy(lw_hbm.at[pl.ds(off1, CH)], lwb1,
                                       semB)
                off0 = (2 * cp) * CH
                pltpu.make_async_copy(pc.at[pl.ds(off0, CH)], pcb,
                                      semA).wait()
                pltpu.make_async_copy(lw_hbm.at[pl.ds(off0, CH)], lwb,
                                      semA).wait()
                process(src, dst, pcb, lwb)

                @pl.when(cp < NCH // 2 - 1)
                def _():
                    nb = (2 * cp + 2) * CH
                    pltpu.async_copy(pc.at[pl.ds(nb, CH)], pcb, semA)
                    pltpu.async_copy(lw_hbm.at[pl.ds(nb, CH)], lwb, semA)

                d1p.wait()
                d1l.wait()
                process(src, dst, pcb1, lwb1)
                return 0
            lax.fori_loop(0, NCH // 2, pair, 0)

            for d in range(Dt):
                pltpu.async_copy(
                    dst.at[pl.ds(d * _N, _N)],
                    tx.at[pl.ds((k_out * D + cbase + d) * _NPAD, _N)],
                    out_sem)

        mv(Q, P, lw1, 0, semP, None)
        mv(P, Q, lwm2, 1, semQ, None)
        mv(Q, P, lw2, 2, semP, semP)
        mv(P, Q, lwm2, 3, semQ, semQ)

        for d in range(Dt):
            pltpu.make_async_copy(
                P.at[pl.ds(d * _N, _N)],
                tx.at[pl.ds((2 * D + cbase + d) * _NPAD, _N)], semP).wait()
            pltpu.make_async_copy(
                Q.at[pl.ds(d * _N, _N)],
                tx.at[pl.ds((3 * D + cbase + d) * _NPAD, _N)], semQ).wait()

    return pl.kernel(
        lk,
        out_type=_f32((4 * D * _NPAD,)),
        mesh=_mesh(),
        compiler_params=pltpu.CompilerParams(needs_layout_passes=False),
        scratch_types=[
            pltpu.VMEM((Dt * _N,), jnp.float32),
            pltpu.VMEM((Dt * _N,), jnp.float32),
            pltpu.VMEM((CH,), jnp.int32),
            pltpu.VMEM((CH,), jnp.float32),
            pltpu.VMEM((CH,), jnp.int32),
            pltpu.VMEM((CH,), jnp.float32),
            pltpu.SemaphoreType.DMA,
            pltpu.SemaphoreType.DMA,
            pltpu.SemaphoreType.DMA,
            pltpu.SemaphoreType.DMA,
        ],
    )


_BN = 1280
_DN = (((0,), (0,)), ((), ()))


def _gates(xt_ref, tx_ref, w_ref, b_ref, wco_ref):
    acc = lax.dot_general(w_ref[0], xt_ref[...], _DN,
                          precision=lax.Precision.HIGHEST,
                          preferred_element_type=jnp.float32)
    for k in range(1, 5):
        acc = acc + lax.dot_general(w_ref[k], tx_ref[k - 1], _DN,
                                    precision=lax.Precision.HIGHEST,
                                    preferred_element_type=jnp.float32)
    pre = acc + b_ref[...]
    gi = jax.nn.sigmoid(pre[0:32])
    gt = jnp.tanh(pre[32:64])
    cc = gi * gt
    go = jax.nn.sigmoid(pre[64:96] + wco_ref[...] * cc)
    return jnp.maximum(go * jnp.tanh(cc), 0.0)


def _dense1_body(xt_ref, tx_ref, w_ref, b_ref, wco_ref, o_ref):
    o_ref[...] = _gates(xt_ref, tx_ref, w_ref, b_ref, wco_ref)


def _dense2_body(xt_ref, tx_ref, w_ref, b_ref, wco_ref,
                 w0_ref, b0_ref, w1_ref, b1_ref, w2_ref, b2_ref,
                 w3_ref, b3_ref, o_ref):
    hr = _gates(xt_ref, tx_ref, w_ref, b_ref, wco_ref)
    z = hr
    for wr, br in ((w0_ref, b0_ref), (w1_ref, b1_ref), (w2_ref, b2_ref),
                   (w3_ref, b3_ref)):
        z = lax.dot_general(wr[...], z, _DN,
                            precision=lax.Precision.HIGHEST,
                            preferred_element_type=jnp.float32) + br[...]
    o_ref[...] = jnp.broadcast_to(z, (8, _BN))


def _dense1(xt, tx, w, b, wco, D):
    return pl.pallas_call(
        _dense1_body,
        grid=(_NPAD // _BN,),
        in_specs=[
            pl.BlockSpec((D, _BN), lambda j: (0, j)),
            pl.BlockSpec((4, D, _BN), lambda j: (0, 0, j)),
            pl.BlockSpec((5, D, 96), lambda j: (0, 0, 0)),
            pl.BlockSpec((96, 1), lambda j: (0, 0)),
            pl.BlockSpec((32, 1), lambda j: (0, 0)),
        ],
        out_specs=pl.BlockSpec((32, _BN), lambda j: (0, j)),
        out_shape=_f32((32, _NPAD)),
    )(xt, tx, w, b, wco)


def _dense2(xt, tx, w, b, wco, lin, D):
    lin_args = []
    lin_specs = []
    for layer in lin:
        wl = layer["W"]
        bl = layer["b"].reshape(-1, 1)
        lin_args += [wl, bl]
        lin_specs += [
            pl.BlockSpec(wl.shape, lambda j: (0, 0)),
            pl.BlockSpec(bl.shape, lambda j: (0, 0)),
        ]
    return pl.pallas_call(
        _dense2_body,
        grid=(_NPAD // _BN,),
        in_specs=[
            pl.BlockSpec((D, _BN), lambda j: (0, j)),
            pl.BlockSpec((4, D, _BN), lambda j: (0, 0, j)),
            pl.BlockSpec((5, D, 96), lambda j: (0, 0, 0)),
            pl.BlockSpec((96, 1), lambda j: (0, 0)),
            pl.BlockSpec((32, 1), lambda j: (0, 0)),
        ] + lin_specs,
        out_specs=pl.BlockSpec((8, _BN), lambda j: (0, j)),
        out_shape=_f32((8, _NPAD)),
    )(xt, tx, w, b, wco, *lin_args)


def _gate_weights(lp):
    sign = jnp.array([1.0, 1.0, -1.0, -1.0, 1.0],
                     jnp.float32).reshape(5, 1, 1)
    w = jnp.concatenate([lp["conv_x_i"]["W"], lp["conv_x_c"]["W"],
                         lp["conv_x_o"]["W"]], axis=2) * sign
    b = jnp.concatenate([
        lp["conv_x_i"]["b"] + lp["conv_h_i"]["b"] + lp["b_i"][0],
        lp["conv_x_c"]["b"] + lp["conv_h_c"]["b"] + lp["b_c"][0],
        lp["conv_x_o"]["b"] + lp["conv_h_o"]["b"] + lp["b_o"][0],
    ]).reshape(96, 1)
    wco = lp["w_c_o"].reshape(32, 1)
    return w, b, wco


def kernel(x, edge_index, edge_weight, params):
    xt = jnp.pad(x.T, ((0, 0), (0, _NPAD - _N)))
    pc, lw, lw2, lwm2 = _get_prep()(edge_index[0], edge_index[1], edge_weight)

    w1, b1, wco1 = _gate_weights(params["l1"])
    w2, b2, wco2 = _gate_weights(params["l2"])

    tx1 = _make_layer(128)(xt.reshape(-1), pc, lw, lw2, lwm2)
    tx1 = tx1.reshape(4, 128, _NPAD)
    h1t = _dense1(xt, tx1, w1, b1, wco1, 128)
    tx2 = _make_layer(32)(h1t.reshape(-1), pc, lw, lw2, lwm2)
    tx2 = tx2.reshape(4, 32, _NPAD)
    y8 = _dense2(h1t, tx2, w2, b2, wco2, params["lin"], 32)
    return y8[0, :_N].reshape(_N, 1)

# --- scband reference (transcript-rebuilt; emitter-appended) ---
"""Pipeline reference for scband-recurrent-gcn-27376121544893 (READ-ONLY COPY).

The authoritative reference and input builder live on the scoring server;
editing this copy changes nothing except your own understanding.
"""

import jax, jax.numpy as jnp
import numpy as np

N = 10000
E = 320000
D_IN = 128
D_H = 32
K = 5


def _cheb_params(key, din, dout):
    W = jax.random.normal(key, (K, din, dout), dtype=jnp.float32) * (1.0 / np.sqrt(din * K))
    b = jnp.zeros((dout,), dtype=jnp.float32)
    return {"W": W, "b": b}


def _lstm_params(key, din, dout):
    ks = jax.random.split(key, 16)
    p = {}
    for i, g in enumerate(["i", "f", "c", "o"]):
        p["conv_x_" + g] = _cheb_params(ks[2 * i], din, dout)
        p["conv_h_" + g] = _cheb_params(ks[2 * i + 1], dout, dout)
    for i, g in enumerate(["i", "f", "o"]):
        p["w_c_" + g] = jax.random.normal(ks[8 + i], (1, dout), dtype=jnp.float32) * 0.1
    for g in ["i", "f", "c", "o"]:
        p["b_" + g] = jnp.zeros((1, dout), dtype=jnp.float32)
    return p


def setup_inputs(seed: int = 0):
    key = jax.random.key(seed)
    ks = jax.random.split(key, 8)
    x = jax.random.normal(ks[0], (N, D_IN), dtype=jnp.float32)
    edge_index = jax.random.randint(ks[1], (2, E), 0, N, dtype=jnp.int32)
    edge_weight = jax.random.uniform(ks[2], (E,), dtype=jnp.float32)
    dims = [D_H, 16, 8, 4, 1]
    lin = []
    for i in range(4):
        kw = jax.random.fold_in(ks[5], i)
        Wl = jax.random.normal(kw, (dims[i], dims[i + 1]), dtype=jnp.float32) * (1.0 / np.sqrt(dims[i]))
        bl = jnp.zeros((dims[i + 1],), dtype=jnp.float32)
        lin.append({"W": Wl, "b": bl})
    params = {
        "l1": _lstm_params(ks[3], D_IN, D_H),
        "l2": _lstm_params(ks[4], D_H, D_H),
        "lin": lin,
    }
    return {"x": x, "edge_index": edge_index, "edge_weight": edge_weight, "params": params}


def _lap_norm(edge_index, edge_weight, n):
    # scaled, sym-normalized Laplacian L_hat = 2L/lambda_max - I with lambda_max=2
    # -> off-diagonal weights -d^{-1/2}_i w_ij d^{-1/2}_j, zero diagonal
    row, col = edge_index[0], edge_index[1]
    deg = jax.ops.segment_sum(edge_weight, row, num_segments=n)
    deg_safe = jnp.where(deg > 0, deg, 1.0)
    dis = jnp.where(deg > 0, deg_safe ** -0.5, 0.0)
    lw = -dis[row] * edge_weight * dis[col]
    return row, col, lw


def _cheb(x, row, col, lw, n, p):
    W, b = p["W"], p["b"]

    def mv(v):
        return jax.ops.segment_sum(lw[:, None] * v[col], row, num_segments=n)

    Tx0 = x
    out = Tx0 @ W[0]
    Tx1 = mv(x)
    out = out + Tx1 @ W[1]
    for k in range(2, K):
        Tx2 = 2.0 * mv(Tx1) - Tx0
        out = out + Tx2 @ W[k]
        Tx0, Tx1 = Tx1, Tx2
    return out + b


def _gconv_lstm(p, x, row, col, lw, n, dout):
    H = jnp.zeros((n, dout), dtype=x.dtype)
    C = jnp.zeros((n, dout), dtype=x.dtype)
    I = jax.nn.sigmoid(_cheb(x, row, col, lw, n, p["conv_x_i"]) + _cheb(H, row, col, lw, n, p["conv_h_i"]) + p["w_c_i"] * C + p["b_i"])
    Fg = jax.nn.sigmoid(_cheb(x, row, col, lw, n, p["conv_x_f"]) + _cheb(H, row, col, lw, n, p["conv_h_f"]) + p["w_c_f"] * C + p["b_f"])
    T = jnp.tanh(_cheb(x, row, col, lw, n, p["conv_x_c"]) + _cheb(H, row, col, lw, n, p["conv_h_c"]) + p["b_c"])
    C = Fg * C + I * T
    O = jax.nn.sigmoid(_cheb(x, row, col, lw, n, p["conv_x_o"]) + _cheb(H, row, col, lw, n, p["conv_h_o"]) + p["w_c_o"] * C + p["b_o"])
    H = O * jnp.tanh(C)
    return H


def reference(x, edge_index, edge_weight, params):
    row, col, lw = _lap_norm(edge_index, edge_weight, N)
    h = _gconv_lstm(params["l1"], x, row, col, lw, N, D_H)
    h = jax.nn.relu(h)
    # dropout is identity in eval mode
    h = _gconv_lstm(params["l2"], h, row, col, lw, N, D_H)
    h = jax.nn.relu(h)
    for layer in params["lin"]:
        h = h @ layer["W"] + layer["b"]
    return h

if __name__ == "__main__":
    import jax
    _d = setup_inputs()
    print(jax.jit(kernel)(*tuple(_d.values())))

</pallas_src>

<mosaic_0001>
#map = affine_map<(d0, d1) -> (0)>
module attributes {stable_mosaic.version = 14 : i64} {
  func.func @lk(%arg0: i32, %arg1: i32, %arg2: memref<327680xf32, #tpu.memory_space<hbm>>, %arg3: memref<320000xi32, #tpu.memory_space<hbm>>, %arg4: memref<320000xf32, #tpu.memory_space<hbm>>, %arg5: memref<320000xf32, #tpu.memory_space<hbm>>, %arg6: memref<320000xf32, #tpu.memory_space<hbm>>, %arg7: memref<1310720xf32, #tpu.memory_space<hbm>>, %arg8: memref<10000xf32, #tpu.memory_space<vmem>>, %arg9: memref<10000xf32, #tpu.memory_space<vmem>>, %arg10: memref<16000xi32, #tpu.memory_space<vmem>>, %arg11: memref<16000xf32, #tpu.memory_space<vmem>>, %arg12: memref<16000xi32, #tpu.memory_space<vmem>>, %arg13: memref<16000xf32, #tpu.memory_space<vmem>>, %arg14: memref<!tpu.dma_semaphore, #tpu.memory_space<semaphore_mem>>, %arg15: memref<!tpu.dma_semaphore, #tpu.memory_space<semaphore_mem>>, %arg16: memref<!tpu.dma_semaphore, #tpu.memory_space<semaphore_mem>>, %arg17: memref<!tpu.dma_semaphore, #tpu.memory_space<semaphore_mem>>) attributes {dimension_semantics = [#tpu.dimension_semantics<core_parallel>, #tpu.dimension_semantics<subcore_parallel>], iteration_bounds = array<i64: 2, 16>, scalar_prefetch = 0 : i64, scratch_operands = 10 : i64, tpu.core_type = #tpu.core_type<sc_vector_subcore>, window_params = [{transform_indices = #map}, {transform_indices = #map}, {transform_indices = #map}, {transform_indices = #map}, {transform_indices = #map}, {transform_indices = #map}]} {
    %mul3A = arith.constant 16 : i32
    %mul3A_0 = arith.muli %arg0, %mul3A : i32
    %add3A = arith.addi %mul3A_0, %arg1 : i32
    %mul3A_1 = arith.constant 1 : i32
    %mul3A_2 = arith.muli %add3A, %mul3A_1 : i32
    %add3A_3 = arith.constant 0 : i32
    %add3A_4 = arith.addi %mul3A_2, %add3A_3 : i32
    %mul3A_5 = arith.constant 10240 : i32
    %mul3A_6 = arith.muli %add3A_4, %mul3A_5 : i32
    "tpu.region"() ({
      %run_scoped3A = tpu.sem_alloc : memref<!tpu.dma_semaphore, #tpu.memory_space<semaphore_mem>>
      %dma_start3A_163 = arith.constant 0 : i32
      %dma_start3A_164 = tpu.memref_slice %arg8[%dma_start3A_163] : memref<10000xf32, #tpu.memory_space<vmem>> -> memref<10000xf32, #tpu.memory_space<vmem>>
      %dma_start3A_165 = tpu.memref_slice %arg2[%mul3A_6] : memref<327680xf32, #tpu.memory_space<hbm>> -> memref<10000xf32, #tpu.memory_space<hbm>>
      %dma_start3A_166 = arith.constant 0 : i32
      %dma_start3A_167 = tpu.memref_slice %arg8[%dma_start3A_166] : memref<10000xf32, #tpu.memory_space<vmem>> -> memref<10000xf32, #tpu.memory_space<vmem>>
      %dma_start3A_168 = tpu.memref_slice %arg2[%mul3A_6] : memref<327680xf32, #tpu.memory_space<hbm>> -> memref<10000xf32, #tpu.memory_space<hbm>>
      tpu.enqueue_dma source(%dma_start3A_168 : memref<10000xf32, #tpu.memory_space<hbm>>) target(%dma_start3A_167 : memref<10000xf32, #tpu.memory_space<vmem>>) target_semaphore(%run_scoped3A : memref<!tpu.dma_semaphore, #tpu.memory_space<semaphore_mem>>)
      %dma_wait3A_169 = arith.constant 0 : i32
      %dma_wait3A_170 = tpu.memref_slice %arg8[%dma_wait3A_169] : memref<10000xf32, #tpu.memory_space<vmem>> -> memref<10000xf32, #tpu.memory_space<vmem>>
      %dma_wait3A_171 = tpu.memref_slice %arg2[%mul3A_6] : memref<327680xf32, #tpu.memory_space<hbm>> -> memref<10000xf32, #tpu.memory_space<hbm>>
      %dma_wait3A_172 = arith.constant 0 : i32
      %dma_wait3A_173 = tpu.memref_slice %arg8[%dma_wait3A_172] : memref<10000xf32, #tpu.memory_space<vmem>> -> memref<10000xf32, #tpu.memory_space<vmem>>
      %dma_wait3A_174 = tpu.memref_slice %arg2[%mul3A_6] : memref<327680xf32, #tpu.memory_space<hbm>> -> memref<10000xf32, #tpu.memory_space<hbm>>
      tpu.wait_dma2 semaphore(%run_scoped3A : memref<!tpu.dma_semaphore, #tpu.memory_space<semaphore_mem>>) src(%dma_wait3A_174 : memref<10000xf32, #tpu.memory_space<hbm>>) dst(%dma_wait3A_173 : memref<10000xf32, #tpu.memory_space<vmem>>)
      tpu.yield
    }) : () -> ()
    %broadcast_in_dim3A = arith.constant 0.000000e+00 : f32
    %broadcast_in_dim3A_7 = vector.broadcast %broadcast_in_dim3A : f32 to vector<16xf32>
    %parallel_loop3A = arith.constant 0 : i32
    %parallel_loop3A_8 = arith.constant 625 : i32
    %parallel_loop3A_9 = arith.constant 1 : i32
    scf.for %parallel_loop3A_163 = %parallel_loop3A to %parallel_loop3A_8 step %parallel_loop3A_9  : i32 {
      %parallel_loop3A_164 = arith.constant 16 : i32
      %parallel_loop3A_165 = arith.muli %parallel_loop3A_163, %parallel_loop3A_164 : i32
      %parallel_loop3A_166 = arith.index_cast %parallel_loop3A_165 : i32 to index
      %parallel_loop3A_167 = tpu.vector_load %arg9[%parallel_loop3A_166] {strides = array<i32>} : memref<10000xf32, #tpu.memory_space<vmem>>, vector<16xf32>,
      tpu.vector_store %arg9[%parallel_loop3A_166], %broadcast_in_dim3A_7 {strides = array<i32>} : memref<10000xf32, #tpu.memory_space<vmem>>, vector<16xf32>,
    } {sc.loop_unroll_factor = 4 : i64, sc.parallel_access}
    %dma_start3A = arith.constant 0 : i32
    %dma_start3A_10 = tpu.memref_slice %arg3[%dma_start3A] : memref<320000xi32, #tpu.memory_space<hbm>> -> memref<16000xi32, #tpu.memory_space<hbm>>
    %dma_start3A_11 = arith.constant 0 : i32
    %dma_start3A_12 = tpu.memref_slice %arg3[%dma_start3A_11] : memref<320000xi32, #tpu.memory_space<hbm>> -> memref<16000xi32, #tpu.memory_space<hbm>>
    tpu.enqueue_dma source(%dma_start3A_12 : memref<16000xi32, #tpu.memory_space<hbm>>) target(%arg10 : memref<16000xi32, #tpu.memory_space<vmem>>) target_semaphore(%arg14 : memref<!tpu.dma_semaphore, #tpu.memory_space<semaphore_mem>>)
    %dma_start3A_13 = arith.constant 0 : i32
    %dma_start3A_14 = tpu.memref_slice %arg4[%dma_start3A_13] : memref<320000xf32, #tpu.memory_space<hbm>> -> memref<16000xf32, #tpu.memory_space<hbm>>
    %dma_start3A_15 = arith.constant 0 : i32
    %dma_start3A_16 = tpu.memref_slice %arg4[%dma_start3A_15] : memref<320000xf32, #tpu.memory_space<hbm>> -> memref<16000xf32, #tpu.memory_space<hbm>>
    tpu.enqueue_dma source(%dma_start3A_16 : memref<16000xf32, #tpu.memory_space<hbm>>) target(%arg11 : memref<16000xf32, #tpu.memory_space<vmem>>) target_semaphore(%arg14 : memref<!tpu.dma_semaphore, #tpu.memory_space<semaphore_mem>>)
    %scan3A = arith.constant 0 : i32
    %scan3A_17 = arith.constant 0 : i32
    %scan3A_18 = arith.constant 10 : i32
    %scan3A_19 = arith.addi %scan3A_17, %scan3A_18 : i32
    %scan3A_20 = arith.constant 1 : i32
    %scan3A_21 = scf.for %scan3A_163 = %scan3A_17 to %scan3A_19 step %scan3A_20 iter_args(%scan3A_164 = %scan3A) -> (i32)  : i32 {
      %mul3A_165 = arith.constant 2 : i32
      %mul3A_166 = arith.muli %mul3A_165, %scan3A_163 : i32
      %add3A_167 = arith.constant 1 : i32
      %add3A_168 = arith.addi %mul3A_166, %add3A_167 : i32
      %mul3A_169 = arith.constant 16000 : i32
      %mul3A_170 = arith.muli %add3A_168, %mul3A_169 : i32
      %dma_start3A_171 = tpu.memref_slice %arg3[%mul3A_170] : memref<320000xi32, #tpu.memory_space<hbm>> -> memref<16000xi32, #tpu.memory_space<hbm>>
      %dma_start3A_172 = tpu.memref_slice %arg3[%mul3A_170] : memref<320000xi32, #tpu.memory_space<hbm>> -> memref<16000xi32, #tpu.memory_space<hbm>>
      tpu.enqueue_dma source(%dma_start3A_172 : memref<16000xi32, #tpu.memory_space<hbm>>) target(%arg12 : memref<16000xi32, #tpu.memory_space<vmem>>) target_semaphore(%arg15 : memref<!tpu.dma_semaphore, #tpu.memory_space<semaphore_mem>>)
      %dma_start3A_173 = tpu.memref_slice %arg4[%mul3A_170] : memref<320000xf32, #tpu.memory_space<hbm>> -> memref<16000xf32, #tpu.memory_space<hbm>>
      %dma_start3A_174 = tpu.memref_slice %arg4[%mul3A_170] : memref<320000xf32, #tpu.memory_space<hbm>> -> memref<16000xf32, #tpu.memory_space<hbm>>
      tpu.enqueue_dma source(%dma_start3A_174 : memref<16000xf32, #tpu.memory_space<hbm>>) target(%arg13 : memref<16000xf32, #tpu.memory_space<vmem>>) target_semaphore(%arg15 : memref<!tpu.dma_semaphore, #tpu.memory_space<semaphore_mem>>)
      %mul3A_175 = arith.constant 2 : i32
      %mul3A_176 = arith.muli %mul3A_175, %scan3A_163 : i32
      %mul3A_177 = arith.constant 16000 : i32
      %mul3A_178 = arith.muli %mul3A_176, %mul3A_177 : i32
      %dma_wait3A_179 = tpu.memref_slice %arg3[%mul3A_178] : memref<320000xi32, #tpu.memory_space<hbm>> -> memref<16000xi32, #tpu.memory_space<hbm>>
      %dma_wait3A_180 = tpu.memref_slice %arg3[%mul3A_178] : memref<320000xi32, #tpu.memory_space<hbm>> -> memref<16000xi32, #tpu.memory_space<hbm>>
      tpu.wait_dma2 semaphore(%arg14 : memref<!tpu.dma_semaphore, #tpu.memory_space<semaphore_mem>>) src(%dma_wait3A_180 : memref<16000xi32, #tpu.memory_space<hbm>>) dst(%arg10 : memref<16000xi32, #tpu.memory_space<vmem>>)
      %dma_wait3A_181 = tpu.memref_slice %arg4[%mul3A_178] : memref<320000xf32, #tpu.memory_space<hbm>> -> memref<16000xf32, #tpu.memory_space<hbm>>
      %dma_wait3A_182 = tpu.memref_slice %arg4[%mul3A_178] : memref<320000xf32, #tpu.memory_space<hbm>> -> memref<16000xf32, #tpu.memory_space<hbm>>
      tpu.wait_dma2 semaphore(%arg14 : memref<!tpu.dma_semaphore, #tpu.memory_space<semaphore_mem>>) src(%dma_wait3A_182 : memref<16000xf32, #tpu.memory_space<hbm>>) dst(%arg11 : memref<16000xf32, #tpu.memory_space<vmem>>)
      %parallel_loop3A_183 = arith.constant 0 : i32
      %parallel_loop3A_184 = arith.constant 1000 : i32
      %parallel_loop3A_185 = arith.constant 1 : i32
      scf.for %parallel_loop3A_196 = %parallel_loop3A_183 to %parallel_loop3A_184 step %parallel_loop3A_185  : i32 {
        %parallel_loop3A_197 = arith.constant 16 : i32
        %parallel_loop3A_198 = arith.muli %parallel_loop3A_196, %parallel_loop3A_197 : i32
        %parallel_loop3A_199 = arith.index_cast %parallel_loop3A_198 : i32 to index
        %parallel_loop3A_200 = tpu.vector_load %arg10[%parallel_loop3A_199] {strides = array<i32>} : memref<16000xi32, #tpu.memory_space<vmem>>, vector<16xi32>,
        %parallel_loop3A_201 = arith.index_cast %parallel_loop3A_198 : i32 to index
        %parallel_loop3A_202 = tpu.vector_load %arg11[%parallel_loop3A_201] {strides = array<i32>} : memref<16000xf32, #tpu.memory_space<vmem>>, vector<16xf32>,
        %parallel_loop3A_203 = arith.constant 65535 : i32
        %parallel_loop3A_204 = vector.broadcast %parallel_loop3A_203 : i32 to vector<16xi32>
        %parallel_loop3A_205 = arith.andi %parallel_loop3A_200, %parallel_loop3A_204 : vector<16xi32>
        %parallel_loop3A_206 = arith.constant 16 : i32
        %parallel_loop3A_207 = vector.broadcast %parallel_loop3A_206 : i32 to vector<16xi32>
        %parallel_loop3A_208 = arith.shrsi %parallel_loop3A_200, %parallel_loop3A_207 : vector<16xi32>
        %parallel_loop3A_209 = tpu.vector_load_idx %arg8[%parallel_loop3A_205] : memref<10000xf32, #tpu.memory_space<vmem>>[vector<16xi32>], vector<16xf32>,
        %parallel_loop3A_210 = arith.mulf %parallel_loop3A_209, %parallel_loop3A_202 : vector<16xf32>
        tpu.vector_store_idx %arg9[%parallel_loop3A_208], %parallel_loop3A_210 {add = true} : memref<10000xf32, #tpu.memory_space<vmem>>[vector<16xi32>], vector<16xf32>,
      } {sc.loop_unroll_factor = 2 : i64, sc.parallel_access}
      %lt3A = arith.constant 9 : i32
      %lt3A_186 = arith.cmpi slt, %scan3A_163, %lt3A : i32
      %convert_element_type3A = arith.extui %lt3A_186 : i1 to i32
      %cond3A = arith.constant 0 : i32
      %cond3A_187 = arith.cmpi ne, %convert_element_type3A, %cond3A : i32
      scf.if %cond3A_187 {
        %mul3A_196 = arith.constant 2 : i32
        %mul3A_197 = arith.muli %mul3A_196, %scan3A_163 : i32
        %add3A_198 = arith.constant 2 : i32
        %add3A_199 = arith.addi %mul3A_197, %add3A_198 : i32
        %mul3A_200 = arith.constant 16000 : i32
        %mul3A_201 = arith.muli %add3A_199, %mul3A_200 : i32
        %dma_start3A_202 = tpu.memref_slice %arg3[%mul3A_201] : memref<320000xi32, #tpu.memory_space<hbm>> -> memref<16000xi32, #tpu.memory_space<hbm>>
        %dma_start3A_203 = tpu.memref_slice %arg3[%mul3A_201] : memref<320000xi32, #tpu.memory_space<hbm>> -> memref<16000xi32, #tpu.memory_space<hbm>>
        tpu.enqueue_dma source(%dma_start3A_203 : memref<16000xi32, #tpu.memory_space<hbm>>) target(%arg10 : memref<16000xi32, #tpu.memory_space<vmem>>) target_semaphore(%arg14 : memref<!tpu.dma_semaphore, #tpu.memory_space<semaphore_mem>>)
        %dma_start3A_204 = tpu.memref_slice %arg4[%mul3A_201] : memref<320000xf32, #tpu.memory_space<hbm>> -> memref<16000xf32, #tpu.memory_space<hbm>>
        %dma_start3A_205 = tpu.memref_slice %arg4[%mul3A_201] : memref<320000xf32, #tpu.memory_space<hbm>> -> memref<16000xf32, #tpu.memory_space<hbm>>
        tpu.enqueue_dma source(%dma_start3A_205 : memref<16000xf32, #tpu.memory_space<hbm>>) target(%arg11 : memref<16000xf32, #tpu.memory_space<vmem>>) target_semaphore(%arg14 : memref<!tpu.dma_semaphore, #tpu.memory_space<semaphore_mem>>)
      } else {
      }
      %dma_wait3A_188 = tpu.memref_slice %arg3[%mul3A_170] : memref<320000xi32, #tpu.memory_space<hbm>> -> memref<16000xi32, #tpu.memory_space<hbm>>
      %dma_wait3A_189 = tpu.memref_slice %arg3[%mul3A_170] : memref<320000xi32, #tpu.memory_space<hbm>> -> memref<16000xi32, #tpu.memory_space<hbm>>
      tpu.wait_dma2 semaphore(%arg15 : memref<!tpu.dma_semaphore, #tpu.memory_space<semaphore_mem>>) src(%dma_wait3A_189 : memref<16000xi32, #tpu.memory_space<hbm>>) dst(%arg12 : memref<16000xi32, #tpu.memory_space<vmem>>)
      %dma_wait3A_190 = tpu.memref_slice %arg4[%mul3A_170] : memref<320000xf32, #tpu.memory_space<hbm>> -> memref<16000xf32, #tpu.memory_space<hbm>>
      %dma_wait3A_191 = tpu.memref_slice %arg4[%mul3A_170] : memref<320000xf32, #tpu.memory_space<hbm>> -> memref<16000xf32, #tpu.memory_space<hbm>>
      tpu.wait_dma2 semaphore(%arg15 : memref<!tpu.dma_semaphore, #tpu.memory_space<semaphore_mem>>) src(%dma_wait3A_191 : memref<16000xf32, #tpu.memory_space<hbm>>) dst(%arg13 : memref<16000xf32, #tpu.memory_space<vmem>>)
      %parallel_loop3A_192 = arith.constant 0 : i32
      %parallel_loop3A_193 = arith.constant 1000 : i32
      %parallel_loop3A_194 = arith.constant 1 : i32
      scf.for %parallel_loop3A_196 = %parallel_loop3A_192 to %parallel_loop3A_193 step %parallel_loop3A_194  : i32 {
        %parallel_loop3A_197 = arith.constant 16 : i32
        %parallel_loop3A_198 = arith.muli %parallel_loop3A_196, %parallel_loop3A_197 : i32
        %parallel_loop3A_199 = arith.index_cast %parallel_loop3A_198 : i32 to index
        %parallel_loop3A_200 = tpu.vector_load %arg12[%parallel_loop3A_199] {strides = array<i32>} : memref<16000xi32, #tpu.memory_space<vmem>>, vector<16xi32>,
        %parallel_loop3A_201 = arith.index_cast %parallel_loop3A_198 : i32 to index
        %parallel_loop3A_202 = tpu.vector_load %arg13[%parallel_loop3A_201] {strides = array<i32>} : memref<16000xf32, #tpu.memory_space<vmem>>, vector<16xf32>,
        %parallel_loop3A_203 = arith.constant 65535 : i32
        %parallel_loop3A_204 = vector.broadcast %parallel_loop3A_203 : i32 to vector<16xi32>
        %parallel_loop3A_205 = arith.andi %parallel_loop3A_200, %parallel_loop3A_204 : vector<16xi32>
        %parallel_loop3A_206 = arith.constant 16 : i32
        %parallel_loop3A_207 = vector.broadcast %parallel_loop3A_206 : i32 to vector<16xi32>
        %parallel_loop3A_208 = arith.shrsi %parallel_loop3A_200, %parallel_loop3A_207 : vector<16xi32>
        %parallel_loop3A_209 = tpu.vector_load_idx %arg8[%parallel_loop3A_205] : memref<10000xf32, #tpu.memory_space<vmem>>[vector<16xi32>], vector<16xf32>,
        %parallel_loop3A_210 = arith.mulf %parallel_loop3A_209, %parallel_loop3A_202 : vector<16xf32>
        tpu.vector_store_idx %arg9[%parallel_loop3A_208], %parallel_loop3A_210 {add = true} : memref<10000xf32, #tpu.memory_space<vmem>>[vector<16xi32>], vector<16xf32>,
      } {sc.loop_unroll_factor = 2 : i64, sc.parallel_access}
      %scan3A_195 = arith.constant 0 : i32
      scf.yield %scan3A_195 : i32
    }
    %scan3A_22 = arith.constant 10 : i32
    %add3A_23 = arith.constant 0 : i32
    %add3A_24 = arith.addi %add3A_23, %mul3A_2 : i32
    %add3A_25 = arith.constant 0 : i32
    %add3A_26 = arith.addi %add3A_24, %add3A_25 : i32
    %mul3A_27 = arith.constant 10240 : i32
    %mul3A_28 = arith.muli %add3A_26, %mul3A_27 : i32
    %dma_start3A_29 = arith.constant 0 : i32
    %dma_start3A_30 = tpu.memref_slice %arg9[%dma_start3A_29] : memref<10000xf32, #tpu.memory_space<vmem>> -> memref<10000xf32, #tpu.memory_space<vmem>>
    %dma_start3A_31 = tpu.memref_slice %arg7[%mul3A_28] : memref<1310720xf32, #tpu.memory_space<hbm>> -> memref<10000xf32, #tpu.memory_space<hbm>>
    %dma_start3A_32 = tpu.memref_slice %arg7[%mul3A_28] : memref<1310720xf32, #tpu.memory_space<hbm>> -> memref<10000xf32, #tpu.memory_space<hbm>>
    %dma_start3A_33 = arith.constant 0 : i32
    %dma_start3A_34 = tpu.memref_slice %arg9[%dma_start3A_33] : memref<10000xf32, #tpu.memory_space<vmem>> -> memref<10000xf32, #tpu.memory_space<vmem>>
    tpu.enqueue_dma source(%dma_start3A_34 : memref<10000xf32, #tpu.memory_space<vmem>>) target(%dma_start3A_32 : memref<10000xf32, #tpu.memory_space<hbm>>) target_semaphore(%arg16 : memref<!tpu.dma_semaphore, #tpu.memory_space<semaphore_mem>>)
    %dma_start3A_35 = arith.constant 0 : i32
    %dma_start3A_36 = tpu.memref_slice %arg3[%dma_start3A_35] : memref<320000xi32, #tpu.memory_space<hbm>> -> memref<16000xi32, #tpu.memory_space<hbm>>
    %dma_start3A_37 = arith.constant 0 : i32
    %dma_start3A_38 = tpu.memref_slice %arg3[%dma_start3A_37] : memref<320000xi32, #tpu.memory_space<hbm>> -> memref<16000xi32, #tpu.memory_space<hbm>>
    tpu.enqueue_dma source(%dma_start3A_38 : memref<16000xi32, #tpu.memory_space<hbm>>) target(%arg10 : memref<16000xi32, #tpu.memory_space<vmem>>) target_semaphore(%arg14 : memref<!tpu.dma_semaphore, #tpu.memory_space<semaphore_mem>>)
    %dma_start3A_39 = arith.constant 0 : i32
    %dma_start3A_40 = tpu.memref_slice %arg6[%dma_start3A_39] : memref<320000xf32, #tpu.memory_space<hbm>> -> memref<16000xf32, #tpu.memory_space<hbm>>
    %dma_start3A_41 = arith.constant 0 : i32
    %dma_start3A_42 = tpu.memref_slice %arg6[%dma_start3A_41] : memref<320000xf32, #tpu.memory_space<hbm>> -> memref<16000xf32, #tpu.memory_space<hbm>>
    tpu.enqueue_dma source(%dma_start3A_42 : memref<16000xf32, #tpu.memory_space<hbm>>) target(%arg11 : memref<16000xf32, #tpu.memory_space<vmem>>) target_semaphore(%arg14 : memref<!tpu.dma_semaphore, #tpu.memory_space<semaphore_mem>>)
    %scan3A_43 = arith.constant 0 : i32
    %scan3A_44 = arith.constant 0 : i32
    %scan3A_45 = arith.constant 10 : i32
    %scan3A_46 = arith.addi %scan3A_44, %scan3A_45 : i32
    %scan3A_47 = arith.constant 1 : i32
    %scan3A_48 = scf.for %scan3A_163 = %scan3A_44 to %scan3A_46 step %scan3A_47 iter_args(%scan3A_164 = %scan3A_43) -> (i32)  : i32 {
      %mul3A_165 = arith.constant 2 : i32
      %mul3A_166 = arith.muli %mul3A_165, %scan3A_163 : i32
      %add3A_167 = arith.constant 1 : i32
      %add3A_168 = arith.addi %mul3A_166, %add3A_167 : i32
      %mul3A_169 = arith.constant 16000 : i32
      %mul3A_170 = arith.muli %add3A_168, %mul3A_169 : i32
      %dma_start3A_171 = tpu.memref_slice %arg3[%mul3A_170] : memref<320000xi32, #tpu.memory_space<hbm>> -> memref<16000xi32, #tpu.memory_space<hbm>>
      %dma_start3A_172 = tpu.memref_slice %arg3[%mul3A_170] : memref<320000xi32, #tpu.memory_space<hbm>> -> memref<16000xi32, #tpu.memory_space<hbm>>
      tpu.enqueue_dma source(%dma_start3A_172 : memref<16000xi32, #tpu.memory_space<hbm>>) target(%arg12 : memref<16000xi32, #tpu.memory_space<vmem>>) target_semaphore(%arg15 : memref<!tpu.dma_semaphore, #tpu.memory_space<semaphore_mem>>)
      %dma_start3A_173 = tpu.memref_slice %arg6[%mul3A_170] : memref<320000xf32, #tpu.memory_space<hbm>> -> memref<16000xf32, #tpu.memory_space<hbm>>
      %dma_start3A_174 = tpu.memref_slice %arg6[%mul3A_170] : memref<320000xf32, #tpu.memory_space<hbm>> -> memref<16000xf32, #tpu.memory_space<hbm>>
      tpu.enqueue_dma source(%dma_start3A_174 : memref<16000xf32, #tpu.memory_space<hbm>>) target(%arg13 : memref<16000xf32, #tpu.memory_space<vmem>>) target_semaphore(%arg15 : memref<!tpu.dma_semaphore, #tpu.memory_space<semaphore_mem>>)
      %mul3A_175 = arith.constant 2 : i32
      %mul3A_176 = arith.muli %mul3A_175, %scan3A_163 : i32
      %mul3A_177 = arith.constant 16000 : i32
      %mul3A_178 = arith.muli %mul3A_176, %mul3A_177 : i32
      %dma_wait3A_179 = tpu.memref_slice %arg3[%mul3A_178] : memref<320000xi32, #tpu.memory_space<hbm>> -> memref<16000xi32, #tpu.memory_space<hbm>>
      %dma_wait3A_180 = tpu.memref_slice %arg3[%mul3A_178] : memref<320000xi32, #tpu.memory_space<hbm>> -> memref<16000xi32, #tpu.memory_space<hbm>>
      tpu.wait_dma2 semaphore(%arg14 : memref<!tpu.dma_semaphore, #tpu.memory_space<semaphore_mem>>) src(%dma_wait3A_180 : memref<16000xi32, #tpu.memory_space<hbm>>) dst(%arg10 : memref<16000xi32, #tpu.memory_space<vmem>>)
      %dma_wait3A_181 = tpu.memref_slice %arg6[%mul3A_178] : memref<320000xf32, #tpu.memory_space<hbm>> -> memref<16000xf32, #tpu.memory_space<hbm>>
      %dma_wait3A_182 = tpu.memref_slice %arg6[%mul3A_178] : memref<320000xf32, #tpu.memory_space<hbm>> -> memref<16000xf32, #tpu.memory_space<hbm>>
      tpu.wait_dma2 semaphore(%arg14 : memref<!tpu.dma_semaphore, #tpu.memory_space<semaphore_mem>>) src(%dma_wait3A_182 : memref<16000xf32, #tpu.memory_space<hbm>>) dst(%arg11 : memref<16000xf32, #tpu.memory_space<vmem>>)
      %parallel_loop3A_183 = arith.constant 0 : i32
      %parallel_loop3A_184 = arith.constant 1000 : i32
      %parallel_loop3A_185 = arith.constant 1 : i32
      scf.for %parallel_loop3A_196 = %parallel_loop3A_183 to %parallel_loop3A_184 step %parallel_loop3A_185  : i32 {
        %parallel_loop3A_197 = arith.constant 16 : i32
        %parallel_loop3A_198 = arith.muli %parallel_loop3A_196, %parallel_loop3A_197 : i32
        %parallel_loop3A_199 = arith.index_cast %parallel_loop3A_198 : i32 to index
        %parallel_loop3A_200 = tpu.vector_load %arg10[%parallel_loop3A_199] {strides = array<i32>} : memref<16000xi32, #tpu.memory_space<vmem>>, vector<16xi32>,
        %parallel_loop3A_201 = arith.index_cast %parallel_loop3A_198 : i32 to index
        %parallel_loop3A_202 = tpu.vector_load %arg11[%parallel_loop3A_201] {strides = array<i32>} : memref<16000xf32, #tpu.memory_space<vmem>>, vector<16xf32>,
        %parallel_loop3A_203 = arith.constant 65535 : i32
        %parallel_loop3A_204 = vector.broadcast %parallel_loop3A_203 : i32 to vector<16xi32>
        %parallel_loop3A_205 = arith.andi %parallel_loop3A_200, %parallel_loop3A_204 : vector<16xi32>
        %parallel_loop3A_206 = arith.constant 16 : i32
        %parallel_loop3A_207 = vector.broadcast %parallel_loop3A_206 : i32 to vector<16xi32>
        %parallel_loop3A_208 = arith.shrsi %parallel_loop3A_200, %parallel_loop3A_207 : vector<16xi32>
        %parallel_loop3A_209 = tpu.vector_load_idx %arg9[%parallel_loop3A_205] : memref<10000xf32, #tpu.memory_space<vmem>>[vector<16xi32>], vector<16xf32>,
        %parallel_loop3A_210 = arith.mulf %parallel_loop3A_209, %parallel_loop3A_202 : vector<16xf32>
        tpu.vector_store_idx %arg8[%parallel_loop3A_208], %parallel_loop3A_210 {add = true} : memref<10000xf32, #tpu.memory_space<vmem>>[vector<16xi32>], vector<16xf32>,
      } {sc.loop_unroll_factor = 2 : i64, sc.parallel_access}
      %lt3A = arith.constant 9 : i32
      %lt3A_186 = arith.cmpi slt, %scan3A_163, %lt3A : i32
      %convert_element_type3A = arith.extui %lt3A_186 : i1 to i32
      %cond3A = arith.constant 0 : i32
      %cond3A_187 = arith.cmpi ne, %convert_element_type3A, %cond3A : i32
      scf.if %cond3A_187 {
        %mul3A_196 = arith.constant 2 : i32
        %mul3A_197 = arith.muli %mul3A_196, %scan3A_163 : i32
        %add3A_198 = arith.constant 2 : i32
        %add3A_199 = arith.addi %mul3A_197, %add3A_198 : i32
        %mul3A_200 = arith.constant 16000 : i32
        %mul3A_201 = arith.muli %add3A_199, %mul3A_200 : i32
        %dma_start3A_202 = tpu.memref_slice %arg3[%mul3A_201] : memref<320000xi32, #tpu.memory_space<hbm>> -> memref<16000xi32, #tpu.memory_space<hbm>>
        %dma_start3A_203 = tpu.memref_slice %arg3[%mul3A_201] : memref<320000xi32, #tpu.memory_space<hbm>> -> memref<16000xi32, #tpu.memory_space<hbm>>
        tpu.enqueue_dma source(%dma_start3A_203 : memref<16000xi32, #tpu.memory_space<hbm>>) target(%arg10 : memref<16000xi32, #tpu.memory_space<vmem>>) target_semaphore(%arg14 : memref<!tpu.dma_semaphore, #tpu.memory_space<semaphore_mem>>)
        %dma_start3A_204 = tpu.memref_slice %arg6[%mul3A_201] : memref<320000xf32, #tpu.memory_space<hbm>> -> memref<16000xf32, #tpu.memory_space<hbm>>
        %dma_start3A_205 = tpu.memref_slice %arg6[%mul3A_201] : memref<320000xf32, #tpu.memory_space<hbm>> -> memref<16000xf32, #tpu.memory_space<hbm>>
        tpu.enqueue_dma source(%dma_start3A_205 : memref<16000xf32, #tpu.memory_space<hbm>>) target(%arg11 : memref<16000xf32, #tpu.memory_space<vmem>>) target_semaphore(%arg14 : memref<!tpu.dma_semaphore, #tpu.memory_space<semaphore_mem>>)
      } else {
      }
      %dma_wait3A_188 = tpu.memref_slice %arg3[%mul3A_170] : memref<320000xi32, #tpu.memory_space<hbm>> -> memref<16000xi32, #tpu.memory_space<hbm>>
      %dma_wait3A_189 = tpu.memref_slice %arg3[%mul3A_170] : memref<320000xi32, #tpu.memory_space<hbm>> -> memref<16000xi32, #tpu.memory_space<hbm>>
      tpu.wait_dma2 semaphore(%arg15 : memref<!tpu.dma_semaphore, #tpu.memory_space<semaphore_mem>>) src(%dma_wait3A_189 : memref<16000xi32, #tpu.memory_space<hbm>>) dst(%arg12 : memref<16000xi32, #tpu.memory_space<vmem>>)
      %dma_wait3A_190 = tpu.memref_slice %arg6[%mul3A_170] : memref<320000xf32, #tpu.memory_space<hbm>> -> memref<16000xf32, #tpu.memory_space<hbm>>
      %dma_wait3A_191 = tpu.memref_slice %arg6[%mul3A_170] : memref<320000xf32, #tpu.memory_space<hbm>> -> memref<16000xf32, #tpu.memory_space<hbm>>
      tpu.wait_dma2 semaphore(%arg15 : memref<!tpu.dma_semaphore, #tpu.memory_space<semaphore_mem>>) src(%dma_wait3A_191 : memref<16000xf32, #tpu.memory_space<hbm>>) dst(%arg13 : memref<16000xf32, #tpu.memory_space<vmem>>)
      %parallel_loop3A_192 = arith.constant 0 : i32
      %parallel_loop3A_193 = arith.constant 1000 : i32
      %parallel_loop3A_194 = arith.constant 1 : i32
      scf.for %parallel_loop3A_196 = %parallel_loop3A_192 to %parallel_loop3A_193 step %parallel_loop3A_194  : i32 {
        %parallel_loop3A_197 = arith.constant 16 : i32
        %parallel_loop3A_198 = arith.muli %parallel_loop3A_196, %parallel_loop3A_197 : i32
        %parallel_loop3A_199 = arith.index_cast %parallel_loop3A_198 : i32 to index
        %parallel_loop3A_200 = tpu.vector_load %arg12[%parallel_loop3A_199] {strides = array<i32>} : memref<16000xi32, #tpu.memory_space<vmem>>, vector<16xi32>,
        %parallel_loop3A_201 = arith.index_cast %parallel_loop3A_198 : i32 to index
        %parallel_loop3A_202 = tpu.vector_load %arg13[%parallel_loop3A_201] {strides = array<i32>} : memref<16000xf32, #tpu.memory_space<vmem>>, vector<16xf32>,
        %parallel_loop3A_203 = arith.constant 65535 : i32
        %parallel_loop3A_204 = vector.broadcast %parallel_loop3A_203 : i32 to vector<16xi32>
        %parallel_loop3A_205 = arith.andi %parallel_loop3A_200, %parallel_loop3A_204 : vector<16xi32>
        %parallel_loop3A_206 = arith.constant 16 : i32
        %parallel_loop3A_207 = vector.broadcast %parallel_loop3A_206 : i32 to vector<16xi32>
        %parallel_loop3A_208 = arith.shrsi %parallel_loop3A_200, %parallel_loop3A_207 : vector<16xi32>
        %parallel_loop3A_209 = tpu.vector_load_idx %arg9[%parallel_loop3A_205] : memref<10000xf32, #tpu.memory_space<vmem>>[vector<16xi32>], vector<16xf32>,
        %parallel_loop3A_210 = arith.mulf %parallel_loop3A_209, %parallel_loop3A_202 : vector<16xf32>
        tpu.vector_store_idx %arg8[%parallel_loop3A_208], %parallel_loop3A_210 {add = true} : memref<10000xf32, #tpu.memory_space<vmem>>[vector<16xi32>], vector<16xf32>,
      } {sc.loop_unroll_factor = 2 : i64, sc.parallel_access}
      %scan3A_195 = arith.constant 0 : i32
      scf.yield %scan3A_195 : i32
    }
    %scan3A_49 = arith.constant 10 : i32
    %add3A_50 = arith.constant 32 : i32
    %add3A_51 = arith.addi %add3A_50, %mul3A_2 : i32
    %add3A_52 = arith.constant 0 : i32
    %add3A_53 = arith.addi %add3A_51, %add3A_52 : i32
    %mul3A_54 = arith.constant 10240 : i32
    %mul3A_55 = arith.muli %add3A_53, %mul3A_54 : i32
    %dma_start3A_56 = arith.constant 0 : i32
    %dma_start3A_57 = tpu.memref_slice %arg8[%dma_start3A_56] : memref<10000xf32, #tpu.memory_space<vmem>> -> memref<10000xf32, #tpu.memory_space<vmem>>
    %dma_start3A_58 = tpu.memref_slice %arg7[%mul3A_55] : memref<1310720xf32, #tpu.memory_space<hbm>> -> memref<10000xf32, #tpu.memory_space<hbm>>
    %dma_start3A_59 = tpu.memref_slice %arg7[%mul3A_55] : memref<1310720xf32, #tpu.memory_space<hbm>> -> memref<10000xf32, #tpu.memory_space<hbm>>
    %dma_start3A_60 = arith.constant 0 : i32
    %dma_start3A_61 = tpu.memref_slice %arg8[%dma_start3A_60] : memref<10000xf32, #tpu.memory_space<vmem>> -> memref<10000xf32, #tpu.memory_space<vmem>>
    tpu.enqueue_dma source(%dma_start3A_61 : memref<10000xf32, #tpu.memory_space<vmem>>) target(%dma_start3A_59 : memref<10000xf32, #tpu.memory_space<hbm>>) target_semaphore(%arg17 : memref<!tpu.dma_semaphore, #tpu.memory_space<semaphore_mem>>)
    %add3A_62 = arith.constant 0 : i32
    %add3A_63 = arith.addi %add3A_62, %mul3A_2 : i32
    %add3A_64 = arith.constant 0 : i32
    %add3A_65 = arith.addi %add3A_63, %add3A_64 : i32
    %mul3A_66 = arith.constant 10240 : i32
    %mul3A_67 = arith.muli %add3A_65, %mul3A_66 : i32
    %dma_wait3A = arith.constant 0 : i32
    %dma_wait3A_68 = tpu.memref_slice %arg9[%dma_wait3A] : memref<10000xf32, #tpu.memory_space<vmem>> -> memref<10000xf32, #tpu.memory_space<vmem>>
    %dma_wait3A_69 = tpu.memref_slice %arg7[%mul3A_67] : memref<1310720xf32, #tpu.memory_space<hbm>> -> memref<10000xf32, #tpu.memory_space<hbm>>
    %dma_wait3A_70 = tpu.memref_slice %arg7[%mul3A_67] : memref<1310720xf32, #tpu.memory_space<hbm>> -> memref<10000xf32, #tpu.memory_space<hbm>>
    %dma_wait3A_71 = arith.constant 0 : i32
    %dma_wait3A_72 = tpu.memref_slice %arg9[%dma_wait3A_71] : memref<10000xf32, #tpu.memory_space<vmem>> -> memref<10000xf32, #tpu.memory_space<vmem>>
    tpu.wait_dma2 semaphore(%arg16 : memref<!tpu.dma_semaphore, #tpu.memory_space<semaphore_mem>>) src(%dma_wait3A_72 : memref<10000xf32, #tpu.memory_space<vmem>>) dst(%dma_wait3A_70 : memref<10000xf32, #tpu.memory_space<hbm>>)
    %dma_start3A_73 = arith.constant 0 : i32
    %dma_start3A_74 = tpu.memref_slice %arg3[%dma_start3A_73] : memref<320000xi32, #tpu.memory_space<hbm>> -> memref<16000xi32, #tpu.memory_space<hbm>>
    %dma_start3A_75 = arith.constant 0 : i32
    %dma_start3A_76 = tpu.memref_slice %arg3[%dma_start3A_75] : memref<320000xi32, #tpu.memory_space<hbm>> -> memref<16000xi32, #tpu.memory_space<hbm>>
    tpu.enqueue_dma source(%dma_start3A_76 : memref<16000xi32, #tpu.memory_space<hbm>>) target(%arg10 : memref<16000xi32, #tpu.memory_space<vmem>>) target_semaphore(%arg14 : memref<!tpu.dma_semaphore, #tpu.memory_space<semaphore_mem>>)
    %dma_start3A_77 = arith.constant 0 : i32
    %dma_start3A_78 = tpu.memref_slice %arg5[%dma_start3A_77] : memref<320000xf32, #tpu.memory_space<hbm>> -> memref<16000xf32, #tpu.memory_space<hbm>>
    %dma_start3A_79 = arith.constant 0 : i32
    %dma_start3A_80 = tpu.memref_slice %arg5[%dma_start3A_79] : memref<320000xf32, #tpu.memory_space<hbm>> -> memref<16000xf32, #tpu.memory_space<hbm>>
    tpu.enqueue_dma source(%dma_start3A_80 : memref<16000xf32, #tpu.memory_space<hbm>>) target(%arg11 : memref<16000xf32, #tpu.memory_space<vmem>>) target_semaphore(%arg14 : memref<!tpu.dma_semaphore, #tpu.memory_space<semaphore_mem>>)
    %scan3A_81 = arith.constant 0 : i32
    %scan3A_82 = arith.constant 0 : i32
    %scan3A_83 = arith.constant 10 : i32
    %scan3A_84 = arith.addi %scan3A_82, %scan3A_83 : i32
    %scan3A_85 = arith.constant 1 : i32
    %scan3A_86 = scf.for %scan3A_163 = %scan3A_82 to %scan3A_84 step %scan3A_85 iter_args(%scan3A_164 = %scan3A_81) -> (i32)  : i32 {
      %mul3A_165 = arith.constant 2 : i32
      %mul3A_166 = arith.muli %mul3A_165, %scan3A_163 : i32
      %add3A_167 = arith.constant 1 : i32
      %add3A_168 = arith.addi %mul3A_166, %add3A_167 : i32
      %mul3A_169 = arith.constant 16000 : i32
      %mul3A_170 = arith.muli %add3A_168, %mul3A_169 : i32
      %dma_start3A_171 = tpu.memref_slice %arg3[%mul3A_170] : memref<320000xi32, #tpu.memory_space<hbm>> -> memref<16000xi32, #tpu.memory_space<hbm>>
      %dma_start3A_172 = tpu.memref_slice %arg3[%mul3A_170] : memref<320000xi32, #tpu.memory_space<hbm>> -> memref<16000xi32, #tpu.memory_space<hbm>>
      tpu.enqueue_dma source(%dma_start3A_172 : memref<16000xi32, #tpu.memory_space<hbm>>) target(%arg12 : memref<16000xi32, #tpu.memory_space<vmem>>) target_semaphore(%arg15 : memref<!tpu.dma_semaphore, #tpu.memory_space<semaphore_mem>>)
      %dma_start3A_173 = tpu.memref_slice %arg5[%mul3A_170] : memref<320000xf32, #tpu.memory_space<hbm>> -> memref<16000xf32, #tpu.memory_space<hbm>>
      %dma_start3A_174 = tpu.memref_slice %arg5[%mul3A_170] : memref<320000xf32, #tpu.memory_space<hbm>> -> memref<16000xf32, #tpu.memory_space<hbm>>
      tpu.enqueue_dma source(%dma_start3A_174 : memref<16000xf32, #tpu.memory_space<hbm>>) target(%arg13 : memref<16000xf32, #tpu.memory_space<vmem>>) target_semaphore(%arg15 : memref<!tpu.dma_semaphore, #tpu.memory_space<semaphore_mem>>)
      %mul3A_175 = arith.constant 2 : i32
      %mul3A_176 = arith.muli %mul3A_175, %scan3A_163 : i32
      %mul3A_177 = arith.constant 16000 : i32
      %mul3A_178 = arith.muli %mul3A_176, %mul3A_177 : i32
      %dma_wait3A_179 = tpu.memref_slice %arg3[%mul3A_178] : memref<320000xi32, #tpu.memory_space<hbm>> -> memref<16000xi32, #tpu.memory_space<hbm>>
      %dma_wait3A_180 = tpu.memref_slice %arg3[%mul3A_178] : memref<320000xi32, #tpu.memory_space<hbm>> -> memref<16000xi32, #tpu.memory_space<hbm>>
      tpu.wait_dma2 semaphore(%arg14 : memref<!tpu.dma_semaphore, #tpu.memory_space<semaphore_mem>>) src(%dma_wait3A_180 : memref<16000xi32, #tpu.memory_space<hbm>>) dst(%arg10 : memref<16000xi32, #tpu.memory_space<vmem>>)
      %dma_wait3A_181 = tpu.memref_slice %arg5[%mul3A_178] : memref<320000xf32, #tpu.memory_space<hbm>> -> memref<16000xf32, #tpu.memory_space<hbm>>
      %dma_wait3A_182 = tpu.memref_slice %arg5[%mul3A_178] : memref<320000xf32, #tpu.memory_space<hbm>> -> memref<16000xf32, #tpu.memory_space<hbm>>
      tpu.wait_dma2 semaphore(%arg14 : memref<!tpu.dma_semaphore, #tpu.memory_space<semaphore_mem>>) src(%dma_wait3A_182 : memref<16000xf32, #tpu.memory_space<hbm>>) dst(%arg11 : memref<16000xf32, #tpu.memory_space<vmem>>)
      %parallel_loop3A_183 = arith.constant 0 : i32
      %parallel_loop3A_184 = arith.constant 1000 : i32
      %parallel_loop3A_185 = arith.constant 1 : i32
      scf.for %parallel_loop3A_196 = %parallel_loop3A_183 to %parallel_loop3A_184 step %parallel_loop3A_185  : i32 {
        %parallel_loop3A_197 = arith.constant 16 : i32
        %parallel_loop3A_198 = arith.muli %parallel_loop3A_196, %parallel_loop3A_197 : i32
        %parallel_loop3A_199 = arith.index_cast %parallel_loop3A_198 : i32 to index
        %parallel_loop3A_200 = tpu.vector_load %arg10[%parallel_loop3A_199] {strides = array<i32>} : memref<16000xi32, #tpu.memory_space<vmem>>, vector<16xi32>,
        %parallel_loop3A_201 = arith.index_cast %parallel_loop3A_198 : i32 to index
        %parallel_loop3A_202 = tpu.vector_load %arg11[%parallel_loop3A_201] {strides = array<i32>} : memref<16000xf32, #tpu.memory_space<vmem>>, vector<16xf32>,
        %parallel_loop3A_203 = arith.constant 65535 : i32
        %parallel_loop3A_204 = vector.broadcast %parallel_loop3A_203 : i32 to vector<16xi32>
        %parallel_loop3A_205 = arith.andi %parallel_loop3A_200, %parallel_loop3A_204 : vector<16xi32>
        %parallel_loop3A_206 = arith.constant 16 : i32
        %parallel_loop3A_207 = vector.broadcast %parallel_loop3A_206 : i32 to vector<16xi32>
        %parallel_loop3A_208 = arith.shrsi %parallel_loop3A_200, %parallel_loop3A_207 : vector<16xi32>
        %parallel_loop3A_209 = tpu.vector_load_idx %arg8[%parallel_loop3A_205] : memref<10000xf32, #tpu.memory_space<vmem>>[vector<16xi32>], vector<16xf32>,
        %parallel_loop3A_210 = arith.mulf %parallel_loop3A_209, %parallel_loop3A_202 : vector<16xf32>
        tpu.vector_store_idx %arg9[%parallel_loop3A_208], %parallel_loop3A_210 {add = true} : memref<10000xf32, #tpu.memory_space<vmem>>[vector<16xi32>], vector<16xf32>,
      } {sc.loop_unroll_factor = 2 : i64, sc.parallel_access}
      %lt3A = arith.constant 9 : i32
      %lt3A_186 = arith.cmpi slt, %scan3A_163, %lt3A : i32
      %convert_element_type3A = arith.extui %lt3A_186 : i1 to i32
      %cond3A = arith.constant 0 : i32
      %cond3A_187 = arith.cmpi ne, %convert_element_type3A, %cond3A : i32
      scf.if %cond3A_187 {
        %mul3A_196 = arith.constant 2 : i32
        %mul3A_197 = arith.muli %mul3A_196, %scan3A_163 : i32
        %add3A_198 = arith.constant 2 : i32
        %add3A_199 = arith.addi %mul3A_197, %add3A_198 : i32
        %mul3A_200 = arith.constant 16000 : i32
        %mul3A_201 = arith.muli %add3A_199, %mul3A_200 : i32
        %dma_start3A_202 = tpu.memref_slice %arg3[%mul3A_201] : memref<320000xi32, #tpu.memory_space<hbm>> -> memref<16000xi32, #tpu.memory_space<hbm>>
        %dma_start3A_203 = tpu.memref_slice %arg3[%mul3A_201] : memref<320000xi32, #tpu.memory_space<hbm>> -> memref<16000xi32, #tpu.memory_space<hbm>>
        tpu.enqueue_dma source(%dma_start3A_203 : memref<16000xi32, #tpu.memory_space<hbm>>) target(%arg10 : memref<16000xi32, #tpu.memory_space<vmem>>) target_semaphore(%arg14 : memref<!tpu.dma_semaphore, #tpu.memory_space<semaphore_mem>>)
        %dma_start3A_204 = tpu.memref_slice %arg5[%mul3A_201] : memref<320000xf32, #tpu.memory_space<hbm>> -> memref<16000xf32, #tpu.memory_space<hbm>>
        %dma_start3A_205 = tpu.memref_slice %arg5[%mul3A_201] : memref<320000xf32, #tpu.memory_space<hbm>> -> memref<16000xf32, #tpu.memory_space<hbm>>
        tpu.enqueue_dma source(%dma_start3A_205 : memref<16000xf32, #tpu.memory_space<hbm>>) target(%arg11 : memref<16000xf32, #tpu.memory_space<vmem>>) target_semaphore(%arg14 : memref<!tpu.dma_semaphore, #tpu.memory_space<semaphore_mem>>)
      } else {
      }
      %dma_wait3A_188 = tpu.memref_slice %arg3[%mul3A_170] : memref<320000xi32, #tpu.memory_space<hbm>> -> memref<16000xi32, #tpu.memory_space<hbm>>
      %dma_wait3A_189 = tpu.memref_slice %arg3[%mul3A_170] : memref<320000xi32, #tpu.memory_space<hbm>> -> memref<16000xi32, #tpu.memory_space<hbm>>
      tpu.wait_dma2 semaphore(%arg15 : memref<!tpu.dma_semaphore, #tpu.memory_space<semaphore_mem>>) src(%dma_wait3A_189 : memref<16000xi32, #tpu.memory_space<hbm>>) dst(%arg12 : memref<16000xi32, #tpu.memory_space<vmem>>)
      %dma_wait3A_190 = tpu.memref_slice %arg5[%mul3A_170] : memref<320000xf32, #tpu.memory_space<hbm>> -> memref<16000xf32, #tpu.memory_space<hbm>>
      %dma_wait3A_191 = tpu.memref_slice %arg5[%mul3A_170] : memref<320000xf32, #tpu.memory_space<hbm>> -> memref<16000xf32, #tpu.memory_space<hbm>>
      tpu.wait_dma2 semaphore(%arg15 : memref<!tpu.dma_semaphore, #tpu.memory_space<semaphore_mem>>) src(%dma_wait3A_191 : memref<16000xf32, #tpu.memory_space<hbm>>) dst(%arg13 : memref<16000xf32, #tpu.memory_space<vmem>>)
      %parallel_loop3A_192 = arith.constant 0 : i32
      %parallel_loop3A_193 = arith.constant 1000 : i32
      %parallel_loop3A_194 = arith.constant 1 : i32
      scf.for %parallel_loop3A_196 = %parallel_loop3A_192 to %parallel_loop3A_193 step %parallel_loop3A_194  : i32 {
        %parallel_loop3A_197 = arith.constant 16 : i32
        %parallel_loop3A_198 = arith.muli %parallel_loop3A_196, %parallel_loop3A_197 : i32
        %parallel_loop3A_199 = arith.index_cast %parallel_loop3A_198 : i32 to index
        %parallel_loop3A_200 = tpu.vector_load %arg12[%parallel_loop3A_199] {strides = array<i32>} : memref<16000xi32, #tpu.memory_space<vmem>>, vector<16xi32>,
        %parallel_loop3A_201 = arith.index_cast %parallel_loop3A_198 : i32 to index
        %parallel_loop3A_202 = tpu.vector_load %arg13[%parallel_loop3A_201] {strides = array<i32>} : memref<16000xf32, #tpu.memory_space<vmem>>, vector<16xf32>,
        %parallel_loop3A_203 = arith.constant 65535 : i32
        %parallel_loop3A_204 = vector.broadcast %parallel_loop3A_203 : i32 to vector<16xi32>
        %parallel_loop3A_205 = arith.andi %parallel_loop3A_200, %parallel_loop3A_204 : vector<16xi32>
        %parallel_loop3A_206 = arith.constant 16 : i32
        %parallel_loop3A_207 = vector.broadcast %parallel_loop3A_206 : i32 to vector<16xi32>
        %parallel_loop3A_208 = arith.shrsi %parallel_loop3A_200, %parallel_loop3A_207 : vector<16xi32>
        %parallel_loop3A_209 = tpu.vector_load_idx %arg8[%parallel_loop3A_205] : memref<10000xf32, #tpu.memory_space<vmem>>[vector<16xi32>], vector<16xf32>,
        %parallel_loop3A_210 = arith.mulf %parallel_loop3A_209, %parallel_loop3A_202 : vector<16xf32>
        tpu.vector_store_idx %arg9[%parallel_loop3A_208], %parallel_loop3A_210 {add = true} : memref<10000xf32, #tpu.memory_space<vmem>>[vector<16xi32>], vector<16xf32>,
      } {sc.loop_unroll_factor = 2 : i64, sc.parallel_access}
      %scan3A_195 = arith.constant 0 : i32
      scf.yield %scan3A_195 : i32
    }
    %scan3A_87 = arith.constant 10 : i32
    %add3A_88 = arith.constant 64 : i32
    %add3A_89 = arith.addi %add3A_88, %mul3A_2 : i32
    %add3A_90 = arith.constant 0 : i32
    %add3A_91 = arith.addi %add3A_89, %add3A_90 : i32
    %mul3A_92 = arith.constant 10240 : i32
    %mul3A_93 = arith.muli %add3A_91, %mul3A_92 : i32
    %dma_start3A_94 = arith.constant 0 : i32
    %dma_start3A_95 = tpu.memref_slice %arg9[%dma_start3A_94] : memref<10000xf32, #tpu.memory_space<vmem>> -> memref<10000xf32, #tpu.memory_space<vmem>>
    %dma_start3A_96 = tpu.memref_slice %arg7[%mul3A_93] : memref<1310720xf32, #tpu.memory_space<hbm>> -> memref<10000xf32, #tpu.memory_space<hbm>>
    %dma_start3A_97 = tpu.memref_slice %arg7[%mul3A_93] : memref<1310720xf32, #tpu.memory_space<hbm>> -> memref<10000xf32, #tpu.memory_space<hbm>>
    %dma_start3A_98 = arith.constant 0 : i32
    %dma_start3A_99 = tpu.memref_slice %arg9[%dma_start3A_98] : memref<10000xf32, #tpu.memory_space<vmem>> -> memref<10000xf32, #tpu.memory_space<vmem>>
    tpu.enqueue_dma source(%dma_start3A_99 : memref<10000xf32, #tpu.memory_space<vmem>>) target(%dma_start3A_97 : memref<10000xf32, #tpu.memory_space<hbm>>) target_semaphore(%arg16 : memref<!tpu.dma_semaphore, #tpu.memory_space<semaphore_mem>>)
    %add3A_100 = arith.constant 32 : i32
    %add3A_101 = arith.addi %add3A_100, %mul3A_2 : i32
    %add3A_102 = arith.constant 0 : i32
    %add3A_103 = arith.addi %add3A_101, %add3A_102 : i32
    %mul3A_104 = arith.constant 10240 : i32
    %mul3A_105 = arith.muli %add3A_103, %mul3A_104 : i32
    %dma_wait3A_106 = arith.constant 0 : i32
    %dma_wait3A_107 = tpu.memref_slice %arg8[%dma_wait3A_106] : memref<10000xf32, #tpu.memory_space<vmem>> -> memref<10000xf32, #tpu.memory_space<vmem>>
    %dma_wait3A_108 = tpu.memref_slice %arg7[%mul3A_105] : memref<1310720xf32, #tpu.memory_space<hbm>> -> memref<10000xf32, #tpu.memory_space<hbm>>
    %dma_wait3A_109 = tpu.memref_slice %arg7[%mul3A_105] : memref<1310720xf32, #tpu.memory_space<hbm>> -> memref<10000xf32, #tpu.memory_space<hbm>>
    %dma_wait3A_110 = arith.constant 0 : i32
    %dma_wait3A_111 = tpu.memref_slice %arg8[%dma_wait3A_110] : memref<10000xf32, #tpu.memory_space<vmem>> -> memref<10000xf32, #tpu.memory_space<vmem>>
    tpu.wait_dma2 semaphore(%arg17 : memref<!tpu.dma_semaphore, #tpu.memory_space<semaphore_mem>>) src(%dma_wait3A_111 : memref<10000xf32, #tpu.memory_space<vmem>>) dst(%dma_wait3A_109 : memref<10000xf32, #tpu.memory_space<hbm>>)
    %dma_start3A_112 = arith.constant 0 : i32
    %dma_start3A_113 = tpu.memref_slice %arg3[%dma_start3A_112] : memref<320000xi32, #tpu.memory_space<hbm>> -> memref<16000xi32, #tpu.memory_space<hbm>>
    %dma_start3A_114 = arith.constant 0 : i32
    %dma_start3A_115 = tpu.memref_slice %arg3[%dma_start3A_114] : memref<320000xi32, #tpu.memory_space<hbm>> -> memref<16000xi32, #tpu.memory_space<hbm>>
    tpu.enqueue_dma source(%dma_start3A_115 : memref<16000xi32, #tpu.memory_space<hbm>>) target(%arg10 : memref<16000xi32, #tpu.memory_space<vmem>>) target_semaphore(%arg14 : memref<!tpu.dma_semaphore, #tpu.memory_space<semaphore_mem>>)
    %dma_start3A_116 = arith.constant 0 : i32
    %dma_start3A_117 = tpu.memref_slice %arg6[%dma_start3A_116] : memref<320000xf32, #tpu.memory_space<hbm>> -> memref<16000xf32, #tpu.memory_space<hbm>>
    %dma_start3A_118 = arith.constant 0 : i32
    %dma_start3A_119 = tpu.memref_slice %arg6[%dma_start3A_118] : memref<320000xf32, #tpu.memory_space<hbm>> -> memref<16000xf32, #tpu.memory_space<hbm>>
    tpu.enqueue_dma source(%dma_start3A_119 : memref<16000xf32, #tpu.memory_space<hbm>>) target(%arg11 : memref<16000xf32, #tpu.memory_space<vmem>>) target_semaphore(%arg14 : memref<!tpu.dma_semaphore, #tpu.memory_space<semaphore_mem>>)
    %scan3A_120 = arith.constant 0 : i32
    %scan3A_121 = arith.constant 0 : i32
    %scan3A_122 = arith.constant 10 : i32
    %scan3A_123 = arith.addi %scan3A_121, %scan3A_122 : i32
    %scan3A_124 = arith.constant 1 : i32
    %scan3A_125 = scf.for %scan3A_163 = %scan3A_121 to %scan3A_123 step %scan3A_124 iter_args(%scan3A_164 = %scan3A_120) -> (i32)  : i32 {
      %mul3A_165 = arith.constant 2 : i32
      %mul3A_166 = arith.muli %mul3A_165, %scan3A_163 : i32
      %add3A_167 = arith.constant 1 : i32
      %add3A_168 = arith.addi %mul3A_166, %add3A_167 : i32
      %mul3A_169 = arith.constant 16000 : i32
      %mul3A_170 = arith.muli %add3A_168, %mul3A_169 : i32
      %dma_start3A_171 = tpu.memref_slice %arg3[%mul3A_170] : memref<320000xi32, #tpu.memory_space<hbm>> -> memref<16000xi32, #tpu.memory_space<hbm>>
      %dma_start3A_172 = tpu.memref_slice %arg3[%mul3A_170] : memref<320000xi32, #tpu.memory_space<hbm>> -> memref<16000xi32, #tpu.memory_space<hbm>>
      tpu.enqueue_dma source(%dma_start3A_172 : memref<16000xi32, #tpu.memory_space<hbm>>) target(%arg12 : memref<16000xi32, #tpu.memory_space<vmem>>) target_semaphore(%arg15 : memref<!tpu.dma_semaphore, #tpu.memory_space<semaphore_mem>>)
      %dma_start3A_173 = tpu.memref_slice %arg6[%mul3A_170] : memref<320000xf32, #tpu.memory_space<hbm>> -> memref<16000xf32, #tpu.memory_space<hbm>>
      %dma_start3A_174 = tpu.memref_slice %arg6[%mul3A_170] : memref<320000xf32, #tpu.memory_space<hbm>> -> memref<16000xf32, #tpu.memory_space<hbm>>
      tpu.enqueue_dma source(%dma_start3A_174 : memref<16000xf32, #tpu.memory_space<hbm>>) target(%arg13 : memref<16000xf32, #tpu.memory_space<vmem>>) target_semaphore(%arg15 : memref<!tpu.dma_semaphore, #tpu.memory_space<semaphore_mem>>)
      %mul3A_175 = arith.constant 2 : i32
      %mul3A_176 = arith.muli %mul3A_175, %scan3A_163 : i32
      %mul3A_177 = arith.constant 16000 : i32
      %mul3A_178 = arith.muli %mul3A_176, %mul3A_177 : i32
      %dma_wait3A_179 = tpu.memref_slice %arg3[%mul3A_178] : memref<320000xi32, #tpu.memory_space<hbm>> -> memref<16000xi32, #tpu.memory_space<hbm>>
      %dma_wait3A_180 = tpu.memref_slice %arg3[%mul3A_178] : memref<320000xi32, #tpu.memory_space<hbm>> -> memref<16000xi32, #tpu.memory_space<hbm>>
      tpu.wait_dma2 semaphore(%arg14 : memref<!tpu.dma_semaphore, #tpu.memory_space<semaphore_mem>>) src(%dma_wait3A_180 : memref<16000xi32, #tpu.memory_space<hbm>>) dst(%arg10 : memref<16000xi32, #tpu.memory_space<vmem>>)
      %dma_wait3A_181 = tpu.memref_slice %arg6[%mul3A_178] : memref<320000xf32, #tpu.memory_space<hbm>> -> memref<16000xf32, #tpu.memory_space<hbm>>
      %dma_wait3A_182 = tpu.memref_slice %arg6[%mul3A_178] : memref<320000xf32, #tpu.memory_space<hbm>> -> memref<16000xf32, #tpu.memory_space<hbm>>
      tpu.wait_dma2 semaphore(%arg14 : memref<!tpu.dma_semaphore, #tpu.memory_space<semaphore_mem>>) src(%dma_wait3A_182 : memref<16000xf32, #tpu.memory_space<hbm>>) dst(%arg11 : memref<16000xf32, #tpu.memory_space<vmem>>)
      %parallel_loop3A_183 = arith.constant 0 : i32
      %parallel_loop3A_184 = arith.constant 1000 : i32
      %parallel_loop3A_185 = arith.constant 1 : i32
      scf.for %parallel_loop3A_196 = %parallel_loop3A_183 to %parallel_loop3A_184 step %parallel_loop3A_185  : i32 {
        %parallel_loop3A_197 = arith.constant 16 : i32
        %parallel_loop3A_198 = arith.muli %parallel_loop3A_196, %parallel_loop3A_197 : i32
        %parallel_loop3A_199 = arith.index_cast %parallel_loop3A_198 : i32 to index
        %parallel_loop3A_200 = tpu.vector_load %arg10[%parallel_loop3A_199] {strides = array<i32>} : memref<16000xi32, #tpu.memory_space<vmem>>, vector<16xi32>,
        %parallel_loop3A_201 = arith.index_cast %parallel_loop3A_198 : i32 to index
        %parallel_loop3A_202 = tpu.vector_load %arg11[%parallel_loop3A_201] {strides = array<i32>} : memref<16000xf32, #tpu.memory_space<vmem>>, vector<16xf32>,
        %parallel_loop3A_203 = arith.constant 65535 : i32
        %parallel_loop3A_204 = vector.broadcast %parallel_loop3A_203 : i32 to vector<16xi32>
        %parallel_loop3A_205 = arith.andi %parallel_loop3A_200, %parallel_loop3A_204 : vector<16xi32>
        %parallel_loop3A_206 = arith.constant 16 : i32
        %parallel_loop3A_207 = vector.broadcast %parallel_loop3A_206 : i32 to vector<16xi32>
        %parallel_loop3A_208 = arith.shrsi %parallel_loop3A_200, %parallel_loop3A_207 : vector<16xi32>
        %parallel_loop3A_209 = tpu.vector_load_idx %arg9[%parallel_loop3A_205] : memref<10000xf32, #tpu.memory_space<vmem>>[vector<16xi32>], vector<16xf32>,
        %parallel_loop3A_210 = arith.mulf %parallel_loop3A_209, %parallel_loop3A_202 : vector<16xf32>
        tpu.vector_store_idx %arg8[%parallel_loop3A_208], %parallel_loop3A_210 {add = true} : memref<10000xf32, #tpu.memory_space<vmem>>[vector<16xi32>], vector<16xf32>,
      } {sc.loop_unroll_factor = 2 : i64, sc.parallel_access}
      %lt3A = arith.constant 9 : i32
      %lt3A_186 = arith.cmpi slt, %scan3A_163, %lt3A : i32
      %convert_element_type3A = arith.extui %lt3A_186 : i1 to i32
      %cond3A = arith.constant 0 : i32
      %cond3A_187 = arith.cmpi ne, %convert_element_type3A, %cond3A : i32
      scf.if %cond3A_187 {
        %mul3A_196 = arith.constant 2 : i32
        %mul3A_197 = arith.muli %mul3A_196, %scan3A_163 : i32
        %add3A_198 = arith.constant 2 : i32
        %add3A_199 = arith.addi %mul3A_197, %add3A_198 : i32
        %mul3A_200 = arith.constant 16000 : i32
        %mul3A_201 = arith.muli %add3A_199, %mul3A_200 : i32
        %dma_start3A_202 = tpu.memref_slice %arg3[%mul3A_201] : memref<320000xi32, #tpu.memory_space<hbm>> -> memref<16000xi32, #tpu.memory_space<hbm>>
        %dma_start3A_203 = tpu.memref_slice %arg3[%mul3A_201] : memref<320000xi32, #tpu.memory_space<hbm>> -> memref<16000xi32, #tpu.memory_space<hbm>>
        tpu.enqueue_dma source(%dma_start3A_203 : memref<16000xi32, #tpu.memory_space<hbm>>) target(%arg10 : memref<16000xi32, #tpu.memory_space<vmem>>) target_semaphore(%arg14 : memref<!tpu.dma_semaphore, #tpu.memory_space<semaphore_mem>>)
        %dma_start3A_204 = tpu.memref_slice %arg6[%mul3A_201] : memref<320000xf32, #tpu.memory_space<hbm>> -> memref<16000xf32, #tpu.memory_space<hbm>>
        %dma_start3A_205 = tpu.memref_slice %arg6[%mul3A_201] : memref<320000xf32, #tpu.memory_space<hbm>> -> memref<16000xf32, #tpu.memory_space<hbm>>
        tpu.enqueue_dma source(%dma_start3A_205 : memref<16000xf32, #tpu.memory_space<hbm>>) target(%arg11 : memref<16000xf32, #tpu.memory_space<vmem>>) target_semaphore(%arg14 : memref<!tpu.dma_semaphore, #tpu.memory_space<semaphore_mem>>)
      } else {
      }
      %dma_wait3A_188 = tpu.memref_slice %arg3[%mul3A_170] : memref<320000xi32, #tpu.memory_space<hbm>> -> memref<16000xi32, #tpu.memory_space<hbm>>
      %dma_wait3A_189 = tpu.memref_slice %arg3[%mul3A_170] : memref<320000xi32, #tpu.memory_space<hbm>> -> memref<16000xi32, #tpu.memory_space<hbm>>
      tpu.wait_dma2 semaphore(%arg15 : memref<!tpu.dma_semaphore, #tpu.memory_space<semaphore_mem>>) src(%dma_wait3A_189 : memref<16000xi32, #tpu.memory_space<hbm>>) dst(%arg12 : memref<16000xi32, #tpu.memory_space<vmem>>)
      %dma_wait3A_190 = tpu.memref_slice %arg6[%mul3A_170] : memref<320000xf32, #tpu.memory_space<hbm>> -> memref<16000xf32, #tpu.memory_space<hbm>>
      %dma_wait3A_191 = tpu.memref_slice %arg6[%mul3A_170] : memref<320000xf32, #tpu.memory_space<hbm>> -> memref<16000xf32, #tpu.memory_space<hbm>>
      tpu.wait_dma2 semaphore(%arg15 : memref<!tpu.dma_semaphore, #tpu.memory_space<semaphore_mem>>) src(%dma_wait3A_191 : memref<16000xf32, #tpu.memory_space<hbm>>) dst(%arg13 : memref<16000xf32, #tpu.memory_space<vmem>>)
      %parallel_loop3A_192 = arith.constant 0 : i32
      %parallel_loop3A_193 = arith.constant 1000 : i32
      %parallel_loop3A_194 = arith.constant 1 : i32
      scf.for %parallel_loop3A_196 = %parallel_loop3A_192 to %parallel_loop3A_193 step %parallel_loop3A_194  : i32 {
        %parallel_loop3A_197 = arith.constant 16 : i32
        %parallel_loop3A_198 = arith.muli %parallel_loop3A_196, %parallel_loop3A_197 : i32
        %parallel_loop3A_199 = arith.index_cast %parallel_loop3A_198 : i32 to index
        %parallel_loop3A_200 = tpu.vector_load %arg12[%parallel_loop3A_199] {strides = array<i32>} : memref<16000xi32, #tpu.memory_space<vmem>>, vector<16xi32>,
        %parallel_loop3A_201 = arith.index_cast %parallel_loop3A_198 : i32 to index
        %parallel_loop3A_202 = tpu.vector_load %arg13[%parallel_loop3A_201] {strides = array<i32>} : memref<16000xf32, #tpu.memory_space<vmem>>, vector<16xf32>,
        %parallel_loop3A_203 = arith.constant 65535 : i32
        %parallel_loop3A_204 = vector.broadcast %parallel_loop3A_203 : i32 to vector<16xi32>
        %parallel_loop3A_205 = arith.andi %parallel_loop3A_200, %parallel_loop3A_204 : vector<16xi32>
        %parallel_loop3A_206 = arith.constant 16 : i32
        %parallel_loop3A_207 = vector.broadcast %parallel_loop3A_206 : i32 to vector<16xi32>
        %parallel_loop3A_208 = arith.shrsi %parallel_loop3A_200, %parallel_loop3A_207 : vector<16xi32>
        %parallel_loop3A_209 = tpu.vector_load_idx %arg9[%parallel_loop3A_205] : memref<10000xf32, #tpu.memory_space<vmem>>[vector<16xi32>], vector<16xf32>,
        %parallel_loop3A_210 = arith.mulf %parallel_loop3A_209, %parallel_loop3A_202 : vector<16xf32>
        tpu.vector_store_idx %arg8[%parallel_loop3A_208], %parallel_loop3A_210 {add = true} : memref<10000xf32, #tpu.memory_space<vmem>>[vector<16xi32>], vector<16xf32>,
      } {sc.loop_unroll_factor = 2 : i64, sc.parallel_access}
      %scan3A_195 = arith.constant 0 : i32
      scf.yield %scan3A_195 : i32
    }
    %scan3A_126 = arith.constant 10 : i32
    %add3A_127 = arith.constant 96 : i32
    %add3A_128 = arith.addi %add3A_127, %mul3A_2 : i32
    %add3A_129 = arith.constant 0 : i32
    %add3A_130 = arith.addi %add3A_128, %add3A_129 : i32
    %mul3A_131 = arith.constant 10240 : i32
    %mul3A_132 = arith.muli %add3A_130, %mul3A_131 : i32
    %dma_start3A_133 = arith.constant 0 : i32
    %dma_start3A_134 = tpu.memref_slice %arg8[%dma_start3A_133] : memref<10000xf32, #tpu.memory_space<vmem>> -> memref<10000xf32, #tpu.memory_space<vmem>>
    %dma_start3A_135 = tpu.memref_slice %arg7[%mul3A_132] : memref<1310720xf32, #tpu.memory_space<hbm>> -> memref<10000xf32, #tpu.memory_space<hbm>>
    %dma_start3A_136 = tpu.memref_slice %arg7[%mul3A_132] : memref<1310720xf32, #tpu.memory_space<hbm>> -> memref<10000xf32, #tpu.memory_space<hbm>>
    %dma_start3A_137 = arith.constant 0 : i32
    %dma_start3A_138 = tpu.memref_slice %arg8[%dma_start3A_137] : memref<10000xf32, #tpu.memory_space<vmem>> -> memref<10000xf32, #tpu.memory_space<vmem>>
    tpu.enqueue_dma source(%dma_start3A_138 : memref<10000xf32, #tpu.memory_space<vmem>>) target(%dma_start3A_136 : memref<10000xf32, #tpu.memory_space<hbm>>) target_semaphore(%arg17 : memref<!tpu.dma_semaphore, #tpu.memory_space<semaphore_mem>>)
    %add3A_139 = arith.constant 64 : i32
    %add3A_140 = arith.addi %add3A_139, %mul3A_2 : i32
    %add3A_141 = arith.constant 0 : i32
    %add3A_142 = arith.addi %add3A_140, %add3A_141 : i32
    %mul3A_143 = arith.constant 10240 : i32
    %mul3A_144 = arith.muli %add3A_142, %mul3A_143 : i32
    %dma_wait3A_145 = arith.constant 0 : i32
    %dma_wait3A_146 = tpu.memref_slice %arg9[%dma_wait3A_145] : memref<10000xf32, #tpu.memory_space<vmem>> -> memref<10000xf32, #tpu.memory_space<vmem>>
    %dma_wait3A_147 = tpu.memref_slice %arg7[%mul3A_144] : memref<1310720xf32, #tpu.memory_space<hbm>> -> memref<10000xf32, #tpu.memory_space<hbm>>
    %dma_wait3A_148 = tpu.memref_slice %arg7[%mul3A_144] : memref<1310720xf32, #tpu.memory_space<hbm>> -> memref<10000xf32, #tpu.memory_space<hbm>>
    %dma_wait3A_149 = arith.constant 0 : i32
    %dma_wait3A_150 = tpu.memref_slice %arg9[%dma_wait3A_149] : memref<10000xf32, #tpu.memory_space<vmem>> -> memref<10000xf32, #tpu.memory_space<vmem>>
    tpu.wait_dma2 semaphore(%arg16 : memref<!tpu.dma_semaphore, #tpu.memory_space<semaphore_mem>>) src(%dma_wait3A_150 : memref<10000xf32, #tpu.memory_space<vmem>>) dst(%dma_wait3A_148 : memref<10000xf32, #tpu.memory_space<hbm>>)
    %add3A_151 = arith.constant 96 : i32
    %add3A_152 = arith.addi %add3A_151, %mul3A_2 : i32
    %add3A_153 = arith.constant 0 : i32
    %add3A_154 = arith.addi %add3A_152, %add3A_153 : i32
    %mul3A_155 = arith.constant 10240 : i32
    %mul3A_156 = arith.muli %add3A_154, %mul3A_155 : i32
    %dma_wait3A_157 = arith.constant 0 : i32
    %dma_wait3A_158 = tpu.memref_slice %arg8[%dma_wait3A_157] : memref<10000xf32, #tpu.memory_space<vmem>> -> memref<10000xf32, #tpu.memory_space<vmem>>
    %dma_wait3A_159 = tpu.memref_slice %arg7[%mul3A_156] : memref<1310720xf32, #tpu.memory_space<hbm>> -> memref<10000xf32, #tpu.memory_space<hbm>>
    %dma_wait3A_160 = tpu.memref_slice %arg7[%mul3A_156] : memref<1310720xf32, #tpu.memory_space<hbm>> -> memref<10000xf32, #tpu.memory_space<hbm>>
    %dma_wait3A_161 = arith.constant 0 : i32
    %dma_wait3A_162 = tpu.memref_slice %arg8[%dma_wait3A_161] : memref<10000xf32, #tpu.memory_space<vmem>> -> memref<10000xf32, #tpu.memory_space<vmem>>
    tpu.wait_dma2 semaphore(%arg17 : memref<!tpu.dma_semaphore, #tpu.memory_space<semaphore_mem>>) src(%dma_wait3A_162 : memref<10000xf32, #tpu.memory_space<vmem>>) dst(%dma_wait3A_160 : memref<10000xf32, #tpu.memory_space<hbm>>)
    return
  }
}

#map = affine_map<(d0, d1) -> (0)>
module attributes {stable_mosaic.version = 14 : i64} {
  func.func @_prep_body(%arg0: i32, %arg1: i32, %arg2: memref<320000xi32, #tpu.memory_space<hbm>>, %arg3: memref<320000xi32, #tpu.memory_space<hbm>>, %arg4: memref<320000xf32, #tpu.memory_space<hbm>>, %arg5: memref<320000xi32, #tpu.memory_space<hbm>>, %arg6: memref<320000xf32, #tpu.memory_space<hbm>>, %arg7: memref<320000xf32, #tpu.memory_space<hbm>>, %arg8: memref<320000xf32, #tpu.memory_space<hbm>>, %arg9: memref<10240xf32, #tpu.memory_space<vmem>>, %arg10: memref<640xf32, #tpu.memory_space<vmem>>, %arg11: memref<640xf32, #tpu.memory_space<vmem>>, %arg12: memref<10240xf32, #tpu.memory_space<vmem>>, %arg13: memref<4000xi32, #tpu.memory_space<vmem>>, %arg14: memref<4000xf32, #tpu.memory_space<vmem>>, %arg15: memref<2000xi32, #tpu.memory_space<vmem>>, %arg16: memref<2000xi32, #tpu.memory_space<vmem>>, %arg17: memref<2000xf32, #tpu.memory_space<vmem>>, %arg18: memref<2000xf32, #tpu.memory_space<vmem>>, %arg19: memref<2000xf32, #tpu.memory_space<vmem>>, %arg20: memref<16x10240xf32, #tpu.memory_space<vmem_shared>>, %arg21: memref<10240xf32, #tpu.memory_space<vmem_shared>>) attributes {dimension_semantics = [#tpu.dimension_semantics<core_parallel>, #tpu.dimension_semantics<subcore_parallel>], iteration_bounds = array<i64: 2, 16>, scalar_prefetch = 0 : i64, scratch_operands = 13 : i64, tpu.core_type = #tpu.core_type<sc_vector_subcore>, window_params = [{transform_indices = #map}, {transform_indices = #map}, {transform_indices = #map}, {transform_indices = #map}, {transform_indices = #map}, {transform_indices = #map}, {transform_indices = #map}]} {
    %mul3A = arith.constant 16 : i32
    %mul3A_0 = arith.muli %arg0, %mul3A : i32
    %add3A = arith.addi %mul3A_0, %arg1 : i32
    %broadcast_in_dim3A = arith.constant 0.000000e+00 : f32
    %broadcast_in_dim3A_1 = vector.broadcast %broadcast_in_dim3A : f32 to vector<16xf32>
    %scan3A = arith.constant 0 : i32
    %scan3A_2 = arith.constant 0 : i32
    %scan3A_3 = arith.constant 640 : i32
    %scan3A_4 = arith.addi %scan3A_2, %scan3A_3 : i32
    %scan3A_5 = arith.constant 1 : i32
    %scan3A_6 = scf.for %scan3A_51 = %scan3A_2 to %scan3A_4 step %scan3A_5 iter_args(%scan3A_52 = %scan3A) -> (i32)  : i32 {
      %mul3A_53 = arith.constant 16 : i32
      %mul3A_54 = arith.muli %scan3A_51, %mul3A_53 : i32
      %swap3A = arith.index_cast %mul3A_54 : i32 to index
      %swap3A_55 = tpu.vector_load %arg9[%swap3A] {strides = array<i32>} : memref<10240xf32, #tpu.memory_space<vmem>>, vector<16xf32>,
      tpu.vector_store %arg9[%swap3A], %broadcast_in_dim3A_1 {strides = array<i32>} : memref<10240xf32, #tpu.memory_space<vmem>>, vector<16xf32>,
      %scan3A_56 = arith.constant 0 : i32
      scf.yield %scan3A_56 : i32
    }
    %scan3A_7 = arith.constant 640 : i32
    %mul3A_8 = arith.constant 20000 : i32
    %mul3A_9 = arith.muli %arg1, %mul3A_8 : i32
    %scan3A_10 = arith.constant 0 : i32
    %scan3A_11 = arith.constant 0 : i32
    %scan3A_12 = arith.constant 5 : i32
    %scan3A_13 = arith.addi %scan3A_11, %scan3A_12 : i32
    %scan3A_14 = arith.constant 1 : i32
    %scan3A_15 = scf.for %scan3A_51 = %scan3A_11 to %scan3A_13 step %scan3A_14 iter_args(%scan3A_52 = %scan3A_10) -> (i32)  : i32 {
      %mul3A_53 = arith.constant 4000 : i32
      %mul3A_54 = arith.muli %scan3A_51, %mul3A_53 : i32
      %add3A_55 = arith.addi %mul3A_9, %mul3A_54 : i32
      "tpu.region"() ({
        %run_scoped3A = tpu.sem_alloc : memref<!tpu.dma_semaphore, #tpu.memory_space<semaphore_mem>>
        %dma_start3A = tpu.memref_slice %arg2[%add3A_55] : memref<320000xi32, #tpu.memory_space<hbm>> -> memref<4000xi32, #tpu.memory_space<hbm>>
        %dma_start3A_59 = tpu.memref_slice %arg2[%add3A_55] : memref<320000xi32, #tpu.memory_space<hbm>> -> memref<4000xi32, #tpu.memory_space<hbm>>
        tpu.enqueue_dma source(%dma_start3A_59 : memref<4000xi32, #tpu.memory_space<hbm>>) target(%arg13 : memref<4000xi32, #tpu.memory_space<vmem>>) target_semaphore(%run_scoped3A : memref<!tpu.dma_semaphore, #tpu.memory_space<semaphore_mem>>)
        %dma_wait3A = tpu.memref_slice %arg2[%add3A_55] : memref<320000xi32, #tpu.memory_space<hbm>> -> memref<4000xi32, #tpu.memory_space<hbm>>
        %dma_wait3A_60 = tpu.memref_slice %arg2[%add3A_55] : memref<320000xi32, #tpu.memory_space<hbm>> -> memref<4000xi32, #tpu.memory_space<hbm>>
        tpu.wait_dma2 semaphore(%run_scoped3A : memref<!tpu.dma_semaphore, #tpu.memory_space<semaphore_mem>>) src(%dma_wait3A_60 : memref<4000xi32, #tpu.memory_space<hbm>>) dst(%arg13 : memref<4000xi32, #tpu.memory_space<vmem>>)
        tpu.yield
      }) : () -> ()
      "tpu.region"() ({
        %run_scoped3A = tpu.sem_alloc : memref<!tpu.dma_semaphore, #tpu.memory_space<semaphore_mem>>
        %dma_start3A = tpu.memref_slice %arg4[%add3A_55] : memref<320000xf32, #tpu.memory_space<hbm>> -> memref<4000xf32, #tpu.memory_space<hbm>>
        %dma_start3A_59 = tpu.memref_slice %arg4[%add3A_55] : memref<320000xf32, #tpu.memory_space<hbm>> -> memref<4000xf32, #tpu.memory_space<hbm>>
        tpu.enqueue_dma source(%dma_start3A_59 : memref<4000xf32, #tpu.memory_space<hbm>>) target(%arg14 : memref<4000xf32, #tpu.memory_space<vmem>>) target_semaphore(%run_scoped3A : memref<!tpu.dma_semaphore, #tpu.memory_space<semaphore_mem>>)
        %dma_wait3A = tpu.memref_slice %arg4[%add3A_55] : memref<320000xf32, #tpu.memory_space<hbm>> -> memref<4000xf32, #tpu.memory_space<hbm>>
        %dma_wait3A_60 = tpu.memref_slice %arg4[%add3A_55] : memref<320000xf32, #tpu.memory_space<hbm>> -> memref<4000xf32, #tpu.memory_space<hbm>>
        tpu.wait_dma2 semaphore(%run_scoped3A : memref<!tpu.dma_semaphore, #tpu.memory_space<semaphore_mem>>) src(%dma_wait3A_60 : memref<4000xf32, #tpu.memory_space<hbm>>) dst(%arg14 : memref<4000xf32, #tpu.memory_space<vmem>>)
        tpu.yield
      }) : () -> ()
      %parallel_loop3A = arith.constant 0 : i32
      %parallel_loop3A_56 = arith.constant 250 : i32
      %parallel_loop3A_57 = arith.constant 1 : i32
      scf.for %parallel_loop3A_59 = %parallel_loop3A to %parallel_loop3A_56 step %parallel_loop3A_57  : i32 {
        %parallel_loop3A_60 = arith.constant 16 : i32
        %parallel_loop3A_61 = arith.muli %parallel_loop3A_59, %parallel_loop3A_60 : i32
        %parallel_loop3A_62 = arith.index_cast %parallel_loop3A_61 : i32 to index
        %parallel_loop3A_63 = tpu.vector_load %arg13[%parallel_loop3A_62] {strides = array<i32>} : memref<4000xi32, #tpu.memory_space<vmem>>, vector<16xi32>,
        %parallel_loop3A_64 = arith.index_cast %parallel_loop3A_61 : i32 to index
        %parallel_loop3A_65 = tpu.vector_load %arg14[%parallel_loop3A_64] {strides = array<i32>} : memref<4000xf32, #tpu.memory_space<vmem>>, vector<16xf32>,
        tpu.vector_store_idx %arg9[%parallel_loop3A_63], %parallel_loop3A_65 {add = true} : memref<10240xf32, #tpu.memory_space<vmem>>[vector<16xi32>], vector<16xf32>,
      } {sc.loop_unroll_factor = 2 : i64, sc.parallel_access}
      %scan3A_58 = arith.constant 0 : i32
      scf.yield %scan3A_58 : i32
    }
    %scan3A_16 = arith.constant 5 : i32
    "tpu.region"() ({
      %run_scoped3A = tpu.sem_alloc : memref<!tpu.dma_semaphore, #tpu.memory_space<semaphore_mem>>
      %dma_start3A = arith.constant 0 : i32
      %dma_start3A_51 = tpu.memref_slice %arg20[%arg1, %dma_start3A] : memref<16x10240xf32, #tpu.memory_space<vmem_shared>> -> memref<1x10240xf32, #tpu.memory_space<vmem_shared>>
      %dma_start3A_52 = tpu.memref_squeeze %dma_start3A_51 : memref<1x10240xf32, #tpu.memory_space<vmem_shared>> -> memref<10240xf32, #tpu.memory_space<vmem_shared>>
      %dma_start3A_53 = arith.constant 0 : i32
      %dma_start3A_54 = tpu.memref_slice %arg20[%arg1, %dma_start3A_53] : memref<16x10240xf32, #tpu.memory_space<vmem_shared>> -> memref<1x10240xf32, #tpu.memory_space<vmem_shared>>
      %dma_start3A_55 = tpu.memref_squeeze %dma_start3A_54 : memref<1x10240xf32, #tpu.memory_space<vmem_shared>> -> memref<10240xf32, #tpu.memory_space<vmem_shared>>
      tpu.enqueue_dma source(%arg9 : memref<10240xf32, #tpu.memory_space<vmem>>) target(%dma_start3A_55 : memref<10240xf32, #tpu.memory_space<vmem_shared>>) target_semaphore(%run_scoped3A : memref<!tpu.dma_semaphore, #tpu.memory_space<semaphore_mem>>)
      %dma_wait3A = arith.constant 0 : i32
      %dma_wait3A_56 = tpu.memref_slice %arg20[%arg1, %dma_wait3A] : memref<16x10240xf32, #tpu.memory_space<vmem_shared>> -> memref<1x10240xf32, #tpu.memory_space<vmem_shared>>
      %dma_wait3A_57 = tpu.memref_squeeze %dma_wait3A_56 : memref<1x10240xf32, #tpu.memory_space<vmem_shared>> -> memref<10240xf32, #tpu.memory_space<vmem_shared>>
      %dma_wait3A_58 = arith.constant 0 : i32
      %dma_wait3A_59 = tpu.memref_slice %arg20[%arg1, %dma_wait3A_58] : memref<16x10240xf32, #tpu.memory_space<vmem_shared>> -> memref<1x10240xf32, #tpu.memory_space<vmem_shared>>
      %dma_wait3A_60 = tpu.memref_squeeze %dma_wait3A_59 : memref<1x10240xf32, #tpu.memory_space<vmem_shared>> -> memref<10240xf32, #tpu.memory_space<vmem_shared>>
      tpu.wait_dma2 semaphore(%run_scoped3A : memref<!tpu.dma_semaphore, #tpu.memory_space<semaphore_mem>>) src(%arg9 : memref<10240xf32, #tpu.memory_space<vmem>>) dst(%dma_wait3A_60 : memref<10240xf32, #tpu.memory_space<vmem_shared>>)
      tpu.yield
    }) : () -> ()
    %barrier3A = arith.constant 0 : index
    tpu.barrier barrier_id(%barrier3A)
    %mul3A_17 = arith.constant 640 : i32
    %mul3A_18 = arith.muli %arg1, %mul3A_17 : i32
    %scan3A_19 = arith.constant 0 : i32
    %scan3A_20 = arith.constant 0 : i32
    %scan3A_21 = arith.constant 40 : i32
    %scan3A_22 = arith.addi %scan3A_20, %scan3A_21 : i32
    %scan3A_23 = arith.constant 1 : i32
    %scan3A_24 = scf.for %scan3A_51 = %scan3A_20 to %scan3A_22 step %scan3A_23 iter_args(%scan3A_52 = %scan3A_19) -> (i32)  : i32 {
      %mul3A_53 = arith.constant 16 : i32
      %mul3A_54 = arith.muli %scan3A_51, %mul3A_53 : i32
      %swap3A = arith.index_cast %mul3A_54 : i32 to index
      %swap3A_55 = tpu.vector_load %arg10[%swap3A] {strides = array<i32>} : memref<640xf32, #tpu.memory_space<vmem>>, vector<16xf32>,
      tpu.vector_store %arg10[%swap3A], %broadcast_in_dim3A_1 {strides = array<i32>} : memref<640xf32, #tpu.memory_space<vmem>>, vector<16xf32>,
      %scan3A_56 = arith.constant 0 : i32
      scf.yield %scan3A_56 : i32
    }
    %scan3A_25 = arith.constant 40 : i32
    %scan3A_26 = arith.constant 0 : i32
    %scan3A_27 = arith.constant 0 : i32
    %scan3A_28 = arith.constant 16 : i32
    %scan3A_29 = arith.addi %scan3A_27, %scan3A_28 : i32
    %scan3A_30 = arith.constant 1 : i32
    %scan3A_31 = scf.for %scan3A_51 = %scan3A_27 to %scan3A_29 step %scan3A_30 iter_args(%scan3A_52 = %scan3A_26) -> (i32)  : i32 {
      "tpu.region"() ({
        %run_scoped3A = tpu.sem_alloc : memref<!tpu.dma_semaphore, #tpu.memory_space<semaphore_mem>>
        %dma_start3A = tpu.memref_slice %arg20[%scan3A_51, %mul3A_18] : memref<16x10240xf32, #tpu.memory_space<vmem_shared>> -> memref<1x640xf32, #tpu.memory_space<vmem_shared>>
        %dma_start3A_61 = tpu.memref_squeeze %dma_start3A : memref<1x640xf32, #tpu.memory_space<vmem_shared>> -> memref<640xf32, #tpu.memory_space<vmem_shared>>
        %dma_start3A_62 = tpu.memref_slice %arg20[%scan3A_51, %mul3A_18] : memref<16x10240xf32, #tpu.memory_space<vmem_shared>> -> memref<1x640xf32, #tpu.memory_space<vmem_shared>>
        %dma_start3A_63 = tpu.memref_squeeze %dma_start3A_62 : memref<1x640xf32, #tpu.memory_space<vmem_shared>> -> memref<640xf32, #tpu.memory_space<vmem_shared>>
        tpu.enqueue_dma source(%dma_start3A_63 : memref<640xf32, #tpu.memory_space<vmem_shared>>) target(%arg11 : memref<640xf32, #tpu.memory_space<vmem>>) target_semaphore(%run_scoped3A : memref<!tpu.dma_semaphore, #tpu.memory_space<semaphore_mem>>)
        %dma_wait3A = tpu.memref_slice %arg20[%scan3A_51, %mul3A_18] : memref<16x10240xf32, #tpu.memory_space<vmem_shared>> -> memref<1x640xf32, #tpu.memory_space<vmem_shared>>
        %dma_wait3A_64 = tpu.memref_squeeze %dma_wait3A : memref<1x640xf32, #tpu.memory_space<vmem_shared>> -> memref<640xf32, #tpu.memory_space<vmem_shared>>
        %dma_wait3A_65 = tpu.memref_slice %arg20[%scan3A_51, %mul3A_18] : memref<16x10240xf32, #tpu.memory_space<vmem_shared>> -> memref<1x640xf32, #tpu.memory_space<vmem_shared>>
        %dma_wait3A_66 = tpu.memref_squeeze %dma_wait3A_65 : memref<1x640xf32, #tpu.memory_space<vmem_shared>> -> memref<640xf32, #tpu.memory_space<vmem_shared>>
        tpu.wait_dma2 semaphore(%run_scoped3A : memref<!tpu.dma_semaphore, #tpu.memory_space<semaphore_mem>>) src(%dma_wait3A_66 : memref<640xf32, #tpu.memory_space<vmem_shared>>) dst(%arg11 : memref<640xf32, #tpu.memory_space<vmem>>)
        tpu.yield
      }) : () -> ()
      %scan3A_53 = arith.constant 0 : i32
      %scan3A_54 = arith.constant 0 : i32
      %scan3A_55 = arith.constant 40 : i32
      %scan3A_56 = arith.addi %scan3A_54, %scan3A_55 : i32
      %scan3A_57 = arith.constant 1 : i32
      %scan3A_58 = scf.for %scan3A_61 = %scan3A_54 to %scan3A_56 step %scan3A_57 iter_args(%scan3A_62 = %scan3A_53) -> (i32)  : i32 {
        %mul3A_63 = arith.constant 16 : i32
        %mul3A_64 = arith.muli %scan3A_61, %mul3A_63 : i32
        %get3A = arith.index_cast %mul3A_64 : i32 to index
        %get3A_65 = tpu.vector_load %arg10[%get3A] {strides = array<i32>} : memref<640xf32, #tpu.memory_space<vmem>>, vector<16xf32>,
        %get3A_66 = arith.index_cast %mul3A_64 : i32 to index
        %get3A_67 = tpu.vector_load %arg11[%get3A_66] {strides = array<i32>} : memref<640xf32, #tpu.memory_space<vmem>>, vector<16xf32>,
        %add3A_68 = arith.addf %get3A_65, %get3A_67 : vector<16xf32>
        %swap3A = arith.index_cast %mul3A_64 : i32 to index
        %swap3A_69 = tpu.vector_load %arg10[%swap3A] {strides = array<i32>} : memref<640xf32, #tpu.memory_space<vmem>>, vector<16xf32>,
        tpu.vector_store %arg10[%swap3A], %add3A_68 {strides = array<i32>} : memref<640xf32, #tpu.memory_space<vmem>>, vector<16xf32>,
        %scan3A_70 = arith.constant 0 : i32
        scf.yield %scan3A_70 : i32
      }
      %scan3A_59 = arith.constant 40 : i32
      %scan3A_60 = arith.constant 0 : i32
      scf.yield %scan3A_60 : i32
    }
    %scan3A_32 = arith.constant 16 : i32
    %scan3A_33 = arith.constant 1597463007 : i32
    %scan3A_34 = arith.constant 0 : i32
    %scan3A_35 = arith.constant 0 : i32
    %scan3A_36 = arith.constant 40 : i32
    %scan3A_37 = arith.addi %scan3A_35, %scan3A_36 : i32
    %scan3A_38 = arith.constant 1 : i32
    %scan3A_39 = scf.for %scan3A_51 = %scan3A_35 to %scan3A_37 step %scan3A_38 iter_args(%scan3A_52 = %scan3A_34) -> (i32)  : i32 {
      %mul3A_53 = arith.constant 16 : i32
      %mul3A_54 = arith.muli %scan3A_51, %mul3A_53 : i32
      %get3A = arith.index_cast %mul3A_54 : i32 to index
      %get3A_55 = tpu.vector_load %arg10[%get3A] {strides = array<i32>} : memref<640xf32, #tpu.memory_space<vmem>>, vector<16xf32>,
      %bitcast3A = vector.bitcast %get3A_55 : vector<16xf32> to vector<16xi32>
      %shift_right_arithmetic3A = arith.constant 1 : i32
      %shift_right_arithmetic3A_56 = vector.broadcast %shift_right_arithmetic3A : i32 to vector<16xi32>
      %shift_right_arithmetic3A_57 = arith.shrsi %bitcast3A, %shift_right_arithmetic3A_56 : vector<16xi32>
      %sub3A = vector.broadcast %scan3A_33 : i32 to vector<16xi32>
      %sub3A_58 = arith.subi %sub3A, %shift_right_arithmetic3A_57 : vector<16xi32>
      %bitcast3A_59 = vector.bitcast %sub3A_58 : vector<16xi32> to vector<16xf32>
      %mul3A_60 = arith.mulf %get3A_55, %bitcast3A_59 : vector<16xf32>
      %mul3A_61 = arith.mulf %mul3A_60, %bitcast3A_59 : vector<16xf32>
      %mul3A_62 = arith.constant 5.000000e-01 : f32
      %mul3A_63 = vector.broadcast %mul3A_62 : f32 to vector<16xf32>
      %mul3A_64 = arith.mulf %mul3A_63, %mul3A_61 : vector<16xf32>
      %sub3A_65 = arith.constant 1.500000e+00 : f32
      %sub3A_66 = vector.broadcast %sub3A_65 : f32 to vector<16xf32>
      %sub3A_67 = arith.subf %sub3A_66, %mul3A_64 : vector<16xf32>
      %mul3A_68 = arith.mulf %bitcast3A_59, %sub3A_67 : vector<16xf32>
      %mul3A_69 = arith.mulf %get3A_55, %mul3A_68 : vector<16xf32>
      %mul3A_70 = arith.mulf %mul3A_69, %mul3A_68 : vector<16xf32>
      %mul3A_71 = arith.constant 5.000000e-01 : f32
      %mul3A_72 = vector.broadcast %mul3A_71 : f32 to vector<16xf32>
      %mul3A_73 = arith.mulf %mul3A_72, %mul3A_70 : vector<16xf32>
      %sub3A_74 = arith.constant 1.500000e+00 : f32
      %sub3A_75 = vector.broadcast %sub3A_74 : f32 to vector<16xf32>
      %sub3A_76 = arith.subf %sub3A_75, %mul3A_73 : vector<16xf32>
      %mul3A_77 = arith.mulf %mul3A_68, %sub3A_76 : vector<16xf32>
      %mul3A_78 = arith.mulf %get3A_55, %mul3A_77 : vector<16xf32>
      %mul3A_79 = arith.mulf %mul3A_78, %mul3A_77 : vector<16xf32>
      %mul3A_80 = arith.constant 5.000000e-01 : f32
      %mul3A_81 = vector.broadcast %mul3A_80 : f32 to vector<16xf32>
      %mul3A_82 = arith.mulf %mul3A_81, %mul3A_79 : vector<16xf32>
      %sub3A_83 = arith.constant 1.500000e+00 : f32
      %sub3A_84 = vector.broadcast %sub3A_83 : f32 to vector<16xf32>
      %sub3A_85 = arith.subf %sub3A_84, %mul3A_82 : vector<16xf32>
      %mul3A_86 = arith.mulf %mul3A_77, %sub3A_85 : vector<16xf32>
      %gt3A = arith.constant 0.000000e+00 : f32
      %gt3A_87 = vector.broadcast %gt3A : f32 to vector<16xf32>
      %gt3A_88 = arith.cmpf ogt, %get3A_55, %gt3A_87 : vector<16xf32>
      %jit3A = arith.constant 0.000000e+00 : f32
      %broadcast_in_dim3A_89 = vector.broadcast %jit3A : f32 to vector<16xf32>
      %select_n3A = arith.select %gt3A_88, %mul3A_86, %broadcast_in_dim3A_89 : vector<16xi1>, vector<16xf32>
      %swap3A = arith.index_cast %mul3A_54 : i32 to index
      %swap3A_90 = tpu.vector_load %arg11[%swap3A] {strides = array<i32>} : memref<640xf32, #tpu.memory_space<vmem>>, vector<16xf32>,
      tpu.vector_store %arg11[%swap3A], %select_n3A {strides = array<i32>} : memref<640xf32, #tpu.memory_space<vmem>>, vector<16xf32>,
      %scan3A_91 = arith.constant 0 : i32
      scf.yield %scan3A_91 : i32
    }
    %scan3A_40 = arith.constant 40 : i32
    "tpu.region"() ({
      %run_scoped3A = tpu.sem_alloc : memref<!tpu.dma_semaphore, #tpu.memory_space<semaphore_mem>>
      %dma_start3A = tpu.memref_slice %arg21[%mul3A_18] : memref<10240xf32, #tpu.memory_space<vmem_shared>> -> memref<640xf32, #tpu.memory_space<vmem_shared>>
      %dma_start3A_51 = tpu.memref_slice %arg21[%mul3A_18] : memref<10240xf32, #tpu.memory_space<vmem_shared>> -> memref<640xf32, #tpu.memory_space<vmem_shared>>
      tpu.enqueue_dma source(%arg11 : memref<640xf32, #tpu.memory_space<vmem>>) target(%dma_start3A_51 : memref<640xf32, #tpu.memory_space<vmem_shared>>) target_semaphore(%run_scoped3A : memref<!tpu.dma_semaphore, #tpu.memory_space<semaphore_mem>>)
      %dma_wait3A = tpu.memref_slice %arg21[%mul3A_18] : memref<10240xf32, #tpu.memory_space<vmem_shared>> -> memref<640xf32, #tpu.memory_space<vmem_shared>>
      %dma_wait3A_52 = tpu.memref_slice %arg21[%mul3A_18] : memref<10240xf32, #tpu.memory_space<vmem_shared>> -> memref<640xf32, #tpu.memory_space<vmem_shared>>
      tpu.wait_dma2 semaphore(%run_scoped3A : memref<!tpu.dma_semaphore, #tpu.memory_space<semaphore_mem>>) src(%arg11 : memref<640xf32, #tpu.memory_space<vmem>>) dst(%dma_wait3A_52 : memref<640xf32, #tpu.memory_space<vmem_shared>>)
      tpu.yield
    }) : () -> ()
    %barrier3A_41 = arith.constant 0 : index
    tpu.barrier barrier_id(%barrier3A_41)
    "tpu.region"() ({
      %run_scoped3A = tpu.sem_alloc : memref<!tpu.dma_semaphore, #tpu.memory_space<semaphore_mem>>
      tpu.enqueue_dma source(%arg21 : memref<10240xf32, #tpu.memory_space<vmem_shared>>) target(%arg12 : memref<10240xf32, #tpu.memory_space<vmem>>) target_semaphore(%run_scoped3A : memref<!tpu.dma_semaphore, #tpu.memory_space<semaphore_mem>>)
      tpu.wait_dma2 semaphore(%run_scoped3A : memref<!tpu.dma_semaphore, #tpu.memory_space<semaphore_mem>>) src(%arg21 : memref<10240xf32, #tpu.memory_space<vmem_shared>>) dst(%arg12 : memref<10240xf32, #tpu.memory_space<vmem>>)
      tpu.yield
    }) : () -> ()
    %mul3A_42 = arith.constant 10000 : i32
    %mul3A_43 = arith.muli %add3A, %mul3A_42 : i32
    %scan3A_44 = arith.constant 0 : i32
    %scan3A_45 = arith.constant 0 : i32
    %scan3A_46 = arith.constant 5 : i32
    %scan3A_47 = arith.addi %scan3A_45, %scan3A_46 : i32
    %scan3A_48 = arith.constant 1 : i32
    %scan3A_49 = scf.for %scan3A_51 = %scan3A_45 to %scan3A_47 step %scan3A_48 iter_args(%scan3A_52 = %scan3A_44) -> (i32)  : i32 {
      %mul3A_53 = arith.constant 2000 : i32
      %mul3A_54 = arith.muli %scan3A_51, %mul3A_53 : i32
      %add3A_55 = arith.addi %mul3A_43, %mul3A_54 : i32
      "tpu.region"() ({
        %run_scoped3A = tpu.sem_alloc : memref<!tpu.dma_semaphore, #tpu.memory_space<semaphore_mem>>
        %dma_start3A = arith.constant 0 : i32
        %dma_start3A_59 = tpu.memref_slice %arg13[%dma_start3A] : memref<4000xi32, #tpu.memory_space<vmem>> -> memref<2000xi32, #tpu.memory_space<vmem>>
        %dma_start3A_60 = tpu.memref_slice %arg2[%add3A_55] : memref<320000xi32, #tpu.memory_space<hbm>> -> memref<2000xi32, #tpu.memory_space<hbm>>
        %dma_start3A_61 = arith.constant 0 : i32
        %dma_start3A_62 = tpu.memref_slice %arg13[%dma_start3A_61] : memref<4000xi32, #tpu.memory_space<vmem>> -> memref<2000xi32, #tpu.memory_space<vmem>>
        %dma_start3A_63 = tpu.memref_slice %arg2[%add3A_55] : memref<320000xi32, #tpu.memory_space<hbm>> -> memref<2000xi32, #tpu.memory_space<hbm>>
        tpu.enqueue_dma source(%dma_start3A_63 : memref<2000xi32, #tpu.memory_space<hbm>>) target(%dma_start3A_62 : memref<2000xi32, #tpu.memory_space<vmem>>) target_semaphore(%run_scoped3A : memref<!tpu.dma_semaphore, #tpu.memory_space<semaphore_mem>>)
        %dma_wait3A = arith.constant 0 : i32
        %dma_wait3A_64 = tpu.memref_slice %arg13[%dma_wait3A] : memref<4000xi32, #tpu.memory_space<vmem>> -> memref<2000xi32, #tpu.memory_space<vmem>>
        %dma_wait3A_65 = tpu.memref_slice %arg2[%add3A_55] : memref<320000xi32, #tpu.memory_space<hbm>> -> memref<2000xi32, #tpu.memory_space<hbm>>
        %dma_wait3A_66 = arith.constant 0 : i32
        %dma_wait3A_67 = tpu.memref_slice %arg13[%dma_wait3A_66] : memref<4000xi32, #tpu.memory_space<vmem>> -> memref<2000xi32, #tpu.memory_space<vmem>>
        %dma_wait3A_68 = tpu.memref_slice %arg2[%add3A_55] : memref<320000xi32, #tpu.memory_space<hbm>> -> memref<2000xi32, #tpu.memory_space<hbm>>
        tpu.wait_dma2 semaphore(%run_scoped3A : memref<!tpu.dma_semaphore, #tpu.memory_space<semaphore_mem>>) src(%dma_wait3A_68 : memref<2000xi32, #tpu.memory_space<hbm>>) dst(%dma_wait3A_67 : memref<2000xi32, #tpu.memory_space<vmem>>)
        tpu.yield
      }) : () -> ()
      "tpu.region"() ({
        %run_scoped3A = tpu.sem_alloc : memref<!tpu.dma_semaphore, #tpu.memory_space<semaphore_mem>>
        %dma_start3A = tpu.memref_slice %arg3[%add3A_55] : memref<320000xi32, #tpu.memory_space<hbm>> -> memref<2000xi32, #tpu.memory_space<hbm>>
        %dma_start3A_59 = tpu.memref_slice %arg3[%add3A_55] : memref<320000xi32, #tpu.memory_space<hbm>> -> memref<2000xi32, #tpu.memory_space<hbm>>
        tpu.enqueue_dma source(%dma_start3A_59 : memref<2000xi32, #tpu.memory_space<hbm>>) target(%arg15 : memref<2000xi32, #tpu.memory_space<vmem>>) target_semaphore(%run_scoped3A : memref<!tpu.dma_semaphore, #tpu.memory_space<semaphore_mem>>)
        %dma_wait3A = tpu.memref_slice %arg3[%add3A_55] : memref<320000xi32, #tpu.memory_space<hbm>> -> memref<2000xi32, #tpu.memory_space<hbm>>
        %dma_wait3A_60 = tpu.memref_slice %arg3[%add3A_55] : memref<320000xi32, #tpu.memory_space<hbm>> -> memref<2000xi32, #tpu.memory_space<hbm>>
        tpu.wait_dma2 semaphore(%run_scoped3A : memref<!tpu.dma_semaphore, #tpu.memory_space<semaphore_mem>>) src(%dma_wait3A_60 : memref<2000xi32, #tpu.memory_space<hbm>>) dst(%arg15 : memref<2000xi32, #tpu.memory_space<vmem>>)
        tpu.yield
      }) : () -> ()
      "tpu.region"() ({
        %run_scoped3A = tpu.sem_alloc : memref<!tpu.dma_semaphore, #tpu.memory_space<semaphore_mem>>
        %dma_start3A = arith.constant 0 : i32
        %dma_start3A_59 = tpu.memref_slice %arg14[%dma_start3A] : memref<4000xf32, #tpu.memory_space<vmem>> -> memref<2000xf32, #tpu.memory_space<vmem>>
        %dma_start3A_60 = tpu.memref_slice %arg4[%add3A_55] : memref<320000xf32, #tpu.memory_space<hbm>> -> memref<2000xf32, #tpu.memory_space<hbm>>
        %dma_start3A_61 = arith.constant 0 : i32
        %dma_start3A_62 = tpu.memref_slice %arg14[%dma_start3A_61] : memref<4000xf32, #tpu.memory_space<vmem>> -> memref<2000xf32, #tpu.memory_space<vmem>>
        %dma_start3A_63 = tpu.memref_slice %arg4[%add3A_55] : memref<320000xf32, #tpu.memory_space<hbm>> -> memref<2000xf32, #tpu.memory_space<hbm>>
        tpu.enqueue_dma source(%dma_start3A_63 : memref<2000xf32, #tpu.memory_space<hbm>>) target(%dma_start3A_62 : memref<2000xf32, #tpu.memory_space<vmem>>) target_semaphore(%run_scoped3A : memref<!tpu.dma_semaphore, #tpu.memory_space<semaphore_mem>>)
        %dma_wait3A = arith.constant 0 : i32
        %dma_wait3A_64 = tpu.memref_slice %arg14[%dma_wait3A] : memref<4000xf32, #tpu.memory_space<vmem>> -> memref<2000xf32, #tpu.memory_space<vmem>>
        %dma_wait3A_65 = tpu.memref_slice %arg4[%add3A_55] : memref<320000xf32, #tpu.memory_space<hbm>> -> memref<2000xf32, #tpu.memory_space<hbm>>
        %dma_wait3A_66 = arith.constant 0 : i32
        %dma_wait3A_67 = tpu.memref_slice %arg14[%dma_wait3A_66] : memref<4000xf32, #tpu.memory_space<vmem>> -> memref<2000xf32, #tpu.memory_space<vmem>>
        %dma_wait3A_68 = tpu.memref_slice %arg4[%add3A_55] : memref<320000xf32, #tpu.memory_space<hbm>> -> memref<2000xf32, #tpu.memory_space<hbm>>
        tpu.wait_dma2 semaphore(%run_scoped3A : memref<!tpu.dma_semaphore, #tpu.memory_space<semaphore_mem>>) src(%dma_wait3A_68 : memref<2000xf32, #tpu.memory_space<hbm>>) dst(%dma_wait3A_67 : memref<2000xf32, #tpu.memory_space<vmem>>)
        tpu.yield
      }) : () -> ()
      %parallel_loop3A = arith.constant 0 : i32
      %parallel_loop3A_56 = arith.constant 125 : i32
      %parallel_loop3A_57 = arith.constant 1 : i32
      scf.for %parallel_loop3A_59 = %parallel_loop3A to %parallel_loop3A_56 step %parallel_loop3A_57  : i32 {
        %parallel_loop3A_60 = arith.constant 16 : i32
        %parallel_loop3A_61 = arith.muli %parallel_loop3A_59, %parallel_loop3A_60 : i32
        %parallel_loop3A_62 = arith.index_cast %parallel_loop3A_61 : i32 to index
        %parallel_loop3A_63 = tpu.vector_load %arg13[%parallel_loop3A_62] {strides = array<i32>} : memref<4000xi32, #tpu.memory_space<vmem>>, vector<16xi32>,
        %parallel_loop3A_64 = arith.index_cast %parallel_loop3A_61 : i32 to index
        %parallel_loop3A_65 = tpu.vector_load %arg15[%parallel_loop3A_64] {strides = array<i32>} : memref<2000xi32, #tpu.memory_space<vmem>>, vector<16xi32>,
        %parallel_loop3A_66 = arith.index_cast %parallel_loop3A_61 : i32 to index
        %parallel_loop3A_67 = tpu.vector_load %arg14[%parallel_loop3A_66] {strides = array<i32>} : memref<4000xf32, #tpu.memory_space<vmem>>, vector<16xf32>,
        %parallel_loop3A_68 = tpu.vector_load_idx %arg12[%parallel_loop3A_63] : memref<10240xf32, #tpu.memory_space<vmem>>[vector<16xi32>], vector<16xf32>,
        %parallel_loop3A_69 = tpu.vector_load_idx %arg12[%parallel_loop3A_65] : memref<10240xf32, #tpu.memory_space<vmem>>[vector<16xi32>], vector<16xf32>,
        %parallel_loop3A_70 = arith.mulf %parallel_loop3A_68, %parallel_loop3A_69 : vector<16xf32>
        %parallel_loop3A_71 = arith.mulf %parallel_loop3A_70, %parallel_loop3A_67 : vector<16xf32>
        %parallel_loop3A_72 = arith.constant 0.000000e+00 : f32
        %parallel_loop3A_73 = vector.broadcast %parallel_loop3A_72 : f32 to vector<16xf32>
        %parallel_loop3A_74 = arith.subf %parallel_loop3A_73, %parallel_loop3A_71 : vector<16xf32>
        %parallel_loop3A_75 = arith.addf %parallel_loop3A_74, %parallel_loop3A_74 : vector<16xf32>
        %parallel_loop3A_76 = arith.constant 16 : i32
        %parallel_loop3A_77 = vector.broadcast %parallel_loop3A_76 : i32 to vector<16xi32>
        %parallel_loop3A_78 = arith.shli %parallel_loop3A_63, %parallel_loop3A_77 : vector<16xi32>
        %parallel_loop3A_79 = arith.ori %parallel_loop3A_78, %parallel_loop3A_65 : vector<16xi32>
        %parallel_loop3A_80 = arith.index_cast %parallel_loop3A_61 : i32 to index
        %parallel_loop3A_81 = tpu.vector_load %arg16[%parallel_loop3A_80] {strides = array<i32>} : memref<2000xi32, #tpu.memory_space<vmem>>, vector<16xi32>,
        tpu.vector_store %arg16[%parallel_loop3A_80], %parallel_loop3A_79 {strides = array<i32>} : memref<2000xi32, #tpu.memory_space<vmem>>, vector<16xi32>,
        %parallel_loop3A_82 = arith.index_cast %parallel_loop3A_61 : i32 to index
        %parallel_loop3A_83 = tpu.vector_load %arg17[%parallel_loop3A_82] {strides = array<i32>} : memref<2000xf32, #tpu.memory_space<vmem>>, vector<16xf32>,
        tpu.vector_store %arg17[%parallel_loop3A_82], %parallel_loop3A_74 {strides = array<i32>} : memref<2000xf32, #tpu.memory_space<vmem>>, vector<16xf32>,
        %parallel_loop3A_84 = arith.index_cast %parallel_loop3A_61 : i32 to index
        %parallel_loop3A_85 = tpu.vector_load %arg18[%parallel_loop3A_84] {strides = array<i32>} : memref<2000xf32, #tpu.memory_space<vmem>>, vector<16xf32>,
        tpu.vector_store %arg18[%parallel_loop3A_84], %parallel_loop3A_75 {strides = array<i32>} : memref<2000xf32, #tpu.memory_space<vmem>>, vector<16xf32>,
        %parallel_loop3A_86 = arith.constant 0.000000e+00 : f32
        %parallel_loop3A_87 = vector.broadcast %parallel_loop3A_86 : f32 to vector<16xf32>
        %parallel_loop3A_88 = arith.subf %parallel_loop3A_87, %parallel_loop3A_75 : vector<16xf32>
        %parallel_loop3A_89 = arith.index_cast %parallel_loop3A_61 : i32 to index
        %parallel_loop3A_90 = tpu.vector_load %arg19[%parallel_loop3A_89] {strides = array<i32>} : memref<2000xf32, #tpu.memory_space<vmem>>, vector<16xf32>,
        tpu.vector_store %arg19[%parallel_loop3A_89], %parallel_loop3A_88 {strides = array<i32>} : memref<2000xf32, #tpu.memory_space<vmem>>, vector<16xf32>,
      } {sc.loop_unroll_factor = 2 : i64, sc.parallel_access}
      "tpu.region"() ({
        %run_scoped3A = tpu.sem_alloc : memref<!tpu.dma_semaphore, #tpu.memory_space<semaphore_mem>>
        %dma_start3A = tpu.memref_slice %arg5[%add3A_55] : memref<320000xi32, #tpu.memory_space<hbm>> -> memref<2000xi32, #tpu.memory_space<hbm>>
        %dma_start3A_59 = tpu.memref_slice %arg5[%add3A_55] : memref<320000xi32, #tpu.memory_space<hbm>> -> memref<2000xi32, #tpu.memory_space<hbm>>
        tpu.enqueue_dma source(%arg16 : memref<2000xi32, #tpu.memory_space<vmem>>) target(%dma_start3A_59 : memref<2000xi32, #tpu.memory_space<hbm>>) target_semaphore(%run_scoped3A : memref<!tpu.dma_semaphore, #tpu.memory_space<semaphore_mem>>)
        %dma_wait3A = tpu.memref_slice %arg5[%add3A_55] : memref<320000xi32, #tpu.memory_space<hbm>> -> memref<2000xi32, #tpu.memory_space<hbm>>
        %dma_wait3A_60 = tpu.memref_slice %arg5[%add3A_55] : memref<320000xi32, #tpu.memory_space<hbm>> -> memref<2000xi32, #tpu.memory_space<hbm>>
        tpu.wait_dma2 semaphore(%run_scoped3A : memref<!tpu.dma_semaphore, #tpu.memory_space<semaphore_mem>>) src(%arg16 : memref<2000xi32, #tpu.memory_space<vmem>>) dst(%dma_wait3A_60 : memref<2000xi32, #tpu.memory_space<hbm>>)
        tpu.yield
      }) : () -> ()
      "tpu.region"() ({
        %run_scoped3A = tpu.sem_alloc : memref<!tpu.dma_semaphore, #tpu.memory_space<semaphore_mem>>
        %dma_start3A = tpu.memref_slice %arg6[%add3A_55] : memref<320000xf32, #tpu.memory_space<hbm>> -> memref<2000xf32, #tpu.memory_space<hbm>>
        %dma_start3A_59 = tpu.memref_slice %arg6[%add3A_55] : memref<320000xf32, #tpu.memory_space<hbm>> -> memref<2000xf32, #tpu.memory_space<hbm>>
        tpu.enqueue_dma source(%arg17 : memref<2000xf32, #tpu.memory_space<vmem>>) target(%dma_start3A_59 : memref<2000xf32, #tpu.memory_space<hbm>>) target_semaphore(%run_scoped3A : memref<!tpu.dma_semaphore, #tpu.memory_space<semaphore_mem>>)
        %dma_wait3A = tpu.memref_slice %arg6[%add3A_55] : memref<320000xf32, #tpu.memory_space<hbm>> -> memref<2000xf32, #tpu.memory_space<hbm>>
        %dma_wait3A_60 = tpu.memref_slice %arg6[%add3A_55] : memref<320000xf32, #tpu.memory_space<hbm>> -> memref<2000xf32, #tpu.memory_space<hbm>>
        tpu.wait_dma2 semaphore(%run_scoped3A : memref<!tpu.dma_semaphore, #tpu.memory_space<semaphore_mem>>) src(%arg17 : memref<2000xf32, #tpu.memory_space<vmem>>) dst(%dma_wait3A_60 : memref<2000xf32, #tpu.memory_space<hbm>>)
        tpu.yield
      }) : () -> ()
      "tpu.region"() ({
        %run_scoped3A = tpu.sem_alloc : memref<!tpu.dma_semaphore, #tpu.memory_space<semaphore_mem>>
        %dma_start3A = tpu.memref_slice %arg7[%add3A_55] : memref<320000xf32, #tpu.memory_space<hbm>> -> memref<2000xf32, #tpu.memory_space<hbm>>
        %dma_start3A_59 = tpu.memref_slice %arg7[%add3A_55] : memref<320000xf32, #tpu.memory_space<hbm>> -> memref<2000xf32, #tpu.memory_space<hbm>>
        tpu.enqueue_dma source(%arg18 : memref<2000xf32, #tpu.memory_space<vmem>>) target(%dma_start3A_59 : memref<2000xf32, #tpu.memory_space<hbm>>) target_semaphore(%run_scoped3A : memref<!tpu.dma_semaphore, #tpu.memory_space<semaphore_mem>>)
        %dma_wait3A = tpu.memref_slice %arg7[%add3A_55] : memref<320000xf32, #tpu.memory_space<hbm>> -> memref<2000xf32, #tpu.memory_space<hbm>>
        %dma_wait3A_60 = tpu.memref_slice %arg7[%add3A_55] : memref<320000xf32, #tpu.memory_space<hbm>> -> memref<2000xf32, #tpu.memory_space<hbm>>
        tpu.wait_dma2 semaphore(%run_scoped3A : memref<!tpu.dma_semaphore, #tpu.memory_space<semaphore_mem>>) src(%arg18 : memref<2000xf32, #tpu.memory_space<vmem>>) dst(%dma_wait3A_60 : memref<2000xf32, #tpu.memory_space<hbm>>)
        tpu.yield
      }) : () -> ()
      "tpu.region"() ({
        %run_scoped3A = tpu.sem_alloc : memref<!tpu.dma_semaphore, #tpu.memory_space<semaphore_mem>>
        %dma_start3A = tpu.memref_slice %arg8[%add3A_55] : memref<320000xf32, #tpu.memory_space<hbm>> -> memref<2000xf32, #tpu.memory_space<hbm>>
        %dma_start3A_59 = tpu.memref_slice %arg8[%add3A_55] : memref<320000xf32, #tpu.memory_space<hbm>> -> memref<2000xf32, #tpu.memory_space<hbm>>
        tpu.enqueue_dma source(%arg19 : memref<2000xf32, #tpu.memory_space<vmem>>) target(%dma_start3A_59 : memref<2000xf32, #tpu.memory_space<hbm>>) target_semaphore(%run_scoped3A : memref<!tpu.dma_semaphore, #tpu.memory_space<semaphore_mem>>)
        %dma_wait3A = tpu.memref_slice %arg8[%add3A_55] : memref<320000xf32, #tpu.memory_space<hbm>> -> memref<2000xf32, #tpu.memory_space<hbm>>
        %dma_wait3A_60 = tpu.memref_slice %arg8[%add3A_55] : memref<320000xf32, #tpu.memory_space<hbm>> -> memref<2000xf32, #tpu.memory_space<hbm>>
        tpu.wait_dma2 semaphore(%run_scoped3A : memref<!tpu.dma_semaphore, #tpu.memory_space<semaphore_mem>>) src(%arg19 : memref<2000xf32, #tpu.memory_space<vmem>>) dst(%dma_wait3A_60 : memref<2000xf32, #tpu.memory_space<hbm>>)
        tpu.yield
      }) : () -> ()
      %scan3A_58 = arith.constant 0 : i32
      scf.yield %scan3A_58 : i32
    }
    %scan3A_50 = arith.constant 5 : i32
    return
  }
}

#map = affine_map<(d0, d1) -> (0)>
module attributes {stable_mosaic.version = 14 : i64} {
  func.func @lk(%arg0: i32, %arg1: i32, %arg2: memref<1310720xf32, #tpu.memory_space<hbm>>, %arg3: memref<320000xi32, #tpu.memory_space<hbm>>, %arg4: memref<320000xf32, #tpu.memory_space<hbm>>, %arg5: memref<320000xf32, #tpu.memory_space<hbm>>, %arg6: memref<320000xf32, #tpu.memory_space<hbm>>, %arg7: memref<5242880xf32, #tpu.memory_space<hbm>>, %arg8: memref<40000xf32, #tpu.memory_space<vmem>>, %arg9: memref<40000xf32, #tpu.memory_space<vmem>>, %arg10: memref<8000xi32, #tpu.memory_space<vmem>>, %arg11: memref<8000xf32, #tpu.memory_space<vmem>>, %arg12: memref<8000xi32, #tpu.memory_space<vmem>>, %arg13: memref<8000xf32, #tpu.memory_space<vmem>>, %arg14: memref<!tpu.dma_semaphore, #tpu.memory_space<semaphore_mem>>, %arg15: memref<!tpu.dma_semaphore, #tpu.memory_space<semaphore_mem>>, %arg16: memref<!tpu.dma_semaphore, #tpu.memory_space<semaphore_mem>>, %arg17: memref<!tpu.dma_semaphore, #tpu.memory_space<semaphore_mem>>) attributes {dimension_semantics = [#tpu.dimension_semantics<core_parallel>, #tpu.dimension_semantics<subcore_parallel>], iteration_bounds = array<i64: 2, 16>, scalar_prefetch = 0 : i64, scratch_operands = 10 : i64, tpu.core_type = #tpu.core_type<sc_vector_subcore>, window_params = [{transform_indices = #map}, {transform_indices = #map}, {transform_indices = #map}, {transform_indices = #map}, {transform_indices = #map}, {transform_indices = #map}]} {
    %mul3A = arith.constant 16 : i32
    %mul3A_0 = arith.muli %arg0, %mul3A : i32
    %add3A = arith.addi %mul3A_0, %arg1 : i32
    %mul3A_1 = arith.constant 4 : i32
    %mul3A_2 = arith.muli %add3A, %mul3A_1 : i32
    %add3A_3 = arith.constant 0 : i32
    %add3A_4 = arith.addi %mul3A_2, %add3A_3 : i32
    %mul3A_5 = arith.constant 10240 : i32
    %mul3A_6 = arith.muli %add3A_4, %mul3A_5 : i32
    "tpu.region"() ({
      %run_scoped3A = tpu.sem_alloc : memref<!tpu.dma_semaphore, #tpu.memory_space<semaphore_mem>>
      %dma_start3A_463 = arith.constant 0 : i32
      %dma_start3A_464 = tpu.memref_slice %arg8[%dma_start3A_463] : memref<40000xf32, #tpu.memory_space<vmem>> -> memref<10000xf32, #tpu.memory_space<vmem>>
      %dma_start3A_465 = tpu.memref_slice %arg2[%mul3A_6] : memref<1310720xf32, #tpu.memory_space<hbm>> -> memref<10000xf32, #tpu.memory_space<hbm>>
      %dma_start3A_466 = arith.constant 0 : i32
      %dma_start3A_467 = tpu.memref_slice %arg8[%dma_start3A_466] : memref<40000xf32, #tpu.memory_space<vmem>> -> memref<10000xf32, #tpu.memory_space<vmem>>
      %dma_start3A_468 = tpu.memref_slice %arg2[%mul3A_6] : memref<1310720xf32, #tpu.memory_space<hbm>> -> memref<10000xf32, #tpu.memory_space<hbm>>
      tpu.enqueue_dma source(%dma_start3A_468 : memref<10000xf32, #tpu.memory_space<hbm>>) target(%dma_start3A_467 : memref<10000xf32, #tpu.memory_space<vmem>>) target_semaphore(%run_scoped3A : memref<!tpu.dma_semaphore, #tpu.memory_space<semaphore_mem>>)
      %dma_wait3A_469 = arith.constant 0 : i32
      %dma_wait3A_470 = tpu.memref_slice %arg8[%dma_wait3A_469] : memref<40000xf32, #tpu.memory_space<vmem>> -> memref<10000xf32, #tpu.memory_space<vmem>>
      %dma_wait3A_471 = tpu.memref_slice %arg2[%mul3A_6] : memref<1310720xf32, #tpu.memory_space<hbm>> -> memref<10000xf32, #tpu.memory_space<hbm>>
      %dma_wait3A_472 = arith.constant 0 : i32
      %dma_wait3A_473 = tpu.memref_slice %arg8[%dma_wait3A_472] : memref<40000xf32, #tpu.memory_space<vmem>> -> memref<10000xf32, #tpu.memory_space<vmem>>
      %dma_wait3A_474 = tpu.memref_slice %arg2[%mul3A_6] : memref<1310720xf32, #tpu.memory_space<hbm>> -> memref<10000xf32, #tpu.memory_space<hbm>>
      tpu.wait_dma2 semaphore(%run_scoped3A : memref<!tpu.dma_semaphore, #tpu.memory_space<semaphore_mem>>) src(%dma_wait3A_474 : memref<10000xf32, #tpu.memory_space<hbm>>) dst(%dma_wait3A_473 : memref<10000xf32, #tpu.memory_space<vmem>>)
      tpu.yield
    }) : () -> ()
    %add3A_7 = arith.constant 1 : i32
    %add3A_8 = arith.addi %mul3A_2, %add3A_7 : i32
    %mul3A_9 = arith.constant 10240 : i32
    %mul3A_10 = arith.muli %add3A_8, %mul3A_9 : i32
    "tpu.region"() ({
      %run_scoped3A = tpu.sem_alloc : memref<!tpu.dma_semaphore, #tpu.memory_space<semaphore_mem>>
      %dma_start3A_463 = arith.constant 10000 : i32
      %dma_start3A_464 = tpu.memref_slice %arg8[%dma_start3A_463] : memref<40000xf32, #tpu.memory_space<vmem>> -> memref<10000xf32, #tpu.memory_space<vmem>>
      %dma_start3A_465 = tpu.memref_slice %arg2[%mul3A_10] : memref<1310720xf32, #tpu.memory_space<hbm>> -> memref<10000xf32, #tpu.memory_space<hbm>>
      %dma_start3A_466 = arith.constant 10000 : i32
      %dma_start3A_467 = tpu.memref_slice %arg8[%dma_start3A_466] : memref<40000xf32, #tpu.memory_space<vmem>> -> memref<10000xf32, #tpu.memory_space<vmem>>
      %dma_start3A_468 = tpu.memref_slice %arg2[%mul3A_10] : memref<1310720xf32, #tpu.memory_space<hbm>> -> memref<10000xf32, #tpu.memory_space<hbm>>
      tpu.enqueue_dma source(%dma_start3A_468 : memref<10000xf32, #tpu.memory_space<hbm>>) target(%dma_start3A_467 : memref<10000xf32, #tpu.memory_space<vmem>>) target_semaphore(%run_scoped3A : memref<!tpu.dma_semaphore, #tpu.memory_space<semaphore_mem>>)
      %dma_wait3A_469 = arith.constant 10000 : i32
      %dma_wait3A_470 = tpu.memref_slice %arg8[%dma_wait3A_469] : memref<40000xf32, #tpu.memory_space<vmem>> -> memref<10000xf32, #tpu.memory_space<vmem>>
      %dma_wait3A_471 = tpu.memref_slice %arg2[%mul3A_10] : memref<1310720xf32, #tpu.memory_space<hbm>> -> memref<10000xf32, #tpu.memory_space<hbm>>
      %dma_wait3A_472 = arith.constant 10000 : i32
      %dma_wait3A_473 = tpu.memref_slice %arg8[%dma_wait3A_472] : memref<40000xf32, #tpu.memory_space<vmem>> -> memref<10000xf32, #tpu.memory_space<vmem>>
      %dma_wait3A_474 = tpu.memref_slice %arg2[%mul3A_10] : memref<1310720xf32, #tpu.memory_space<hbm>> -> memref<10000xf32, #tpu.memory_space<hbm>>
      tpu.wait_dma2 semaphore(%run_scoped3A : memref<!tpu.dma_semaphore, #tpu.memory_space<semaphore_mem>>) src(%dma_wait3A_474 : memref<10000xf32, #tpu.memory_space<hbm>>) dst(%dma_wait3A_473 : memref<10000xf32, #tpu.memory_space<vmem>>)
      tpu.yield
    }) : () -> ()
    %add3A_11 = arith.constant 2 : i32
    %add3A_12 = arith.addi %mul3A_2, %add3A_11 : i32
    %mul3A_13 = arith.constant 10240 : i32
    %mul3A_14 = arith.muli %add3A_12, %mul3A_13 : i32
    "tpu.region"() ({
      %run_scoped3A = tpu.sem_alloc : memref<!tpu.dma_semaphore, #tpu.memory_space<semaphore_mem>>
      %dma_start3A_463 = arith.constant 20000 : i32
      %dma_start3A_464 = tpu.memref_slice %arg8[%dma_start3A_463] : memref<40000xf32, #tpu.memory_space<vmem>> -> memref<10000xf32, #tpu.memory_space<vmem>>
      %dma_start3A_465 = tpu.memref_slice %arg2[%mul3A_14] : memref<1310720xf32, #tpu.memory_space<hbm>> -> memref<10000xf32, #tpu.memory_space<hbm>>
      %dma_start3A_466 = arith.constant 20000 : i32
      %dma_start3A_467 = tpu.memref_slice %arg8[%dma_start3A_466] : memref<40000xf32, #tpu.memory_space<vmem>> -> memref<10000xf32, #tpu.memory_space<vmem>>
      %dma_start3A_468 = tpu.memref_slice %arg2[%mul3A_14] : memref<1310720xf32, #tpu.memory_space<hbm>> -> memref<10000xf32, #tpu.memory_space<hbm>>
      tpu.enqueue_dma source(%dma_start3A_468 : memref<10000xf32, #tpu.memory_space<hbm>>) target(%dma_start3A_467 : memref<10000xf32, #tpu.memory_space<vmem>>) target_semaphore(%run_scoped3A : memref<!tpu.dma_semaphore, #tpu.memory_space<semaphore_mem>>)
      %dma_wait3A_469 = arith.constant 20000 : i32
      %dma_wait3A_470 = tpu.memref_slice %arg8[%dma_wait3A_469] : memref<40000xf32, #tpu.memory_space<vmem>> -> memref<10000xf32, #tpu.memory_space<vmem>>
      %dma_wait3A_471 = tpu.memref_slice %arg2[%mul3A_14] : memref<1310720xf32, #tpu.memory_space<hbm>> -> memref<10000xf32, #tpu.memory_space<hbm>>
      %dma_wait3A_472 = arith.constant 20000 : i32
      %dma_wait3A_473 = tpu.memref_slice %arg8[%dma_wait3A_472] : memref<40000xf32, #tpu.memory_space<vmem>> -> memref<10000xf32, #tpu.memory_space<vmem>>
      %dma_wait3A_474 = tpu.memref_slice %arg2[%mul3A_14] : memref<1310720xf32, #tpu.memory_space<hbm>> -> memref<10000xf32, #tpu.memory_space<hbm>>
      tpu.wait_dma2 semaphore(%run_scoped3A : memref<!tpu.dma_semaphore, #tpu.memory_space<semaphore_mem>>) src(%dma_wait3A_474 : memref<10000xf32, #tpu.memory_space<hbm>>) dst(%dma_wait3A_473 : memref<10000xf32, #tpu.memory_space<vmem>>)
      tpu.yield
    }) : () -> ()
    %add3A_15 = arith.constant 3 : i32
    %add3A_16 = arith.addi %mul3A_2, %add3A_15 : i32
    %mul3A_17 = arith.constant 10240 : i32
    %mul3A_18 = arith.muli %add3A_16, %mul3A_17 : i32
    "tpu.region"() ({
      %run_scoped3A = tpu.sem_alloc : memref<!tpu.dma_semaphore, #tpu.memory_space<semaphore_mem>>
      %dma_start3A_463 = arith.constant 30000 : i32
      %dma_start3A_464 = tpu.memref_slice %arg8[%dma_start3A_463] : memref<40000xf32, #tpu.memory_space<vmem>> -> memref<10000xf32, #tpu.memory_space<vmem>>
      %dma_start3A_465 = tpu.memref_slice %arg2[%mul3A_18] : memref<1310720xf32, #tpu.memory_space<hbm>> -> memref<10000xf32, #tpu.memory_space<hbm>>
      %dma_start3A_466 = arith.constant 30000 : i32
      %dma_start3A_467 = tpu.memref_slice %arg8[%dma_start3A_466] : memref<40000xf32, #tpu.memory_space<vmem>> -> memref<10000xf32, #tpu.memory_space<vmem>>
      %dma_start3A_468 = tpu.memref_slice %arg2[%mul3A_18] : memref<1310720xf32, #tpu.memory_space<hbm>> -> memref<10000xf32, #tpu.memory_space<hbm>>
      tpu.enqueue_dma source(%dma_start3A_468 : memref<10000xf32, #tpu.memory_space<hbm>>) target(%dma_start3A_467 : memref<10000xf32, #tpu.memory_space<vmem>>) target_semaphore(%run_scoped3A : memref<!tpu.dma_semaphore, #tpu.memory_space<semaphore_mem>>)
      %dma_wait3A_469 = arith.constant 30000 : i32
      %dma_wait3A_470 = tpu.memref_slice %arg8[%dma_wait3A_469] : memref<40000xf32, #tpu.memory_space<vmem>> -> memref<10000xf32, #tpu.memory_space<vmem>>
      %dma_wait3A_471 = tpu.memref_slice %arg2[%mul3A_18] : memref<1310720xf32, #tpu.memory_space<hbm>> -> memref<10000xf32, #tpu.memory_space<hbm>>
      %dma_wait3A_472 = arith.constant 30000 : i32
      %dma_wait3A_473 = tpu.memref_slice %arg8[%dma_wait3A_472] : memref<40000xf32, #tpu.memory_space<vmem>> -> memref<10000xf32, #tpu.memory_space<vmem>>
      %dma_wait3A_474 = tpu.memref_slice %arg2[%mul3A_18] : memref<1310720xf32, #tpu.memory_space<hbm>> -> memref<10000xf32, #tpu.memory_space<hbm>>
      tpu.wait_dma2 semaphore(%run_scoped3A : memref<!tpu.dma_semaphore, #tpu.memory_space<semaphore_mem>>) src(%dma_wait3A_474 : memref<10000xf32, #tpu.memory_space<hbm>>) dst(%dma_wait3A_473 : memref<10000xf32, #tpu.memory_space<vmem>>)
      tpu.yield
    }) : () -> ()
    %broadcast_in_dim3A = arith.constant 0.000000e+00 : f32
    %broadcast_in_dim3A_19 = vector.broadcast %broadcast_in_dim3A : f32 to vector<16xf32>
    %parallel_loop3A = arith.constant 0 : i32
    %parallel_loop3A_20 = arith.constant 2500 : i32
    %parallel_loop3A_21 = arith.constant 1 : i32
    scf.for %parallel_loop3A_463 = %parallel_loop3A to %parallel_loop3A_20 step %parallel_loop3A_21  : i32 {
      %parallel_loop3A_464 = arith.constant 16 : i32
      %parallel_loop3A_465 = arith.muli %parallel_loop3A_463, %parallel_loop3A_464 : i32
      %parallel_loop3A_466 = arith.index_cast %parallel_loop3A_465 : i32 to index
      %parallel_loop3A_467 = tpu.vector_load %arg9[%parallel_loop3A_466] {strides = array<i32>} : memref<40000xf32, #tpu.memory_space<vmem>>, vector<16xf32>,
      tpu.vector_store %arg9[%parallel_loop3A_466], %broadcast_in_dim3A_19 {strides = array<i32>} : memref<40000xf32, #tpu.memory_space<vmem>>, vector<16xf32>,
    } {sc.loop_unroll_factor = 4 : i64, sc.parallel_access}
    %dma_start3A = arith.constant 0 : i32
    %dma_start3A_22 = tpu.memref_slice %arg3[%dma_start3A] : memref<320000xi32, #tpu.memory_space<hbm>> -> memref<8000xi32, #tpu.memory_space<hbm>>
    %dma_start3A_23 = arith.constant 0 : i32
    %dma_start3A_24 = tpu.memref_slice %arg3[%dma_start3A_23] : memref<320000xi32, #tpu.memory_space<hbm>> -> memref<8000xi32, #tpu.memory_space<hbm>>
    tpu.enqueue_dma source(%dma_start3A_24 : memref<8000xi32, #tpu.memory_space<hbm>>) target(%arg10 : memref<8000xi32, #tpu.memory_space<vmem>>) target_semaphore(%arg14 : memref<!tpu.dma_semaphore, #tpu.memory_space<semaphore_mem>>)
    %dma_start3A_25 = arith.constant 0 : i32
    %dma_start3A_26 = tpu.memref_slice %arg4[%dma_start3A_25] : memref<320000xf32, #tpu.memory_space<hbm>> -> memref<8000xf32, #tpu.memory_space<hbm>>
    %dma_start3A_27 = arith.constant 0 : i32
    %dma_start3A_28 = tpu.memref_slice %arg4[%dma_start3A_27] : memref<320000xf32, #tpu.memory_space<hbm>> -> memref<8000xf32, #tpu.memory_space<hbm>>
    tpu.enqueue_dma source(%dma_start3A_28 : memref<8000xf32, #tpu.memory_space<hbm>>) target(%arg11 : memref<8000xf32, #tpu.memory_space<vmem>>) target_semaphore(%arg14 : memref<!tpu.dma_semaphore, #tpu.memory_space<semaphore_mem>>)
    %scan3A = arith.constant 0 : i32
    %scan3A_29 = arith.constant 0 : i32
    %scan3A_30 = arith.constant 20 : i32
    %scan3A_31 = arith.addi %scan3A_29, %scan3A_30 : i32
    %scan3A_32 = arith.constant 1 : i32
    %scan3A_33 = scf.for %scan3A_463 = %scan3A_29 to %scan3A_31 step %scan3A_32 iter_args(%scan3A_464 = %scan3A) -> (i32)  : i32 {
      %mul3A_465 = arith.constant 2 : i32
      %mul3A_466 = arith.muli %mul3A_465, %scan3A_463 : i32
      %add3A_467 = arith.constant 1 : i32
      %add3A_468 = arith.addi %mul3A_466, %add3A_467 : i32
      %mul3A_469 = arith.constant 8000 : i32
      %mul3A_470 = arith.muli %add3A_468, %mul3A_469 : i32
      %dma_start3A_471 = tpu.memref_slice %arg3[%mul3A_470] : memref<320000xi32, #tpu.memory_space<hbm>> -> memref<8000xi32, #tpu.memory_space<hbm>>
      %dma_start3A_472 = tpu.memref_slice %arg3[%mul3A_470] : memref<320000xi32, #tpu.memory_space<hbm>> -> memref<8000xi32, #tpu.memory_space<hbm>>
      tpu.enqueue_dma source(%dma_start3A_472 : memref<8000xi32, #tpu.memory_space<hbm>>) target(%arg12 : memref<8000xi32, #tpu.memory_space<vmem>>) target_semaphore(%arg15 : memref<!tpu.dma_semaphore, #tpu.memory_space<semaphore_mem>>)
      %dma_start3A_473 = tpu.memref_slice %arg4[%mul3A_470] : memref<320000xf32, #tpu.memory_space<hbm>> -> memref<8000xf32, #tpu.memory_space<hbm>>
      %dma_start3A_474 = tpu.memref_slice %arg4[%mul3A_470] : memref<320000xf32, #tpu.memory_space<hbm>> -> memref<8000xf32, #tpu.memory_space<hbm>>
      tpu.enqueue_dma source(%dma_start3A_474 : memref<8000xf32, #tpu.memory_space<hbm>>) target(%arg13 : memref<8000xf32, #tpu.memory_space<vmem>>) target_semaphore(%arg15 : memref<!tpu.dma_semaphore, #tpu.memory_space<semaphore_mem>>)
      %mul3A_475 = arith.constant 2 : i32
      %mul3A_476 = arith.muli %mul3A_475, %scan3A_463 : i32
      %mul3A_477 = arith.constant 8000 : i32
      %mul3A_478 = arith.muli %mul3A_476, %mul3A_477 : i32
      %dma_wait3A_479 = tpu.memref_slice %arg3[%mul3A_478] : memref<320000xi32, #tpu.memory_space<hbm>> -> memref<8000xi32, #tpu.memory_space<hbm>>
      %dma_wait3A_480 = tpu.memref_slice %arg3[%mul3A_478] : memref<320000xi32, #tpu.memory_space<hbm>> -> memref<8000xi32, #tpu.memory_space<hbm>>
      tpu.wait_dma2 semaphore(%arg14 : memref<!tpu.dma_semaphore, #tpu.memory_space<semaphore_mem>>) src(%dma_wait3A_480 : memref<8000xi32, #tpu.memory_space<hbm>>) dst(%arg10 : memref<8000xi32, #tpu.memory_space<vmem>>)
      %dma_wait3A_481 = tpu.memref_slice %arg4[%mul3A_478] : memref<320000xf32, #tpu.memory_space<hbm>> -> memref<8000xf32, #tpu.memory_space<hbm>>
      %dma_wait3A_482 = tpu.memref_slice %arg4[%mul3A_478] : memref<320000xf32, #tpu.memory_space<hbm>> -> memref<8000xf32, #tpu.memory_space<hbm>>
      tpu.wait_dma2 semaphore(%arg14 : memref<!tpu.dma_semaphore, #tpu.memory_space<semaphore_mem>>) src(%dma_wait3A_482 : memref<8000xf32, #tpu.memory_space<hbm>>) dst(%arg11 : memref<8000xf32, #tpu.memory_space<vmem>>)
      %parallel_loop3A_483 = arith.constant 0 : i32
      %parallel_loop3A_484 = arith.constant 500 : i32
      %parallel_loop3A_485 = arith.constant 1 : i32
      scf.for %parallel_loop3A_496 = %parallel_loop3A_483 to %parallel_loop3A_484 step %parallel_loop3A_485  : i32 {
        %parallel_loop3A_497 = arith.constant 16 : i32
        %parallel_loop3A_498 = arith.muli %parallel_loop3A_496, %parallel_loop3A_497 : i32
        %parallel_loop3A_499 = arith.index_cast %parallel_loop3A_498 : i32 to index
        %parallel_loop3A_500 = tpu.vector_load %arg10[%parallel_loop3A_499] {strides = array<i32>} : memref<8000xi32, #tpu.memory_space<vmem>>, vector<16xi32>,
        %parallel_loop3A_501 = arith.index_cast %parallel_loop3A_498 : i32 to index
        %parallel_loop3A_502 = tpu.vector_load %arg11[%parallel_loop3A_501] {strides = array<i32>} : memref<8000xf32, #tpu.memory_space<vmem>>, vector<16xf32>,
        %parallel_loop3A_503 = arith.constant 65535 : i32
        %parallel_loop3A_504 = vector.broadcast %parallel_loop3A_503 : i32 to vector<16xi32>
        %parallel_loop3A_505 = arith.andi %parallel_loop3A_500, %parallel_loop3A_504 : vector<16xi32>
        %parallel_loop3A_506 = arith.constant 16 : i32
        %parallel_loop3A_507 = vector.broadcast %parallel_loop3A_506 : i32 to vector<16xi32>
        %parallel_loop3A_508 = arith.shrsi %parallel_loop3A_500, %parallel_loop3A_507 : vector<16xi32>
        %parallel_loop3A_509 = tpu.vector_load_idx %arg8[%parallel_loop3A_505] : memref<40000xf32, #tpu.memory_space<vmem>>[vector<16xi32>], vector<16xf32>,
        %parallel_loop3A_510 = arith.mulf %parallel_loop3A_509, %parallel_loop3A_502 : vector<16xf32>
        tpu.vector_store_idx %arg9[%parallel_loop3A_508], %parallel_loop3A_510 {add = true} : memref<40000xf32, #tpu.memory_space<vmem>>[vector<16xi32>], vector<16xf32>,
        %parallel_loop3A_511 = arith.constant 10000 : i32
        %parallel_loop3A_512 = vector.broadcast %parallel_loop3A_511 : i32 to vector<16xi32>
        %parallel_loop3A_513 = arith.addi %parallel_loop3A_505, %parallel_loop3A_512 : vector<16xi32>
        %parallel_loop3A_514 = arith.constant 10000 : i32
        %parallel_loop3A_515 = vector.broadcast %parallel_loop3A_514 : i32 to vector<16xi32>
        %parallel_loop3A_516 = arith.addi %parallel_loop3A_508, %parallel_loop3A_515 : vector<16xi32>
        %parallel_loop3A_517 = tpu.vector_load_idx %arg8[%parallel_loop3A_513] : memref<40000xf32, #tpu.memory_space<vmem>>[vector<16xi32>], vector<16xf32>,
        %parallel_loop3A_518 = arith.mulf %parallel_loop3A_517, %parallel_loop3A_502 : vector<16xf32>
        tpu.vector_store_idx %arg9[%parallel_loop3A_516], %parallel_loop3A_518 {add = true} : memref<40000xf32, #tpu.memory_space<vmem>>[vector<16xi32>], vector<16xf32>,
        %parallel_loop3A_519 = arith.constant 20000 : i32
        %parallel_loop3A_520 = vector.broadcast %parallel_loop3A_519 : i32 to vector<16xi32>
        %parallel_loop3A_521 = arith.addi %parallel_loop3A_505, %parallel_loop3A_520 : vector<16xi32>
        %parallel_loop3A_522 = arith.constant 20000 : i32
        %parallel_loop3A_523 = vector.broadcast %parallel_loop3A_522 : i32 to vector<16xi32>
        %parallel_loop3A_524 = arith.addi %parallel_loop3A_508, %parallel_loop3A_523 : vector<16xi32>
        %parallel_loop3A_525 = tpu.vector_load_idx %arg8[%parallel_loop3A_521] : memref<40000xf32, #tpu.memory_space<vmem>>[vector<16xi32>], vector<16xf32>,
        %parallel_loop3A_526 = arith.mulf %parallel_loop3A_525, %parallel_loop3A_502 : vector<16xf32>
        tpu.vector_store_idx %arg9[%parallel_loop3A_524], %parallel_loop3A_526 {add = true} : memref<40000xf32, #tpu.memory_space<vmem>>[vector<16xi32>], vector<16xf32>,
        %parallel_loop3A_527 = arith.constant 30000 : i32
        %parallel_loop3A_528 = vector.broadcast %parallel_loop3A_527 : i32 to vector<16xi32>
        %parallel_loop3A_529 = arith.addi %parallel_loop3A_505, %parallel_loop3A_528 : vector<16xi32>
        %parallel_loop3A_530 = arith.constant 30000 : i32
        %parallel_loop3A_531 = vector.broadcast %parallel_loop3A_530 : i32 to vector<16xi32>
        %parallel_loop3A_532 = arith.addi %parallel_loop3A_508, %parallel_loop3A_531 : vector<16xi32>
        %parallel_loop3A_533 = tpu.vector_load_idx %arg8[%parallel_loop3A_529] : memref<40000xf32, #tpu.memory_space<vmem>>[vector<16xi32>], vector<16xf32>,
        %parallel_loop3A_534 = arith.mulf %parallel_loop3A_533, %parallel_loop3A_502 : vector<16xf32>
        tpu.vector_store_idx %arg9[%parallel_loop3A_532], %parallel_loop3A_534 {add = true} : memref<40000xf32, #tpu.memory_space<vmem>>[vector<16xi32>], vector<16xf32>,
      } {sc.loop_unroll_factor = 2 : i64, sc.parallel_access}
      %lt3A = arith.constant 19 : i32
      %lt3A_486 = arith.cmpi slt, %scan3A_463, %lt3A : i32
      %convert_element_type3A = arith.extui %lt3A_486 : i1 to i32
      %cond3A = arith.constant 0 : i32
      %cond3A_487 = arith.cmpi ne, %convert_element_type3A, %cond3A : i32
      scf.if %cond3A_487 {
        %mul3A_496 = arith.constant 2 : i32
        %mul3A_497 = arith.muli %mul3A_496, %scan3A_463 : i32
        %add3A_498 = arith.constant 2 : i32
        %add3A_499 = arith.addi %mul3A_497, %add3A_498 : i32
        %mul3A_500 = arith.constant 8000 : i32
        %mul3A_501 = arith.muli %add3A_499, %mul3A_500 : i32
        %dma_start3A_502 = tpu.memref_slice %arg3[%mul3A_501] : memref<320000xi32, #tpu.memory_space<hbm>> -> memref<8000xi32, #tpu.memory_space<hbm>>
        %dma_start3A_503 = tpu.memref_slice %arg3[%mul3A_501] : memref<320000xi32, #tpu.memory_space<hbm>> -> memref<8000xi32, #tpu.memory_space<hbm>>
        tpu.enqueue_dma source(%dma_start3A_503 : memref<8000xi32, #tpu.memory_space<hbm>>) target(%arg10 : memref<8000xi32, #tpu.memory_space<vmem>>) target_semaphore(%arg14 : memref<!tpu.dma_semaphore, #tpu.memory_space<semaphore_mem>>)
        %dma_start3A_504 = tpu.memref_slice %arg4[%mul3A_501] : memref<320000xf32, #tpu.memory_space<hbm>> -> memref<8000xf32, #tpu.memory_space<hbm>>
        %dma_start3A_505 = tpu.memref_slice %arg4[%mul3A_501] : memref<320000xf32, #tpu.memory_space<hbm>> -> memref<8000xf32, #tpu.memory_space<hbm>>
        tpu.enqueue_dma source(%dma_start3A_505 : memref<8000xf32, #tpu.memory_space<hbm>>) target(%arg11 : memref<8000xf32, #tpu.memory_space<vmem>>) target_semaphore(%arg14 : memref<!tpu.dma_semaphore, #tpu.memory_space<semaphore_mem>>)
      } else {
      }
      %dma_wait3A_488 = tpu.memref_slice %arg3[%mul3A_470] : memref<320000xi32, #tpu.memory_space<hbm>> -> memref<8000xi32, #tpu.memory_space<hbm>>
      %dma_wait3A_489 = tpu.memref_slice %arg3[%mul3A_470] : memref<320000xi32, #tpu.memory_space<hbm>> -> memref<8000xi32, #tpu.memory_space<hbm>>
      tpu.wait_dma2 semaphore(%arg15 : memref<!tpu.dma_semaphore, #tpu.memory_space<semaphore_mem>>) src(%dma_wait3A_489 : memref<8000xi32, #tpu.memory_space<hbm>>) dst(%arg12 : memref<8000xi32, #tpu.memory_space<vmem>>)
      %dma_wait3A_490 = tpu.memref_slice %arg4[%mul3A_470] : memref<320000xf32, #tpu.memory_space<hbm>> -> memref<8000xf32, #tpu.memory_space<hbm>>
      %dma_wait3A_491 = tpu.memref_slice %arg4[%mul3A_470] : memref<320000xf32, #tpu.memory_space<hbm>> -> memref<8000xf32, #tpu.memory_space<hbm>>
      tpu.wait_dma2 semaphore(%arg15 : memref<!tpu.dma_semaphore, #tpu.memory_space<semaphore_mem>>) src(%dma_wait3A_491 : memref<8000xf32, #tpu.memory_space<hbm>>) dst(%arg13 : memref<8000xf32, #tpu.memory_space<vmem>>)
      %parallel_loop3A_492 = arith.constant 0 : i32
      %parallel_loop3A_493 = arith.constant 500 : i32
      %parallel_loop3A_494 = arith.constant 1 : i32
      scf.for %parallel_loop3A_496 = %parallel_loop3A_492 to %parallel_loop3A_493 step %parallel_loop3A_494  : i32 {
        %parallel_loop3A_497 = arith.constant 16 : i32
        %parallel_loop3A_498 = arith.muli %parallel_loop3A_496, %parallel_loop3A_497 : i32
        %parallel_loop3A_499 = arith.index_cast %parallel_loop3A_498 : i32 to index
        %parallel_loop3A_500 = tpu.vector_load %arg12[%parallel_loop3A_499] {strides = array<i32>} : memref<8000xi32, #tpu.memory_space<vmem>>, vector<16xi32>,
        %parallel_loop3A_501 = arith.index_cast %parallel_loop3A_498 : i32 to index
        %parallel_loop3A_502 = tpu.vector_load %arg13[%parallel_loop3A_501] {strides = array<i32>} : memref<8000xf32, #tpu.memory_space<vmem>>, vector<16xf32>,
        %parallel_loop3A_503 = arith.constant 65535 : i32
        %parallel_loop3A_504 = vector.broadcast %parallel_loop3A_503 : i32 to vector<16xi32>
        %parallel_loop3A_505 = arith.andi %parallel_loop3A_500, %parallel_loop3A_504 : vector<16xi32>
        %parallel_loop3A_506 = arith.constant 16 : i32
        %parallel_loop3A_507 = vector.broadcast %parallel_loop3A_506 : i32 to vector<16xi32>
        %parallel_loop3A_508 = arith.shrsi %parallel_loop3A_500, %parallel_loop3A_507 : vector<16xi32>
        %parallel_loop3A_509 = tpu.vector_load_idx %arg8[%parallel_loop3A_505] : memref<40000xf32, #tpu.memory_space<vmem>>[vector<16xi32>], vector<16xf32>,
        %parallel_loop3A_510 = arith.mulf %parallel_loop3A_509, %parallel_loop3A_502 : vector<16xf32>
        tpu.vector_store_idx %arg9[%parallel_loop3A_508], %parallel_loop3A_510 {add = true} : memref<40000xf32, #tpu.memory_space<vmem>>[vector<16xi32>], vector<16xf32>,
        %parallel_loop3A_511 = arith.constant 10000 : i32
        %parallel_loop3A_512 = vector.broadcast %parallel_loop3A_511 : i32 to vector<16xi32>
        %parallel_loop3A_513 = arith.addi %parallel_loop3A_505, %parallel_loop3A_512 : vector<16xi32>
        %parallel_loop3A_514 = arith.constant 10000 : i32
        %parallel_loop3A_515 = vector.broadcast %parallel_loop3A_514 : i32 to vector<16xi32>
        %parallel_loop3A_516 = arith.addi %parallel_loop3A_508, %parallel_loop3A_515 : vector<16xi32>
        %parallel_loop3A_517 = tpu.vector_load_idx %arg8[%parallel_loop3A_513] : memref<40000xf32, #tpu.memory_space<vmem>>[vector<16xi32>], vector<16xf32>,
        %parallel_loop3A_518 = arith.mulf %parallel_loop3A_517, %parallel_loop3A_502 : vector<16xf32>
        tpu.vector_store_idx %arg9[%parallel_loop3A_516], %parallel_loop3A_518 {add = true} : memref<40000xf32, #tpu.memory_space<vmem>>[vector<16xi32>], vector<16xf32>,
        %parallel_loop3A_519 = arith.constant 20000 : i32
        %parallel_loop3A_520 = vector.broadcast %parallel_loop3A_519 : i32 to vector<16xi32>
        %parallel_loop3A_521 = arith.addi %parallel_loop3A_505, %parallel_loop3A_520 : vector<16xi32>
        %parallel_loop3A_522 = arith.constant 20000 : i32
        %parallel_loop3A_523 = vector.broadcast %parallel_loop3A_522 : i32 to vector<16xi32>
        %parallel_loop3A_524 = arith.addi %parallel_loop3A_508, %parallel_loop3A_523 : vector<16xi32>
        %parallel_loop3A_525 = tpu.vector_load_idx %arg8[%parallel_loop3A_521] : memref<40000xf32, #tpu.memory_space<vmem>>[vector<16xi32>], vector<16xf32>,
        %parallel_loop3A_526 = arith.mulf %parallel_loop3A_525, %parallel_loop3A_502 : vector<16xf32>
        tpu.vector_store_idx %arg9[%parallel_loop3A_524], %parallel_loop3A_526 {add = true} : memref<40000xf32, #tpu.memory_space<vmem>>[vector<16xi32>], vector<16xf32>,
        %parallel_loop3A_527 = arith.constant 30000 : i32
        %parallel_loop3A_528 = vector.broadcast %parallel_loop3A_527 : i32 to vector<16xi32>
        %parallel_loop3A_529 = arith.addi %parallel_loop3A_505, %parallel_loop3A_528 : vector<16xi32>
        %parallel_loop3A_530 = arith.constant 30000 : i32
        %parallel_loop3A_531 = vector.broadcast %parallel_loop3A_530 : i32 to vector<16xi32>
        %parallel_loop3A_532 = arith.addi %parallel_loop3A_508, %parallel_loop3A_531 : vector<16xi32>
        %parallel_loop3A_533 = tpu.vector_load_idx %arg8[%parallel_loop3A_529] : memref<40000xf32, #tpu.memory_space<vmem>>[vector<16xi32>], vector<16xf32>,
        %parallel_loop3A_534 = arith.mulf %parallel_loop3A_533, %parallel_loop3A_502 : vector<16xf32>
        tpu.vector_store_idx %arg9[%parallel_loop3A_532], %parallel_loop3A_534 {add = true} : memref<40000xf32, #tpu.memory_space<vmem>>[vector<16xi32>], vector<16xf32>,
      } {sc.loop_unroll_factor = 2 : i64, sc.parallel_access}
      %scan3A_495 = arith.constant 0 : i32
      scf.yield %scan3A_495 : i32
    }
    %scan3A_34 = arith.constant 20 : i32
    %add3A_35 = arith.constant 0 : i32
    %add3A_36 = arith.addi %add3A_35, %mul3A_2 : i32
    %add3A_37 = arith.constant 0 : i32
    %add3A_38 = arith.addi %add3A_36, %add3A_37 : i32
    %mul3A_39 = arith.constant 10240 : i32
    %mul3A_40 = arith.muli %add3A_38, %mul3A_39 : i32
    %dma_start3A_41 = arith.constant 0 : i32
    %dma_start3A_42 = tpu.memref_slice %arg9[%dma_start3A_41] : memref<40000xf32, #tpu.memory_space<vmem>> -> memref<10000xf32, #tpu.memory_space<vmem>>
    %dma_start3A_43 = tpu.memref_slice %arg7[%mul3A_40] : memref<5242880xf32, #tpu.memory_space<hbm>> -> memref<10000xf32, #tpu.memory_space<hbm>>
    %dma_start3A_44 = tpu.memref_slice %arg7[%mul3A_40] : memref<5242880xf32, #tpu.memory_space<hbm>> -> memref<10000xf32, #tpu.memory_space<hbm>>
    %dma_start3A_45 = arith.constant 0 : i32
    %dma_start3A_46 = tpu.memref_slice %arg9[%dma_start3A_45] : memref<40000xf32, #tpu.memory_space<vmem>> -> memref<10000xf32, #tpu.memory_space<vmem>>
    tpu.enqueue_dma source(%dma_start3A_46 : memref<10000xf32, #tpu.memory_space<vmem>>) target(%dma_start3A_44 : memref<10000xf32, #tpu.memory_space<hbm>>) target_semaphore(%arg16 : memref<!tpu.dma_semaphore, #tpu.memory_space<semaphore_mem>>)
    %add3A_47 = arith.constant 0 : i32
    %add3A_48 = arith.addi %add3A_47, %mul3A_2 : i32
    %add3A_49 = arith.constant 1 : i32
    %add3A_50 = arith.addi %add3A_48, %add3A_49 : i32
    %mul3A_51 = arith.constant 10240 : i32
    %mul3A_52 = arith.muli %add3A_50, %mul3A_51 : i32
    %dma_start3A_53 = arith.constant 10000 : i32
    %dma_start3A_54 = tpu.memref_slice %arg9[%dma_start3A_53] : memref<40000xf32, #tpu.memory_space<vmem>> -> memref<10000xf32, #tpu.memory_space<vmem>>
    %dma_start3A_55 = tpu.memref_slice %arg7[%mul3A_52] : memref<5242880xf32, #tpu.memory_space<hbm>> -> memref<10000xf32, #tpu.memory_space<hbm>>
    %dma_start3A_56 = tpu.memref_slice %arg7[%mul3A_52] : memref<5242880xf32, #tpu.memory_space<hbm>> -> memref<10000xf32, #tpu.memory_space<hbm>>
    %dma_start3A_57 = arith.constant 10000 : i32
    %dma_start3A_58 = tpu.memref_slice %arg9[%dma_start3A_57] : memref<40000xf32, #tpu.memory_space<vmem>> -> memref<10000xf32, #tpu.memory_space<vmem>>
    tpu.enqueue_dma source(%dma_start3A_58 : memref<10000xf32, #tpu.memory_space<vmem>>) target(%dma_start3A_56 : memref<10000xf32, #tpu.memory_space<hbm>>) target_semaphore(%arg16 : memref<!tpu.dma_semaphore, #tpu.memory_space<semaphore_mem>>)
    %add3A_59 = arith.constant 0 : i32
    %add3A_60 = arith.addi %add3A_59, %mul3A_2 : i32
    %add3A_61 = arith.constant 2 : i32
    %add3A_62 = arith.addi %add3A_60, %add3A_61 : i32
    %mul3A_63 = arith.constant 10240 : i32
    %mul3A_64 = arith.muli %add3A_62, %mul3A_63 : i32
    %dma_start3A_65 = arith.constant 20000 : i32
    %dma_start3A_66 = tpu.memref_slice %arg9[%dma_start3A_65] : memref<40000xf32, #tpu.memory_space<vmem>> -> memref<10000xf32, #tpu.memory_space<vmem>>
    %dma_start3A_67 = tpu.memref_slice %arg7[%mul3A_64] : memref<5242880xf32, #tpu.memory_space<hbm>> -> memref<10000xf32, #tpu.memory_space<hbm>>
    %dma_start3A_68 = tpu.memref_slice %arg7[%mul3A_64] : memref<5242880xf32, #tpu.memory_space<hbm>> -> memref<10000xf32, #tpu.memory_space<hbm>>
    %dma_start3A_69 = arith.constant 20000 : i32
    %dma_start3A_70 = tpu.memref_slice %arg9[%dma_start3A_69] : memref<40000xf32, #tpu.memory_space<vmem>> -> memref<10000xf32, #tpu.memory_space<vmem>>
    tpu.enqueue_dma source(%dma_start3A_70 : memref<10000xf32, #tpu.memory_space<vmem>>) target(%dma_start3A_68 : memref<10000xf32, #tpu.memory_space<hbm>>) target_semaphore(%arg16 : memref<!tpu.dma_semaphore, #tpu.memory_space<semaphore_mem>>)
    %add3A_71 = arith.constant 0 : i32
    %add3A_72 = arith.addi %add3A_71, %mul3A_2 : i32
    %add3A_73 = arith.constant 3 : i32
    %add3A_74 = arith.addi %add3A_72, %add3A_73 : i32
    %mul3A_75 = arith.constant 10240 : i32
    %mul3A_76 = arith.muli %add3A_74, %mul3A_75 : i32
    %dma_start3A_77 = arith.constant 30000 : i32
    %dma_start3A_78 = tpu.memref_slice %arg9[%dma_start3A_77] : memref<40000xf32, #tpu.memory_space<vmem>> -> memref<10000xf32, #tpu.memory_space<vmem>>
    %dma_start3A_79 = tpu.memref_slice %arg7[%mul3A_76] : memref<5242880xf32, #tpu.memory_space<hbm>> -> memref<10000xf32, #tpu.memory_space<hbm>>
    %dma_start3A_80 = tpu.memref_slice %arg7[%mul3A_76] : memref<5242880xf32, #tpu.memory_space<hbm>> -> memref<10000xf32, #tpu.memory_space<hbm>>
    %dma_start3A_81 = arith.constant 30000 : i32
    %dma_start3A_82 = tpu.memref_slice %arg9[%dma_start3A_81] : memref<40000xf32, #tpu.memory_space<vmem>> -> memref<10000xf32, #tpu.memory_space<vmem>>
    tpu.enqueue_dma source(%dma_start3A_82 : memref<10000xf32, #tpu.memory_space<vmem>>) target(%dma_start3A_80 : memref<10000xf32, #tpu.memory_space<hbm>>) target_semaphore(%arg16 : memref<!tpu.dma_semaphore, #tpu.memory_space<semaphore_mem>>)
    %dma_start3A_83 = arith.constant 0 : i32
    %dma_start3A_84 = tpu.memref_slice %arg3[%dma_start3A_83] : memref<320000xi32, #tpu.memory_space<hbm>> -> memref<8000xi32, #tpu.memory_space<hbm>>
    %dma_start3A_85 = arith.constant 0 : i32
    %dma_start3A_86 = tpu.memref_slice %arg3[%dma_start3A_85] : memref<320000xi32, #tpu.memory_space<hbm>> -> memref<8000xi32, #tpu.memory_space<hbm>>
    tpu.enqueue_dma source(%dma_start3A_86 : memref<8000xi32, #tpu.memory_space<hbm>>) target(%arg10 : memref<8000xi32, #tpu.memory_space<vmem>>) target_semaphore(%arg14 : memref<!tpu.dma_semaphore, #tpu.memory_space<semaphore_mem>>)
    %dma_start3A_87 = arith.constant 0 : i32
    %dma_start3A_88 = tpu.memref_slice %arg6[%dma_start3A_87] : memref<320000xf32, #tpu.memory_space<hbm>> -> memref<8000xf32, #tpu.memory_space<hbm>>
    %dma_start3A_89 = arith.constant 0 : i32
    %dma_start3A_90 = tpu.memref_slice %arg6[%dma_start3A_89] : memref<320000xf32, #tpu.memory_space<hbm>> -> memref<8000xf32, #tpu.memory_space<hbm>>
    tpu.enqueue_dma source(%dma_start3A_90 : memref<8000xf32, #tpu.memory_space<hbm>>) target(%arg11 : memref<8000xf32, #tpu.memory_space<vmem>>) target_semaphore(%arg14 : memref<!tpu.dma_semaphore, #tpu.memory_space<semaphore_mem>>)
    %scan3A_91 = arith.constant 0 : i32
    %scan3A_92 = arith.constant 0 : i32
    %scan3A_93 = arith.constant 20 : i32
    %scan3A_94 = arith.addi %scan3A_92, %scan3A_93 : i32
    %scan3A_95 = arith.constant 1 : i32
    %scan3A_96 = scf.for %scan3A_463 = %scan3A_92 to %scan3A_94 step %scan3A_95 iter_args(%scan3A_464 = %scan3A_91) -> (i32)  : i32 {
      %mul3A_465 = arith.constant 2 : i32
      %mul3A_466 = arith.muli %mul3A_465, %scan3A_463 : i32
      %add3A_467 = arith.constant 1 : i32
      %add3A_468 = arith.addi %mul3A_466, %add3A_467 : i32
      %mul3A_469 = arith.constant 8000 : i32
      %mul3A_470 = arith.muli %add3A_468, %mul3A_469 : i32
      %dma_start3A_471 = tpu.memref_slice %arg3[%mul3A_470] : memref<320000xi32, #tpu.memory_space<hbm>> -> memref<8000xi32, #tpu.memory_space<hbm>>
      %dma_start3A_472 = tpu.memref_slice %arg3[%mul3A_470] : memref<320000xi32, #tpu.memory_space<hbm>> -> memref<8000xi32, #tpu.memory_space<hbm>>
      tpu.enqueue_dma source(%dma_start3A_472 : memref<8000xi32, #tpu.memory_space<hbm>>) target(%arg12 : memref<8000xi32, #tpu.memory_space<vmem>>) target_semaphore(%arg15 : memref<!tpu.dma_semaphore, #tpu.memory_space<semaphore_mem>>)
      %dma_start3A_473 = tpu.memref_slice %arg6[%mul3A_470] : memref<320000xf32, #tpu.memory_space<hbm>> -> memref<8000xf32, #tpu.memory_space<hbm>>
      %dma_start3A_474 = tpu.memref_slice %arg6[%mul3A_470] : memref<320000xf32, #tpu.memory_space<hbm>> -> memref<8000xf32, #tpu.memory_space<hbm>>
      tpu.enqueue_dma source(%dma_start3A_474 : memref<8000xf32, #tpu.memory_space<hbm>>) target(%arg13 : memref<8000xf32, #tpu.memory_space<vmem>>) target_semaphore(%arg15 : memref<!tpu.dma_semaphore, #tpu.memory_space<semaphore_mem>>)
      %mul3A_475 = arith.constant 2 : i32
      %mul3A_476 = arith.muli %mul3A_475, %scan3A_463 : i32
      %mul3A_477 = arith.constant 8000 : i32
      %mul3A_478 = arith.muli %mul3A_476, %mul3A_477 : i32
      %dma_wait3A_479 = tpu.memref_slice %arg3[%mul3A_478] : memref<320000xi32, #tpu.memory_space<hbm>> -> memref<8000xi32, #tpu.memory_space<hbm>>
      %dma_wait3A_480 = tpu.memref_slice %arg3[%mul3A_478] : memref<320000xi32, #tpu.memory_space<hbm>> -> memref<8000xi32, #tpu.memory_space<hbm>>
      tpu.wait_dma2 semaphore(%arg14 : memref<!tpu.dma_semaphore, #tpu.memory_space<semaphore_mem>>) src(%dma_wait3A_480 : memref<8000xi32, #tpu.memory_space<hbm>>) dst(%arg10 : memref<8000xi32, #tpu.memory_space<vmem>>)
      %dma_wait3A_481 = tpu.memref_slice %arg6[%mul3A_478] : memref<320000xf32, #tpu.memory_space<hbm>> -> memref<8000xf32, #tpu.memory_space<hbm>>
      %dma_wait3A_482 = tpu.memref_slice %arg6[%mul3A_478] : memref<320000xf32, #tpu.memory_space<hbm>> -> memref<8000xf32, #tpu.memory_space<hbm>>
      tpu.wait_dma2 semaphore(%arg14 : memref<!tpu.dma_semaphore, #tpu.memory_space<semaphore_mem>>) src(%dma_wait3A_482 : memref<8000xf32, #tpu.memory_space<hbm>>) dst(%arg11 : memref<8000xf32, #tpu.memory_space<vmem>>)
      %parallel_loop3A_483 = arith.constant 0 : i32
      %parallel_loop3A_484 = arith.constant 500 : i32
      %parallel_loop3A_485 = arith.constant 1 : i32
      scf.for %parallel_loop3A_496 = %parallel_loop3A_483 to %parallel_loop3A_484 step %parallel_loop3A_485  : i32 {
        %parallel_loop3A_497 = arith.constant 16 : i32
        %parallel_loop3A_498 = arith.muli %parallel_loop3A_496, %parallel_loop3A_497 : i32
        %parallel_loop3A_499 = arith.index_cast %parallel_loop3A_498 : i32 to index
        %parallel_loop3A_500 = tpu.vector_load %arg10[%parallel_loop3A_499] {strides = array<i32>} : memref<8000xi32, #tpu.memory_space<vmem>>, vector<16xi32>,
        %parallel_loop3A_501 = arith.index_cast %parallel_loop3A_498 : i32 to index
        %parallel_loop3A_502 = tpu.vector_load %arg11[%parallel_loop3A_501] {strides = array<i32>} : memref<8000xf32, #tpu.memory_space<vmem>>, vector<16xf32>,
        %parallel_loop3A_503 = arith.constant 65535 : i32
        %parallel_loop3A_504 = vector.broadcast %parallel_loop3A_503 : i32 to vector<16xi32>
        %parallel_loop3A_505 = arith.andi %parallel_loop3A_500, %parallel_loop3A_504 : vector<16xi32>
        %parallel_loop3A_506 = arith.constant 16 : i32
        %parallel_loop3A_507 = vector.broadcast %parallel_loop3A_506 : i32 to vector<16xi32>
        %parallel_loop3A_508 = arith.shrsi %parallel_loop3A_500, %parallel_loop3A_507 : vector<16xi32>
        %parallel_loop3A_509 = tpu.vector_load_idx %arg9[%parallel_loop3A_505] : memref<40000xf32, #tpu.memory_space<vmem>>[vector<16xi32>], vector<16xf32>,
        %parallel_loop3A_510 = arith.mulf %parallel_loop3A_509, %parallel_loop3A_502 : vector<16xf32>
        tpu.vector_store_idx %arg8[%parallel_loop3A_508], %parallel_loop3A_510 {add = true} : memref<40000xf32, #tpu.memory_space<vmem>>[vector<16xi32>], vector<16xf32>,
        %parallel_loop3A_511 = arith.constant 10000 : i32
        %parallel_loop3A_512 = vector.broadcast %parallel_loop3A_511 : i32 to vector<16xi32>
        %parallel_loop3A_513 = arith.addi %parallel_loop3A_505, %parallel_loop3A_512 : vector<16xi32>
        %parallel_loop3A_514 = arith.constant 10000 : i32
        %parallel_loop3A_515 = vector.broadcast %parallel_loop3A_514 : i32 to vector<16xi32>
        %parallel_loop3A_516 = arith.addi %parallel_loop3A_508, %parallel_loop3A_515 : vector<16xi32>
        %parallel_loop3A_517 = tpu.vector_load_idx %arg9[%parallel_loop3A_513] : memref<40000xf32, #tpu.memory_space<vmem>>[vector<16xi32>], vector<16xf32>,
        %parallel_loop3A_518 = arith.mulf %parallel_loop3A_517, %parallel_loop3A_502 : vector<16xf32>
        tpu.vector_store_idx %arg8[%parallel_loop3A_516], %parallel_loop3A_518 {add = true} : memref<40000xf32, #tpu.memory_space<vmem>>[vector<16xi32>], vector<16xf32>,
        %parallel_loop3A_519 = arith.constant 20000 : i32
        %parallel_loop3A_520 = vector.broadcast %parallel_loop3A_519 : i32 to vector<16xi32>
        %parallel_loop3A_521 = arith.addi %parallel_loop3A_505, %parallel_loop3A_520 : vector<16xi32>
        %parallel_loop3A_522 = arith.constant 20000 : i32
        %parallel_loop3A_523 = vector.broadcast %parallel_loop3A_522 : i32 to vector<16xi32>
        %parallel_loop3A_524 = arith.addi %parallel_loop3A_508, %parallel_loop3A_523 : vector<16xi32>
        %parallel_loop3A_525 = tpu.vector_load_idx %arg9[%parallel_loop3A_521] : memref<40000xf32, #tpu.memory_space<vmem>>[vector<16xi32>], vector<16xf32>,
        %parallel_loop3A_526 = arith.mulf %parallel_loop3A_525, %parallel_loop3A_502 : vector<16xf32>
        tpu.vector_store_idx %arg8[%parallel_loop3A_524], %parallel_loop3A_526 {add = true} : memref<40000xf32, #tpu.memory_space<vmem>>[vector<16xi32>], vector<16xf32>,
        %parallel_loop3A_527 = arith.constant 30000 : i32
        %parallel_loop3A_528 = vector.broadcast %parallel_loop3A_527 : i32 to vector<16xi32>
        %parallel_loop3A_529 = arith.addi %parallel_loop3A_505, %parallel_loop3A_528 : vector<16xi32>
        %parallel_loop3A_530 = arith.constant 30000 : i32
        %parallel_loop3A_531 = vector.broadcast %parallel_loop3A_530 : i32 to vector<16xi32>
        %parallel_loop3A_532 = arith.addi %parallel_loop3A_508, %parallel_loop3A_531 : vector<16xi32>
        %parallel_loop3A_533 = tpu.vector_load_idx %arg9[%parallel_loop3A_529] : memref<40000xf32, #tpu.memory_space<vmem>>[vector<16xi32>], vector<16xf32>,
        %parallel_loop3A_534 = arith.mulf %parallel_loop3A_533, %parallel_loop3A_502 : vector<16xf32>
        tpu.vector_store_idx %arg8[%parallel_loop3A_532], %parallel_loop3A_534 {add = true} : memref<40000xf32, #tpu.memory_space<vmem>>[vector<16xi32>], vector<16xf32>,
      } {sc.loop_unroll_factor = 2 : i64, sc.parallel_access}
      %lt3A = arith.constant 19 : i32
      %lt3A_486 = arith.cmpi slt, %scan3A_463, %lt3A : i32
      %convert_element_type3A = arith.extui %lt3A_486 : i1 to i32
      %cond3A = arith.constant 0 : i32
      %cond3A_487 = arith.cmpi ne, %convert_element_type3A, %cond3A : i32
      scf.if %cond3A_487 {
        %mul3A_496 = arith.constant 2 : i32
        %mul3A_497 = arith.muli %mul3A_496, %scan3A_463 : i32
        %add3A_498 = arith.constant 2 : i32
        %add3A_499 = arith.addi %mul3A_497, %add3A_498 : i32
        %mul3A_500 = arith.constant 8000 : i32
        %mul3A_501 = arith.muli %add3A_499, %mul3A_500 : i32
        %dma_start3A_502 = tpu.memref_slice %arg3[%mul3A_501] : memref<320000xi32, #tpu.memory_space<hbm>> -> memref<8000xi32, #tpu.memory_space<hbm>>
        %dma_start3A_503 = tpu.memref_slice %arg3[%mul3A_501] : memref<320000xi32, #tpu.memory_space<hbm>> -> memref<8000xi32, #tpu.memory_space<hbm>>
        tpu.enqueue_dma source(%dma_start3A_503 : memref<8000xi32, #tpu.memory_space<hbm>>) target(%arg10 : memref<8000xi32, #tpu.memory_space<vmem>>) target_semaphore(%arg14 : memref<!tpu.dma_semaphore, #tpu.memory_space<semaphore_mem>>)
        %dma_start3A_504 = tpu.memref_slice %arg6[%mul3A_501] : memref<320000xf32, #tpu.memory_space<hbm>> -> memref<8000xf32, #tpu.memory_space<hbm>>
        %dma_start3A_505 = tpu.memref_slice %arg6[%mul3A_501] : memref<320000xf32, #tpu.memory_space<hbm>> -> memref<8000xf32, #tpu.memory_space<hbm>>
        tpu.enqueue_dma source(%dma_start3A_505 : memref<8000xf32, #tpu.memory_space<hbm>>) target(%arg11 : memref<8000xf32, #tpu.memory_space<vmem>>) target_semaphore(%arg14 : memref<!tpu.dma_semaphore, #tpu.memory_space<semaphore_mem>>)
      } else {
      }
      %dma_wait3A_488 = tpu.memref_slice %arg3[%mul3A_470] : memref<320000xi32, #tpu.memory_space<hbm>> -> memref<8000xi32, #tpu.memory_space<hbm>>
      %dma_wait3A_489 = tpu.memref_slice %arg3[%mul3A_470] : memref<320000xi32, #tpu.memory_space<hbm>> -> memref<8000xi32, #tpu.memory_space<hbm>>
      tpu.wait_dma2 semaphore(%arg15 : memref<!tpu.dma_semaphore, #tpu.memory_space<semaphore_mem>>) src(%dma_wait3A_489 : memref<8000xi32, #tpu.memory_space<hbm>>) dst(%arg12 : memref<8000xi32, #tpu.memory_space<vmem>>)
      %dma_wait3A_490 = tpu.memref_slice %arg6[%mul3A_470] : memref<320000xf32, #tpu.memory_space<hbm>> -> memref<8000xf32, #tpu.memory_space<hbm>>
      %dma_wait3A_491 = tpu.memref_slice %arg6[%mul3A_470] : memref<320000xf32, #tpu.memory_space<hbm>> -> memref<8000xf32, #tpu.memory_space<hbm>>
      tpu.wait_dma2 semaphore(%arg15 : memref<!tpu.dma_semaphore, #tpu.memory_space<semaphore_mem>>) src(%dma_wait3A_491 : memref<8000xf32, #tpu.memory_space<hbm>>) dst(%arg13 : memref<8000xf32, #tpu.memory_space<vmem>>)
      %parallel_loop3A_492 = arith.constant 0 : i32
      %parallel_loop3A_493 = arith.constant 500 : i32
      %parallel_loop3A_494 = arith.constant 1 : i32
      scf.for %parallel_loop3A_496 = %parallel_loop3A_492 to %parallel_loop3A_493 step %parallel_loop3A_494  : i32 {
        %parallel_loop3A_497 = arith.constant 16 : i32
        %parallel_loop3A_498 = arith.muli %parallel_loop3A_496, %parallel_loop3A_497 : i32
        %parallel_loop3A_499 = arith.index_cast %parallel_loop3A_498 : i32 to index
        %parallel_loop3A_500 = tpu.vector_load %arg12[%parallel_loop3A_499] {strides = array<i32>} : memref<8000xi32, #tpu.memory_space<vmem>>, vector<16xi32>,
        %parallel_loop3A_501 = arith.index_cast %parallel_loop3A_498 : i32 to index
        %parallel_loop3A_502 = tpu.vector_load %arg13[%parallel_loop3A_501] {strides = array<i32>} : memref<8000xf32, #tpu.memory_space<vmem>>, vector<16xf32>,
        %parallel_loop3A_503 = arith.constant 65535 : i32
        %parallel_loop3A_504 = vector.broadcast %parallel_loop3A_503 : i32 to vector<16xi32>
        %parallel_loop3A_505 = arith.andi %parallel_loop3A_500, %parallel_loop3A_504 : vector<16xi32>
        %parallel_loop3A_506 = arith.constant 16 : i32
        %parallel_loop3A_507 = vector.broadcast %parallel_loop3A_506 : i32 to vector<16xi32>
        %parallel_loop3A_508 = arith.shrsi %parallel_loop3A_500, %parallel_loop3A_507 : vector<16xi32>
        %parallel_loop3A_509 = tpu.vector_load_idx %arg9[%parallel_loop3A_505] : memref<40000xf32, #tpu.memory_space<vmem>>[vector<16xi32>], vector<16xf32>,
        %parallel_loop3A_510 = arith.mulf %parallel_loop3A_509, %parallel_loop3A_502 : vector<16xf32>
        tpu.vector_store_idx %arg8[%parallel_loop3A_508], %parallel_loop3A_510 {add = true} : memref<40000xf32, #tpu.memory_space<vmem>>[vector<16xi32>], vector<16xf32>,
        %parallel_loop3A_511 = arith.constant 10000 : i32
        %parallel_loop3A_512 = vector.broadcast %parallel_loop3A_511 : i32 to vector<16xi32>
        %parallel_loop3A_513 = arith.addi %parallel_loop3A_505, %parallel_loop3A_512 : vector<16xi32>
        %parallel_loop3A_514 = arith.constant 10000 : i32
        %parallel_loop3A_515 = vector.broadcast %parallel_loop3A_514 : i32 to vector<16xi32>
        %parallel_loop3A_516 = arith.addi %parallel_loop3A_508, %parallel_loop3A_515 : vector<16xi32>
        %parallel_loop3A_517 = tpu.vector_load_idx %arg9[%parallel_loop3A_513] : memref<40000xf32, #tpu.memory_space<vmem>>[vector<16xi32>], vector<16xf32>,
        %parallel_loop3A_518 = arith.mulf %parallel_loop3A_517, %parallel_loop3A_502 : vector<16xf32>
        tpu.vector_store_idx %arg8[%parallel_loop3A_516], %parallel_loop3A_518 {add = true} : memref<40000xf32, #tpu.memory_space<vmem>>[vector<16xi32>], vector<16xf32>,
        %parallel_loop3A_519 = arith.constant 20000 : i32
        %parallel_loop3A_520 = vector.broadcast %parallel_loop3A_519 : i32 to vector<16xi32>
        %parallel_loop3A_521 = arith.addi %parallel_loop3A_505, %parallel_loop3A_520 : vector<16xi32>
        %parallel_loop3A_522 = arith.constant 20000 : i32
        %parallel_loop3A_523 = vector.broadcast %parallel_loop3A_522 : i32 to vector<16xi32>
        %parallel_loop3A_524 = arith.addi %parallel_loop3A_508, %parallel_loop3A_523 : vector<16xi32>
        %parallel_loop3A_525 = tpu.vector_load_idx %arg9[%parallel_loop3A_521] : memref<40000xf32, #tpu.memory_space<vmem>>[vector<16xi32>], vector<16xf32>,
        %parallel_loop3A_526 = arith.mulf %parallel_loop3A_525, %parallel_loop3A_502 : vector<16xf32>
        tpu.vector_store_idx %arg8[%parallel_loop3A_524], %parallel_loop3A_526 {add = true} : memref<40000xf32, #tpu.memory_space<vmem>>[vector<16xi32>], vector<16xf32>,
        %parallel_loop3A_527 = arith.constant 30000 : i32
        %parallel_loop3A_528 = vector.broadcast %parallel_loop3A_527 : i32 to vector<16xi32>
        %parallel_loop3A_529 = arith.addi %parallel_loop3A_505, %parallel_loop3A_528 : vector<16xi32>
        %parallel_loop3A_530 = arith.constant 30000 : i32
        %parallel_loop3A_531 = vector.broadcast %parallel_loop3A_530 : i32 to vector<16xi32>
        %parallel_loop3A_532 = arith.addi %parallel_loop3A_508, %parallel_loop3A_531 : vector<16xi32>
        %parallel_loop3A_533 = tpu.vector_load_idx %arg9[%parallel_loop3A_529] : memref<40000xf32, #tpu.memory_space<vmem>>[vector<16xi32>], vector<16xf32>,
        %parallel_loop3A_534 = arith.mulf %parallel_loop3A_533, %parallel_loop3A_502 : vector<16xf32>
        tpu.vector_store_idx %arg8[%parallel_loop3A_532], %parallel_loop3A_534 {add = true} : memref<40000xf32, #tpu.memory_space<vmem>>[vector<16xi32>], vector<16xf32>,
      } {sc.loop_unroll_factor = 2 : i64, sc.parallel_access}
      %scan3A_495 = arith.constant 0 : i32
      scf.yield %scan3A_495 : i32
    }
    %scan3A_97 = arith.constant 20 : i32
    %add3A_98 = arith.constant 128 : i32
    %add3A_99 = arith.addi %add3A_98, %mul3A_2 : i32
    %add3A_100 = arith.constant 0 : i32
    %add3A_101 = arith.addi %add3A_99, %add3A_100 : i32
    %mul3A_102 = arith.constant 10240 : i32
    %mul3A_103 = arith.muli %add3A_101, %mul3A_102 : i32
    %dma_start3A_104 = arith.constant 0 : i32
    %dma_start3A_105 = tpu.memref_slice %arg8[%dma_start3A_104] : memref<40000xf32, #tpu.memory_space<vmem>> -> memref<10000xf32, #tpu.memory_space<vmem>>
    %dma_start3A_106 = tpu.memref_slice %arg7[%mul3A_103] : memref<5242880xf32, #tpu.memory_space<hbm>> -> memref<10000xf32, #tpu.memory_space<hbm>>
    %dma_start3A_107 = tpu.memref_slice %arg7[%mul3A_103] : memref<5242880xf32, #tpu.memory_space<hbm>> -> memref<10000xf32, #tpu.memory_space<hbm>>
    %dma_start3A_108 = arith.constant 0 : i32
    %dma_start3A_109 = tpu.memref_slice %arg8[%dma_start3A_108] : memref<40000xf32, #tpu.memory_space<vmem>> -> memref<10000xf32, #tpu.memory_space<vmem>>
    tpu.enqueue_dma source(%dma_start3A_109 : memref<10000xf32, #tpu.memory_space<vmem>>) target(%dma_start3A_107 : memref<10000xf32, #tpu.memory_space<hbm>>) target_semaphore(%arg17 : memref<!tpu.dma_semaphore, #tpu.memory_space<semaphore_mem>>)
    %add3A_110 = arith.constant 128 : i32
    %add3A_111 = arith.addi %add3A_110, %mul3A_2 : i32
    %add3A_112 = arith.constant 1 : i32
    %add3A_113 = arith.addi %add3A_111, %add3A_112 : i32
    %mul3A_114 = arith.constant 10240 : i32
    %mul3A_115 = arith.muli %add3A_113, %mul3A_114 : i32
    %dma_start3A_116 = arith.constant 10000 : i32
    %dma_start3A_117 = tpu.memref_slice %arg8[%dma_start3A_116] : memref<40000xf32, #tpu.memory_space<vmem>> -> memref<10000xf32, #tpu.memory_space<vmem>>
    %dma_start3A_118 = tpu.memref_slice %arg7[%mul3A_115] : memref<5242880xf32, #tpu.memory_space<hbm>> -> memref<10000xf32, #tpu.memory_space<hbm>>
    %dma_start3A_119 = tpu.memref_slice %arg7[%mul3A_115] : memref<5242880xf32, #tpu.memory_space<hbm>> -> memref<10000xf32, #tpu.memory_space<hbm>>
    %dma_start3A_120 = arith.constant 10000 : i32
    %dma_start3A_121 = tpu.memref_slice %arg8[%dma_start3A_120] : memref<40000xf32, #tpu.memory_space<vmem>> -> memref<10000xf32, #tpu.memory_space<vmem>>
    tpu.enqueue_dma source(%dma_start3A_121 : memref<10000xf32, #tpu.memory_space<vmem>>) target(%dma_start3A_119 : memref<10000xf32, #tpu.memory_space<hbm>>) target_semaphore(%arg17 : memref<!tpu.dma_semaphore, #tpu.memory_space<semaphore_mem>>)
    %add3A_122 = arith.constant 128 : i32
    %add3A_123 = arith.addi %add3A_122, %mul3A_2 : i32
    %add3A_124 = arith.constant 2 : i32
    %add3A_125 = arith.addi %add3A_123, %add3A_124 : i32
    %mul3A_126 = arith.constant 10240 : i32
    %mul3A_127 = arith.muli %add3A_125, %mul3A_126 : i32
    %dma_start3A_128 = arith.constant 20000 : i32
    %dma_start3A_129 = tpu.memref_slice %arg8[%dma_start3A_128] : memref<40000xf32, #tpu.memory_space<vmem>> -> memref<10000xf32, #tpu.memory_space<vmem>>
    %dma_start3A_130 = tpu.memref_slice %arg7[%mul3A_127] : memref<5242880xf32, #tpu.memory_space<hbm>> -> memref<10000xf32, #tpu.memory_space<hbm>>
    %dma_start3A_131 = tpu.memref_slice %arg7[%mul3A_127] : memref<5242880xf32, #tpu.memory_space<hbm>> -> memref<10000xf32, #tpu.memory_space<hbm>>
    %dma_start3A_132 = arith.constant 20000 : i32
    %dma_start3A_133 = tpu.memref_slice %arg8[%dma_start3A_132] : memref<40000xf32, #tpu.memory_space<vmem>> -> memref<10000xf32, #tpu.memory_space<vmem>>
    tpu.enqueue_dma source(%dma_start3A_133 : memref<10000xf32, #tpu.memory_space<vmem>>) target(%dma_start3A_131 : memref<10000xf32, #tpu.memory_space<hbm>>) target_semaphore(%arg17 : memref<!tpu.dma_semaphore, #tpu.memory_space<semaphore_mem>>)
    %add3A_134 = arith.constant 128 : i32
    %add3A_135 = arith.addi %add3A_134, %mul3A_2 : i32
    %add3A_136 = arith.constant 3 : i32
    %add3A_137 = arith.addi %add3A_135, %add3A_136 : i32
    %mul3A_138 = arith.constant 10240 : i32
    %mul3A_139 = arith.muli %add3A_137, %mul3A_138 : i32
    %dma_start3A_140 = arith.constant 30000 : i32
    %dma_start3A_141 = tpu.memref_slice %arg8[%dma_start3A_140] : memref<40000xf32, #tpu.memory_space<vmem>> -> memref<10000xf32, #tpu.memory_space<vmem>>
    %dma_start3A_142 = tpu.memref_slice %arg7[%mul3A_139] : memref<5242880xf32, #tpu.memory_space<hbm>> -> memref<10000xf32, #tpu.memory_space<hbm>>
    %dma_start3A_143 = tpu.memref_slice %arg7[%mul3A_139] : memref<5242880xf32, #tpu.memory_space<hbm>> -> memref<10000xf32, #tpu.memory_space<hbm>>
    %dma_start3A_144 = arith.constant 30000 : i32
    %dma_start3A_145 = tpu.memref_slice %arg8[%dma_start3A_144] : memref<40000xf32, #tpu.memory_space<vmem>> -> memref<10000xf32, #tpu.memory_space<vmem>>
    tpu.enqueue_dma source(%dma_start3A_145 : memref<10000xf32, #tpu.memory_space<vmem>>) target(%dma_start3A_143 : memref<10000xf32, #tpu.memory_space<hbm>>) target_semaphore(%arg17 : memref<!tpu.dma_semaphore, #tpu.memory_space<semaphore_mem>>)
    %add3A_146 = arith.constant 0 : i32
    %add3A_147 = arith.addi %add3A_146, %mul3A_2 : i32
    %add3A_148 = arith.constant 0 : i32
    %add3A_149 = arith.addi %add3A_147, %add3A_148 : i32
    %mul3A_150 = arith.constant 10240 : i32
    %mul3A_151 = arith.muli %add3A_149, %mul3A_150 : i32
    %dma_wait3A = arith.constant 0 : i32
    %dma_wait3A_152 = tpu.memref_slice %arg9[%dma_wait3A] : memref<40000xf32, #tpu.memory_space<vmem>> -> memref<10000xf32, #tpu.memory_space<vmem>>
    %dma_wait3A_153 = tpu.memref_slice %arg7[%mul3A_151] : memref<5242880xf32, #tpu.memory_space<hbm>> -> memref<10000xf32, #tpu.memory_space<hbm>>
    %dma_wait3A_154 = tpu.memref_slice %arg7[%mul3A_151] : memref<5242880xf32, #tpu.memory_space<hbm>> -> memref<10000xf32, #tpu.memory_space<hbm>>
    %dma_wait3A_155 = arith.constant 0 : i32
    %dma_wait3A_156 = tpu.memref_slice %arg9[%dma_wait3A_155] : memref<40000xf32, #tpu.memory_space<vmem>> -> memref<10000xf32, #tpu.memory_space<vmem>>
    tpu.wait_dma2 semaphore(%arg16 : memref<!tpu.dma_semaphore, #tpu.memory_space<semaphore_mem>>) src(%dma_wait3A_156 : memref<10000xf32, #tpu.memory_space<vmem>>) dst(%dma_wait3A_154 : memref<10000xf32, #tpu.memory_space<hbm>>)
    %add3A_157 = arith.constant 0 : i32
    %add3A_158 = arith.addi %add3A_157, %mul3A_2 : i32
    %add3A_159 = arith.constant 1 : i32
    %add3A_160 = arith.addi %add3A_158, %add3A_159 : i32
    %mul3A_161 = arith.constant 10240 : i32
    %mul3A_162 = arith.muli %add3A_160, %mul3A_161 : i32
    %dma_wait3A_163 = arith.constant 10000 : i32
    %dma_wait3A_164 = tpu.memref_slice %arg9[%dma_wait3A_163] : memref<40000xf32, #tpu.memory_space<vmem>> -> memref<10000xf32, #tpu.memory_space<vmem>>
    %dma_wait3A_165 = tpu.memref_slice %arg7[%mul3A_162] : memref<5242880xf32, #tpu.memory_space<hbm>> -> memref<10000xf32, #tpu.memory_space<hbm>>
    %dma_wait3A_166 = tpu.memref_slice %arg7[%mul3A_162] : memref<5242880xf32, #tpu.memory_space<hbm>> -> memref<10000xf32, #tpu.memory_space<hbm>>
    %dma_wait3A_167 = arith.constant 10000 : i32
    %dma_wait3A_168 = tpu.memref_slice %arg9[%dma_wait3A_167] : memref<40000xf32, #tpu.memory_space<vmem>> -> memref<10000xf32, #tpu.memory_space<vmem>>
    tpu.wait_dma2 semaphore(%arg16 : memref<!tpu.dma_semaphore, #tpu.memory_space<semaphore_mem>>) src(%dma_wait3A_168 : memref<10000xf32, #tpu.memory_space<vmem>>) dst(%dma_wait3A_166 : memref<10000xf32, #tpu.memory_space<hbm>>)
    %add3A_169 = arith.constant 0 : i32
    %add3A_170 = arith.addi %add3A_169, %mul3A_2 : i32
    %add3A_171 = arith.constant 2 : i32
    %add3A_172 = arith.addi %add3A_170, %add3A_171 : i32
    %mul3A_173 = arith.constant 10240 : i32
    %mul3A_174 = arith.muli %add3A_172, %mul3A_173 : i32
    %dma_wait3A_175 = arith.constant 20000 : i32
    %dma_wait3A_176 = tpu.memref_slice %arg9[%dma_wait3A_175] : memref<40000xf32, #tpu.memory_space<vmem>> -> memref<10000xf32, #tpu.memory_space<vmem>>
    %dma_wait3A_177 = tpu.memref_slice %arg7[%mul3A_174] : memref<5242880xf32, #tpu.memory_space<hbm>> -> memref<10000xf32, #tpu.memory_space<hbm>>
    %dma_wait3A_178 = tpu.memref_slice %arg7[%mul3A_174] : memref<5242880xf32, #tpu.memory_space<hbm>> -> memref<10000xf32, #tpu.memory_space<hbm>>
    %dma_wait3A_179 = arith.constant 20000 : i32
    %dma_wait3A_180 = tpu.memref_slice %arg9[%dma_wait3A_179] : memref<40000xf32, #tpu.memory_space<vmem>> -> memref<10000xf32, #tpu.memory_space<vmem>>
    tpu.wait_dma2 semaphore(%arg16 : memref<!tpu.dma_semaphore, #tpu.memory_space<semaphore_mem>>) src(%dma_wait3A_180 : memref<10000xf32, #tpu.memory_space<vmem>>) dst(%dma_wait3A_178 : memref<10000xf32, #tpu.memory_space<hbm>>)
    %add3A_181 = arith.constant 0 : i32
    %add3A_182 = arith.addi %add3A_181, %mul3A_2 : i32
    %add3A_183 = arith.constant 3 : i32
    %add3A_184 = arith.addi %add3A_182, %add3A_183 : i32
    %mul3A_185 = arith.constant 10240 : i32
    %mul3A_186 = arith.muli %add3A_184, %mul3A_185 : i32
    %dma_wait3A_187 = arith.constant 30000 : i32
    %dma_wait3A_188 = tpu.memref_slice %arg9[%dma_wait3A_187] : memref<40000xf32, #tpu.memory_space<vmem>> -> memref<10000xf32, #tpu.memory_space<vmem>>
    %dma_wait3A_189 = tpu.memref_slice %arg7[%mul3A_186] : memref<5242880xf32, #tpu.memory_space<hbm>> -> memref<10000xf32, #tpu.memory_space<hbm>>
    %dma_wait3A_190 = tpu.memref_slice %arg7[%mul3A_186] : memref<5242880xf32, #tpu.memory_space<hbm>> -> memref<10000xf32, #tpu.memory_space<hbm>>
    %dma_wait3A_191 = arith.constant 30000 : i32
    %dma_wait3A_192 = tpu.memref_slice %arg9[%dma_wait3A_191] : memref<40000xf32, #tpu.memory_space<vmem>> -> memref<10000xf32, #tpu.memory_space<vmem>>
    tpu.wait_dma2 semaphore(%arg16 : memref<!tpu.dma_semaphore, #tpu.memory_space<semaphore_mem>>) src(%dma_wait3A_192 : memref<10000xf32, #tpu.memory_space<vmem>>) dst(%dma_wait3A_190 : memref<10000xf32, #tpu.memory_space<hbm>>)
    %dma_start3A_193 = arith.constant 0 : i32
    %dma_start3A_194 = tpu.memref_slice %arg3[%dma_start3A_193] : memref<320000xi32, #tpu.memory_space<hbm>> -> memref<8000xi32, #tpu.memory_space<hbm>>
    %dma_start3A_195 = arith.constant 0 : i32
    %dma_start3A_196 = tpu.memref_slice %arg3[%dma_start3A_195] : memref<320000xi32, #tpu.memory_space<hbm>> -> memref<8000xi32, #tpu.memory_space<hbm>>
    tpu.enqueue_dma source(%dma_start3A_196 : memref<8000xi32, #tpu.memory_space<hbm>>) target(%arg10 : memref<8000xi32, #tpu.memory_space<vmem>>) target_semaphore(%arg14 : memref<!tpu.dma_semaphore, #tpu.memory_space<semaphore_mem>>)
    %dma_start3A_197 = arith.constant 0 : i32
    %dma_start3A_198 = tpu.memref_slice %arg5[%dma_start3A_197] : memref<320000xf32, #tpu.memory_space<hbm>> -> memref<8000xf32, #tpu.memory_space<hbm>>
    %dma_start3A_199 = arith.constant 0 : i32
    %dma_start3A_200 = tpu.memref_slice %arg5[%dma_start3A_199] : memref<320000xf32, #tpu.memory_space<hbm>> -> memref<8000xf32, #tpu.memory_space<hbm>>
    tpu.enqueue_dma source(%dma_start3A_200 : memref<8000xf32, #tpu.memory_space<hbm>>) target(%arg11 : memref<8000xf32, #tpu.memory_space<vmem>>) target_semaphore(%arg14 : memref<!tpu.dma_semaphore, #tpu.memory_space<semaphore_mem>>)
    %scan3A_201 = arith.constant 0 : i32
    %scan3A_202 = arith.constant 0 : i32
    %scan3A_203 = arith.constant 20 : i32
    %scan3A_204 = arith.addi %scan3A_202, %scan3A_203 : i32
    %scan3A_205 = arith.constant 1 : i32
    %scan3A_206 = scf.for %scan3A_463 = %scan3A_202 to %scan3A_204 step %scan3A_205 iter_args(%scan3A_464 = %scan3A_201) -> (i32)  : i32 {
      %mul3A_465 = arith.constant 2 : i32
      %mul3A_466 = arith.muli %mul3A_465, %scan3A_463 : i32
      %add3A_467 = arith.constant 1 : i32
      %add3A_468 = arith.addi %mul3A_466, %add3A_467 : i32
      %mul3A_469 = arith.constant 8000 : i32
      %mul3A_470 = arith.muli %add3A_468, %mul3A_469 : i32
      %dma_start3A_471 = tpu.memref_slice %arg3[%mul3A_470] : memref<320000xi32, #tpu.memory_space<hbm>> -> memref<8000xi32, #tpu.memory_space<hbm>>
      %dma_start3A_472 = tpu.memref_slice %arg3[%mul3A_470] : memref<320000xi32, #tpu.memory_space<hbm>> -> memref<8000xi32, #tpu.memory_space<hbm>>
      tpu.enqueue_dma source(%dma_start3A_472 : memref<8000xi32, #tpu.memory_space<hbm>>) target(%arg12 : memref<8000xi32, #tpu.memory_space<vmem>>) target_semaphore(%arg15 : memref<!tpu.dma_semaphore, #tpu.memory_space<semaphore_mem>>)
      %dma_start3A_473 = tpu.memref_slice %arg5[%mul3A_470] : memref<320000xf32, #tpu.memory_space<hbm>> -> memref<8000xf32, #tpu.memory_space<hbm>>
      %dma_start3A_474 = tpu.memref_slice %arg5[%mul3A_470] : memref<320000xf32, #tpu.memory_space<hbm>> -> memref<8000xf32, #tpu.memory_space<hbm>>
      tpu.enqueue_dma source(%dma_start3A_474 : memref<8000xf32, #tpu.memory_space<hbm>>) target(%arg13 : memref<8000xf32, #tpu.memory_space<vmem>>) target_semaphore(%arg15 : memref<!tpu.dma_semaphore, #tpu.memory_space<semaphore_mem>>)
      %mul3A_475 = arith.constant 2 : i32
      %mul3A_476 = arith.muli %mul3A_475, %scan3A_463 : i32
      %mul3A_477 = arith.constant 8000 : i32
      %mul3A_478 = arith.muli %mul3A_476, %mul3A_477 : i32
      %dma_wait3A_479 = tpu.memref_slice %arg3[%mul3A_478] : memref<320000xi32, #tpu.memory_space<hbm>> -> memref<8000xi32, #tpu.memory_space<hbm>>
      %dma_wait3A_480 = tpu.memref_slice %arg3[%mul3A_478] : memref<320000xi32, #tpu.memory_space<hbm>> -> memref<8000xi32, #tpu.memory_space<hbm>>
      tpu.wait_dma2 semaphore(%arg14 : memref<!tpu.dma_semaphore, #tpu.memory_space<semaphore_mem>>) src(%dma_wait3A_480 : memref<8000xi32, #tpu.memory_space<hbm>>) dst(%arg10 : memref<8000xi32, #tpu.memory_space<vmem>>)
      %dma_wait3A_481 = tpu.memref_slice %arg5[%mul3A_478] : memref<320000xf32, #tpu.memory_space<hbm>> -> memref<8000xf32, #tpu.memory_space<hbm>>
      %dma_wait3A_482 = tpu.memref_slice %arg5[%mul3A_478] : memref<320000xf32, #tpu.memory_space<hbm>> -> memref<8000xf32, #tpu.memory_space<hbm>>
      tpu.wait_dma2 semaphore(%arg14 : memref<!tpu.dma_semaphore, #tpu.memory_space<semaphore_mem>>) src(%dma_wait3A_482 : memref<8000xf32, #tpu.memory_space<hbm>>) dst(%arg11 : memref<8000xf32, #tpu.memory_space<vmem>>)
      %parallel_loop3A_483 = arith.constant 0 : i32
      %parallel_loop3A_484 = arith.constant 500 : i32
      %parallel_loop3A_485 = arith.constant 1 : i32
      scf.for %parallel_loop3A_496 = %parallel_loop3A_483 to %parallel_loop3A_484 step %parallel_loop3A_485  : i32 {
        %parallel_loop3A_497 = arith.constant 16 : i32
        %parallel_loop3A_498 = arith.muli %parallel_loop3A_496, %parallel_loop3A_497 : i32
        %parallel_loop3A_499 = arith.index_cast %parallel_loop3A_498 : i32 to index
        %parallel_loop3A_500 = tpu.vector_load %arg10[%parallel_loop3A_499] {strides = array<i32>} : memref<8000xi32, #tpu.memory_space<vmem>>, vector<16xi32>,
        %parallel_loop3A_501 = arith.index_cast %parallel_loop3A_498 : i32 to index
        %parallel_loop3A_502 = tpu.vector_load %arg11[%parallel_loop3A_501] {strides = array<i32>} : memref<8000xf32, #tpu.memory_space<vmem>>, vector<16xf32>,
        %parallel_loop3A_503 = arith.constant 65535 : i32
        %parallel_loop3A_504 = vector.broadcast %parallel_loop3A_503 : i32 to vector<16xi32>
        %parallel_loop3A_505 = arith.andi %parallel_loop3A_500, %parallel_loop3A_504 : vector<16xi32>
        %parallel_loop3A_506 = arith.constant 16 : i32
        %parallel_loop3A_507 = vector.broadcast %parallel_loop3A_506 : i32 to vector<16xi32>
        %parallel_loop3A_508 = arith.shrsi %parallel_loop3A_500, %parallel_loop3A_507 : vector<16xi32>
        %parallel_loop3A_509 = tpu.vector_load_idx %arg8[%parallel_loop3A_505] : memref<40000xf32, #tpu.memory_space<vmem>>[vector<16xi32>], vector<16xf32>,
        %parallel_loop3A_510 = arith.mulf %parallel_loop3A_509, %parallel_loop3A_502 : vector<16xf32>
        tpu.vector_store_idx %arg9[%parallel_loop3A_508], %parallel_loop3A_510 {add = true} : memref<40000xf32, #tpu.memory_space<vmem>>[vector<16xi32>], vector<16xf32>,
        %parallel_loop3A_511 = arith.constant 10000 : i32
        %parallel_loop3A_512 = vector.broadcast %parallel_loop3A_511 : i32 to vector<16xi32>
        %parallel_loop3A_513 = arith.addi %parallel_loop3A_505, %parallel_loop3A_512 : vector<16xi32>
        %parallel_loop3A_514 = arith.constant 10000 : i32
        %parallel_loop3A_515 = vector.broadcast %parallel_loop3A_514 : i32 to vector<16xi32>
        %parallel_loop3A_516 = arith.addi %parallel_loop3A_508, %parallel_loop3A_515 : vector<16xi32>
        %parallel_loop3A_517 = tpu.vector_load_idx %arg8[%parallel_loop3A_513] : memref<40000xf32, #tpu.memory_space<vmem>>[vector<16xi32>], vector<16xf32>,
        %parallel_loop3A_518 = arith.mulf %parallel_loop3A_517, %parallel_loop3A_502 : vector<16xf32>
        tpu.vector_store_idx %arg9[%parallel_loop3A_516], %parallel_loop3A_518 {add = true} : memref<40000xf32, #tpu.memory_space<vmem>>[vector<16xi32>], vector<16xf32>,
        %parallel_loop3A_519 = arith.constant 20000 : i32
        %parallel_loop3A_520 = vector.broadcast %parallel_loop3A_519 : i32 to vector<16xi32>
        %parallel_loop3A_521 = arith.addi %parallel_loop3A_505, %parallel_loop3A_520 : vector<16xi32>
        %parallel_loop3A_522 = arith.constant 20000 : i32
        %parallel_loop3A_523 = vector.broadcast %parallel_loop3A_522 : i32 to vector<16xi32>
        %parallel_loop3A_524 = arith.addi %parallel_loop3A_508, %parallel_loop3A_523 : vector<16xi32>
        %parallel_loop3A_525 = tpu.vector_load_idx %arg8[%parallel_loop3A_521] : memref<40000xf32, #tpu.memory_space<vmem>>[vector<16xi32>], vector<16xf32>,
        %parallel_loop3A_526 = arith.mulf %parallel_loop3A_525, %parallel_loop3A_502 : vector<16xf32>
        tpu.vector_store_idx %arg9[%parallel_loop3A_524], %parallel_loop3A_526 {add = true} : memref<40000xf32, #tpu.memory_space<vmem>>[vector<16xi32>], vector<16xf32>,
        %parallel_loop3A_527 = arith.constant 30000 : i32
        %parallel_loop3A_528 = vector.broadcast %parallel_loop3A_527 : i32 to vector<16xi32>
        %parallel_loop3A_529 = arith.addi %parallel_loop3A_505, %parallel_loop3A_528 : vector<16xi32>
        %parallel_loop3A_530 = arith.constant 30000 : i32
        %parallel_loop3A_531 = vector.broadcast %parallel_loop3A_530 : i32 to vector<16xi32>
        %parallel_loop3A_532 = arith.addi %parallel_loop3A_508, %parallel_loop3A_531 : vector<16xi32>
        %parallel_loop3A_533 = tpu.vector_load_idx %arg8[%parallel_loop3A_529] : memref<40000xf32, #tpu.memory_space<vmem>>[vector<16xi32>], vector<16xf32>,
        %parallel_loop3A_534 = arith.mulf %parallel_loop3A_533, %parallel_loop3A_502 : vector<16xf32>
        tpu.vector_store_idx %arg9[%parallel_loop3A_532], %parallel_loop3A_534 {add = true} : memref<40000xf32, #tpu.memory_space<vmem>>[vector<16xi32>], vector<16xf32>,
      } {sc.loop_unroll_factor = 2 : i64, sc.parallel_access}
      %lt3A = arith.constant 19 : i32
      %lt3A_486 = arith.cmpi slt, %scan3A_463, %lt3A : i32
      %convert_element_type3A = arith.extui %lt3A_486 : i1 to i32
      %cond3A = arith.constant 0 : i32
      %cond3A_487 = arith.cmpi ne, %convert_element_type3A, %cond3A : i32
      scf.if %cond3A_487 {
        %mul3A_496 = arith.constant 2 : i32
        %mul3A_497 = arith.muli %mul3A_496, %scan3A_463 : i32
        %add3A_498 = arith.constant 2 : i32
        %add3A_499 = arith.addi %mul3A_497, %add3A_498 : i32
        %mul3A_500 = arith.constant 8000 : i32
        %mul3A_501 = arith.muli %add3A_499, %mul3A_500 : i32
        %dma_start3A_502 = tpu.memref_slice %arg3[%mul3A_501] : memref<320000xi32, #tpu.memory_space<hbm>> -> memref<8000xi32, #tpu.memory_space<hbm>>
        %dma_start3A_503 = tpu.memref_slice %arg3[%mul3A_501] : memref<320000xi32, #tpu.memory_space<hbm>> -> memref<8000xi32, #tpu.memory_space<hbm>>
        tpu.enqueue_dma source(%dma_start3A_503 : memref<8000xi32, #tpu.memory_space<hbm>>) target(%arg10 : memref<8000xi32, #tpu.memory_space<vmem>>) target_semaphore(%arg14 : memref<!tpu.dma_semaphore, #tpu.memory_space<semaphore_mem>>)
        %dma_start3A_504 = tpu.memref_slice %arg5[%mul3A_501] : memref<320000xf32, #tpu.memory_space<hbm>> -> memref<8000xf32, #tpu.memory_space<hbm>>
        %dma_start3A_505 = tpu.memref_slice %arg5[%mul3A_501] : memref<320000xf32, #tpu.memory_space<hbm>> -> memref<8000xf32, #tpu.memory_space<hbm>>
        tpu.enqueue_dma source(%dma_start3A_505 : memref<8000xf32, #tpu.memory_space<hbm>>) target(%arg11 : memref<8000xf32, #tpu.memory_space<vmem>>) target_semaphore(%arg14 : memref<!tpu.dma_semaphore, #tpu.memory_space<semaphore_mem>>)
      } else {
      }
      %dma_wait3A_488 = tpu.memref_slice %arg3[%mul3A_470] : memref<320000xi32, #tpu.memory_space<hbm>> -> memref<8000xi32, #tpu.memory_space<hbm>>
      %dma_wait3A_489 = tpu.memref_slice %arg3[%mul3A_470] : memref<320000xi32, #tpu.memory_space<hbm>> -> memref<8000xi32, #tpu.memory_space<hbm>>
      tpu.wait_dma2 semaphore(%arg15 : memref<!tpu.dma_semaphore, #tpu.memory_space<semaphore_mem>>) src(%dma_wait3A_489 : memref<8000xi32, #tpu.memory_space<hbm>>) dst(%arg12 : memref<8000xi32, #tpu.memory_space<vmem>>)
      %dma_wait3A_490 = tpu.memref_slice %arg5[%mul3A_470] : memref<320000xf32, #tpu.memory_space<hbm>> -> memref<8000xf32, #tpu.memory_space<hbm>>
      %dma_wait3A_491 = tpu.memref_slice %arg5[%mul3A_470] : memref<320000xf32, #tpu.memory_space<hbm>> -> memref<8000xf32, #tpu.memory_space<hbm>>
      tpu.wait_dma2 semaphore(%arg15 : memref<!tpu.dma_semaphore, #tpu.memory_space<semaphore_mem>>) src(%dma_wait3A_491 : memref<8000xf32, #tpu.memory_space<hbm>>) dst(%arg13 : memref<8000xf32, #tpu.memory_space<vmem>>)
      %parallel_loop3A_492 = arith.constant 0 : i32
      %parallel_loop3A_493 = arith.constant 500 : i32
      %parallel_loop3A_494 = arith.constant 1 : i32
      scf.for %parallel_loop3A_496 = %parallel_loop3A_492 to %parallel_loop3A_493 step %parallel_loop3A_494  : i32 {
        %parallel_loop3A_497 = arith.constant 16 : i32
        %parallel_loop3A_498 = arith.muli %parallel_loop3A_496, %parallel_loop3A_497 : i32
        %parallel_loop3A_499 = arith.index_cast %parallel_loop3A_498 : i32 to index
        %parallel_loop3A_500 = tpu.vector_load %arg12[%parallel_loop3A_499] {strides = array<i32>} : memref<8000xi32, #tpu.memory_space<vmem>>, vector<16xi32>,
        %parallel_loop3A_501 = arith.index_cast %parallel_loop3A_498 : i32 to index
        %parallel_loop3A_502 = tpu.vector_load %arg13[%parallel_loop3A_501] {strides = array<i32>} : memref<8000xf32, #tpu.memory_space<vmem>>, vector<16xf32>,
        %parallel_loop3A_503 = arith.constant 65535 : i32
        %parallel_loop3A_504 = vector.broadcast %parallel_loop3A_503 : i32 to vector<16xi32>
        %parallel_loop3A_505 = arith.andi %parallel_loop3A_500, %parallel_loop3A_504 : vector<16xi32>
        %parallel_loop3A_506 = arith.constant 16 : i32
        %parallel_loop3A_507 = vector.broadcast %parallel_loop3A_506 : i32 to vector<16xi32>
        %parallel_loop3A_508 = arith.shrsi %parallel_loop3A_500, %parallel_loop3A_507 : vector<16xi32>
        %parallel_loop3A_509 = tpu.vector_load_idx %arg8[%parallel_loop3A_505] : memref<40000xf32, #tpu.memory_space<vmem>>[vector<16xi32>], vector<16xf32>,
        %parallel_loop3A_510 = arith.mulf %parallel_loop3A_509, %parallel_loop3A_502 : vector<16xf32>
        tpu.vector_store_idx %arg9[%parallel_loop3A_508], %parallel_loop3A_510 {add = true} : memref<40000xf32, #tpu.memory_space<vmem>>[vector<16xi32>], vector<16xf32>,
        %parallel_loop3A_511 = arith.constant 10000 : i32
        %parallel_loop3A_512 = vector.broadcast %parallel_loop3A_511 : i32 to vector<16xi32>
        %parallel_loop3A_513 = arith.addi %parallel_loop3A_505, %parallel_loop3A_512 : vector<16xi32>
        %parallel_loop3A_514 = arith.constant 10000 : i32
        %parallel_loop3A_515 = vector.broadcast %parallel_loop3A_514 : i32 to vector<16xi32>
        %parallel_loop3A_516 = arith.addi %parallel_loop3A_508, %parallel_loop3A_515 : vector<16xi32>
        %parallel_loop3A_517 = tpu.vector_load_idx %arg8[%parallel_loop3A_513] : memref<40000xf32, #tpu.memory_space<vmem>>[vector<16xi32>], vector<16xf32>,
        %parallel_loop3A_518 = arith.mulf %parallel_loop3A_517, %parallel_loop3A_502 : vector<16xf32>
        tpu.vector_store_idx %arg9[%parallel_loop3A_516], %parallel_loop3A_518 {add = true} : memref<40000xf32, #tpu.memory_space<vmem>>[vector<16xi32>], vector<16xf32>,
        %parallel_loop3A_519 = arith.constant 20000 : i32
        %parallel_loop3A_520 = vector.broadcast %parallel_loop3A_519 : i32 to vector<16xi32>
        %parallel_loop3A_521 = arith.addi %parallel_loop3A_505, %parallel_loop3A_520 : vector<16xi32>
        %parallel_loop3A_522 = arith.constant 20000 : i32
        %parallel_loop3A_523 = vector.broadcast %parallel_loop3A_522 : i32 to vector<16xi32>
        %parallel_loop3A_524 = arith.addi %parallel_loop3A_508, %parallel_loop3A_523 : vector<16xi32>
        %parallel_loop3A_525 = tpu.vector_load_idx %arg8[%parallel_loop3A_521] : memref<40000xf32, #tpu.memory_space<vmem>>[vector<16xi32>], vector<16xf32>,
        %parallel_loop3A_526 = arith.mulf %parallel_loop3A_525, %parallel_loop3A_502 : vector<16xf32>
        tpu.vector_store_idx %arg9[%parallel_loop3A_524], %parallel_loop3A_526 {add = true} : memref<40000xf32, #tpu.memory_space<vmem>>[vector<16xi32>], vector<16xf32>,
        %parallel_loop3A_527 = arith.constant 30000 : i32
        %parallel_loop3A_528 = vector.broadcast %parallel_loop3A_527 : i32 to vector<16xi32>
        %parallel_loop3A_529 = arith.addi %parallel_loop3A_505, %parallel_loop3A_528 : vector<16xi32>
        %parallel_loop3A_530 = arith.constant 30000 : i32
        %parallel_loop3A_531 = vector.broadcast %parallel_loop3A_530 : i32 to vector<16xi32>
        %parallel_loop3A_532 = arith.addi %parallel_loop3A_508, %parallel_loop3A_531 : vector<16xi32>
        %parallel_loop3A_533 = tpu.vector_load_idx %arg8[%parallel_loop3A_529] : memref<40000xf32, #tpu.memory_space<vmem>>[vector<16xi32>], vector<16xf32>,
        %parallel_loop3A_534 = arith.mulf %parallel_loop3A_533, %parallel_loop3A_502 : vector<16xf32>
        tpu.vector_store_idx %arg9[%parallel_loop3A_532], %parallel_loop3A_534 {add = true} : memref<40000xf32, #tpu.memory_space<vmem>>[vector<16xi32>], vector<16xf32>,
      } {sc.loop_unroll_factor = 2 : i64, sc.parallel_access}
      %scan3A_495 = arith.constant 0 : i32
      scf.yield %scan3A_495 : i32
    }
    %scan3A_207 = arith.constant 20 : i32
    %add3A_208 = arith.constant 256 : i32
    %add3A_209 = arith.addi %add3A_208, %mul3A_2 : i32
    %add3A_210 = arith.constant 0 : i32
    %add3A_211 = arith.addi %add3A_209, %add3A_210 : i32
    %mul3A_212 = arith.constant 10240 : i32
    %mul3A_213 = arith.muli %add3A_211, %mul3A_212 : i32
    %dma_start3A_214 = arith.constant 0 : i32
    %dma_start3A_215 = tpu.memref_slice %arg9[%dma_start3A_214] : memref<40000xf32, #tpu.memory_space<vmem>> -> memref<10000xf32, #tpu.memory_space<vmem>>
    %dma_start3A_216 = tpu.memref_slice %arg7[%mul3A_213] : memref<5242880xf32, #tpu.memory_space<hbm>> -> memref<10000xf32, #tpu.memory_space<hbm>>
    %dma_start3A_217 = tpu.memref_slice %arg7[%mul3A_213] : memref<5242880xf32, #tpu.memory_space<hbm>> -> memref<10000xf32, #tpu.memory_space<hbm>>
    %dma_start3A_218 = arith.constant 0 : i32
    %dma_start3A_219 = tpu.memref_slice %arg9[%dma_start3A_218] : memref<40000xf32, #tpu.memory_space<vmem>> -> memref<10000xf32, #tpu.memory_space<vmem>>
    tpu.enqueue_dma source(%dma_start3A_219 : memref<10000xf32, #tpu.memory_space<vmem>>) target(%dma_start3A_217 : memref<10000xf32, #tpu.memory_space<hbm>>) target_semaphore(%arg16 : memref<!tpu.dma_semaphore, #tpu.memory_space<semaphore_mem>>)
    %add3A_220 = arith.constant 256 : i32
    %add3A_221 = arith.addi %add3A_220, %mul3A_2 : i32
    %add3A_222 = arith.constant 1 : i32
    %add3A_223 = arith.addi %add3A_221, %add3A_222 : i32
    %mul3A_224 = arith.constant 10240 : i32
    %mul3A_225 = arith.muli %add3A_223, %mul3A_224 : i32
    %dma_start3A_226 = arith.constant 10000 : i32
    %dma_start3A_227 = tpu.memref_slice %arg9[%dma_start3A_226] : memref<40000xf32, #tpu.memory_space<vmem>> -> memref<10000xf32, #tpu.memory_space<vmem>>
    %dma_start3A_228 = tpu.memref_slice %arg7[%mul3A_225] : memref<5242880xf32, #tpu.memory_space<hbm>> -> memref<10000xf32, #tpu.memory_space<hbm>>
    %dma_start3A_229 = tpu.memref_slice %arg7[%mul3A_225] : memref<5242880xf32, #tpu.memory_space<hbm>> -> memref<10000xf32, #tpu.memory_space<hbm>>
    %dma_start3A_230 = arith.constant 10000 : i32
    %dma_start3A_231 = tpu.memref_slice %arg9[%dma_start3A_230] : memref<40000xf32, #tpu.memory_space<vmem>> -> memref<10000xf32, #tpu.memory_space<vmem>>
    tpu.enqueue_dma source(%dma_start3A_231 : memref<10000xf32, #tpu.memory_space<vmem>>) target(%dma_start3A_229 : memref<10000xf32, #tpu.memory_space<hbm>>) target_semaphore(%arg16 : memref<!tpu.dma_semaphore, #tpu.memory_space<semaphore_mem>>)
    %add3A_232 = arith.constant 256 : i32
    %add3A_233 = arith.addi %add3A_232, %mul3A_2 : i32
    %add3A_234 = arith.constant 2 : i32
    %add3A_235 = arith.addi %add3A_233, %add3A_234 : i32
    %mul3A_236 = arith.constant 10240 : i32
    %mul3A_237 = arith.muli %add3A_235, %mul3A_236 : i32
    %dma_start3A_238 = arith.constant 20000 : i32
    %dma_start3A_239 = tpu.memref_slice %arg9[%dma_start3A_238] : memref<40000xf32, #tpu.memory_space<vmem>> -> memref<10000xf32, #tpu.memory_space<vmem>>
    %dma_start3A_240 = tpu.memref_slice %arg7[%mul3A_237] : memref<5242880xf32, #tpu.memory_space<hbm>> -> memref<10000xf32, #tpu.memory_space<hbm>>
    %dma_start3A_241 = tpu.memref_slice %arg7[%mul3A_237] : memref<5242880xf32, #tpu.memory_space<hbm>> -> memref<10000xf32, #tpu.memory_space<hbm>>
    %dma_start3A_242 = arith.constant 20000 : i32
    %dma_start3A_243 = tpu.memref_slice %arg9[%dma_start3A_242] : memref<40000xf32, #tpu.memory_space<vmem>> -> memref<10000xf32, #tpu.memory_space<vmem>>
    tpu.enqueue_dma source(%dma_start3A_243 : memref<10000xf32, #tpu.memory_space<vmem>>) target(%dma_start3A_241 : memref<10000xf32, #tpu.memory_space<hbm>>) target_semaphore(%arg16 : memref<!tpu.dma_semaphore, #tpu.memory_space<semaphore_mem>>)
    %add3A_244 = arith.constant 256 : i32
    %add3A_245 = arith.addi %add3A_244, %mul3A_2 : i32
    %add3A_246 = arith.constant 3 : i32
    %add3A_247 = arith.addi %add3A_245, %add3A_246 : i32
    %mul3A_248 = arith.constant 10240 : i32
    %mul3A_249 = arith.muli %add3A_247, %mul3A_248 : i32
    %dma_start3A_250 = arith.constant 30000 : i32
    %dma_start3A_251 = tpu.memref_slice %arg9[%dma_start3A_250] : memref<40000xf32, #tpu.memory_space<vmem>> -> memref<10000xf32, #tpu.memory_space<vmem>>
    %dma_start3A_252 = tpu.memref_slice %arg7[%mul3A_249] : memref<5242880xf32, #tpu.memory_space<hbm>> -> memref<10000xf32, #tpu.memory_space<hbm>>
    %dma_start3A_253 = tpu.memref_slice %arg7[%mul3A_249] : memref<5242880xf32, #tpu.memory_space<hbm>> -> memref<10000xf32, #tpu.memory_space<hbm>>
    %dma_start3A_254 = arith.constant 30000 : i32
    %dma_start3A_255 = tpu.memref_slice %arg9[%dma_start3A_254] : memref<40000xf32, #tpu.memory_space<vmem>> -> memref<10000xf32, #tpu.memory_space<vmem>>
    tpu.enqueue_dma source(%dma_start3A_255 : memref<10000xf32, #tpu.memory_space<vmem>>) target(%dma_start3A_253 : memref<10000xf32, #tpu.memory_space<hbm>>) target_semaphore(%arg16 : memref<!tpu.dma_semaphore, #tpu.memory_space<semaphore_mem>>)
    %add3A_256 = arith.constant 128 : i32
    %add3A_257 = arith.addi %add3A_256, %mul3A_2 : i32
    %add3A_258 = arith.constant 0 : i32
    %add3A_259 = arith.addi %add3A_257, %add3A_258 : i32
    %mul3A_260 = arith.constant 10240 : i32
    %mul3A_261 = arith.muli %add3A_259, %mul3A_260 : i32
    %dma_wait3A_262 = arith.constant 0 : i32
    %dma_wait3A_263 = tpu.memref_slice %arg8[%dma_wait3A_262] : memref<40000xf32, #tpu.memory_space<vmem>> -> memref<10000xf32, #tpu.memory_space<vmem>>
    %dma_wait3A_264 = tpu.memref_slice %arg7[%mul3A_261] : memref<5242880xf32, #tpu.memory_space<hbm>> -> memref<10000xf32, #tpu.memory_space<hbm>>
    %dma_wait3A_265 = tpu.memref_slice %arg7[%mul3A_261] : memref<5242880xf32, #tpu.memory_space<hbm>> -> memref<10000xf32, #tpu.memory_space<hbm>>
    %dma_wait3A_266 = arith.constant 0 : i32
    %dma_wait3A_267 = tpu.memref_slice %arg8[%dma_wait3A_266] : memref<40000xf32, #tpu.memory_space<vmem>> -> memref<10000xf32, #tpu.memory_space<vmem>>
    tpu.wait_dma2 semaphore(%arg17 : memref<!tpu.dma_semaphore, #tpu.memory_space<semaphore_mem>>) src(%dma_wait3A_267 : memref<10000xf32, #tpu.memory_space<vmem>>) dst(%dma_wait3A_265 : memref<10000xf32, #tpu.memory_space<hbm>>)
    %add3A_268 = arith.constant 128 : i32
    %add3A_269 = arith.addi %add3A_268, %mul3A_2 : i32
    %add3A_270 = arith.constant 1 : i32
    %add3A_271 = arith.addi %add3A_269, %add3A_270 : i32
    %mul3A_272 = arith.constant 10240 : i32
    %mul3A_273 = arith.muli %add3A_271, %mul3A_272 : i32
    %dma_wait3A_274 = arith.constant 10000 : i32
    %dma_wait3A_275 = tpu.memref_slice %arg8[%dma_wait3A_274] : memref<40000xf32, #tpu.memory_space<vmem>> -> memref<10000xf32, #tpu.memory_space<vmem>>
    %dma_wait3A_276 = tpu.memref_slice %arg7[%mul3A_273] : memref<5242880xf32, #tpu.memory_space<hbm>> -> memref<10000xf32, #tpu.memory_space<hbm>>
    %dma_wait3A_277 = tpu.memref_slice %arg7[%mul3A_273] : memref<5242880xf32, #tpu.memory_space<hbm>> -> memref<10000xf32, #tpu.memory_space<hbm>>
    %dma_wait3A_278 = arith.constant 10000 : i32
    %dma_wait3A_279 = tpu.memref_slice %arg8[%dma_wait3A_278] : memref<40000xf32, #tpu.memory_space<vmem>> -> memref<10000xf32, #tpu.memory_space<vmem>>
    tpu.wait_dma2 semaphore(%arg17 : memref<!tpu.dma_semaphore, #tpu.memory_space<semaphore_mem>>) src(%dma_wait3A_279 : memref<10000xf32, #tpu.memory_space<vmem>>) dst(%dma_wait3A_277 : memref<10000xf32, #tpu.memory_space<hbm>>)
    %add3A_280 = arith.constant 128 : i32
    %add3A_281 = arith.addi %add3A_280, %mul3A_2 : i32
    %add3A_282 = arith.constant 2 : i32
    %add3A_283 = arith.addi %add3A_281, %add3A_282 : i32
    %mul3A_284 = arith.constant 10240 : i32
    %mul3A_285 = arith.muli %add3A_283, %mul3A_284 : i32
    %dma_wait3A_286 = arith.constant 20000 : i32
    %dma_wait3A_287 = tpu.memref_slice %arg8[%dma_wait3A_286] : memref<40000xf32, #tpu.memory_space<vmem>> -> memref<10000xf32, #tpu.memory_space<vmem>>
    %dma_wait3A_288 = tpu.memref_slice %arg7[%mul3A_285] : memref<5242880xf32, #tpu.memory_space<hbm>> -> memref<10000xf32, #tpu.memory_space<hbm>>
    %dma_wait3A_289 = tpu.memref_slice %arg7[%mul3A_285] : memref<5242880xf32, #tpu.memory_space<hbm>> -> memref<10000xf32, #tpu.memory_space<hbm>>
    %dma_wait3A_290 = arith.constant 20000 : i32
    %dma_wait3A_291 = tpu.memref_slice %arg8[%dma_wait3A_290] : memref<40000xf32, #tpu.memory_space<vmem>> -> memref<10000xf32, #tpu.memory_space<vmem>>
    tpu.wait_dma2 semaphore(%arg17 : memref<!tpu.dma_semaphore, #tpu.memory_space<semaphore_mem>>) src(%dma_wait3A_291 : memref<10000xf32, #tpu.memory_space<vmem>>) dst(%dma_wait3A_289 : memref<10000xf32, #tpu.memory_space<hbm>>)
    %add3A_292 = arith.constant 128 : i32
    %add3A_293 = arith.addi %add3A_292, %mul3A_2 : i32
    %add3A_294 = arith.constant 3 : i32
    %add3A_295 = arith.addi %add3A_293, %add3A_294 : i32
    %mul3A_296 = arith.constant 10240 : i32
    %mul3A_297 = arith.muli %add3A_295, %mul3A_296 : i32
    %dma_wait3A_298 = arith.constant 30000 : i32
    %dma_wait3A_299 = tpu.memref_slice %arg8[%dma_wait3A_298] : memref<40000xf32, #tpu.memory_space<vmem>> -> memref<10000xf32, #tpu.memory_space<vmem>>
    %dma_wait3A_300 = tpu.memref_slice %arg7[%mul3A_297] : memref<5242880xf32, #tpu.memory_space<hbm>> -> memref<10000xf32, #tpu.memory_space<hbm>>
    %dma_wait3A_301 = tpu.memref_slice %arg7[%mul3A_297] : memref<5242880xf32, #tpu.memory_space<hbm>> -> memref<10000xf32, #tpu.memory_space<hbm>>
    %dma_wait3A_302 = arith.constant 30000 : i32
    %dma_wait3A_303 = tpu.memref_slice %arg8[%dma_wait3A_302] : memref<40000xf32, #tpu.memory_space<vmem>> -> memref<10000xf32, #tpu.memory_space<vmem>>
    tpu.wait_dma2 semaphore(%arg17 : memref<!tpu.dma_semaphore, #tpu.memory_space<semaphore_mem>>) src(%dma_wait3A_303 : memref<10000xf32, #tpu.memory_space<vmem>>) dst(%dma_wait3A_301 : memref<10000xf32, #tpu.memory_space<hbm>>)
    %dma_start3A_304 = arith.constant 0 : i32
    %dma_start3A_305 = tpu.memref_slice %arg3[%dma_start3A_304] : memref<320000xi32, #tpu.memory_space<hbm>> -> memref<8000xi32, #tpu.memory_space<hbm>>
    %dma_start3A_306 = arith.constant 0 : i32
    %dma_start3A_307 = tpu.memref_slice %arg3[%dma_start3A_306] : memref<320000xi32, #tpu.memory_space<hbm>> -> memref<8000xi32, #tpu.memory_space<hbm>>
    tpu.enqueue_dma source(%dma_start3A_307 : memref<8000xi32, #tpu.memory_space<hbm>>) target(%arg10 : memref<8000xi32, #tpu.memory_space<vmem>>) target_semaphore(%arg14 : memref<!tpu.dma_semaphore, #tpu.memory_space<semaphore_mem>>)
    %dma_start3A_308 = arith.constant 0 : i32
    %dma_start3A_309 = tpu.memref_slice %arg6[%dma_start3A_308] : memref<320000xf32, #tpu.memory_space<hbm>> -> memref<8000xf32, #tpu.memory_space<hbm>>
    %dma_start3A_310 = arith.constant 0 : i32
    %dma_start3A_311 = tpu.memref_slice %arg6[%dma_start3A_310] : memref<320000xf32, #tpu.memory_space<hbm>> -> memref<8000xf32, #tpu.memory_space<hbm>>
    tpu.enqueue_dma source(%dma_start3A_311 : memref<8000xf32, #tpu.memory_space<hbm>>) target(%arg11 : memref<8000xf32, #tpu.memory_space<vmem>>) target_semaphore(%arg14 : memref<!tpu.dma_semaphore, #tpu.memory_space<semaphore_mem>>)
    %scan3A_312 = arith.constant 0 : i32
    %scan3A_313 = arith.constant 0 : i32
    %scan3A_314 = arith.constant 20 : i32
    %scan3A_315 = arith.addi %scan3A_313, %scan3A_314 : i32
    %scan3A_316 = arith.constant 1 : i32
    %scan3A_317 = scf.for %scan3A_463 = %scan3A_313 to %scan3A_315 step %scan3A_316 iter_args(%scan3A_464 = %scan3A_312) -> (i32)  : i32 {
      %mul3A_465 = arith.constant 2 : i32
      %mul3A_466 = arith.muli %mul3A_465, %scan3A_463 : i32
      %add3A_467 = arith.constant 1 : i32
      %add3A_468 = arith.addi %mul3A_466, %add3A_467 : i32
      %mul3A_469 = arith.constant 8000 : i32
      %mul3A_470 = arith.muli %add3A_468, %mul3A_469 : i32
      %dma_start3A_471 = tpu.memref_slice %arg3[%mul3A_470] : memref<320000xi32, #tpu.memory_space<hbm>> -> memref<8000xi32, #tpu.memory_space<hbm>>
      %dma_start3A_472 = tpu.memref_slice %arg3[%mul3A_470] : memref<320000xi32, #tpu.memory_space<hbm>> -> memref<8000xi32, #tpu.memory_space<hbm>>
      tpu.enqueue_dma source(%dma_start3A_472 : memref<8000xi32, #tpu.memory_space<hbm>>) target(%arg12 : memref<8000xi32, #tpu.memory_space<vmem>>) target_semaphore(%arg15 : memref<!tpu.dma_semaphore, #tpu.memory_space<semaphore_mem>>)
      %dma_start3A_473 = tpu.memref_slice %arg6[%mul3A_470] : memref<320000xf32, #tpu.memory_space<hbm>> -> memref<8000xf32, #tpu.memory_space<hbm>>
      %dma_start3A_474 = tpu.memref_slice %arg6[%mul3A_470] : memref<320000xf32, #tpu.memory_space<hbm>> -> memref<8000xf32, #tpu.memory_space<hbm>>
      tpu.enqueue_dma source(%dma_start3A_474 : memref<8000xf32, #tpu.memory_space<hbm>>) target(%arg13 : memref<8000xf32, #tpu.memory_space<vmem>>) target_semaphore(%arg15 : memref<!tpu.dma_semaphore, #tpu.memory_space<semaphore_mem>>)
      %mul3A_475 = arith.constant 2 : i32
      %mul3A_476 = arith.muli %mul3A_475, %scan3A_463 : i32
      %mul3A_477 = arith.constant 8000 : i32
      %mul3A_478 = arith.muli %mul3A_476, %mul3A_477 : i32
      %dma_wait3A_479 = tpu.memref_slice %arg3[%mul3A_478] : memref<320000xi32, #tpu.memory_space<hbm>> -> memref<8000xi32, #tpu.memory_space<hbm>>
      %dma_wait3A_480 = tpu.memref_slice %arg3[%mul3A_478] : memref<320000xi32, #tpu.memory_space<hbm>> -> memref<8000xi32, #tpu.memory_space<hbm>>
      tpu.wait_dma2 semaphore(%arg14 : memref<!tpu.dma_semaphore, #tpu.memory_space<semaphore_mem>>) src(%dma_wait3A_480 : memref<8000xi32, #tpu.memory_space<hbm>>) dst(%arg10 : memref<8000xi32, #tpu.memory_space<vmem>>)
      %dma_wait3A_481 = tpu.memref_slice %arg6[%mul3A_478] : memref<320000xf32, #tpu.memory_space<hbm>> -> memref<8000xf32, #tpu.memory_space<hbm>>
      %dma_wait3A_482 = tpu.memref_slice %arg6[%mul3A_478] : memref<320000xf32, #tpu.memory_space<hbm>> -> memref<8000xf32, #tpu.memory_space<hbm>>
      tpu.wait_dma2 semaphore(%arg14 : memref<!tpu.dma_semaphore, #tpu.memory_space<semaphore_mem>>) src(%dma_wait3A_482 : memref<8000xf32, #tpu.memory_space<hbm>>) dst(%arg11 : memref<8000xf32, #tpu.memory_space<vmem>>)
      %parallel_loop3A_483 = arith.constant 0 : i32
      %parallel_loop3A_484 = arith.constant 500 : i32
      %parallel_loop3A_485 = arith.constant 1 : i32
      scf.for %parallel_loop3A_496 = %parallel_loop3A_483 to %parallel_loop3A_484 step %parallel_loop3A_485  : i32 {
        %parallel_loop3A_497 = arith.constant 16 : i32
        %parallel_loop3A_498 = arith.muli %parallel_loop3A_496, %parallel_loop3A_497 : i32
        %parallel_loop3A_499 = arith.index_cast %parallel_loop3A_498 : i32 to index
        %parallel_loop3A_500 = tpu.vector_load %arg10[%parallel_loop3A_499] {strides = array<i32>} : memref<8000xi32, #tpu.memory_space<vmem>>, vector<16xi32>,
        %parallel_loop3A_501 = arith.index_cast %parallel_loop3A_498 : i32 to index
        %parallel_loop3A_502 = tpu.vector_load %arg11[%parallel_loop3A_501] {strides = array<i32>} : memref<8000xf32, #tpu.memory_space<vmem>>, vector<16xf32>,
        %parallel_loop3A_503 = arith.constant 65535 : i32
        %parallel_loop3A_504 = vector.broadcast %parallel_loop3A_503 : i32 to vector<16xi32>
        %parallel_loop3A_505 = arith.andi %parallel_loop3A_500, %parallel_loop3A_504 : vector<16xi32>
        %parallel_loop3A_506 = arith.constant 16 : i32
        %parallel_loop3A_507 = vector.broadcast %parallel_loop3A_506 : i32 to vector<16xi32>
        %parallel_loop3A_508 = arith.shrsi %parallel_loop3A_500, %parallel_loop3A_507 : vector<16xi32>
        %parallel_loop3A_509 = tpu.vector_load_idx %arg9[%parallel_loop3A_505] : memref<40000xf32, #tpu.memory_space<vmem>>[vector<16xi32>], vector<16xf32>,
        %parallel_loop3A_510 = arith.mulf %parallel_loop3A_509, %parallel_loop3A_502 : vector<16xf32>
        tpu.vector_store_idx %arg8[%parallel_loop3A_508], %parallel_loop3A_510 {add = true} : memref<40000xf32, #tpu.memory_space<vmem>>[vector<16xi32>], vector<16xf32>,
        %parallel_loop3A_511 = arith.constant 10000 : i32
        %parallel_loop3A_512 = vector.broadcast %parallel_loop3A_511 : i32 to vector<16xi32>
        %parallel_loop3A_513 = arith.addi %parallel_loop3A_505, %parallel_loop3A_512 : vector<16xi32>
        %parallel_loop3A_514 = arith.constant 10000 : i32
        %parallel_loop3A_515 = vector.broadcast %parallel_loop3A_514 : i32 to vector<16xi32>
        %parallel_loop3A_516 = arith.addi %parallel_loop3A_508, %parallel_loop3A_515 : vector<16xi32>
        %parallel_loop3A_517 = tpu.vector_load_idx %arg9[%parallel_loop3A_513] : memref<40000xf32, #tpu.memory_space<vmem>>[vector<16xi32>], vector<16xf32>,
        %parallel_loop3A_518 = arith.mulf %parallel_loop3A_517, %parallel_loop3A_502 : vector<16xf32>
        tpu.vector_store_idx %arg8[%parallel_loop3A_516], %parallel_loop3A_518 {add = true} : memref<40000xf32, #tpu.memory_space<vmem>>[vector<16xi32>], vector<16xf32>,
        %parallel_loop3A_519 = arith.constant 20000 : i32
        %parallel_loop3A_520 = vector.broadcast %parallel_loop3A_519 : i32 to vector<16xi32>
        %parallel_loop3A_521 = arith.addi %parallel_loop3A_505, %parallel_loop3A_520 : vector<16xi32>
        %parallel_loop3A_522 = arith.constant 20000 : i32
        %parallel_loop3A_523 = vector.broadcast %parallel_loop3A_522 : i32 to vector<16xi32>
        %parallel_loop3A_524 = arith.addi %parallel_loop3A_508, %parallel_loop3A_523 : vector<16xi32>
        %parallel_loop3A_525 = tpu.vector_load_idx %arg9[%parallel_loop3A_521] : memref<40000xf32, #tpu.memory_space<vmem>>[vector<16xi32>], vector<16xf32>,
        %parallel_loop3A_526 = arith.mulf %parallel_loop3A_525, %parallel_loop3A_502 : vector<16xf32>
        tpu.vector_store_idx %arg8[%parallel_loop3A_524], %parallel_loop3A_526 {add = true} : memref<40000xf32, #tpu.memory_space<vmem>>[vector<16xi32>], vector<16xf32>,
        %parallel_loop3A_527 = arith.constant 30000 : i32
        %parallel_loop3A_528 = vector.broadcast %parallel_loop3A_527 : i32 to vector<16xi32>
        %parallel_loop3A_529 = arith.addi %parallel_loop3A_505, %parallel_loop3A_528 : vector<16xi32>
        %parallel_loop3A_530 = arith.constant 30000 : i32
        %parallel_loop3A_531 = vector.broadcast %parallel_loop3A_530 : i32 to vector<16xi32>
        %parallel_loop3A_532 = arith.addi %parallel_loop3A_508, %parallel_loop3A_531 : vector<16xi32>
        %parallel_loop3A_533 = tpu.vector_load_idx %arg9[%parallel_loop3A_529] : memref<40000xf32, #tpu.memory_space<vmem>>[vector<16xi32>], vector<16xf32>,
        %parallel_loop3A_534 = arith.mulf %parallel_loop3A_533, %parallel_loop3A_502 : vector<16xf32>
        tpu.vector_store_idx %arg8[%parallel_loop3A_532], %parallel_loop3A_534 {add = true} : memref<40000xf32, #tpu.memory_space<vmem>>[vector<16xi32>], vector<16xf32>,
      } {sc.loop_unroll_factor = 2 : i64, sc.parallel_access}
      %lt3A = arith.constant 19 : i32
      %lt3A_486 = arith.cmpi slt, %scan3A_463, %lt3A : i32
      %convert_element_type3A = arith.extui %lt3A_486 : i1 to i32
      %cond3A = arith.constant 0 : i32
      %cond3A_487 = arith.cmpi ne, %convert_element_type3A, %cond3A : i32
      scf.if %cond3A_487 {
        %mul3A_496 = arith.constant 2 : i32
        %mul3A_497 = arith.muli %mul3A_496, %scan3A_463 : i32
        %add3A_498 = arith.constant 2 : i32
        %add3A_499 = arith.addi %mul3A_497, %add3A_498 : i32
        %mul3A_500 = arith.constant 8000 : i32
        %mul3A_501 = arith.muli %add3A_499, %mul3A_500 : i32
        %dma_start3A_502 = tpu.memref_slice %arg3[%mul3A_501] : memref<320000xi32, #tpu.memory_space<hbm>> -> memref<8000xi32, #tpu.memory_space<hbm>>
        %dma_start3A_503 = tpu.memref_slice %arg3[%mul3A_501] : memref<320000xi32, #tpu.memory_space<hbm>> -> memref<8000xi32, #tpu.memory_space<hbm>>
        tpu.enqueue_dma source(%dma_start3A_503 : memref<8000xi32, #tpu.memory_space<hbm>>) target(%arg10 : memref<8000xi32, #tpu.memory_space<vmem>>) target_semaphore(%arg14 : memref<!tpu.dma_semaphore, #tpu.memory_space<semaphore_mem>>)
        %dma_start3A_504 = tpu.memref_slice %arg6[%mul3A_501] : memref<320000xf32, #tpu.memory_space<hbm>> -> memref<8000xf32, #tpu.memory_space<hbm>>
        %dma_start3A_505 = tpu.memref_slice %arg6[%mul3A_501] : memref<320000xf32, #tpu.memory_space<hbm>> -> memref<8000xf32, #tpu.memory_space<hbm>>
        tpu.enqueue_dma source(%dma_start3A_505 : memref<8000xf32, #tpu.memory_space<hbm>>) target(%arg11 : memref<8000xf32, #tpu.memory_space<vmem>>) target_semaphore(%arg14 : memref<!tpu.dma_semaphore, #tpu.memory_space<semaphore_mem>>)
      } else {
      }
      %dma_wait3A_488 = tpu.memref_slice %arg3[%mul3A_470] : memref<320000xi32, #tpu.memory_space<hbm>> -> memref<8000xi32, #tpu.memory_space<hbm>>
      %dma_wait3A_489 = tpu.memref_slice %arg3[%mul3A_470] : memref<320000xi32, #tpu.memory_space<hbm>> -> memref<8000xi32, #tpu.memory_space<hbm>>
      tpu.wait_dma2 semaphore(%arg15 : memref<!tpu.dma_semaphore, #tpu.memory_space<semaphore_mem>>) src(%dma_wait3A_489 : memref<8000xi32, #tpu.memory_space<hbm>>) dst(%arg12 : memref<8000xi32, #tpu.memory_space<vmem>>)
      %dma_wait3A_490 = tpu.memref_slice %arg6[%mul3A_470] : memref<320000xf32, #tpu.memory_space<hbm>> -> memref<8000xf32, #tpu.memory_space<hbm>>
      %dma_wait3A_491 = tpu.memref_slice %arg6[%mul3A_470] : memref<320000xf32, #tpu.memory_space<hbm>> -> memref<8000xf32, #tpu.memory_space<hbm>>
      tpu.wait_dma2 semaphore(%arg15 : memref<!tpu.dma_semaphore, #tpu.memory_space<semaphore_mem>>) src(%dma_wait3A_491 : memref<8000xf32, #tpu.memory_space<hbm>>) dst(%arg13 : memref<8000xf32, #tpu.memory_space<vmem>>)
      %parallel_loop3A_492 = arith.constant 0 : i32
      %parallel_loop3A_493 = arith.constant 500 : i32
      %parallel_loop3A_494 = arith.constant 1 : i32
      scf.for %parallel_loop3A_496 = %parallel_loop3A_492 to %parallel_loop3A_493 step %parallel_loop3A_494  : i32 {
        %parallel_loop3A_497 = arith.constant 16 : i32
        %parallel_loop3A_498 = arith.muli %parallel_loop3A_496, %parallel_loop3A_497 : i32
        %parallel_loop3A_499 = arith.index_cast %parallel_loop3A_498 : i32 to index
        %parallel_loop3A_500 = tpu.vector_load %arg12[%parallel_loop3A_499] {strides = array<i32>} : memref<8000xi32, #tpu.memory_space<vmem>>, vector<16xi32>,
        %parallel_loop3A_501 = arith.index_cast %parallel_loop3A_498 : i32 to index
        %parallel_loop3A_502 = tpu.vector_load %arg13[%parallel_loop3A_501] {strides = array<i32>} : memref<8000xf32, #tpu.memory_space<vmem>>, vector<16xf32>,
        %parallel_loop3A_503 = arith.constant 65535 : i32
        %parallel_loop3A_504 = vector.broadcast %parallel_loop3A_503 : i32 to vector<16xi32>
        %parallel_loop3A_505 = arith.andi %parallel_loop3A_500, %parallel_loop3A_504 : vector<16xi32>
        %parallel_loop3A_506 = arith.constant 16 : i32
        %parallel_loop3A_507 = vector.broadcast %parallel_loop3A_506 : i32 to vector<16xi32>
        %parallel_loop3A_508 = arith.shrsi %parallel_loop3A_500, %parallel_loop3A_507 : vector<16xi32>
        %parallel_loop3A_509 = tpu.vector_load_idx %arg9[%parallel_loop3A_505] : memref<40000xf32, #tpu.memory_space<vmem>>[vector<16xi32>], vector<16xf32>,
        %parallel_loop3A_510 = arith.mulf %parallel_loop3A_509, %parallel_loop3A_502 : vector<16xf32>
        tpu.vector_store_idx %arg8[%parallel_loop3A_508], %parallel_loop3A_510 {add = true} : memref<40000xf32, #tpu.memory_space<vmem>>[vector<16xi32>], vector<16xf32>,
        %parallel_loop3A_511 = arith.constant 10000 : i32
        %parallel_loop3A_512 = vector.broadcast %parallel_loop3A_511 : i32 to vector<16xi32>
        %parallel_loop3A_513 = arith.addi %parallel_loop3A_505, %parallel_loop3A_512 : vector<16xi32>
        %parallel_loop3A_514 = arith.constant 10000 : i32
        %parallel_loop3A_515 = vector.broadcast %parallel_loop3A_514 : i32 to vector<16xi32>
        %parallel_loop3A_516 = arith.addi %parallel_loop3A_508, %parallel_loop3A_515 : vector<16xi32>
        %parallel_loop3A_517 = tpu.vector_load_idx %arg9[%parallel_loop3A_513] : memref<40000xf32, #tpu.memory_space<vmem>>[vector<16xi32>], vector<16xf32>,
        %parallel_loop3A_518 = arith.mulf %parallel_loop3A_517, %parallel_loop3A_502 : vector<16xf32>
        tpu.vector_store_idx %arg8[%parallel_loop3A_516], %parallel_loop3A_518 {add = true} : memref<40000xf32, #tpu.memory_space<vmem>>[vector<16xi32>], vector<16xf32>,
        %parallel_loop3A_519 = arith.constant 20000 : i32
        %parallel_loop3A_520 = vector.broadcast %parallel_loop3A_519 : i32 to vector<16xi32>
        %parallel_loop3A_521 = arith.addi %parallel_loop3A_505, %parallel_loop3A_520 : vector<16xi32>
        %parallel_loop3A_522 = arith.constant 20000 : i32
        %parallel_loop3A_523 = vector.broadcast %parallel_loop3A_522 : i32 to vector<16xi32>
        %parallel_loop3A_524 = arith.addi %parallel_loop3A_508, %parallel_loop3A_523 : vector<16xi32>
        %parallel_loop3A_525 = tpu.vector_load_idx %arg9[%parallel_loop3A_521] : memref<40000xf32, #tpu.memory_space<vmem>>[vector<16xi32>], vector<16xf32>,
        %parallel_loop3A_526 = arith.mulf %parallel_loop3A_525, %parallel_loop3A_502 : vector<16xf32>
        tpu.vector_store_idx %arg8[%parallel_loop3A_524], %parallel_loop3A_526 {add = true} : memref<40000xf32, #tpu.memory_space<vmem>>[vector<16xi32>], vector<16xf32>,
        %parallel_loop3A_527 = arith.constant 30000 : i32
        %parallel_loop3A_528 = vector.broadcast %parallel_loop3A_527 : i32 to vector<16xi32>
        %parallel_loop3A_529 = arith.addi %parallel_loop3A_505, %parallel_loop3A_528 : vector<16xi32>
        %parallel_loop3A_530 = arith.constant 30000 : i32
        %parallel_loop3A_531 = vector.broadcast %parallel_loop3A_530 : i32 to vector<16xi32>
        %parallel_loop3A_532 = arith.addi %parallel_loop3A_508, %parallel_loop3A_531 : vector<16xi32>
        %parallel_loop3A_533 = tpu.vector_load_idx %arg9[%parallel_loop3A_529] : memref<40000xf32, #tpu.memory_space<vmem>>[vector<16xi32>], vector<16xf32>,
        %parallel_loop3A_534 = arith.mulf %parallel_loop3A_533, %parallel_loop3A_502 : vector<16xf32>
        tpu.vector_store_idx %arg8[%parallel_loop3A_532], %parallel_loop3A_534 {add = true} : memref<40000xf32, #tpu.memory_space<vmem>>[vector<16xi32>], vector<16xf32>,
      } {sc.loop_unroll_factor = 2 : i64, sc.parallel_access}
      %scan3A_495 = arith.constant 0 : i32
      scf.yield %scan3A_495 : i32
    }
    %scan3A_318 = arith.constant 20 : i32
    %add3A_319 = arith.constant 384 : i32
    %add3A_320 = arith.addi %add3A_319, %mul3A_2 : i32
    %add3A_321 = arith.constant 0 : i32
    %add3A_322 = arith.addi %add3A_320, %add3A_321 : i32
    %mul3A_323 = arith.constant 10240 : i32
    %mul3A_324 = arith.muli %add3A_322, %mul3A_323 : i32
    %dma_start3A_325 = arith.constant 0 : i32
    %dma_start3A_326 = tpu.memref_slice %arg8[%dma_start3A_325] : memref<40000xf32, #tpu.memory_space<vmem>> -> memref<10000xf32, #tpu.memory_space<vmem>>
    %dma_start3A_327 = tpu.memref_slice %arg7[%mul3A_324] : memref<5242880xf32, #tpu.memory_space<hbm>> -> memref<10000xf32, #tpu.memory_space<hbm>>
    %dma_start3A_328 = tpu.memref_slice %arg7[%mul3A_324] : memref<5242880xf32, #tpu.memory_space<hbm>> -> memref<10000xf32, #tpu.memory_space<hbm>>
    %dma_start3A_329 = arith.constant 0 : i32
    %dma_start3A_330 = tpu.memref_slice %arg8[%dma_start3A_329] : memref<40000xf32, #tpu.memory_space<vmem>> -> memref<10000xf32, #tpu.memory_space<vmem>>
    tpu.enqueue_dma source(%dma_start3A_330 : memref<10000xf32, #tpu.memory_space<vmem>>) target(%dma_start3A_328 : memref<10000xf32, #tpu.memory_space<hbm>>) target_semaphore(%arg17 : memref<!tpu.dma_semaphore, #tpu.memory_space<semaphore_mem>>)
    %add3A_331 = arith.constant 384 : i32
    %add3A_332 = arith.addi %add3A_331, %mul3A_2 : i32
    %add3A_333 = arith.constant 1 : i32
    %add3A_334 = arith.addi %add3A_332, %add3A_333 : i32
    %mul3A_335 = arith.constant 10240 : i32
    %mul3A_336 = arith.muli %add3A_334, %mul3A_335 : i32
    %dma_start3A_337 = arith.constant 10000 : i32
    %dma_start3A_338 = tpu.memref_slice %arg8[%dma_start3A_337] : memref<40000xf32, #tpu.memory_space<vmem>> -> memref<10000xf32, #tpu.memory_space<vmem>>
    %dma_start3A_339 = tpu.memref_slice %arg7[%mul3A_336] : memref<5242880xf32, #tpu.memory_space<hbm>> -> memref<10000xf32, #tpu.memory_space<hbm>>
    %dma_start3A_340 = tpu.memref_slice %arg7[%mul3A_336] : memref<5242880xf32, #tpu.memory_space<hbm>> -> memref<10000xf32, #tpu.memory_space<hbm>>
    %dma_start3A_341 = arith.constant 10000 : i32
    %dma_start3A_342 = tpu.memref_slice %arg8[%dma_start3A_341] : memref<40000xf32, #tpu.memory_space<vmem>> -> memref<10000xf32, #tpu.memory_space<vmem>>
    tpu.enqueue_dma source(%dma_start3A_342 : memref<10000xf32, #tpu.memory_space<vmem>>) target(%dma_start3A_340 : memref<10000xf32, #tpu.memory_space<hbm>>) target_semaphore(%arg17 : memref<!tpu.dma_semaphore, #tpu.memory_space<semaphore_mem>>)
    %add3A_343 = arith.constant 384 : i32
    %add3A_344 = arith.addi %add3A_343, %mul3A_2 : i32
    %add3A_345 = arith.constant 2 : i32
    %add3A_346 = arith.addi %add3A_344, %add3A_345 : i32
    %mul3A_347 = arith.constant 10240 : i32
    %mul3A_348 = arith.muli %add3A_346, %mul3A_347 : i32
    %dma_start3A_349 = arith.constant 20000 : i32
    %dma_start3A_350 = tpu.memref_slice %arg8[%dma_start3A_349] : memref<40000xf32, #tpu.memory_space<vmem>> -> memref<10000xf32, #tpu.memory_space<vmem>>
    %dma_start3A_351 = tpu.memref_slice %arg7[%mul3A_348] : memref<5242880xf32, #tpu.memory_space<hbm>> -> memref<10000xf32, #tpu.memory_space<hbm>>
    %dma_start3A_352 = tpu.memref_slice %arg7[%mul3A_348] : memref<5242880xf32, #tpu.memory_space<hbm>> -> memref<10000xf32, #tpu.memory_space<hbm>>
    %dma_start3A_353 = arith.constant 20000 : i32
    %dma_start3A_354 = tpu.memref_slice %arg8[%dma_start3A_353] : memref<40000xf32, #tpu.memory_space<vmem>> -> memref<10000xf32, #tpu.memory_space<vmem>>
    tpu.enqueue_dma source(%dma_start3A_354 : memref<10000xf32, #tpu.memory_space<vmem>>) target(%dma_start3A_352 : memref<10000xf32, #tpu.memory_space<hbm>>) target_semaphore(%arg17 : memref<!tpu.dma_semaphore, #tpu.memory_space<semaphore_mem>>)
    %add3A_355 = arith.constant 384 : i32
    %add3A_356 = arith.addi %add3A_355, %mul3A_2 : i32
    %add3A_357 = arith.constant 3 : i32
    %add3A_358 = arith.addi %add3A_356, %add3A_357 : i32
    %mul3A_359 = arith.constant 10240 : i32
    %mul3A_360 = arith.muli %add3A_358, %mul3A_359 : i32
    %dma_start3A_361 = arith.constant 30000 : i32
    %dma_start3A_362 = tpu.memref_slice %arg8[%dma_start3A_361] : memref<40000xf32, #tpu.memory_space<vmem>> -> memref<10000xf32, #tpu.memory_space<vmem>>
    %dma_start3A_363 = tpu.memref_slice %arg7[%mul3A_360] : memref<5242880xf32, #tpu.memory_space<hbm>> -> memref<10000xf32, #tpu.memory_space<hbm>>
    %dma_start3A_364 = tpu.memref_slice %arg7[%mul3A_360] : memref<5242880xf32, #tpu.memory_space<hbm>> -> memref<10000xf32, #tpu.memory_space<hbm>>
    %dma_start3A_365 = arith.constant 30000 : i32
    %dma_start3A_366 = tpu.memref_slice %arg8[%dma_start3A_365] : memref<40000xf32, #tpu.memory_space<vmem>> -> memref<10000xf32, #tpu.memory_space<vmem>>
    tpu.enqueue_dma source(%dma_start3A_366 : memref<10000xf32, #tpu.memory_space<vmem>>) target(%dma_start3A_364 : memref<10000xf32, #tpu.memory_space<hbm>>) target_semaphore(%arg17 : memref<!tpu.dma_semaphore, #tpu.memory_space<semaphore_mem>>)
    %add3A_367 = arith.constant 256 : i32
    %add3A_368 = arith.addi %add3A_367, %mul3A_2 : i32
    %add3A_369 = arith.constant 0 : i32
    %add3A_370 = arith.addi %add3A_368, %add3A_369 : i32
    %mul3A_371 = arith.constant 10240 : i32
    %mul3A_372 = arith.muli %add3A_370, %mul3A_371 : i32
    %dma_wait3A_373 = arith.constant 0 : i32
    %dma_wait3A_374 = tpu.memref_slice %arg9[%dma_wait3A_373] : memref<40000xf32, #tpu.memory_space<vmem>> -> memref<10000xf32, #tpu.memory_space<vmem>>
    %dma_wait3A_375 = tpu.memref_slice %arg7[%mul3A_372] : memref<5242880xf32, #tpu.memory_space<hbm>> -> memref<10000xf32, #tpu.memory_space<hbm>>
    %dma_wait3A_376 = tpu.memref_slice %arg7[%mul3A_372] : memref<5242880xf32, #tpu.memory_space<hbm>> -> memref<10000xf32, #tpu.memory_space<hbm>>
    %dma_wait3A_377 = arith.constant 0 : i32
    %dma_wait3A_378 = tpu.memref_slice %arg9[%dma_wait3A_377] : memref<40000xf32, #tpu.memory_space<vmem>> -> memref<10000xf32, #tpu.memory_space<vmem>>
    tpu.wait_dma2 semaphore(%arg16 : memref<!tpu.dma_semaphore, #tpu.memory_space<semaphore_mem>>) src(%dma_wait3A_378 : memref<10000xf32, #tpu.memory_space<vmem>>) dst(%dma_wait3A_376 : memref<10000xf32, #tpu.memory_space<hbm>>)
    %add3A_379 = arith.constant 384 : i32
    %add3A_380 = arith.addi %add3A_379, %mul3A_2 : i32
    %add3A_381 = arith.constant 0 : i32
    %add3A_382 = arith.addi %add3A_380, %add3A_381 : i32
    %mul3A_383 = arith.constant 10240 : i32
    %mul3A_384 = arith.muli %add3A_382, %mul3A_383 : i32
    %dma_wait3A_385 = arith.constant 0 : i32
    %dma_wait3A_386 = tpu.memref_slice %arg8[%dma_wait3A_385] : memref<40000xf32, #tpu.memory_space<vmem>> -> memref<10000xf32, #tpu.memory_space<vmem>>
    %dma_wait3A_387 = tpu.memref_slice %arg7[%mul3A_384] : memref<5242880xf32, #tpu.memory_space<hbm>> -> memref<10000xf32, #tpu.memory_space<hbm>>
    %dma_wait3A_388 = tpu.memref_slice %arg7[%mul3A_384] : memref<5242880xf32, #tpu.memory_space<hbm>> -> memref<10000xf32, #tpu.memory_space<hbm>>
    %dma_wait3A_389 = arith.constant 0 : i32
    %dma_wait3A_390 = tpu.memref_slice %arg8[%dma_wait3A_389] : memref<40000xf32, #tpu.memory_space<vmem>> -> memref<10000xf32, #tpu.memory_space<vmem>>
    tpu.wait_dma2 semaphore(%arg17 : memref<!tpu.dma_semaphore, #tpu.memory_space<semaphore_mem>>) src(%dma_wait3A_390 : memref<10000xf32, #tpu.memory_space<vmem>>) dst(%dma_wait3A_388 : memref<10000xf32, #tpu.memory_space<hbm>>)
    %add3A_391 = arith.constant 256 : i32
    %add3A_392 = arith.addi %add3A_391, %mul3A_2 : i32
    %add3A_393 = arith.constant 1 : i32
    %add3A_394 = arith.addi %add3A_392, %add3A_393 : i32
    %mul3A_395 = arith.constant 10240 : i32
    %mul3A_396 = arith.muli %add3A_394, %mul3A_395 : i32
    %dma_wait3A_397 = arith.constant 10000 : i32
    %dma_wait3A_398 = tpu.memref_slice %arg9[%dma_wait3A_397] : memref<40000xf32, #tpu.memory_space<vmem>> -> memref<10000xf32, #tpu.memory_space<vmem>>
    %dma_wait3A_399 = tpu.memref_slice %arg7[%mul3A_396] : memref<5242880xf32, #tpu.memory_space<hbm>> -> memref<10000xf32, #tpu.memory_space<hbm>>
    %dma_wait3A_400 = tpu.memref_slice %arg7[%mul3A_396] : memref<5242880xf32, #tpu.memory_space<hbm>> -> memref<10000xf32, #tpu.memory_space<hbm>>
    %dma_wait3A_401 = arith.constant 10000 : i32
    %dma_wait3A_402 = tpu.memref_slice %arg9[%dma_wait3A_401] : memref<40000xf32, #tpu.memory_space<vmem>> -> memref<10000xf32, #tpu.memory_space<vmem>>
    tpu.wait_dma2 semaphore(%arg16 : memref<!tpu.dma_semaphore, #tpu.memory_space<semaphore_mem>>) src(%dma_wait3A_402 : memref<10000xf32, #tpu.memory_space<vmem>>) dst(%dma_wait3A_400 : memref<10000xf32, #tpu.memory_space<hbm>>)
    %add3A_403 = arith.constant 384 : i32
    %add3A_404 = arith.addi %add3A_403, %mul3A_2 : i32
    %add3A_405 = arith.constant 1 : i32
    %add3A_406 = arith.addi %add3A_404, %add3A_405 : i32
    %mul3A_407 = arith.constant 10240 : i32
    %mul3A_408 = arith.muli %add3A_406, %mul3A_407 : i32
    %dma_wait3A_409 = arith.constant 10000 : i32
    %dma_wait3A_410 = tpu.memref_slice %arg8[%dma_wait3A_409] : memref<40000xf32, #tpu.memory_space<vmem>> -> memref<10000xf32, #tpu.memory_space<vmem>>
    %dma_wait3A_411 = tpu.memref_slice %arg7[%mul3A_408] : memref<5242880xf32, #tpu.memory_space<hbm>> -> memref<10000xf32, #tpu.memory_space<hbm>>
    %dma_wait3A_412 = tpu.memref_slice %arg7[%mul3A_408] : memref<5242880xf32, #tpu.memory_space<hbm>> -> memref<10000xf32, #tpu.memory_space<hbm>>
    %dma_wait3A_413 = arith.constant 10000 : i32
    %dma_wait3A_414 = tpu.memref_slice %arg8[%dma_wait3A_413] : memref<40000xf32, #tpu.memory_space<vmem>> -> memref<10000xf32, #tpu.memory_space<vmem>>
    tpu.wait_dma2 semaphore(%arg17 : memref<!tpu.dma_semaphore, #tpu.memory_space<semaphore_mem>>) src(%dma_wait3A_414 : memref<10000xf32, #tpu.memory_space<vmem>>) dst(%dma_wait3A_412 : memref<10000xf32, #tpu.memory_space<hbm>>)
    %add3A_415 = arith.constant 256 : i32
    %add3A_416 = arith.addi %add3A_415, %mul3A_2 : i32
    %add3A_417 = arith.constant 2 : i32
    %add3A_418 = arith.addi %add3A_416, %add3A_417 : i32
    %mul3A_419 = arith.constant 10240 : i32
    %mul3A_420 = arith.muli %add3A_418, %mul3A_419 : i32
    %dma_wait3A_421 = arith.constant 20000 : i32
    %dma_wait3A_422 = tpu.memref_slice %arg9[%dma_wait3A_421] : memref<40000xf32, #tpu.memory_space<vmem>> -> memref<10000xf32, #tpu.memory_space<vmem>>
    %dma_wait3A_423 = tpu.memref_slice %arg7[%mul3A_420] : memref<5242880xf32, #tpu.memory_space<hbm>> -> memref<10000xf32, #tpu.memory_space<hbm>>
    %dma_wait3A_424 = tpu.memref_slice %arg7[%mul3A_420] : memref<5242880xf32, #tpu.memory_space<hbm>> -> memref<10000xf32, #tpu.memory_space<hbm>>
    %dma_wait3A_425 = arith.constant 20000 : i32
    %dma_wait3A_426 = tpu.memref_slice %arg9[%dma_wait3A_425] : memref<40000xf32, #tpu.memory_space<vmem>> -> memref<10000xf32, #tpu.memory_space<vmem>>
    tpu.wait_dma2 semaphore(%arg16 : memref<!tpu.dma_semaphore, #tpu.memory_space<semaphore_mem>>) src(%dma_wait3A_426 : memref<10000xf32, #tpu.memory_space<vmem>>) dst(%dma_wait3A_424 : memref<10000xf32, #tpu.memory_space<hbm>>)
    %add3A_427 = arith.constant 384 : i32
    %add3A_428 = arith.addi %add3A_427, %mul3A_2 : i32
    %add3A_429 = arith.constant 2 : i32
    %add3A_430 = arith.addi %add3A_428, %add3A_429 : i32
    %mul3A_431 = arith.constant 10240 : i32
    %mul3A_432 = arith.muli %add3A_430, %mul3A_431 : i32
    %dma_wait3A_433 = arith.constant 20000 : i32
    %dma_wait3A_434 = tpu.memref_slice %arg8[%dma_wait3A_433] : memref<40000xf32, #tpu.memory_space<vmem>> -> memref<10000xf32, #tpu.memory_space<vmem>>
    %dma_wait3A_435 = tpu.memref_slice %arg7[%mul3A_432] : memref<5242880xf32, #tpu.memory_space<hbm>> -> memref<10000xf32, #tpu.memory_space<hbm>>
    %dma_wait3A_436 = tpu.memref_slice %arg7[%mul3A_432] : memref<5242880xf32, #tpu.memory_space<hbm>> -> memref<10000xf32, #tpu.memory_space<hbm>>
    %dma_wait3A_437 = arith.constant 20000 : i32
    %dma_wait3A_438 = tpu.memref_slice %arg8[%dma_wait3A_437] : memref<40000xf32, #tpu.memory_space<vmem>> -> memref<10000xf32, #tpu.memory_space<vmem>>
    tpu.wait_dma2 semaphore(%arg17 : memref<!tpu.dma_semaphore, #tpu.memory_space<semaphore_mem>>) src(%dma_wait3A_438 : memref<10000xf32, #tpu.memory_space<vmem>>) dst(%dma_wait3A_436 : memref<10000xf32, #tpu.memory_space<hbm>>)
    %add3A_439 = arith.constant 256 : i32
    %add3A_440 = arith.addi %add3A_439, %mul3A_2 : i32
    %add3A_441 = arith.constant 3 : i32
    %add3A_442 = arith.addi %add3A_440, %add3A_441 : i32
    %mul3A_443 = arith.constant 10240 : i32
    %mul3A_444 = arith.muli %add3A_442, %mul3A_443 : i32
    %dma_wait3A_445 = arith.constant 30000 : i32
    %dma_wait3A_446 = tpu.memref_slice %arg9[%dma_wait3A_445] : memref<40000xf32, #tpu.memory_space<vmem>> -> memref<10000xf32, #tpu.memory_space<vmem>>
    %dma_wait3A_447 = tpu.memref_slice %arg7[%mul3A_444] : memref<5242880xf32, #tpu.memory_space<hbm>> -> memref<10000xf32, #tpu.memory_space<hbm>>
    %dma_wait3A_448 = tpu.memref_slice %arg7[%mul3A_444] : memref<5242880xf32, #tpu.memory_space<hbm>> -> memref<10000xf32, #tpu.memory_space<hbm>>
    %dma_wait3A_449 = arith.constant 30000 : i32
    %dma_wait3A_450 = tpu.memref_slice %arg9[%dma_wait3A_449] : memref<40000xf32, #tpu.memory_space<vmem>> -> memref<10000xf32, #tpu.memory_space<vmem>>
    tpu.wait_dma2 semaphore(%arg16 : memref<!tpu.dma_semaphore, #tpu.memory_space<semaphore_mem>>) src(%dma_wait3A_450 : memref<10000xf32, #tpu.memory_space<vmem>>) dst(%dma_wait3A_448 : memref<10000xf32, #tpu.memory_space<hbm>>)
    %add3A_451 = arith.constant 384 : i32
    %add3A_452 = arith.addi %add3A_451, %mul3A_2 : i32
    %add3A_453 = arith.constant 3 : i32
    %add3A_454 = arith.addi %add3A_452, %add3A_453 : i32
    %mul3A_455 = arith.constant 10240 : i32
    %mul3A_456 = arith.muli %add3A_454, %mul3A_455 : i32
    %dma_wait3A_457 = arith.constant 30000 : i32
    %dma_wait3A_458 = tpu.memref_slice %arg8[%dma_wait3A_457] : memref<40000xf32, #tpu.memory_space<vmem>> -> memref<10000xf32, #tpu.memory_space<vmem>>
    %dma_wait3A_459 = tpu.memref_slice %arg7[%mul3A_456] : memref<5242880xf32, #tpu.memory_space<hbm>> -> memref<10000xf32, #tpu.memory_space<hbm>>
    %dma_wait3A_460 = tpu.memref_slice %arg7[%mul3A_456] : memref<5242880xf32, #tpu.memory_space<hbm>> -> memref<10000xf32, #tpu.memory_space<hbm>>
    %dma_wait3A_461 = arith.constant 30000 : i32
    %dma_wait3A_462 = tpu.memref_slice %arg8[%dma_wait3A_461] : memref<40000xf32, #tpu.memory_space<vmem>> -> memref<10000xf32, #tpu.memory_space<vmem>>
    tpu.wait_dma2 semaphore(%arg17 : memref<!tpu.dma_semaphore, #tpu.memory_space<semaphore_mem>>) src(%dma_wait3A_462 : memref<10000xf32, #tpu.memory_space<vmem>>) dst(%dma_wait3A_460 : memref<10000xf32, #tpu.memory_space<hbm>>)
    return
  }
}

module attributes {stable_mosaic.version = 14 : i64} {
  func.func @_dense1_body(%arg0: i32, %arg1: memref<128x1280xf32, #tpu.memory_space<vmem>>, %arg2: memref<4x128x1280xf32, #tpu.memory_space<vmem>>, %arg3: memref<5x128x96xf32, #tpu.memory_space<vmem>>, %arg4: memref<96x1xf32, #tpu.memory_space<vmem>>, %arg5: memref<32x1xf32, #tpu.memory_space<vmem>>, %arg6: memref<32x1280xf32, #tpu.memory_space<vmem>>) attributes {dimension_semantics = [#tpu.dimension_semantics<arbitrary>], iteration_bounds = array<i64: 8>, scalar_prefetch = 0 : i64, scratch_operands = 0 : i64, tpu.core_type = #tpu.core_type<tc>, window_params = [{transform_indices = @transform_0, window_bounds = array<i64: 128, 1280>}, {transform_indices = @transform_1, window_bounds = array<i64: 4, 128, 1280>}, {pipeline_mode = #tpu.pipeline_mode<synchronous>, transform_indices = @transform_2, window_bounds = array<i64: 5, 128, 96>}, {pipeline_mode = #tpu.pipeline_mode<synchronous>, transform_indices = @transform_3, window_bounds = array<i64: 96, 1>}, {pipeline_mode = #tpu.pipeline_mode<synchronous>, transform_indices = @transform_4, window_bounds = array<i64: 32, 1>}, {transform_indices = @transform_5, window_bounds = array<i64: 32, 1280>}]} {
    %get3A = arith.constant 0 : index
    %get3A_0 = arith.constant 0 : index
    %get3A_1 = arith.constant 0 : index
    %get3A_2 = vector.load %arg3[%get3A, %get3A_0, %get3A_1] : memref<5x128x96xf32, #tpu.memory_space<vmem>>, vector<1x128x96xf32>
    %get3A_3 = vector.shape_cast %get3A_2 : vector<1x128x96xf32> to vector<128x96xf32>
    %get3A_4 = arith.constant 0 : index
    %get3A_5 = arith.constant 0 : index
    %get3A_6 = vector.load %arg1[%get3A_4, %get3A_5] : memref<128x1280xf32, #tpu.memory_space<vmem>>, vector<128x1280xf32>
    %dot_general3A = arith.constant dense<0.000000e+00> : vector<96x1280xf32>
    %dot_general3A_7 = tpu.matmul %get3A_3, %get3A_6, %dot_general3A {dimension_numbers = #tpu.dot_dimension_numbers<[0], [0], [1], [1], [0, 1, 1, 1], [], []>, precision = #tpu.contract_precision<fp32>, transpose_lhs_hint = false} : vector<128x96xf32>, vector<128x1280xf32>, vector<96x1280xf32> -> vector<96x1280xf32>
    %get3A_8 = arith.constant 1 : index
    %get3A_9 = arith.constant 0 : index
    %get3A_10 = arith.constant 0 : index
    %get3A_11 = vector.load %arg3[%get3A_8, %get3A_9, %get3A_10] : memref<5x128x96xf32, #tpu.memory_space<vmem>>, vector<1x128x96xf32>
    %get3A_12 = vector.shape_cast %get3A_11 : vector<1x128x96xf32> to vector<128x96xf32>
    %get3A_13 = arith.constant 0 : index
    %get3A_14 = arith.constant 0 : index
    %get3A_15 = arith.constant 0 : index
    %get3A_16 = vector.load %arg2[%get3A_13, %get3A_14, %get3A_15] : memref<4x128x1280xf32, #tpu.memory_space<vmem>>, vector<1x128x1280xf32>
    %get3A_17 = vector.shape_cast %get3A_16 : vector<1x128x1280xf32> to vector<128x1280xf32>
    %dot_general3A_18 = arith.constant dense<0.000000e+00> : vector<96x1280xf32>
    %dot_general3A_19 = tpu.matmul %get3A_12, %get3A_17, %dot_general3A_18 {dimension_numbers = #tpu.dot_dimension_numbers<[0], [0], [1], [1], [0, 1, 1, 1], [], []>, precision = #tpu.contract_precision<fp32>, transpose_lhs_hint = false} : vector<128x96xf32>, vector<128x1280xf32>, vector<96x1280xf32> -> vector<96x1280xf32>
    %add3A = arith.addf %dot_general3A_7, %dot_general3A_19 : vector<96x1280xf32>
    %get3A_20 = arith.constant 2 : index
    %get3A_21 = arith.constant 0 : index
    %get3A_22 = arith.constant 0 : index
    %get3A_23 = vector.load %arg3[%get3A_20, %get3A_21, %get3A_22] : memref<5x128x96xf32, #tpu.memory_space<vmem>>, vector<1x128x96xf32>
    %get3A_24 = vector.shape_cast %get3A_23 : vector<1x128x96xf32> to vector<128x96xf32>
    %get3A_25 = arith.constant 1 : index
    %get3A_26 = arith.constant 0 : index
    %get3A_27 = arith.constant 0 : index
    %get3A_28 = vector.load %arg2[%get3A_25, %get3A_26, %get3A_27] : memref<4x128x1280xf32, #tpu.memory_space<vmem>>, vector<1x128x1280xf32>
    %get3A_29 = vector.shape_cast %get3A_28 : vector<1x128x1280xf32> to vector<128x1280xf32>
    %dot_general3A_30 = arith.constant dense<0.000000e+00> : vector<96x1280xf32>
    %dot_general3A_31 = tpu.matmul %get3A_24, %get3A_29, %dot_general3A_30 {dimension_numbers = #tpu.dot_dimension_numbers<[0], [0], [1], [1], [0, 1, 1, 1], [], []>, precision = #tpu.contract_precision<fp32>, transpose_lhs_hint = false} : vector<128x96xf32>, vector<128x1280xf32>, vector<96x1280xf32> -> vector<96x1280xf32>
    %add3A_32 = arith.addf %add3A, %dot_general3A_31 : vector<96x1280xf32>
    %get3A_33 = arith.constant 3 : index
    %get3A_34 = arith.constant 0 : index
    %get3A_35 = arith.constant 0 : index
    %get3A_36 = vector.load %arg3[%get3A_33, %get3A_34, %get3A_35] : memref<5x128x96xf32, #tpu.memory_space<vmem>>, vector<1x128x96xf32>
    %get3A_37 = vector.shape_cast %get3A_36 : vector<1x128x96xf32> to vector<128x96xf32>
    %get3A_38 = arith.constant 2 : index
    %get3A_39 = arith.constant 0 : index
    %get3A_40 = arith.constant 0 : index
    %get3A_41 = vector.load %arg2[%get3A_38, %get3A_39, %get3A_40] : memref<4x128x1280xf32, #tpu.memory_space<vmem>>, vector<1x128x1280xf32>
    %get3A_42 = vector.shape_cast %get3A_41 : vector<1x128x1280xf32> to vector<128x1280xf32>
    %dot_general3A_43 = arith.constant dense<0.000000e+00> : vector<96x1280xf32>
    %dot_general3A_44 = tpu.matmul %get3A_37, %get3A_42, %dot_general3A_43 {dimension_numbers = #tpu.dot_dimension_numbers<[0], [0], [1], [1], [0, 1, 1, 1], [], []>, precision = #tpu.contract_precision<fp32>, transpose_lhs_hint = false} : vector<128x96xf32>, vector<128x1280xf32>, vector<96x1280xf32> -> vector<96x1280xf32>
    %add3A_45 = arith.addf %add3A_32, %dot_general3A_44 : vector<96x1280xf32>
    %get3A_46 = arith.constant 4 : index
    %get3A_47 = arith.constant 0 : index
    %get3A_48 = arith.constant 0 : index
    %get3A_49 = vector.load %arg3[%get3A_46, %get3A_47, %get3A_48] : memref<5x128x96xf32, #tpu.memory_space<vmem>>, vector<1x128x96xf32>
    %get3A_50 = vector.shape_cast %get3A_49 : vector<1x128x96xf32> to vector<128x96xf32>
    %get3A_51 = arith.constant 3 : index
    %get3A_52 = arith.constant 0 : index
    %get3A_53 = arith.constant 0 : index
    %get3A_54 = vector.load %arg2[%get3A_51, %get3A_52, %get3A_53] : memref<4x128x1280xf32, #tpu.memory_space<vmem>>, vector<1x128x1280xf32>
    %get3A_55 = vector.shape_cast %get3A_54 : vector<1x128x1280xf32> to vector<128x1280xf32>
    %dot_general3A_56 = arith.constant dense<0.000000e+00> : vector<96x1280xf32>
    %dot_general3A_57 = tpu.matmul %get3A_50, %get3A_55, %dot_general3A_56 {dimension_numbers = #tpu.dot_dimension_numbers<[0], [0], [1], [1], [0, 1, 1, 1], [], []>, precision = #tpu.contract_precision<fp32>, transpose_lhs_hint = false} : vector<128x96xf32>, vector<128x1280xf32>, vector<96x1280xf32> -> vector<96x1280xf32>
    %add3A_58 = arith.addf %add3A_45, %dot_general3A_57 : vector<96x1280xf32>
    %get3A_59 = arith.constant 0 : index
    %get3A_60 = arith.constant 0 : index
    %get3A_61 = vector.load %arg4[%get3A_59, %get3A_60] : memref<96x1xf32, #tpu.memory_space<vmem>>, vector<96x1xf32>
    %add3A_62 = vector.broadcast %get3A_61 : vector<96x1xf32> to vector<96x1280xf32>
    %add3A_63 = arith.addf %add3A_58, %add3A_62 : vector<96x1280xf32>
    %slice3A = vector.extract_strided_slice %add3A_63 {offsets = [0, 0], sizes = [32, 1280], strides = [1, 1]} : vector<96x1280xf32> to vector<32x1280xf32>
    %logistic3A = arith.negf %slice3A : vector<32x1280xf32>
    %logistic3A_64 = math.exp %logistic3A : vector<32x1280xf32>
    %logistic3A_65 = arith.constant 1.000000e+00 : f32
    %logistic3A_66 = vector.broadcast %logistic3A_65 : f32 to vector<32x1280xf32>
    %logistic3A_67 = arith.addf %logistic3A_66, %logistic3A_64 : vector<32x1280xf32>
    %logistic3A_68 = arith.divf %logistic3A_66, %logistic3A_67 : vector<32x1280xf32>
    %slice3A_69 = vector.extract_strided_slice %add3A_63 {offsets = [32, 0], sizes = [32, 1280], strides = [1, 1]} : vector<96x1280xf32> to vector<32x1280xf32>
    %tanh3A = math.tanh %slice3A_69 : vector<32x1280xf32>
    %mul3A = arith.mulf %logistic3A_68, %tanh3A : vector<32x1280xf32>
    %slice3A_70 = vector.extract_strided_slice %add3A_63 {offsets = [64, 0], sizes = [32, 1280], strides = [1, 1]} : vector<96x1280xf32> to vector<32x1280xf32>
    %get3A_71 = arith.constant 0 : index
    %get3A_72 = arith.constant 0 : index
    %get3A_73 = vector.load %arg5[%get3A_71, %get3A_72] : memref<32x1xf32, #tpu.memory_space<vmem>>, vector<32x1xf32>
    %mul3A_74 = vector.broadcast %get3A_73 : vector<32x1xf32> to vector<32x1280xf32>
    %mul3A_75 = arith.mulf %mul3A_74, %mul3A : vector<32x1280xf32>
    %add3A_76 = arith.addf %slice3A_70, %mul3A_75 : vector<32x1280xf32>
    %logistic3A_77 = arith.negf %add3A_76 : vector<32x1280xf32>
    %logistic3A_78 = math.exp %logistic3A_77 : vector<32x1280xf32>
    %logistic3A_79 = arith.constant 1.000000e+00 : f32
    %logistic3A_80 = vector.broadcast %logistic3A_79 : f32 to vector<32x1280xf32>
    %logistic3A_81 = arith.addf %logistic3A_80, %logistic3A_78 : vector<32x1280xf32>
    %logistic3A_82 = arith.divf %logistic3A_80, %logistic3A_81 : vector<32x1280xf32>
    %tanh3A_83 = math.tanh %mul3A : vector<32x1280xf32>
    %mul3A_84 = arith.mulf %logistic3A_82, %tanh3A_83 : vector<32x1280xf32>
    %max3A = arith.constant 0.000000e+00 : f32
    %max3A_85 = vector.broadcast %max3A : f32 to vector<32x1280xf32>
    %max3A_86 = arith.maximumf %mul3A_84, %max3A_85 : vector<32x1280xf32>
    %swap3A = arith.constant 0 : index
    %swap3A_87 = arith.constant 0 : index
    %swap3A_88 = vector.load %arg6[%swap3A, %swap3A_87] : memref<32x1280xf32, #tpu.memory_space<vmem>>, vector<32x1280xf32>
    tpu.vector_store %arg6[%swap3A, %swap3A_87], %max3A_86 {strides = array<i32>} : memref<32x1280xf32, #tpu.memory_space<vmem>>, vector<32x1280xf32>,
    return
  }
  func.func @transform_0(%arg0: i32) -> (i32, i32) {
    %c0_i32 = arith.constant 0 : i32
    %c0_i32_0 = arith.constant 0 : i32
    return %c0_i32, %arg0 : i32, i32
  }
  func.func @transform_1(%arg0: i32) -> (i32, i32, i32) {
    %c0_i32 = arith.constant 0 : i32
    %c0_i32_0 = arith.constant 0 : i32
    %c0_i32_1 = arith.constant 0 : i32
    return %c0_i32, %c0_i32_0, %arg0 : i32, i32, i32
  }
  func.func @transform_2(%arg0: i32) -> (i32, i32, i32) {
    %c0_i32 = arith.constant 0 : i32
    %c0_i32_0 = arith.constant 0 : i32
    %c0_i32_1 = arith.constant 0 : i32
    %c0_i32_2 = arith.constant 0 : i32
    return %c0_i32, %c0_i32_0, %c0_i32_1 : i32, i32, i32
  }
  func.func @transform_3(%arg0: i32) -> (i32, i32) {
    %c0_i32 = arith.constant 0 : i32
    %c0_i32_0 = arith.constant 0 : i32
    %c0_i32_1 = arith.constant 0 : i32
    return %c0_i32, %c0_i32_0 : i32, i32
  }
  func.func @transform_4(%arg0: i32) -> (i32, i32) {
    %c0_i32 = arith.constant 0 : i32
    %c0_i32_0 = arith.constant 0 : i32
    %c0_i32_1 = arith.constant 0 : i32
    return %c0_i32, %c0_i32_0 : i32, i32
  }
  func.func @transform_5(%arg0: i32) -> (i32, i32) {
    %c0_i32 = arith.constant 0 : i32
    %c0_i32_0 = arith.constant 0 : i32
    return %c0_i32, %arg0 : i32, i32
  }
}

module attributes {stable_mosaic.version = 14 : i64} {
  func.func @_dense2_body(%arg0: i32, %arg1: memref<32x1280xf32, #tpu.memory_space<vmem>>, %arg2: memref<4x32x1280xf32, #tpu.memory_space<vmem>>, %arg3: memref<5x32x96xf32, #tpu.memory_space<vmem>>, %arg4: memref<96x1xf32, #tpu.memory_space<vmem>>, %arg5: memref<32x1xf32, #tpu.memory_space<vmem>>, %arg6: memref<32x16xf32, #tpu.memory_space<vmem>>, %arg7: memref<16x1xf32, #tpu.memory_space<vmem>>, %arg8: memref<16x8xf32, #tpu.memory_space<vmem>>, %arg9: memref<8x1xf32, #tpu.memory_space<vmem>>, %arg10: memref<8x4xf32, #tpu.memory_space<vmem>>, %arg11: memref<4x1xf32, #tpu.memory_space<vmem>>, %arg12: memref<4x1xf32, #tpu.memory_space<vmem>>, %arg13: memref<1x1xf32, #tpu.memory_space<vmem>>, %arg14: memref<8x1280xf32, #tpu.memory_space<vmem>>) attributes {dimension_semantics = [#tpu.dimension_semantics<arbitrary>], iteration_bounds = array<i64: 8>, scalar_prefetch = 0 : i64, scratch_operands = 0 : i64, tpu.core_type = #tpu.core_type<tc>, window_params = [{transform_indices = @transform_0, window_bounds = array<i64: 32, 1280>}, {transform_indices = @transform_1, window_bounds = array<i64: 4, 32, 1280>}, {pipeline_mode = #tpu.pipeline_mode<synchronous>, transform_indices = @transform_2, window_bounds = array<i64: 5, 32, 96>}, {pipeline_mode = #tpu.pipeline_mode<synchronous>, transform_indices = @transform_3, window_bounds = array<i64: 96, 1>}, {pipeline_mode = #tpu.pipeline_mode<synchronous>, transform_indices = @transform_4, window_bounds = array<i64: 32, 1>}, {pipeline_mode = #tpu.pipeline_mode<synchronous>, transform_indices = @transform_5, window_bounds = array<i64: 32, 16>}, {pipeline_mode = #tpu.pipeline_mode<synchronous>, transform_indices = @transform_6, window_bounds = array<i64: 16, 1>}, {pipeline_mode = #tpu.pipeline_mode<synchronous>, transform_indices = @transform_7, window_bounds = array<i64: 16, 8>}, {pipeline_mode = #tpu.pipeline_mode<synchronous>, transform_indices = @transform_8, window_bounds = array<i64: 8, 1>}, {pipeline_mode = #tpu.pipeline_mode<synchronous>, transform_indices = @transform_9, window_bounds = array<i64: 8, 4>}, {pipeline_mode = #tpu.pipeline_mode<synchronous>, transform_indices = @transform_10, window_bounds = array<i64: 4, 1>}, {pipeline_mode = #tpu.pipeline_mode<synchronous>, transform_indices = @transform_11, window_bounds = array<i64: 4, 1>}, {pipeline_mode = #tpu.pipeline_mode<synchronous>, transform_indices = @transform_12, window_bounds = array<i64: 1, 1>}, {transform_indices = @transform_13, window_bounds = array<i64: 8, 1280>}]} {
    %get3A = arith.constant 0 : index
    %get3A_0 = arith.constant 0 : index
    %get3A_1 = arith.constant 0 : index
    %get3A_2 = vector.load %arg3[%get3A, %get3A_0, %get3A_1] : memref<5x32x96xf32, #tpu.memory_space<vmem>>, vector<1x32x96xf32>
    %get3A_3 = vector.shape_cast %get3A_2 : vector<1x32x96xf32> to vector<32x96xf32>
    %get3A_4 = arith.constant 0 : index
    %get3A_5 = arith.constant 0 : index
    %get3A_6 = vector.load %arg1[%get3A_4, %get3A_5] : memref<32x1280xf32, #tpu.memory_space<vmem>>, vector<32x1280xf32>
    %dot_general3A = arith.constant dense<0.000000e+00> : vector<96x1280xf32>
    %dot_general3A_7 = tpu.matmul %get3A_3, %get3A_6, %dot_general3A {dimension_numbers = #tpu.dot_dimension_numbers<[0], [0], [1], [1], [0, 1, 1, 1], [], []>, precision = #tpu.contract_precision<fp32>, transpose_lhs_hint = false} : vector<32x96xf32>, vector<32x1280xf32>, vector<96x1280xf32> -> vector<96x1280xf32>
    %get3A_8 = arith.constant 1 : index
    %get3A_9 = arith.constant 0 : index
    %get3A_10 = arith.constant 0 : index
    %get3A_11 = vector.load %arg3[%get3A_8, %get3A_9, %get3A_10] : memref<5x32x96xf32, #tpu.memory_space<vmem>>, vector<1x32x96xf32>
    %get3A_12 = vector.shape_cast %get3A_11 : vector<1x32x96xf32> to vector<32x96xf32>
    %get3A_13 = arith.constant 0 : index
    %get3A_14 = arith.constant 0 : index
    %get3A_15 = arith.constant 0 : index
    %get3A_16 = vector.load %arg2[%get3A_13, %get3A_14, %get3A_15] : memref<4x32x1280xf32, #tpu.memory_space<vmem>>, vector<1x32x1280xf32>
    %get3A_17 = vector.shape_cast %get3A_16 : vector<1x32x1280xf32> to vector<32x1280xf32>
    %dot_general3A_18 = arith.constant dense<0.000000e+00> : vector<96x1280xf32>
    %dot_general3A_19 = tpu.matmul %get3A_12, %get3A_17, %dot_general3A_18 {dimension_numbers = #tpu.dot_dimension_numbers<[0], [0], [1], [1], [0, 1, 1, 1], [], []>, precision = #tpu.contract_precision<fp32>, transpose_lhs_hint = false} : vector<32x96xf32>, vector<32x1280xf32>, vector<96x1280xf32> -> vector<96x1280xf32>
    %add3A = arith.addf %dot_general3A_7, %dot_general3A_19 : vector<96x1280xf32>
    %get3A_20 = arith.constant 2 : index
    %get3A_21 = arith.constant 0 : index
    %get3A_22 = arith.constant 0 : index
    %get3A_23 = vector.load %arg3[%get3A_20, %get3A_21, %get3A_22] : memref<5x32x96xf32, #tpu.memory_space<vmem>>, vector<1x32x96xf32>
    %get3A_24 = vector.shape_cast %get3A_23 : vector<1x32x96xf32> to vector<32x96xf32>
    %get3A_25 = arith.constant 1 : index
    %get3A_26 = arith.constant 0 : index
    %get3A_27 = arith.constant 0 : index
    %get3A_28 = vector.load %arg2[%get3A_25, %get3A_26, %get3A_27] : memref<4x32x1280xf32, #tpu.memory_space<vmem>>, vector<1x32x1280xf32>
    %get3A_29 = vector.shape_cast %get3A_28 : vector<1x32x1280xf32> to vector<32x1280xf32>
    %dot_general3A_30 = arith.constant dense<0.000000e+00> : vector<96x1280xf32>
    %dot_general3A_31 = tpu.matmul %get3A_24, %get3A_29, %dot_general3A_30 {dimension_numbers = #tpu.dot_dimension_numbers<[0], [0], [1], [1], [0, 1, 1, 1], [], []>, precision = #tpu.contract_precision<fp32>, transpose_lhs_hint = false} : vector<32x96xf32>, vector<32x1280xf32>, vector<96x1280xf32> -> vector<96x1280xf32>
    %add3A_32 = arith.addf %add3A, %dot_general3A_31 : vector<96x1280xf32>
    %get3A_33 = arith.constant 3 : index
    %get3A_34 = arith.constant 0 : index
    %get3A_35 = arith.constant 0 : index
    %get3A_36 = vector.load %arg3[%get3A_33, %get3A_34, %get3A_35] : memref<5x32x96xf32, #tpu.memory_space<vmem>>, vector<1x32x96xf32>
    %get3A_37 = vector.shape_cast %get3A_36 : vector<1x32x96xf32> to vector<32x96xf32>
    %get3A_38 = arith.constant 2 : index
    %get3A_39 = arith.constant 0 : index
    %get3A_40 = arith.constant 0 : index
    %get3A_41 = vector.load %arg2[%get3A_38, %get3A_39, %get3A_40] : memref<4x32x1280xf32, #tpu.memory_space<vmem>>, vector<1x32x1280xf32>
    %get3A_42 = vector.shape_cast %get3A_41 : vector<1x32x1280xf32> to vector<32x1280xf32>
    %dot_general3A_43 = arith.constant dense<0.000000e+00> : vector<96x1280xf32>
    %dot_general3A_44 = tpu.matmul %get3A_37, %get3A_42, %dot_general3A_43 {dimension_numbers = #tpu.dot_dimension_numbers<[0], [0], [1], [1], [0, 1, 1, 1], [], []>, precision = #tpu.contract_precision<fp32>, transpose_lhs_hint = false} : vector<32x96xf32>, vector<32x1280xf32>, vector<96x1280xf32> -> vector<96x1280xf32>
    %add3A_45 = arith.addf %add3A_32, %dot_general3A_44 : vector<96x1280xf32>
    %get3A_46 = arith.constant 4 : index
    %get3A_47 = arith.constant 0 : index
    %get3A_48 = arith.constant 0 : index
    %get3A_49 = vector.load %arg3[%get3A_46, %get3A_47, %get3A_48] : memref<5x32x96xf32, #tpu.memory_space<vmem>>, vector<1x32x96xf32>
    %get3A_50 = vector.shape_cast %get3A_49 : vector<1x32x96xf32> to vector<32x96xf32>
    %get3A_51 = arith.constant 3 : index
    %get3A_52 = arith.constant 0 : index
    %get3A_53 = arith.constant 0 : index
    %get3A_54 = vector.load %arg2[%get3A_51, %get3A_52, %get3A_53] : memref<4x32x1280xf32, #tpu.memory_space<vmem>>, vector<1x32x1280xf32>
    %get3A_55 = vector.shape_cast %get3A_54 : vector<1x32x1280xf32> to vector<32x1280xf32>
    %dot_general3A_56 = arith.constant dense<0.000000e+00> : vector<96x1280xf32>
    %dot_general3A_57 = tpu.matmul %get3A_50, %get3A_55, %dot_general3A_56 {dimension_numbers = #tpu.dot_dimension_numbers<[0], [0], [1], [1], [0, 1, 1, 1], [], []>, precision = #tpu.contract_precision<fp32>, transpose_lhs_hint = false} : vector<32x96xf32>, vector<32x1280xf32>, vector<96x1280xf32> -> vector<96x1280xf32>
    %add3A_58 = arith.addf %add3A_45, %dot_general3A_57 : vector<96x1280xf32>
    %get3A_59 = arith.constant 0 : index
    %get3A_60 = arith.constant 0 : index
    %get3A_61 = vector.load %arg4[%get3A_59, %get3A_60] : memref<96x1xf32, #tpu.memory_space<vmem>>, vector<96x1xf32>
    %add3A_62 = vector.broadcast %get3A_61 : vector<96x1xf32> to vector<96x1280xf32>
    %add3A_63 = arith.addf %add3A_58, %add3A_62 : vector<96x1280xf32>
    %slice3A = vector.extract_strided_slice %add3A_63 {offsets = [0, 0], sizes = [32, 1280], strides = [1, 1]} : vector<96x1280xf32> to vector<32x1280xf32>
    %logistic3A = arith.negf %slice3A : vector<32x1280xf32>
    %logistic3A_64 = math.exp %logistic3A : vector<32x1280xf32>
    %logistic3A_65 = arith.constant 1.000000e+00 : f32
    %logistic3A_66 = vector.broadcast %logistic3A_65 : f32 to vector<32x1280xf32>
    %logistic3A_67 = arith.addf %logistic3A_66, %logistic3A_64 : vector<32x1280xf32>
    %logistic3A_68 = arith.divf %logistic3A_66, %logistic3A_67 : vector<32x1280xf32>
    %slice3A_69 = vector.extract_strided_slice %add3A_63 {offsets = [32, 0], sizes = [32, 1280], strides = [1, 1]} : vector<96x1280xf32> to vector<32x1280xf32>
    %tanh3A = math.tanh %slice3A_69 : vector<32x1280xf32>
    %mul3A = arith.mulf %logistic3A_68, %tanh3A : vector<32x1280xf32>
    %slice3A_70 = vector.extract_strided_slice %add3A_63 {offsets = [64, 0], sizes = [32, 1280], strides = [1, 1]} : vector<96x1280xf32> to vector<32x1280xf32>
    %get3A_71 = arith.constant 0 : index
    %get3A_72 = arith.constant 0 : index
    %get3A_73 = vector.load %arg5[%get3A_71, %get3A_72] : memref<32x1xf32, #tpu.memory_space<vmem>>, vector<32x1xf32>
    %mul3A_74 = vector.broadcast %get3A_73 : vector<32x1xf32> to vector<32x1280xf32>
    %mul3A_75 = arith.mulf %mul3A_74, %mul3A : vector<32x1280xf32>
    %add3A_76 = arith.addf %slice3A_70, %mul3A_75 : vector<32x1280xf32>
    %logistic3A_77 = arith.negf %add3A_76 : vector<32x1280xf32>
    %logistic3A_78 = math.exp %logistic3A_77 : vector<32x1280xf32>
    %logistic3A_79 = arith.constant 1.000000e+00 : f32
    %logistic3A_80 = vector.broadcast %logistic3A_79 : f32 to vector<32x1280xf32>
    %logistic3A_81 = arith.addf %logistic3A_80, %logistic3A_78 : vector<32x1280xf32>
    %logistic3A_82 = arith.divf %logistic3A_80, %logistic3A_81 : vector<32x1280xf32>
    %tanh3A_83 = math.tanh %mul3A : vector<32x1280xf32>
    %mul3A_84 = arith.mulf %logistic3A_82, %tanh3A_83 : vector<32x1280xf32>
    %max3A = arith.constant 0.000000e+00 : f32
    %max3A_85 = vector.broadcast %max3A : f32 to vector<32x1280xf32>
    %max3A_86 = arith.maximumf %mul3A_84, %max3A_85 : vector<32x1280xf32>
    %get3A_87 = arith.constant 0 : index
    %get3A_88 = arith.constant 0 : index
    %get3A_89 = vector.load %arg6[%get3A_87, %get3A_88] : memref<32x16xf32, #tpu.memory_space<vmem>>, vector<32x16xf32>
    %dot_general3A_90 = arith.constant dense<0.000000e+00> : vector<16x1280xf32>
    %dot_general3A_91 = tpu.matmul %get3A_89, %max3A_86, %dot_general3A_90 {dimension_numbers = #tpu.dot_dimension_numbers<[0], [0], [1], [1], [0, 1, 1, 1], [], []>, precision = #tpu.contract_precision<fp32>, transpose_lhs_hint = false} : vector<32x16xf32>, vector<32x1280xf32>, vector<16x1280xf32> -> vector<16x1280xf32>
    %get3A_92 = arith.constant 0 : index
    %get3A_93 = arith.constant 0 : index
    %get3A_94 = vector.load %arg7[%get3A_92, %get3A_93] : memref<16x1xf32, #tpu.memory_space<vmem>>, vector<16x1xf32>
    %add3A_95 = vector.broadcast %get3A_94 : vector<16x1xf32> to vector<16x1280xf32>
    %add3A_96 = arith.addf %dot_general3A_91, %add3A_95 : vector<16x1280xf32>
    %get3A_97 = arith.constant 0 : index
    %get3A_98 = arith.constant 0 : index
    %get3A_99 = vector.load %arg8[%get3A_97, %get3A_98] : memref<16x8xf32, #tpu.memory_space<vmem>>, vector<16x8xf32>
    %dot_general3A_100 = arith.constant dense<0.000000e+00> : vector<8x1280xf32>
    %dot_general3A_101 = tpu.matmul %get3A_99, %add3A_96, %dot_general3A_100 {dimension_numbers = #tpu.dot_dimension_numbers<[0], [0], [1], [1], [0, 1, 1, 1], [], []>, precision = #tpu.contract_precision<fp32>, transpose_lhs_hint = false} : vector<16x8xf32>, vector<16x1280xf32>, vector<8x1280xf32> -> vector<8x1280xf32>
    %get3A_102 = arith.constant 0 : index
    %get3A_103 = arith.constant 0 : index
    %get3A_104 = vector.load %arg9[%get3A_102, %get3A_103] : memref<8x1xf32, #tpu.memory_space<vmem>>, vector<8x1xf32>
    %add3A_105 = vector.broadcast %get3A_104 : vector<8x1xf32> to vector<8x1280xf32>
    %add3A_106 = arith.addf %dot_general3A_101, %add3A_105 : vector<8x1280xf32>
    %get3A_107 = arith.constant 0 : index
    %get3A_108 = arith.constant 0 : index
    %get3A_109 = vector.load %arg10[%get3A_107, %get3A_108] : memref<8x4xf32, #tpu.memory_space<vmem>>, vector<8x4xf32>
    %dot_general3A_110 = arith.constant dense<0.000000e+00> : vector<4x1280xf32>
    %dot_general3A_111 = tpu.matmul %get3A_109, %add3A_106, %dot_general3A_110 {dimension_numbers = #tpu.dot_dimension_numbers<[0], [0], [1], [1], [0, 1, 1, 1], [], []>, precision = #tpu.contract_precision<fp32>, transpose_lhs_hint = false} : vector<8x4xf32>, vector<8x1280xf32>, vector<4x1280xf32> -> vector<4x1280xf32>
    %get3A_112 = arith.constant 0 : index
    %get3A_113 = arith.constant 0 : index
    %get3A_114 = vector.load %arg11[%get3A_112, %get3A_113] : memref<4x1xf32, #tpu.memory_space<vmem>>, vector<4x1xf32>
    %add3A_115 = vector.broadcast %get3A_114 : vector<4x1xf32> to vector<4x1280xf32>
    %add3A_116 = arith.addf %dot_general3A_111, %add3A_115 : vector<4x1280xf32>
    %get3A_117 = arith.constant 0 : index
    %get3A_118 = arith.constant 0 : index
    %get3A_119 = vector.load %arg12[%get3A_117, %get3A_118] : memref<4x1xf32, #tpu.memory_space<vmem>>, vector<4x1xf32>
    %dot_general3A_120 = arith.constant dense<0.000000e+00> : vector<1x1280xf32>
    %dot_general3A_121 = tpu.matmul %get3A_119, %add3A_116, %dot_general3A_120 {dimension_numbers = #tpu.dot_dimension_numbers<[0], [0], [1], [1], [0, 1, 1, 1], [], []>, precision = #tpu.contract_precision<fp32>, transpose_lhs_hint = false} : vector<4x1xf32>, vector<4x1280xf32>, vector<1x1280xf32> -> vector<1x1280xf32>
    %get3A_122 = arith.constant 0 : index
    %get3A_123 = arith.constant 0 : index
    %get3A_124 = vector.load %arg13[%get3A_122, %get3A_123] : memref<1x1xf32, #tpu.memory_space<vmem>>, vector<1x1xf32>
    %add3A_125 = vector.broadcast %get3A_124 : vector<1x1xf32> to vector<1x1280xf32>
    %add3A_126 = arith.addf %dot_general3A_121, %add3A_125 : vector<1x1280xf32>
    %broadcast_in_dim3A = vector.shape_cast %add3A_126 : vector<1x1280xf32> to vector<1x1280xf32>
    %broadcast_in_dim3A_127 = vector.broadcast %broadcast_in_dim3A : vector<1x1280xf32> to vector<8x1280xf32>
    %swap3A = arith.constant 0 : index
    %swap3A_128 = arith.constant 0 : index
    %swap3A_129 = vector.load %arg14[%swap3A, %swap3A_128] : memref<8x1280xf32, #tpu.memory_space<vmem>>, vector<8x1280xf32>
    tpu.vector_store %arg14[%swap3A, %swap3A_128], %broadcast_in_dim3A_127 {strides = array<i32>} : memref<8x1280xf32, #tpu.memory_space<vmem>>, vector<8x1280xf32>,
    return
  }
  func.func @transform_0(%arg0: i32) -> (i32, i32) {
    %c0_i32 = arith.constant 0 : i32
    %c0_i32_0 = arith.constant 0 : i32
    return %c0_i32, %arg0 : i32, i32
  }
  func.func @transform_1(%arg0: i32) -> (i32, i32, i32) {
    %c0_i32 = arith.constant 0 : i32
    %c0_i32_0 = arith.constant 0 : i32
    %c0_i32_1 = arith.constant 0 : i32
    return %c0_i32, %c0_i32_0, %arg0 : i32, i32, i32
  }
  func.func @transform_2(%arg0: i32) -> (i32, i32, i32) {
    %c0_i32 = arith.constant 0 : i32
    %c0_i32_0 = arith.constant 0 : i32
    %c0_i32_1 = arith.constant 0 : i32
    %c0_i32_2 = arith.constant 0 : i32
    return %c0_i32, %c0_i32_0, %c0_i32_1 : i32, i32, i32
  }
  func.func @transform_3(%arg0: i32) -> (i32, i32) {
    %c0_i32 = arith.constant 0 : i32
    %c0_i32_0 = arith.constant 0 : i32
    %c0_i32_1 = arith.constant 0 : i32
    return %c0_i32, %c0_i32_0 : i32, i32
  }
  func.func @transform_4(%arg0: i32) -> (i32, i32) {
    %c0_i32 = arith.constant 0 : i32
    %c0_i32_0 = arith.constant 0 : i32
    %c0_i32_1 = arith.constant 0 : i32
    return %c0_i32, %c0_i32_0 : i32, i32
  }
  func.func @transform_5(%arg0: i32) -> (i32, i32) {
    %c0_i32 = arith.constant 0 : i32
    %c0_i32_0 = arith.constant 0 : i32
    %c0_i32_1 = arith.constant 0 : i32
    return %c0_i32, %c0_i32_0 : i32, i32
  }
  func.func @transform_6(%arg0: i32) -> (i32, i32) {
    %c0_i32 = arith.constant 0 : i32
    %c0_i32_0 = arith.constant 0 : i32
    %c0_i32_1 = arith.constant 0 : i32
    return %c0_i32, %c0_i32_0 : i32, i32
  }
  func.func @transform_7(%arg0: i32) -> (i32, i32) {
    %c0_i32 = arith.constant 0 : i32
    %c0_i32_0 = arith.constant 0 : i32
    %c0_i32_1 = arith.constant 0 : i32
    return %c0_i32, %c0_i32_0 : i32, i32
  }
  func.func @transform_8(%arg0: i32) -> (i32, i32) {
    %c0_i32 = arith.constant 0 : i32
    %c0_i32_0 = arith.constant 0 : i32
    %c0_i32_1 = arith.constant 0 : i32
    return %c0_i32, %c0_i32_0 : i32, i32
  }
  func.func @transform_9(%arg0: i32) -> (i32, i32) {
    %c0_i32 = arith.constant 0 : i32
    %c0_i32_0 = arith.constant 0 : i32
    %c0_i32_1 = arith.constant 0 : i32
    return %c0_i32, %c0_i32_0 : i32, i32
  }
  func.func @transform_10(%arg0: i32) -> (i32, i32) {
    %c0_i32 = arith.constant 0 : i32
    %c0_i32_0 = arith.constant 0 : i32
    %c0_i32_1 = arith.constant 0 : i32
    return %c0_i32, %c0_i32_0 : i32, i32
  }
  func.func @transform_11(%arg0: i32) -> (i32, i32) {
    %c0_i32 = arith.constant 0 : i32
    %c0_i32_0 = arith.constant 0 : i32
    %c0_i32_1 = arith.constant 0 : i32
    return %c0_i32, %c0_i32_0 : i32, i32
  }
  func.func @transform_12(%arg0: i32) -> (i32, i32) {
    %c0_i32 = arith.constant 0 : i32
    %c0_i32_0 = arith.constant 0 : i32
    %c0_i32_1 = arith.constant 0 : i32
    return %c0_i32, %c0_i32_0 : i32, i32
  }
  func.func @transform_13(%arg0: i32) -> (i32, i32) {
    %c0_i32 = arith.constant 0 : i32
    %c0_i32_0 = arith.constant 0 : i32
    return %c0_i32, %arg0 : i32, i32
  }
}

</mosaic_0001>

<sc_bundles>
// kernel: kernel.10.cloned.1.call-start
scs
__scs_entry_jumppad:
0x0: {  	(pc) =	sbr.rel $0x88, $3  }
0x1: {  	(tag) =	ssettag $0x0;
	lr =	simm.s32 $0x1  }
0x2: {  	[smem:$0x3F7C] =	sst lr;
	_ =	strace $0xD0000000  }
0x3: {  	_ = 	snop  }
0x4: {  	_ = 	snop  }
0x5: {  	_ = 	snop  }
0x6: {  	_ = 	snop  }
0x7: {  	_ = 	snop  }
__scs_overlays_trampoline_lowered:
0x8: {  	[smem:$0x3F8B] =	sst s0  }
0x9: {  	[smem:$0x3F8C] =	sst s1  }
0xa: {  	[smem:$0x3F8D] =	sst s2  }
0xb: {  	[smem:$0x3F8E] =	sst s3  }
0xc: {  	[smem:$0x3F8F] =	sst s4  }
0xd: {  	[smem:$0x3F90] =	sst s5  }
0xe: {  	[smem:$0x3F91] =	sst s6  }
0xf: {  	[smem:$0x3F92] =	sst s7  }
0x10: {  	[smem:$0x3F93] =	sst s8  }
0x11: {  	[smem:$0x3F94] =	sst s9;
	s0 =	simm.s32 @!p0 $0x0  }
0x12: {  	s1 =	sld [smem:$0x3F7A];
	s0 =	simm.s32 @p0 $0x1  }
0x13: {  	[smem:$0x3F95] =	sst s0;
	s0 =	simm.s32 @!p1 $0x0  }
0x14: {  	s2 =	sld [smem:$0x3F79];
	s0 =	simm.s32 @p1 $0x1  }
0x15: {  	[smem:$0x3F96] =	sst s0;
	s0 =	simm.s32 @!p2 $0x0  }
0x16: {  	s3 =	sld [smem:$0x3FDB];
	s0 =	simm.s32 @p2 $0x1  }
0x17: {  	s4 =	simm.s32 $0x1BF5;
	[smem:$0x3F98] =	sst s0  }
0x18: {  	s0 =	sld [smem:$0x3F7B];
	_ =	swait.ge [sflag:s4], $0x0  }
0x19: {  	s7 =	sld [smem:$0x3F7C]  }
0x1a: {  	s8 =	sadd.s32 $0xFFFFE003, lr  }
0x1b: {  	s9 =	sadd.s32 $0xFFFFFEF7, lr;
	s5 =	simm.s32 $0xFFFFFFFF;
	p2 =	slt.u32 s8, $0xFFFFF086  }
0x1c: {  	p1 =	slt.u32 s9, $0xF7A;
	s5 =	simm.s32 @!p2 $0x0  }
0x1d: {  	s5 =	simm.s32 @p1 $0x1;
	p0 =	seq.s32 s7, s2  }
0x1e: {  	s7 =	smul.u32 @!p0 $0xF7A, s2;
	p2 =	seq.s32 @!p0 s5, $0x0  }
0x1f: {  	s9 =	smul.u32 $0xF7A, s1;
	s8 =	simm.s32 @!p0 $0x1BF5;
	p2 =	por !p2, p0  }
0x20: {  	[sflag:s8] =	ssyncset.s32 @!p0 $0xFFFFF086;
	s6 =	sadd.s32 @!p0 s3, s7;
	s7 =	simm.s32 @!p0 $0x108  }
0x21: {  	s3 =	sadd.s32 s3, s9;
	s6 =	sadd.s32 @!p0 $0x88, s6;
	s7 =	simm.s32 @p2 $0x1082  }
0x22: {  	[simem:s7], [sflag:s8] =	dma.local @!p0 [hbm:s6], $0xF7A  }
0x23: {  	s9 =	sor.u32 $0xD0000000, s2;
	s6 =	simm.s32 $0x108;
	_ =	swait.ge @!p0 [sflag:s8], $0x0  }
0x24: {  	s3 =	sadd.s32 $0x88, s3;
	s6 =	simm.s32 @!p1 $0x1082;
	[sflag:s4] =	ssyncset.s32 $0xFFFFF086  }
0x25: {  	[simem:s6], [sflag:s4] =	dma.local [hbm:s3], $0xF7A  }
0x26: {  	[smem:$0x3F7C] =	sst s1;
	(tag) =	ssettag s2;
	_ =	strace s9  }
0x27: {  	s1 =	sld [smem:$0x3F8C]  }
0x28: {  	s2 =	sld [smem:$0x3F8D]  }
0x29: {  	s4 =	sld [smem:$0x3F8F]  }
0x2a: {  	p0 =	seq.s32 s5, $0x0;
	s5 =	sld [smem:$0x3F90]  }
0x2b: {  	s6 =	sld [smem:$0x3F91]  }
0x2c: {  	s7 =	sld [smem:$0x3F92]  }
0x2d: {  	s3 =	simm.s32 $0x108;
	s8 =	sld [smem:$0x3F93]  }
0x2e: {  	s3 =	simm.s32 @!p0 $0x1082;
	s9 =	sld [smem:$0x3F94]  }
0x2f: {  	lr =	sadd.s32 s0, s3;
	s0 =	sld [smem:$0x3F8B]  }
0x30: {  	s3 =	sld [smem:$0x3F8E]  }
0x31: {  	[smem:$0x3F97] =	sst s10  }
0x32: {  	s10 =	sld [smem:$0x3F95];
	_ =	sdelay $0x3  }
0x33: {  	p0 =	seq.s32 s10, $0x1;
	s10 =	sld [smem:$0x3F97];
	_ =	sdelay $0x3  }
0x34: {  	[smem:$0x3F97] =	sst s10  }
0x35: {  	s10 =	sld [smem:$0x3F96];
	_ =	sdelay $0x3  }
0x36: {  	p1 =	seq.s32 s10, $0x1;
	s10 =	sld [smem:$0x3F97];
	_ =	sdelay $0x3  }
0x37: {  	[smem:$0x3F97] =	sst s10  }
0x38: {  	s10 =	sld [smem:$0x3F98]  }
0x39: {  	_ = 	snop;
	(pc) =	sbr.ind lr, $3  }
0x3a: {  	_ = 	snop  }
0x3b: {  	_ = 	snop  }
0x3c: {  	p2 =	seq.s32 s10, $0x1;
	s10 =	sld [smem:$0x3F97]  }
0x3d: {  	_ =	shalt  }
0x3e: {  	_ =	shalt  }
0x3f: {  	_ =	shalt  }
0x40: {  	_ =	shalt  }
0x41: {  	_ =	shalt  }
0x42: {  	_ =	shalt  }
0x43: {  	_ =	shalt  }
0x44: {  	_ =	shalt  }
0x45: {  	_ =	shalt  }
0x46: {  	_ =	shalt  }
0x47: {  	_ =	shalt  }
0x48: {  	_ =	shalt  }
0x49: {  	_ =	shalt  }
0x4a: {  	_ =	shalt  }
0x4b: {  	_ =	shalt  }
0x4c: {  	_ =	shalt  }
0x4d: {  	_ =	shalt  }
0x4e: {  	_ =	shalt  }
0x4f: {  	_ =	shalt  }
0x50: {  	_ =	shalt  }
0x51: {  	_ =	shalt  }
0x52: {  	_ =	shalt  }
0x53: {  	_ =	shalt  }
0x54: {  	_ =	shalt  }
0x55: {  	_ =	shalt  }
0x56: {  	_ =	shalt  }
0x57: {  	_ =	shalt  }
0x58: {  	_ =	shalt  }
0x59: {  	_ =	shalt  }
0x5a: {  	_ =	shalt  }
0x5b: {  	_ =	shalt  }
0x5c: {  	_ =	shalt  }
0x5d: {  	_ =	shalt  }
0x5e: {  	_ =	shalt  }
0x5f: {  	_ =	shalt  }
0x60: {  	_ =	shalt  }
0x61: {  	_ =	shalt  }
0x62: {  	_ =	shalt  }
0x63: {  	_ =	shalt  }
0x64: {  	_ =	shalt  }
0x65: {  	_ =	shalt  }
0x66: {  	_ =	shalt  }
0x67: {  	_ =	shalt  }
0x68: {  	_ =	shalt  }
0x69: {  	_ =	shalt  }
0x6a: {  	_ =	shalt  }
0x6b: {  	_ =	shalt  }
0x6c: {  	_ =	shalt  }
0x6d: {  	_ =	shalt  }
0x6e: {  	_ =	shalt  }
0x6f: {  	_ =	shalt  }
0x70: {  	_ =	shalt  }
0x71: {  	_ =	shalt  }
0x72: {  	_ =	shalt  }
0x73: {  	_ =	shalt  }
0x74: {  	_ =	shalt  }
0x75: {  	_ =	shalt  }
0x76: {  	_ =	shalt  }
0x77: {  	_ =	shalt  }
0x78: {  	_ =	shalt  }
0x79: {  	_ =	shalt  }
0x7a: {  	_ =	shalt  }
0x7b: {  	_ =	shalt  }
0x7c: {  	_ =	shalt  }
0x7d: {  	_ =	shalt  }
0x7e: {  	_ =	shalt  }
0x7f: {  	_ =	shalt  }
0x80: {  	_ =	shalt  }
0x81: {  	_ =	shalt  }
0x82: {  	_ =	shalt  }
0x83: {  	_ =	shalt  }
0x84: {  	_ =	shalt  }
0x85: {  	_ =	shalt  }
0x86: {  	_ =	shalt  }
0x87: {  	_ =	shalt  }
.Lfunc_end0:
.L_simem_size_0:
called_computation.1_lowered:
.L_overlay_start_0:
0x88: {  	s2 =	sld [smem:$0x3FD9]  }
0x89: {  	s3 =	sld [smem:$0x3FFE];
	_ =	sdelay $0x1  }
0x8a: {  	s1 =	srdreg.scid  }
0x8b: {  	s0 =	sand.u32 $0x1, s1  }
0x8c: {  	s16 =	sshll.u32 s0, $0xA;
	s2 =	sadd.s32 s3, s2  }
0x8d: {  	s2 =	sadd.s32 s2, s16  }
0x8e: {  	[smem:$0x3FA3] =	sst s2  }
0x8f: {  	_ = 	snop  }
0x90: {  	(tm) =	ssettm $0x1  }
0x91: {  	s17 =	sld [smem:$0x3FFB];
	_ =	sdelay $0x3  }
0x92: {  	_ =	strace s17  }
0x93: {  	s2 =	sld [smem:$0x3FFC];
	_ =	sdelay $0x3  }
0x94: {  	_ =	strace s2  }
0x95: {  	s2 =	sld [smem:$0x3FFD];
	_ =	sdelay $0x3  }
0x96: {  	_ =	strace s2  }
0x97: {  	_ =	strace $0x8FFFFFFF  }
0x98: {  	s18 =	sld [smem:$0x3FDB];
	_ =	sdelay $0x1  }
0x99: {  	s19 =	simm.s32 $_scs_section_size  }
0x9a: {  	s4 =	simm.s32 $_size__tile_overlayer_lowered;
	s5 =	simm.s32 $_tile_overlayer_lowered  }
0x9b: {  	s22 =	simm.s32 $0x1BFF;
	s21 =	sshll.u32 s5, $0x1;
	s2 =	sadd.s32 s19, s18  }
0x9c: {  	s6 =	simm.s32 $0x0;
	s20 =	sshll.u32 s4, $0x1;
	s4 =	sadd.s32 s21, s2  }
0x9d: {  	[timem:s6], [sflag:s22] =	dma.local [hbm:s4], s20  }
0x9e: {  	_ =	swait.ge [sflag:s22], s20  }
0x9f: {  	s3 =	ssub.s32 $0x0, s20;
	[sflag:s22] =	ssyncset.done $0x0  }
0xa0: {  	[sflag:s22] =	ssyncadd.s32 s3;
	_ =	sdelay $0x1  }
0xa1: {  	s23 =	simm.s32 $0x1B8B  }
0xa2: {  	_ =	swait.ge [sflag:s23], $0x1  }
0xa3: {  	[sflag:s23] =	ssyncset.done $0x0  }
0xa4: {  	s25 =	simm.s32 $0x1B8E;
	s24 =	sld [smem:$0x3FFE];
	[sflag:s23] =	ssyncadd.s32 $0xFFFFFFFF  }
0xa5: {  	s26 =	simm.s32 $execute0_lowered;
	[smem:$0x3FD2] =	sst s25  }
0xa6: {  	s4 =	sshll.u32 s26, $0x1;
	_ =	strace $0x80000049;
	[dreg:$0x1] =	wrdreg $0xFFFFFFFF  }
0xa7: {  	s28 =	simm.s32 $_size_execute0_lowered;
	s2 =	sadd.s32 s2, s4;
	[dreg:$0x0] =	wrdreg $0x0  }
0xa8: {  	s4 =	sshll.u32 s28, $0x1;
	[dreg:$0x2] =	wrdreg s2  }
0xa9: {  	[dreg:$0x3] =	wrdreg s4  }
0xaa: {  	[dreg:$0x4] =	wrdreg $0xC0  }
0xab: {  	_ =	task [dreg:s6], $0x5FFFF  }
0xac: {  	[dreg:$0x1] =	wrdreg $0xFFFFFFFF  }
0xad: {  	[dreg:$0x0] =	wrdreg $0x60  }
0xae: {  	[dreg:$0x2] =	wrdreg s24  }
0xaf: {  	[dreg:$0x3] =	wrdreg $0x9  }
0xb0: {  	_ =	task.clear_ibuf [dreg:s6], $0x4FFFF;
	_ =	strace $0x90000049  }
0xb1: {  	s29 =	simm.s32 $0x9;
	_ =	strace $0x8000004B  }
0xb2: {  	_ =	swait.ge [sflag:s29], $0x1  }
0xb3: {  	[sflag:s29] =	ssyncadd.s32 $0xFFFFFFFF  }
0xb4: {  	_ =	strace $0x9000004B  }
0xb5: {  	_ =	sfence  }
0xb6: {  	s30 =	sld [smem:$0x0];
	_ =	sdelay $0x2  }
0xb7: {  	s31 =	sshll.u32 s1, $0xD;
	s1 =	sshrl.u32 s1, $0x2  }
0xb8: {  	s3 =	sand.u32 $0x4000, s31;
	s1 =	sadd.s32 s1, s30  }
0xb9: {  	s0 =	sor.u32 s3, s0;
	s1 =	sshll.u32 s1, $0x11  }
0xba: {  	s0 =	sor.u32 s1, s0  }
0xbb: {  	s0 =	sadd.s32 $0x8F2B, s0  }
0xbc: {  	[sflag:s0] =	ssyncadd.remote.s32 $0x1  }
0xbd: {  	_ =	sfence.sel $0xFFFF  }
0xbe: {  	[dreg:$0x0] =	wrdreg $0xFFFFFFFF;
	(pc) =	sbr.abs _section_cstart, $3  }
0xbf: {  	[dreg:$0x1] =	wrdreg $0xFFFFFFFF  }
0xc0: {  	_ =	task.clear_ibuf [dreg:s6], $0x2FFFF;
	_ =	strace $0x9FFFFFFF  }
0xc1: {  	(tm) =	ssettm $0x7FFFFFFF  }
tec
execute0_lowered:
.L_overlay_start_1:
0x0: {  	(tag) =	ssettag $0x1  }
0x1: {  	s0 =	rddreg [dreg:$0x0];
	s1 =	simm.s32 $0x0  }
0x2: {  	s2 =	srdreg.scid;
	s6 =	stileid.u32;
	s29 =	simm.s32 $0x5  }
0x3: {  	s30 =	simm.s32 $0x2710;
	s31 =	simm.s32 $0x4E20;
	s2 =	sand.u32 $0x1, s2  }
0x4: {  	[smem:$0x7FF] =	sst s1;
	s7 =	sadd.s32 $0x40E00, s0;
	s5 =	sshll.u32 s2, $0x4  }
0x5: {  	s3 =	sadd.s32 $0x19600, s0;
	s4 =	sadd.s32 $0x23400, s0;
	s8 =	sor.u32 s6, s5  }
0x6: {  	_ =	strace $0x8000004A;
	s2 =	ssub.s32 $0x2, s2;
	s9 =	smul.u32 $0xA000, s8  }
0x7: {  	s5 =	sadd.s32 $0x2D200, s0;
	s10 =	sshrl.u32 s2, $0x1;
	s8 =	smul.u32 $0x1400, s8  }
0x8: {  	s6 =	sadd.s32 $0x37000, s0;
	s0 =	sadd.s32 $0x68E00, s0;
	s2 =	ssub.s32 s2, s10  }
0x9: {  	s10 =	simm.s32 $0x1;
	s9 =	sshrl.u32 s9, $0x3;
	s13 =	sadd.s32 s7, s8  }
0xa: {  	s17 =	sadd.s32 s0, s8;
	[dreg:$0x2] =	wrdreg s13;
	s14 =	sadd.s32 $0x500, s9  }
0xb: {  	s11 =	sadd.s32 $0xA00, s9;
	[dreg:$0x6] =	wrdreg s17;
	s12 =	sadd.s32 s7, s14  }
0xc: {  	s16 =	sadd.s32 $0xF00, s9;
	s15 =	sadd.s32 s7, s11;
	[dreg:$0x3] =	wrdreg s12  }
0xd: {  	s28 =	smax.u32 s2, $0x1;
	s7 =	sadd.s32 s7, s16;
	[dreg:$0x4] =	wrdreg s15  }
0xe: {  	s2 =	simm.s32 $0x13900;
	s18 =	sadd.s32 s0, s14;
	[dreg:$0x5] =	wrdreg s7  }
0xf: {  	s8 =	simm.s32 $0x17800;
	s19 =	sadd.s32 s0, s11;
	[dreg:$0x7] =	wrdreg s18  }
0x10: {  	s20 =	sadd.s32 s0, s16;
	s0 =	sadd.s32 s0, s9;
	[dreg:$0x8] =	wrdreg s19  }
0x11: {  	s13 =	simm.s32 $0x3;
	[dreg:$0x9] =	wrdreg s20;
	s21 =	sadd.s32 $0x28000, s0  }
0x12: {  	s9 =	simm.s32 $0x19780;
	s22 =	sadd.s32 $0x28500, s0;
	[dreg:$0xa] =	wrdreg s21  }
0x13: {  	s11 =	simm.s32 $0x9C80;
	s23 =	sadd.s32 $0x28A00, s0;
	[dreg:$0xb] =	wrdreg s22  }
0x14: {  	s14 =	simm.s32 $0x4;
	s24 =	sadd.s32 $0x28F00, s0;
	[dreg:$0xc] =	wrdreg s23  }
0x15: {  	s25 =	sadd.s32 $0x50000, s0;
	s26 =	sadd.s32 $0x50500, s0;
	[dreg:$0xd] =	wrdreg s24  }
0x16: {  	s7 =	simm.s32 $0x15880;
	s12 =	simm.s32 $0x2;
	[dreg:$0xe] =	wrdreg s25  }
0x17: {  	s15 =	simm.s32 $0x0;
	[dreg:$0xf] =	wrdreg s26;
	s21 =	sadd.s32 $0x50A00, s0  }
0x18: {  	s22 =	sadd.s32 $0x50F00, s0;
	s23 =	sadd.s32 $0x78000, s0;
	s24 =	sadd.s32 $0x78500, s0  }
0x19: {  	v0 =	vimm.f32 $0.0e+00;
	s25 =	sadd.s32 $0x78A00, s0;
	s26 =	sadd.s32 $0x78F00, s0;
	s0 =	simm.s32 $0x7530  }
.LBB2_1:
0x1a: {  	s16 =	rddreg [dreg:$0x2]  }
0x1b: {  	[tilespmem:s1], [sflag:$0x5] =	stream.linear.gather [hbm4b:s16+s1], $0x2710, $0x38;
	[tilespmem:$0x1B700] =	vst v63  }
0x1c: {  	_ =	swait.ge [sflag:s29], $0x2710  }
0x1d: {  	[sflag:s29] =	ssyncset.done $0x0  }
0x1e: {  	s18 =	rddreg [dreg:$0x3];
	[sflag:s29] =	ssyncadd.s32 $0xFFFFD8F0  }
0x1f: {  	[tilespmem:s30], [sflag:$0x5] =	stream.linear.gather [hbm4b:s18+s1], $0x2710, $0x38;
	[tilespmem:$0x1B700] =	vst v63  }
0x20: {  	_ =	swait.ge [sflag:s29], $0x2710  }
0x21: {  	[sflag:s29] =	ssyncset.done $0x0  }
0x22: {  	s19 =	rddreg [dreg:$0x4];
	[sflag:s29] =	ssyncadd.s32 $0xFFFFD8F0  }
0x23: {  	[tilespmem:s31], [sflag:$0x5] =	stream.linear.gather [hbm4b:s19+s1], $0x2710, $0x38;
	[tilespmem:$0x1B700] =	vst v63  }
0x24: {  	_ =	swait.ge [sflag:s29], $0x2710  }
0x25: {  	[sflag:s29] =	ssyncset.done $0x0  }
0x26: {  	s20 =	rddreg [dreg:$0x5];
	[sflag:s29] =	ssyncadd.s32 $0xFFFFD8F0  }
0x27: {  	[tilespmem:s0], [sflag:$0x5] =	stream.linear.gather [hbm4b:s20+s1], $0x2710, $0x38;
	[tilespmem:$0x1B700] =	vst v63  }
0x28: {  	_ =	swait.ge [sflag:s29], $0x2710  }
0x29: {  	[sflag:s29] =	ssyncset.done $0x0  }
0x2a: {  	s16 =	simm.s32 $0x9CA0;
	[sflag:s29] =	ssyncadd.s32 $0xFFFFD8F0  }
0x2b: {  	[tilespmem:s16+$0xFFFFFFE0] =	vst v0  }
0x2c: {  	[tilespmem:s16+$0x10] =	vst v0  }
0x2d: {  	s17 =	simm.s32 $0x0;
	[tilespmem:s16+$0x0] =	vst v0  }
.LBB2_2:
0x2e: {  	s17 =	sadd.s32 $0x4, s17  }
0x2f: {  	[tilespmem:s16+$0xFFFFFFF0] =	vst v0;
	s16 =	sadd.s32 $0x40, s16;
	p0 =	slt.u32 s17, $0x9C0  }
.Ltmp0:
0x30: {  	[tilespmem:s16+$0xFFFFFFE0] =	vst v0;
	(pc) =	sbr.rel @p0 .LBB2_2-.Ltmp0, $3  }
0x31: {  	_ =	sdelay $0x1  }
0x32: {  	[tilespmem:s16+$0x10] =	vst v0  }
0x33: {  	[tilespmem:s16+$0x0] =	vst v0  }
0x34: {  	[tilespmem:s16+$0xFFFFFFF0] =	vst v0;
	s16 =	simm.s32 $0x0  }
0x35: {  	[tilespmem:s2], [sflag:$0x1] =	stream.linear.gather [hbm4b:s3+s16], $0x1F40, $0x38;
	[tilespmem:$0x1B700] =	vst v63  }
0x36: {  	_ = 	snop  }
0x37: {  	[tilespmem:s7], [sflag:$0x1] =	stream.linear.gather [hbm4b:s4+s16], $0x1F40, $0x38;
	[tilespmem:$0x1B700] =	vst v63  }
.LBB2_4:
0x38: {  	s17 =	smul.u32 $0x3E80, s16;
	_ =	sdelay $0x1  }
0x39: {  	s18 =	sshrl.u32 s17, $0x3  }
0x3a: {  	s18 =	sadd.s32 $0x3E8, s18  }
0x3b: {  	s19 =	sadd.s32 s3, s18  }
0x3c: {  	[tilespmem:s8], [sflag:$0x2] =	stream.linear.gather [hbm4b:s19+s1], $0x1F40, $0x38;
	[tilespmem:$0x1B700] =	vst v63  }
0x3d: {  	s18 =	sadd.s32 s4, s18  }
0x3e: {  	[tilespmem:s9], [sflag:$0x2] =	stream.linear.gather [hbm4b:s18+s1], $0x1F40, $0x38;
	[tilespmem:$0x1B700] =	vst v63  }
0x3f: {  	_ =	swait.ge [sflag:s10], $0x1F40  }
0x40: {  	[sflag:s10] =	ssyncset.done $0x0  }
0x41: {  	[sflag:s10] =	ssyncadd.s32 $0xFFFFE0C0  }
0x42: {  	_ =	swait.ge [sflag:s10], $0x1F40  }
0x43: {  	[sflag:s10] =	ssyncset.done $0x0  }
0x44: {  	s20 =	simm.s32 $0x13910;
	[sflag:s10] =	ssyncadd.s32 $0xFFFFE0C0  }
0x45: {  	v1 =	vld [tilespmem:s20+$0x0];
	_ =	sdelay $0x4  }
0x46: {  	v2 =	vand.u32 $0xFFFF, v1  }
0x47: {  	v3 =	vld [tilespmem:s20+$0xFFFFFFF0];
	_ =	sdelay $0x1  }
0x48: {  	s19 =	simm.s32 $0x15890  }
0x49: {  	v6 =	vld [tilespmem:s19+$0x0]  }
0x4a: {  	v4 =	vld.idx.msk [tilespmem:v2+s1+$0x0], $0xffff  }
0x4b: {  	v5 =	vand.u32 $0xFFFF, v3  }
0x4c: {  	v7 =	vshra.s32 v1, $0x10  }
0x4d: {  	v1 =	vadd.s32 $0x2710, v2;
	_ =	sdelay $0x1  }
0x4e: {  	v15 =	vld [tilespmem:s19+$0xFFFFFFF0];
	v4 =	vmul.f32 v4, v6  }
0x4f: {  	v8 =	vld.idx.msk [tilespmem:v5+s1+$0x0], $0xffff  }
0x50: {  	[tilespmem:v7+s11+$0x0] =	vst.idx.add.f32.msk $0xffff, v4  }
0x51: {  	s20 =	simm.s32 $0x13930;
	v9 =	vshra.s32 v3, $0x10;
	v1 =	vld.idx.msk [tilespmem:v1+s1+$0x0], $0xffff  }
0x52: {  	v3 =	vadd.s32 $0x2710, v5;
	v4 =	vld [tilespmem:s20+$0x0]  }
0x53: {  	v10 =	vld [tilespmem:s20+$0xFFFFFFF0];
	v11 =	vadd.s32 $0x2710, v7  }
0x54: {  	v12 =	vadd.s32 $0x4E20, v2;
	v8 =	vmul.f32 v8, v15;
	_ =	sdelay $0x1  }
0x55: {  	[tilespmem:v9+s11+$0x0] =	vst.idx.add.f32.msk $0xffff, v8;
	v1 =	vmul.f32 v1, v6  }
0x56: {  	v3 =	vld.idx.msk [tilespmem:v3+s1+$0x0], $0xffff;
	v13 =	vand.u32 $0xFFFF, v4  }
0x57: {  	v8 =	vand.u32 $0xFFFF, v10;
	[tilespmem:v11+s11+$0x0] =	vst.idx.add.f32.msk $0xffff, v1  }
0x58: {  	s19 =	simm.s32 $0x158B0;
	v11 =	vadd.s32 $0x2710, v9;
	v12 =	vld.idx.msk [tilespmem:v12+s1+$0x0], $0xffff  }
0x59: {  	v14 =	vadd.s32 $0x4E20, v5;
	v20 =	vadd.s32 $0x7530, v2;
	v2 =	vld [tilespmem:s19+$0xFFFFFFF0]  }
0x5a: {  	v17 =	vadd.s32 $0x4E20, v7;
	v1 =	vld [tilespmem:s19+$0x0]  }
0x5b: {  	v18 =	vmul.f32 v3, v15;
	v16 =	vld.idx.msk [tilespmem:v13+s1+$0x0], $0xffff  }
0x5c: {  	v19 =	vld.idx.msk [tilespmem:v8+s1+$0x0], $0xffff  }
0x5d: {  	v3 =	vshra.s32 v4, $0x10;
	[tilespmem:v11+s11+$0x0] =	vst.idx.add.f32.msk $0xffff, v18;
	v4 =	vmul.f32 v12, v6  }
0x5e: {  	v11 =	vadd.s32 $0x2710, v13;
	v12 =	vld.idx.msk [tilespmem:v14+s1+$0x0], $0xffff  }
0x5f: {  	s20 =	simm.s32 $0x13950;
	[tilespmem:v17+s11+$0x0] =	vst.idx.add.f32.msk $0xffff, v4  }
0x60: {  	v14 =	vmul.f32 v16, v1;
	v16 =	vshra.s32 v10, $0x10;
	v17 =	vld [tilespmem:s20+$0x0]  }
0x61: {  	v10 =	vadd.s32 $0x2710, v8;
	v4 =	vld.idx.msk [tilespmem:v20+s1+$0x0], $0xffff  }
0x62: {  	[tilespmem:v3+s11+$0x0] =	vst.idx.add.f32.msk $0xffff, v14;
	v14 =	vadd.s32 $0x4E20, v9  }
0x63: {  	v18 =	vmul.f32 v19, v2;
	v19 =	vadd.s32 $0x7530, v5;
	v11 =	vld.idx.msk [tilespmem:v11+s1+$0x0], $0xffff  }
0x64: {  	v7 =	vadd.s32 $0x7530, v7;
	v20 =	vld [tilespmem:s20+$0xFFFFFFF0]  }
0x65: {  	v5 =	vmul.f32 v12, v15;
	v12 =	vadd.s32 $0x2710, v3;
	[tilespmem:v16+s11+$0x0] =	vst.idx.add.f32.msk $0xffff, v18  }
0x66: {  	v18 =	vadd.s32 $0x4E20, v13;
	v10 =	vld.idx.msk [tilespmem:v10+s1+$0x0], $0xffff  }
0x67: {  	v4 =	vmul.f32 v4, v6;
	[tilespmem:v14+s11+$0x0] =	vst.idx.add.f32.msk $0xffff, v5  }
0x68: {  	v5 =	vand.u32 $0xFFFF, v17;
	v6 =	vmul.f32 v11, v1;
	v23 =	vld.idx.msk [tilespmem:v19+s1+$0x0], $0xffff  }
0x69: {  	[tilespmem:v7+s11+$0x0] =	vst.idx.add.f32.msk $0xffff, v4  }
0x6a: {  	v22 =	vand.u32 $0xFFFF, v20;
	[tilespmem:v12+s11+$0x0] =	vst.idx.add.f32.msk $0xffff, v6  }
0x6b: {  	s18 =	simm.s32 $0x158D0;
	v6 =	vadd.s32 $0x2710, v16;
	v7 =	vld.idx.msk [tilespmem:v18+s1+$0x0], $0xffff  }
0x6c: {  	v11 =	vld [tilespmem:s18+$0x0];
	v12 =	vadd.s32 $0x4E20, v8  }
0x6d: {  	v18 =	vadd.s32 $0x4E20, v3;
	v14 =	vld.idx.msk [tilespmem:v5+s1+$0x0], $0xffff  }
0x6e: {  	v13 =	vadd.s32 $0x7530, v13;
	v4 =	vld [tilespmem:s18+$0xFFFFFFF0];
	v10 =	vmul.f32 v10, v2  }
0x6f: {  	v19 =	vshra.s32 v17, $0x10;
	v24 =	vld.idx.msk [tilespmem:v22+s1+$0x0], $0xffff  }
0x70: {  	v25 =	vadd.s32 $0x2710, v5;
	[tilespmem:v6+s11+$0x0] =	vst.idx.add.f32.msk $0xffff, v10;
	v7 =	vmul.f32 v7, v1  }
0x71: {  	v17 =	vshra.s32 v20, $0x10;
	v15 =	vmul.f32 v23, v15;
	v21 =	vld.idx.msk [tilespmem:v12+s1+$0x0], $0xffff  }
0x72: {  	v6 =	vadd.s32 $0x7530, v9;
	v10 =	vadd.s32 $0x7530, v8;
	v8 =	vmul.f32 v14, v11;
	[tilespmem:v18+s11+$0x0] =	vst.idx.add.f32.msk $0xffff, v7  }
0x73: {  	v9 =	vadd.s32 $0x4E20, v16;
	v12 =	vadd.s32 $0x7530, v22;
	v14 =	vadd.s32 $0x2710, v17;
	v20 =	vld.idx.msk [tilespmem:v13+s1+$0x0], $0xffff  }
0x74: {  	v23 =	vmul.f32 v24, v4;
	v7 =	vadd.s32 $0x7530, v16;
	v18 =	vadd.s32 $0x2710, v22;
	[tilespmem:v19+s11+$0x0] =	vst.idx.add.f32.msk $0xffff, v8  }
0x75: {  	s19 =	simm.s32 $0x4;
	s20 =	simm.s32 $0x13970;
	v16 =	vadd.s32 $0x4E20, v17;
	v13 =	vadd.s32 $0x4E20, v22;
	v8 =	vadd.s32 $0x7530, v17;
	v22 =	vld.idx.msk [tilespmem:v25+s1+$0x0], $0xffff  }
.LBB2_5:
0x76: {  	v24 =	vld [tilespmem:s20+$0x0];
	s19 =	sadd.s32 $0x2, s19;
	v25 =	vadd.s32 $0x7530, v3;
	v3 =	vmov v19  }
0x77: {  	v21 =	vmul.f32 v21, v2;
	v19 =	vld [tilespmem:s20+$0xFFFFFFF0];
	p0 =	slt.u32 s19, $0x1F2  }
0x78: {  	[tilespmem:v17+s11+$0x0] =	vst.idx.add.f32.msk $0xffff, v23;
	v23 =	vadd.s32 $0x2710, v3  }
0x79: {  	v27 =	vadd.s32 $0x4E20, v5;
	v17 =	vmul.f32 v20, v1;
	v1 =	vmov v11;
	v26 =	vld.idx.msk [tilespmem:v18+s1+$0x0], $0xffff  }
0x7a: {  	[tilespmem:v9+s11+$0x0] =	vst.idx.add.f32.msk $0xffff, v21;
	v9 =	vmov v16  }
0x7b: {  	v11 =	vmul.f32 v22, v1;
	v20 =	vand.u32 $0xFFFF, v24;
	[tilespmem:v25+s11+$0x0] =	vst.idx.add.f32.msk $0xffff, v17  }
0x7c: {  	v21 =	vand.u32 $0xFFFF, v19;
	v17 =	vshra.s32 v19, $0x10;
	v19 =	vld.idx.msk [tilespmem:v10+s1+$0x0], $0xffff;
	v10 =	vmov v12  }
0x7d: {  	v18 =	vadd.s32 $0x2710, v21;
	v22 =	vadd.s32 $0x2710, v17;
	v25 =	vadd.s32 $0x4E20, v21;
	[tilespmem:v23+s11+$0x0] =	vst.idx.add.f32.msk $0xffff, v11  }
0x7e: {  	v16 =	vadd.s32 $0x4E20, v17;
	v12 =	vadd.s32 $0x7530, v21;
	v11 =	vadd.s32 $0x7530, v17;
	v23 =	vld.idx.msk [tilespmem:v27+s1+$0x0], $0xffff  }
0x7f: {  	v26 =	vmul.f32 v26, v4;
	[tilespmem:v6+s11+$0x0] =	vst.idx.add.f32.msk $0xffff, v15;
	v6 =	vmovc v7;
	v7 =	vmov v8;
	v8 =	vmov v11  }
0x80: {  	s18 =	sadd.s32 $0x20, s18;
	v27 =	vld.idx.msk [tilespmem:v20+s1+$0x0], $0xffff  }
0x81: {  	v28 =	vadd.s32 $0x4E20, v3;
	v11 =	vld [tilespmem:s18+$0x0]  }
0x82: {  	v30 =	vadd.s32 $0x7530, v5;
	v5 =	vmovc v20;
	v15 =	vmul.f32 v19, v2;
	v2 =	vmov v4;
	v29 =	vld.idx.msk [tilespmem:v21+s1+$0x0], $0xffff  }
0x83: {  	v19 =	vshra.s32 v24, $0x10;
	v4 =	vld [tilespmem:s18+$0xFFFFFFF0]  }
0x84: {  	v24 =	vadd.s32 $0x2710, v5;
	v20 =	vmul.f32 v23, v1;
	[tilespmem:v14+s11+$0x0] =	vst.idx.add.f32.msk $0xffff, v26;
	v14 =	vmov v22  }
.Ltmp1:
0x85: {  	v21 =	vld.idx.msk [tilespmem:v13+s1+$0x0], $0xffff;
	v13 =	vmov v25;
	(pc) =	sbr.rel @p0 .LBB2_5-.Ltmp1, $4  }
0x86: {  	v22 =	vmul.f32 v27, v11;
	[tilespmem:v28+s11+$0x0] =	vst.idx.add.f32.msk $0xffff, v20  }
0x87: {  	v20 =	vld.idx.msk [tilespmem:v30+s1+$0x0], $0xffff  }
0x88: {  	v23 =	vmul.f32 v29, v4;
	[tilespmem:v19+s11+$0x0] =	vst.idx.add.f32.msk $0xffff, v22  }
0x89: {  	s20 =	sadd.s32 $0x20, s20;
	v22 =	vld.idx.msk [tilespmem:v24+s1+$0x0], $0xffff  }
0x8a: {  	_ =	sdelay $0x3  }
0x8b: {  	[tilespmem:v17+s11+$0x0] =	vst.idx.add.f32.msk $0xffff, v23  }
0x8c: {  	v17 =	vadd.s32 $0x2710, v19;
	v18 =	vld.idx.msk [tilespmem:v18+s1+$0x0], $0xffff  }
0x8d: {  	v23 =	vadd.s32 $0x4E20, v5;
	_ =	sdelay $0x1  }
0x8e: {  	v22 =	vmul.f32 v22, v11;
	_ =	sdelay $0x1  }
0x8f: {  	[tilespmem:v17+s11+$0x0] =	vst.idx.add.f32.msk $0xffff, v22;
	v17 =	vmul.f32 v18, v4  }
0x90: {  	v18 =	vld.idx.msk [tilespmem:v23+s1+$0x0], $0xffff  }
0x91: {  	[tilespmem:v14+s11+$0x0] =	vst.idx.add.f32.msk $0xffff, v17  }
0x92: {  	v14 =	vadd.s32 $0x4E20, v19;
	v13 =	vld.idx.msk [tilespmem:v13+s1+$0x0], $0xffff  }
0x93: {  	v5 =	vadd.s32 $0x7530, v5;
	v17 =	vmul.f32 v21, v2;
	_ =	sdelay $0x1  }
0x94: {  	[tilespmem:v9+s11+$0x0] =	vst.idx.add.f32.msk $0xffff, v17;
	v9 =	vmul.f32 v18, v11  }
0x95: {  	v10 =	vld.idx.msk [tilespmem:v10+s1+$0x0], $0xffff  }
0x96: {  	[tilespmem:v14+s11+$0x0] =	vst.idx.add.f32.msk $0xffff, v9;
	v9 =	vmul.f32 v13, v4  }
0x97: {  	v3 =	vadd.s32 $0x7530, v3;
	v5 =	vld.idx.msk [tilespmem:v5+s1+$0x0], $0xffff  }
0x98: {  	[tilespmem:v16+s11+$0x0] =	vst.idx.add.f32.msk $0xffff, v9  }
0x99: {  	v9 =	vadd.s32 $0x7530, v19;
	v12 =	vld.idx.msk [tilespmem:v12+s1+$0x0], $0xffff  }
0x9a: {  	v1 =	vmul.f32 v20, v1;
	_ =	sdelay $0x1  }
0x9b: {  	[tilespmem:v3+s11+$0x0] =	vst.idx.add.f32.msk $0xffff, v1;
	v1 =	vmul.f32 v5, v11  }
0x9c: {  	[tilespmem:v6+s11+$0x0] =	vst.idx.add.f32.msk $0xffff, v15;
	p0 =	seq.s32 s16, $0x13;
	v2 =	vmul.f32 v10, v2  }
0x9d: {  	s17 =	sshrl.u32 @!p0 s17, $0x3;
	[tilespmem:v9+s11+$0x0] =	vst.idx.add.f32.msk $0xffff, v1;
	v1 =	vmul.f32 v12, v4  }
0x9e: {  	s17 =	sadd.s32 @!p0 $0x7D0, s17;
	[tilespmem:v7+s11+$0x0] =	vst.idx.add.f32.msk $0xffff, v2  }
0x9f: {  	s19 =	simm.s32 @!p0 $0x0;
	s20 =	simm.s32 @!p0 $0x13900;
	s18 =	sadd.s32 @!p0 s3, s17;
	[tilespmem:v8+s11+$0x0] =	vst.idx.add.f32.msk $0xffff, v1  }
0xa0: {  	[tilespmem:s20], [sflag:$0x1] =	stream.linear.gather @!p0 [hbm4b:s18+s19], $0x1F40, $0x38;
	[tilespmem:$0x1B700] =	vst v63  }
0xa1: {  	s17 =	sadd.s32 @!p0 s4, s17;
	s18 =	simm.s32 @!p0 $0x15880  }
0xa2: {  	[tilespmem:s18], [sflag:$0x1] =	stream.linear.gather @!p0 [hbm4b:s17+s19], $0x1F40, $0x38;
	[tilespmem:$0x1B700] =	vst v63  }
0xa3: {  	_ =	swait.ge [sflag:s12], $0x1F40  }
0xa4: {  	[sflag:s12] =	ssyncset.done $0x0  }
0xa5: {  	[sflag:s12] =	ssyncadd.s32 $0xFFFFE0C0  }
0xa6: {  	_ =	swait.ge [sflag:s12], $0x1F40  }
0xa7: {  	[sflag:s12] =	ssyncset.done $0x0  }
0xa8: {  	s19 =	simm.s32 $0x17810;
	[sflag:s12] =	ssyncadd.s32 $0xFFFFE0C0  }
0xa9: {  	v1 =	vld [tilespmem:s19+$0x0];
	_ =	sdelay $0x4  }
0xaa: {  	v2 =	vand.u32 $0xFFFF, v1  }
0xab: {  	v3 =	vld [tilespmem:s19+$0xFFFFFFF0];
	_ =	sdelay $0x1  }
0xac: {  	s20 =	simm.s32 $0x19790  }
0xad: {  	v6 =	vld [tilespmem:s20+$0x0]  }
0xae: {  	v4 =	vld.idx.msk [tilespmem:v2+s1+$0x0], $0xffff  }
0xaf: {  	v5 =	vand.u32 $0xFFFF, v3  }
0xb0: {  	v7 =	vshra.s32 v1, $0x10  }
0xb1: {  	v1 =	vadd.s32 $0x2710, v2;
	_ =	sdelay $0x1  }
0xb2: {  	v15 =	vld [tilespmem:s20+$0xFFFFFFF0];
	v4 =	vmul.f32 v4, v6  }
0xb3: {  	v8 =	vld.idx.msk [tilespmem:v5+s1+$0x0], $0xffff  }
0xb4: {  	[tilespmem:v7+s11+$0x0] =	vst.idx.add.f32.msk $0xffff, v4  }
0xb5: {  	s18 =	simm.s32 $0x17830;
	v9 =	vshra.s32 v3, $0x10;
	v1 =	vld.idx.msk [tilespmem:v1+s1+$0x0], $0xffff  }
0xb6: {  	v3 =	vadd.s32 $0x2710, v5;
	v4 =	vld [tilespmem:s18+$0x0]  }
0xb7: {  	v10 =	vld [tilespmem:s18+$0xFFFFFFF0];
	v11 =	vadd.s32 $0x2710, v7  }
0xb8: {  	v12 =	vadd.s32 $0x4E20, v2;
	v8 =	vmul.f32 v8, v15;
	_ =	sdelay $0x1  }
0xb9: {  	[tilespmem:v9+s11+$0x0] =	vst.idx.add.f32.msk $0xffff, v8;
	v1 =	vmul.f32 v1, v6  }
0xba: {  	v3 =	vld.idx.msk [tilespmem:v3+s1+$0x0], $0xffff;
	v13 =	vand.u32 $0xFFFF, v4  }
0xbb: {  	v8 =	vand.u32 $0xFFFF, v10;
	[tilespmem:v11+s11+$0x0] =	vst.idx.add.f32.msk $0xffff, v1  }
0xbc: {  	s19 =	simm.s32 $0x197B0;
	v11 =	vadd.s32 $0x2710, v9;
	v12 =	vld.idx.msk [tilespmem:v12+s1+$0x0], $0xffff  }
0xbd: {  	v14 =	vadd.s32 $0x4E20, v5;
	v20 =	vadd.s32 $0x7530, v2;
	v2 =	vld [tilespmem:s19+$0xFFFFFFF0]  }
0xbe: {  	v17 =	vadd.s32 $0x4E20, v7;
	v1 =	vld [tilespmem:s19+$0x0]  }
0xbf: {  	v18 =	vmul.f32 v3, v15;
	v16 =	vld.idx.msk [tilespmem:v13+s1+$0x0], $0xffff  }
0xc0: {  	v19 =	vld.idx.msk [tilespmem:v8+s1+$0x0], $0xffff  }
0xc1: {  	v3 =	vshra.s32 v4, $0x10;
	[tilespmem:v11+s11+$0x0] =	vst.idx.add.f32.msk $0xffff, v18;
	v4 =	vmul.f32 v12, v6  }
0xc2: {  	v11 =	vadd.s32 $0x2710, v13;
	v12 =	vld.idx.msk [tilespmem:v14+s1+$0x0], $0xffff  }
0xc3: {  	s20 =	simm.s32 $0x17850;
	[tilespmem:v17+s11+$0x0] =	vst.idx.add.f32.msk $0xffff, v4  }
0xc4: {  	v14 =	vmul.f32 v16, v1;
	v16 =	vshra.s32 v10, $0x10;
	v17 =	vld [tilespmem:s20+$0x0]  }
0xc5: {  	v10 =	vadd.s32 $0x2710, v8;
	v4 =	vld.idx.msk [tilespmem:v20+s1+$0x0], $0xffff  }
0xc6: {  	[tilespmem:v3+s11+$0x0] =	vst.idx.add.f32.msk $0xffff, v14;
	v14 =	vadd.s32 $0x4E20, v9  }
0xc7: {  	v18 =	vmul.f32 v19, v2;
	v19 =	vadd.s32 $0x7530, v5;
	v11 =	vld.idx.msk [tilespmem:v11+s1+$0x0], $0xffff  }
0xc8: {  	v7 =	vadd.s32 $0x7530, v7;
	v20 =	vld [tilespmem:s20+$0xFFFFFFF0]  }
0xc9: {  	v5 =	vmul.f32 v12, v15;
	v12 =	vadd.s32 $0x2710, v3;
	[tilespmem:v16+s11+$0x0] =	vst.idx.add.f32.msk $0xffff, v18  }
0xca: {  	v18 =	vadd.s32 $0x4E20, v13;
	v10 =	vld.idx.msk [tilespmem:v10+s1+$0x0], $0xffff  }
0xcb: {  	v4 =	vmul.f32 v4, v6;
	[tilespmem:v14+s11+$0x0] =	vst.idx.add.f32.msk $0xffff, v5  }
0xcc: {  	v5 =	vand.u32 $0xFFFF, v17;
	v6 =	vmul.f32 v11, v1;
	v23 =	vld.idx.msk [tilespmem:v19+s1+$0x0], $0xffff  }
0xcd: {  	[tilespmem:v7+s11+$0x0] =	vst.idx.add.f32.msk $0xffff, v4  }
0xce: {  	v22 =	vand.u32 $0xFFFF, v20;
	[tilespmem:v12+s11+$0x0] =	vst.idx.add.f32.msk $0xffff, v6  }
0xcf: {  	s17 =	simm.s32 $0x197D0;
	v6 =	vadd.s32 $0x2710, v16;
	v7 =	vld.idx.msk [tilespmem:v18+s1+$0x0], $0xffff  }
0xd0: {  	v11 =	vld [tilespmem:s17+$0x0];
	v12 =	vadd.s32 $0x4E20, v8  }
0xd1: {  	v18 =	vadd.s32 $0x4E20, v3;
	v14 =	vld.idx.msk [tilespmem:v5+s1+$0x0], $0xffff  }
0xd2: {  	v13 =	vadd.s32 $0x7530, v13;
	v4 =	vld [tilespmem:s17+$0xFFFFFFF0];
	v10 =	vmul.f32 v10, v2  }
0xd3: {  	v19 =	vshra.s32 v17, $0x10;
	v24 =	vld.idx.msk [tilespmem:v22+s1+$0x0], $0xffff  }
0xd4: {  	v25 =	vadd.s32 $0x2710, v5;
	[tilespmem:v6+s11+$0x0] =	vst.idx.add.f32.msk $0xffff, v10;
	v7 =	vmul.f32 v7, v1  }
0xd5: {  	v17 =	vshra.s32 v20, $0x10;
	v15 =	vmul.f32 v23, v15;
	v21 =	vld.idx.msk [tilespmem:v12+s1+$0x0], $0xffff  }
0xd6: {  	v6 =	vadd.s32 $0x7530, v9;
	v10 =	vadd.s32 $0x7530, v8;
	v8 =	vmul.f32 v14, v11;
	[tilespmem:v18+s11+$0x0] =	vst.idx.add.f32.msk $0xffff, v7  }
0xd7: {  	v9 =	vadd.s32 $0x4E20, v16;
	v12 =	vadd.s32 $0x7530, v22;
	v14 =	vadd.s32 $0x2710, v17;
	v20 =	vld.idx.msk [tilespmem:v13+s1+$0x0], $0xffff  }
0xd8: {  	v23 =	vmul.f32 v24, v4;
	v7 =	vadd.s32 $0x7530, v16;
	v18 =	vadd.s32 $0x2710, v22;
	[tilespmem:v19+s11+$0x0] =	vst.idx.add.f32.msk $0xffff, v8  }
0xd9: {  	s18 =	simm.s32 $0x4;
	s19 =	simm.s32 $0x17870;
	v16 =	vadd.s32 $0x4E20, v17;
	v13 =	vadd.s32 $0x4E20, v22;
	v8 =	vadd.s32 $0x7530, v17;
	v22 =	vld.idx.msk [tilespmem:v25+s1+$0x0], $0xffff  }
.LBB2_7:
0xda: {  	v24 =	vld [tilespmem:s19+$0x0];
	s18 =	sadd.s32 $0x2, s18;
	v25 =	vadd.s32 $0x7530, v3;
	v3 =	vmov v19  }
0xdb: {  	v21 =	vmul.f32 v21, v2;
	v19 =	vld [tilespmem:s19+$0xFFFFFFF0];
	p0 =	slt.u32 s18, $0x1F2  }
0xdc: {  	[tilespmem:v17+s11+$0x0] =	vst.idx.add.f32.msk $0xffff, v23;
	v23 =	vadd.s32 $0x2710, v3  }
0xdd: {  	v27 =	vadd.s32 $0x4E20, v5;
	v17 =	vmul.f32 v20, v1;
	v1 =	vmov v11;
	v26 =	vld.idx.msk [tilespmem:v18+s1+$0x0], $0xffff  }
0xde: {  	[tilespmem:v9+s11+$0x0] =	vst.idx.add.f32.msk $0xffff, v21;
	v9 =	vmov v16  }
0xdf: {  	v11 =	vmul.f32 v22, v1;
	v20 =	vand.u32 $0xFFFF, v24;
	[tilespmem:v25+s11+$0x0] =	vst.idx.add.f32.msk $0xffff, v17  }
0xe0: {  	v21 =	vand.u32 $0xFFFF, v19;
	v17 =	vshra.s32 v19, $0x10;
	v19 =	vld.idx.msk [tilespmem:v10+s1+$0x0], $0xffff;
	v10 =	vmov v12  }
0xe1: {  	v18 =	vadd.s32 $0x2710, v21;
	v22 =	vadd.s32 $0x2710, v17;
	v25 =	vadd.s32 $0x4E20, v21;
	[tilespmem:v23+s11+$0x0] =	vst.idx.add.f32.msk $0xffff, v11  }
0xe2: {  	v16 =	vadd.s32 $0x4E20, v17;
	v12 =	vadd.s32 $0x7530, v21;
	v11 =	vadd.s32 $0x7530, v17;
	v23 =	vld.idx.msk [tilespmem:v27+s1+$0x0], $0xffff  }
0xe3: {  	v26 =	vmul.f32 v26, v4;
	[tilespmem:v6+s11+$0x0] =	vst.idx.add.f32.msk $0xffff, v15;
	v6 =	vmovc v7;
	v7 =	vmov v8;
	v8 =	vmov v11  }
0xe4: {  	s17 =	sadd.s32 $0x20, s17;
	v27 =	vld.idx.msk [tilespmem:v20+s1+$0x0], $0xffff  }
0xe5: {  	v28 =	vadd.s32 $0x4E20, v3;
	v11 =	vld [tilespmem:s17+$0x0]  }
0xe6: {  	v30 =	vadd.s32 $0x7530, v5;
	v5 =	vmovc v20;
	v15 =	vmul.f32 v19, v2;
	v2 =	vmov v4;
	v29 =	vld.idx.msk [tilespmem:v21+s1+$0x0], $0xffff  }
0xe7: {  	v19 =	vshra.s32 v24, $0x10;
	v4 =	vld [tilespmem:s17+$0xFFFFFFF0]  }
0xe8: {  	v24 =	vadd.s32 $0x2710, v5;
	v20 =	vmul.f32 v23, v1;
	[tilespmem:v14+s11+$0x0] =	vst.idx.add.f32.msk $0xffff, v26;
	v14 =	vmov v22  }
.Ltmp2:
0xe9: {  	v21 =	vld.idx.msk [tilespmem:v13+s1+$0x0], $0xffff;
	v13 =	vmov v25;
	(pc) =	sbr.rel @p0 .LBB2_7-.Ltmp2, $4  }
0xea: {  	v22 =	vmul.f32 v27, v11;
	[tilespmem:v28+s11+$0x0] =	vst.idx.add.f32.msk $0xffff, v20  }
0xeb: {  	v20 =	vld.idx.msk [tilespmem:v30+s1+$0x0], $0xffff  }
0xec: {  	v23 =	vmul.f32 v29, v4;
	[tilespmem:v19+s11+$0x0] =	vst.idx.add.f32.msk $0xffff, v22  }
0xed: {  	s19 =	sadd.s32 $0x20, s19;
	v22 =	vld.idx.msk [tilespmem:v24+s1+$0x0], $0xffff  }
0xee: {  	_ =	sdelay $0x3  }
0xef: {  	[tilespmem:v17+s11+$0x0] =	vst.idx.add.f32.msk $0xffff, v23  }
0xf0: {  	v54 =	vadd.s32 $0x2710, v19;
	v18 =	vld.idx.msk [tilespmem:v18+s1+$0x0], $0xffff  }
0xf1: {  	v55 =	vadd.s32 $0x4E20, v5;
	_ =	sdelay $0x1  }
0xf2: {  	v22 =	vmul.f32 v22, v11;
	_ =	sdelay $0x1  }
0xf3: {  	[tilespmem:v54+s11+$0x0] =	vst.idx.add.f32.msk $0xffff, v22;
	v56 =	vmul.f32 v18, v4  }
0xf4: {  	v57 =	vld.idx.msk [tilespmem:v55+s1+$0x0], $0xffff  }
0xf5: {  	[tilespmem:v14+s11+$0x0] =	vst.idx.add.f32.msk $0xffff, v56  }
0xf6: {  	v58 =	vadd.s32 $0x4E20, v19;
	v13 =	vld.idx.msk [tilespmem:v13+s1+$0x0], $0xffff  }
0xf7: {  	v59 =	vmul.f32 v21, v2;
	v60 =	vadd.s32 $0x7530, v5;
	_ =	sdelay $0x1  }
0xf8: {  	[tilespmem:v9+s11+$0x0] =	vst.idx.add.f32.msk $0xffff, v59;
	v61 =	vmul.f32 v57, v11  }
0xf9: {  	v10 =	vld.idx.msk [tilespmem:v10+s1+$0x0], $0xffff  }
0xfa: {  	[tilespmem:v58+s11+$0x0] =	vst.idx.add.f32.msk $0xffff, v61;
	v62 =	vmul.f32 v13, v4  }
0xfb: {  	v3 =	vadd.s32 $0x7530, v3;
	v5 =	vld.idx.msk [tilespmem:v60+s1+$0x0], $0xffff  }
0xfc: {  	[tilespmem:v16+s11+$0x0] =	vst.idx.add.f32.msk $0xffff, v62  }
0xfd: {  	v63 =	vadd.s32 $0x7530, v19;
	v12 =	vld.idx.msk [tilespmem:v12+s1+$0x0], $0xffff  }
0xfe: {  	s16 =	sadd.s32 $0x1, s16;
	v1 =	vmul.f32 v20, v1  }
0xff: {  	p0 =	sne.s32 s16, $0x14  }
.Ltmp3:
0x100: {  	[tilespmem:v3+s11+$0x0] =	vst.idx.add.f32.msk $0xffff, v1;
	v1 =	vmul.f32 v5, v11;
	(pc) =	sbr.rel @p0 .LBB2_4-.Ltmp3, $4  }
0x101: {  	[tilespmem:v6+s11+$0x0] =	vst.idx.add.f32.msk $0xffff, v15;
	v2 =	vmul.f32 v10, v2  }
0x102: {  	[tilespmem:v63+s11+$0x0] =	vst.idx.add.f32.msk $0xffff, v1;
	v1 =	vmul.f32 v12, v4  }
0x103: {  	[tilespmem:v7+s11+$0x0] =	vst.idx.add.f32.msk $0xffff, v2  }
0x104: {  	[tilespmem:v8+s11+$0x0] =	vst.idx.add.f32.msk $0xffff, v1  }
0x105: {  	s16 =	simm.s32 $0x0;
	s17 =	rddreg [dreg:$0x6]  }
0x106: {  	[hbm4b:s17+s16] =	stream.linear.scatter [tilespmem:s11], [sflag:$0x3], $0x2710, $0x38;
	[tilespmem:$0x1B700] =	vst v63  }
0x107: {  	s20 =	rddreg [dreg:$0x7];
	s18 =	simm.s32 $0xC390  }
0x108: {  	[hbm4b:s20+s16] =	stream.linear.scatter [tilespmem:s18], [sflag:$0x3], $0x2710, $0x38;
	[tilespmem:$0x1B700] =	vst v63  }
0x109: {  	s19 =	rddreg [dreg:$0x8];
	s20 =	simm.s32 $0xEAA0  }
0x10a: {  	[hbm4b:s19+s16] =	stream.linear.scatter [tilespmem:s20], [sflag:$0x3], $0x2710, $0x38;
	[tilespmem:$0x1B700] =	vst v63  }
0x10b: {  	s19 =	rddreg [dreg:$0x9];
	s20 =	simm.s32 $0x111B0  }
0x10c: {  	[hbm4b:s19+s16] =	stream.linear.scatter [tilespmem:s20], [sflag:$0x3], $0x2710, $0x38;
	[tilespmem:$0x1B700] =	vst v63  }
0x10d: {  	_ = 	snop  }
0x10e: {  	[tilespmem:s2], [sflag:$0x1] =	stream.linear.gather [hbm4b:s3+s16], $0x1F40, $0x38;
	[tilespmem:$0x1B700] =	vst v63  }
0x10f: {  	_ = 	snop  }
0x110: {  	[tilespmem:s7], [sflag:$0x1] =	stream.linear.gather [hbm4b:s6+s16], $0x1F40, $0x38;
	[tilespmem:$0x1B700] =	vst v63  }
.LBB2_10:
0x111: {  	s17 =	smul.u32 $0x3E80, s16;
	_ =	sdelay $0x1  }
0x112: {  	s18 =	sshrl.u32 s17, $0x3  }
0x113: {  	s18 =	sadd.s32 $0x3E8, s18  }
0x114: {  	s19 =	sadd.s32 s3, s18  }
0x115: {  	[tilespmem:s8], [sflag:$0x2] =	stream.linear.gather [hbm4b:s19+s1], $0x1F40, $0x38;
	[tilespmem:$0x1B700] =	vst v63  }
0x116: {  	s18 =	sadd.s32 s6, s18  }
0x117: {  	[tilespmem:s9], [sflag:$0x2] =	stream.linear.gather [hbm4b:s18+s1], $0x1F40, $0x38;
	[tilespmem:$0x1B700] =	vst v63  }
0x118: {  	_ =	swait.ge [sflag:s10], $0x1F40  }
0x119: {  	[sflag:s10] =	ssyncset.done $0x0  }
0x11a: {  	[sflag:s10] =	ssyncadd.s32 $0xFFFFE0C0  }
0x11b: {  	_ =	swait.ge [sflag:s10], $0x1F40  }
0x11c: {  	[sflag:s10] =	ssyncset.done $0x0  }
0x11d: {  	s20 =	simm.s32 $0x13910;
	[sflag:s10] =	ssyncadd.s32 $0xFFFFE0C0  }
0x11e: {  	v1 =	vld [tilespmem:s20+$0x0];
	_ =	sdelay $0x4  }
0x11f: {  	v2 =	vand.u32 $0xFFFF, v1  }
0x120: {  	v3 =	vld [tilespmem:s20+$0xFFFFFFF0];
	_ =	sdelay $0x1  }
0x121: {  	s19 =	simm.s32 $0x15890  }
0x122: {  	v6 =	vld [tilespmem:s19+$0x0]  }
0x123: {  	v4 =	vld.idx.msk [tilespmem:v2+s11+$0x0], $0xffff  }
0x124: {  	v5 =	vand.u32 $0xFFFF, v3  }
0x125: {  	v7 =	vshra.s32 v1, $0x10  }
0x126: {  	v1 =	vadd.s32 $0x2710, v2;
	_ =	sdelay $0x1  }
0x127: {  	v15 =	vld [tilespmem:s19+$0xFFFFFFF0];
	v4 =	vmul.f32 v4, v6  }
0x128: {  	v8 =	vld.idx.msk [tilespmem:v5+s11+$0x0], $0xffff  }
0x129: {  	[tilespmem:v7+s1+$0x0] =	vst.idx.add.f32.msk $0xffff, v4  }
0x12a: {  	s20 =	simm.s32 $0x13930;
	v9 =	vshra.s32 v3, $0x10;
	v1 =	vld.idx.msk [tilespmem:v1+s11+$0x0], $0xffff  }
0x12b: {  	v3 =	vadd.s32 $0x2710, v5;
	v4 =	vld [tilespmem:s20+$0x0]  }
0x12c: {  	v10 =	vld [tilespmem:s20+$0xFFFFFFF0];
	v11 =	vadd.s32 $0x2710, v7  }
0x12d: {  	v12 =	vadd.s32 $0x4E20, v2;
	v8 =	vmul.f32 v8, v15;
	_ =	sdelay $0x1  }
0x12e: {  	[tilespmem:v9+s1+$0x0] =	vst.idx.add.f32.msk $0xffff, v8;
	v1 =	vmul.f32 v1, v6  }
0x12f: {  	v3 =	vld.idx.msk [tilespmem:v3+s11+$0x0], $0xffff;
	v13 =	vand.u32 $0xFFFF, v4  }
0x130: {  	v8 =	vand.u32 $0xFFFF, v10;
	[tilespmem:v11+s1+$0x0] =	vst.idx.add.f32.msk $0xffff, v1  }
0x131: {  	s19 =	simm.s32 $0x158B0;
	v11 =	vadd.s32 $0x2710, v9;
	v12 =	vld.idx.msk [tilespmem:v12+s11+$0x0], $0xffff  }
0x132: {  	v14 =	vadd.s32 $0x4E20, v5;
	v20 =	vadd.s32 $0x7530, v2;
	v2 =	vld [tilespmem:s19+$0xFFFFFFF0]  }
0x133: {  	v17 =	vadd.s32 $0x4E20, v7;
	v1 =	vld [tilespmem:s19+$0x0]  }
0x134: {  	v18 =	vmul.f32 v3, v15;
	v16 =	vld.idx.msk [tilespmem:v13+s11+$0x0], $0xffff  }
0x135: {  	v19 =	vld.idx.msk [tilespmem:v8+s11+$0x0], $0xffff  }
0x136: {  	v3 =	vshra.s32 v4, $0x10;
	[tilespmem:v11+s1+$0x0] =	vst.idx.add.f32.msk $0xffff, v18;
	v4 =	vmul.f32 v12, v6  }
0x137: {  	v11 =	vadd.s32 $0x2710, v13;
	v12 =	vld.idx.msk [tilespmem:v14+s11+$0x0], $0xffff  }
0x138: {  	s20 =	simm.s32 $0x13950;
	[tilespmem:v17+s1+$0x0] =	vst.idx.add.f32.msk $0xffff, v4  }
0x139: {  	v14 =	vmul.f32 v16, v1;
	v16 =	vshra.s32 v10, $0x10;
	v17 =	vld [tilespmem:s20+$0x0]  }
0x13a: {  	v10 =	vadd.s32 $0x2710, v8;
	v4 =	vld.idx.msk [tilespmem:v20+s11+$0x0], $0xffff  }
0x13b: {  	[tilespmem:v3+s1+$0x0] =	vst.idx.add.f32.msk $0xffff, v14;
	v14 =	vadd.s32 $0x4E20, v9  }
0x13c: {  	v18 =	vmul.f32 v19, v2;
	v19 =	vadd.s32 $0x7530, v5;
	v11 =	vld.idx.msk [tilespmem:v11+s11+$0x0], $0xffff  }
0x13d: {  	v7 =	vadd.s32 $0x7530, v7;
	v20 =	vld [tilespmem:s20+$0xFFFFFFF0]  }
0x13e: {  	v5 =	vmul.f32 v12, v15;
	v12 =	vadd.s32 $0x2710, v3;
	[tilespmem:v16+s1+$0x0] =	vst.idx.add.f32.msk $0xffff, v18  }
0x13f: {  	v18 =	vadd.s32 $0x4E20, v13;
	v10 =	vld.idx.msk [tilespmem:v10+s11+$0x0], $0xffff  }
0x140: {  	v4 =	vmul.f32 v4, v6;
	[tilespmem:v14+s1+$0x0] =	vst.idx.add.f32.msk $0xffff, v5  }
0x141: {  	v5 =	vand.u32 $0xFFFF, v17;
	v6 =	vmul.f32 v11, v1;
	v23 =	vld.idx.msk [tilespmem:v19+s11+$0x0], $0xffff  }
0x142: {  	[tilespmem:v7+s1+$0x0] =	vst.idx.add.f32.msk $0xffff, v4  }
0x143: {  	v22 =	vand.u32 $0xFFFF, v20;
	[tilespmem:v12+s1+$0x0] =	vst.idx.add.f32.msk $0xffff, v6  }
0x144: {  	s18 =	simm.s32 $0x158D0;
	v6 =	vadd.s32 $0x2710, v16;
	v7 =	vld.idx.msk [tilespmem:v18+s11+$0x0], $0xffff  }
0x145: {  	v11 =	vld [tilespmem:s18+$0x0];
	v12 =	vadd.s32 $0x4E20, v8  }
0x146: {  	v18 =	vadd.s32 $0x4E20, v3;
	v14 =	vld.idx.msk [tilespmem:v5+s11+$0x0], $0xffff  }
0x147: {  	v13 =	vadd.s32 $0x7530, v13;
	v4 =	vld [tilespmem:s18+$0xFFFFFFF0];
	v10 =	vmul.f32 v10, v2  }
0x148: {  	v19 =	vshra.s32 v17, $0x10;
	v24 =	vld.idx.msk [tilespmem:v22+s11+$0x0], $0xffff  }
0x149: {  	v25 =	vadd.s32 $0x2710, v5;
	[tilespmem:v6+s1+$0x0] =	vst.idx.add.f32.msk $0xffff, v10;
	v7 =	vmul.f32 v7, v1  }
0x14a: {  	v17 =	vshra.s32 v20, $0x10;
	v15 =	vmul.f32 v23, v15;
	v21 =	vld.idx.msk [tilespmem:v12+s11+$0x0], $0xffff  }
0x14b: {  	v6 =	vadd.s32 $0x7530, v9;
	v10 =	vadd.s32 $0x7530, v8;
	v8 =	vmul.f32 v14, v11;
	[tilespmem:v18+s1+$0x0] =	vst.idx.add.f32.msk $0xffff, v7  }
0x14c: {  	v9 =	vadd.s32 $0x4E20, v16;
	v12 =	vadd.s32 $0x7530, v22;
	v14 =	vadd.s32 $0x2710, v17;
	v20 =	vld.idx.msk [tilespmem:v13+s11+$0x0], $0xffff  }
0x14d: {  	v23 =	vmul.f32 v24, v4;
	v7 =	vadd.s32 $0x7530, v16;
	v18 =	vadd.s32 $0x2710, v22;
	[tilespmem:v19+s1+$0x0] =	vst.idx.add.f32.msk $0xffff, v8  }
0x14e: {  	s19 =	simm.s32 $0x4;
	s20 =	simm.s32 $0x13970;
	v16 =	vadd.s32 $0x4E20, v17;
	v13 =	vadd.s32 $0x4E20, v22;
	v8 =	vadd.s32 $0x7530, v17;
	v22 =	vld.idx.msk [tilespmem:v25+s11+$0x0], $0xffff  }
.LBB2_11:
0x14f: {  	v24 =	vld [tilespmem:s20+$0x0];
	s19 =	sadd.s32 $0x2, s19;
	v25 =	vadd.s32 $0x7530, v3;
	v3 =	vmov v19  }
0x150: {  	v21 =	vmul.f32 v21, v2;
	v19 =	vld [tilespmem:s20+$0xFFFFFFF0];
	p0 =	slt.u32 s19, $0x1F2  }
0x151: {  	[tilespmem:v17+s1+$0x0] =	vst.idx.add.f32.msk $0xffff, v23;
	v23 =	vadd.s32 $0x2710, v3  }
0x152: {  	v27 =	vadd.s32 $0x4E20, v5;
	v17 =	vmul.f32 v20, v1;
	v1 =	vmov v11;
	v26 =	vld.idx.msk [tilespmem:v18+s11+$0x0], $0xffff  }
0x153: {  	[tilespmem:v9+s1+$0x0] =	vst.idx.add.f32.msk $0xffff, v21;
	v9 =	vmov v16  }
0x154: {  	v11 =	vmul.f32 v22, v1;
	v20 =	vand.u32 $0xFFFF, v24;
	[tilespmem:v25+s1+$0x0] =	vst.idx.add.f32.msk $0xffff, v17  }
0x155: {  	v21 =	vand.u32 $0xFFFF, v19;
	v17 =	vshra.s32 v19, $0x10;
	v19 =	vld.idx.msk [tilespmem:v10+s11+$0x0], $0xffff;
	v10 =	vmov v12  }
0x156: {  	v18 =	vadd.s32 $0x2710, v21;
	v22 =	vadd.s32 $0x2710, v17;
	v25 =	vadd.s32 $0x4E20, v21;
	[tilespmem:v23+s1+$0x0] =	vst.idx.add.f32.msk $0xffff, v11  }
0x157: {  	v16 =	vadd.s32 $0x4E20, v17;
	v12 =	vadd.s32 $0x7530, v21;
	v11 =	vadd.s32 $0x7530, v17;
	v23 =	vld.idx.msk [tilespmem:v27+s11+$0x0], $0xffff  }
0x158: {  	v26 =	vmul.f32 v26, v4;
	[tilespmem:v6+s1+$0x0] =	vst.idx.add.f32.msk $0xffff, v15;
	v6 =	vmovc v7;
	v7 =	vmov v8;
	v8 =	vmov v11  }
0x159: {  	s18 =	sadd.s32 $0x20, s18;
	v27 =	vld.idx.msk [tilespmem:v20+s11+$0x0], $0xffff  }
0x15a: {  	v28 =	vadd.s32 $0x4E20, v3;
	v11 =	vld [tilespmem:s18+$0x0]  }
0x15b: {  	v30 =	vadd.s32 $0x7530, v5;
	v5 =	vmovc v20;
	v15 =	vmul.f32 v19, v2;
	v2 =	vmov v4;
	v29 =	vld.idx.msk [tilespmem:v21+s11+$0x0], $0xffff  }
0x15c: {  	v19 =	vshra.s32 v24, $0x10;
	v4 =	vld [tilespmem:s18+$0xFFFFFFF0]  }
0x15d: {  	v24 =	vadd.s32 $0x2710, v5;
	v20 =	vmul.f32 v23, v1;
	[tilespmem:v14+s1+$0x0] =	vst.idx.add.f32.msk $0xffff, v26;
	v14 =	vmov v22  }
.Ltmp4:
0x15e: {  	v21 =	vld.idx.msk [tilespmem:v13+s11+$0x0], $0xffff;
	v13 =	vmov v25;
	(pc) =	sbr.rel @p0 .LBB2_11-.Ltmp4, $4  }
0x15f: {  	v22 =	vmul.f32 v27, v11;
	[tilespmem:v28+s1+$0x0] =	vst.idx.add.f32.msk $0xffff, v20  }
0x160: {  	v20 =	vld.idx.msk [tilespmem:v30+s11+$0x0], $0xffff  }
0x161: {  	v23 =	vmul.f32 v29, v4;
	[tilespmem:v19+s1+$0x0] =	vst.idx.add.f32.msk $0xffff, v22  }
0x162: {  	s20 =	sadd.s32 $0x20, s20;
	v22 =	vld.idx.msk [tilespmem:v24+s11+$0x0], $0xffff  }
0x163: {  	_ =	sdelay $0x3  }
0x164: {  	[tilespmem:v17+s1+$0x0] =	vst.idx.add.f32.msk $0xffff, v23  }
0x165: {  	v17 =	vadd.s32 $0x2710, v19;
	v18 =	vld.idx.msk [tilespmem:v18+s11+$0x0], $0xffff  }
0x166: {  	v23 =	vadd.s32 $0x4E20, v5;
	_ =	sdelay $0x1  }
0x167: {  	v22 =	vmul.f32 v22, v11;
	_ =	sdelay $0x1  }
0x168: {  	[tilespmem:v17+s1+$0x0] =	vst.idx.add.f32.msk $0xffff, v22;
	v17 =	vmul.f32 v18, v4  }
0x169: {  	v18 =	vld.idx.msk [tilespmem:v23+s11+$0x0], $0xffff  }
0x16a: {  	[tilespmem:v14+s1+$0x0] =	vst.idx.add.f32.msk $0xffff, v17  }
0x16b: {  	v14 =	vadd.s32 $0x4E20, v19;
	v13 =	vld.idx.msk [tilespmem:v13+s11+$0x0], $0xffff  }
0x16c: {  	v5 =	vadd.s32 $0x7530, v5;
	v17 =	vmul.f32 v21, v2;
	_ =	sdelay $0x1  }
0x16d: {  	[tilespmem:v9+s1+$0x0] =	vst.idx.add.f32.msk $0xffff, v17;
	v9 =	vmul.f32 v18, v11  }
0x16e: {  	v10 =	vld.idx.msk [tilespmem:v10+s11+$0x0], $0xffff  }
0x16f: {  	[tilespmem:v14+s1+$0x0] =	vst.idx.add.f32.msk $0xffff, v9;
	v9 =	vmul.f32 v13, v4  }
0x170: {  	v3 =	vadd.s32 $0x7530, v3;
	v5 =	vld.idx.msk [tilespmem:v5+s11+$0x0], $0xffff  }
0x171: {  	[tilespmem:v16+s1+$0x0] =	vst.idx.add.f32.msk $0xffff, v9  }
0x172: {  	v9 =	vadd.s32 $0x7530, v19;
	v12 =	vld.idx.msk [tilespmem:v12+s11+$0x0], $0xffff  }
0x173: {  	v1 =	vmul.f32 v20, v1;
	_ =	sdelay $0x1  }
0x174: {  	[tilespmem:v3+s1+$0x0] =	vst.idx.add.f32.msk $0xffff, v1;
	v1 =	vmul.f32 v5, v11  }
0x175: {  	[tilespmem:v6+s1+$0x0] =	vst.idx.add.f32.msk $0xffff, v15;
	p0 =	seq.s32 s16, $0x13;
	v2 =	vmul.f32 v10, v2  }
0x176: {  	s17 =	sshrl.u32 @!p0 s17, $0x3;
	[tilespmem:v9+s1+$0x0] =	vst.idx.add.f32.msk $0xffff, v1;
	v1 =	vmul.f32 v12, v4  }
0x177: {  	s17 =	sadd.s32 @!p0 $0x7D0, s17;
	[tilespmem:v7+s1+$0x0] =	vst.idx.add.f32.msk $0xffff, v2  }
0x178: {  	s19 =	simm.s32 @!p0 $0x0;
	s20 =	simm.s32 @!p0 $0x13900;
	s18 =	sadd.s32 @!p0 s3, s17;
	[tilespmem:v8+s1+$0x0] =	vst.idx.add.f32.msk $0xffff, v1  }
0x179: {  	[tilespmem:s20], [sflag:$0x1] =	stream.linear.gather @!p0 [hbm4b:s18+s19], $0x1F40, $0x38;
	[tilespmem:$0x1B700] =	vst v63  }
0x17a: {  	s17 =	sadd.s32 @!p0 s6, s17;
	s18 =	simm.s32 @!p0 $0x15880  }
0x17b: {  	[tilespmem:s18], [sflag:$0x1] =	stream.linear.gather @!p0 [hbm4b:s17+s19], $0x1F40, $0x38;
	[tilespmem:$0x1B700] =	vst v63  }
0x17c: {  	_ =	swait.ge [sflag:s12], $0x1F40  }
0x17d: {  	[sflag:s12] =	ssyncset.done $0x0  }
0x17e: {  	[sflag:s12] =	ssyncadd.s32 $0xFFFFE0C0  }
0x17f: {  	_ =	swait.ge [sflag:s12], $0x1F40  }
0x180: {  	[sflag:s12] =	ssyncset.done $0x0  }
0x181: {  	s19 =	simm.s32 $0x17810;
	[sflag:s12] =	ssyncadd.s32 $0xFFFFE0C0  }
0x182: {  	v1 =	vld [tilespmem:s19+$0x0];
	_ =	sdelay $0x4  }
0x183: {  	v2 =	vand.u32 $0xFFFF, v1  }
0x184: {  	v3 =	vld [tilespmem:s19+$0xFFFFFFF0];
	_ =	sdelay $0x1  }
0x185: {  	s20 =	simm.s32 $0x19790  }
0x186: {  	v6 =	vld [tilespmem:s20+$0x0]  }
0x187: {  	v4 =	vld.idx.msk [tilespmem:v2+s11+$0x0], $0xffff  }
0x188: {  	v5 =	vand.u32 $0xFFFF, v3  }
0x189: {  	v7 =	vshra.s32 v1, $0x10  }
0x18a: {  	v1 =	vadd.s32 $0x2710, v2;
	_ =	sdelay $0x1  }
0x18b: {  	v15 =	vld [tilespmem:s20+$0xFFFFFFF0];
	v4 =	vmul.f32 v4, v6  }
0x18c: {  	v8 =	vld.idx.msk [tilespmem:v5+s11+$0x0], $0xffff  }
0x18d: {  	[tilespmem:v7+s1+$0x0] =	vst.idx.add.f32.msk $0xffff, v4  }
0x18e: {  	s18 =	simm.s32 $0x17830;
	v9 =	vshra.s32 v3, $0x10;
	v1 =	vld.idx.msk [tilespmem:v1+s11+$0x0], $0xffff  }
0x18f: {  	v3 =	vadd.s32 $0x2710, v5;
	v4 =	vld [tilespmem:s18+$0x0]  }
0x190: {  	v10 =	vld [tilespmem:s18+$0xFFFFFFF0];
	v11 =	vadd.s32 $0x2710, v7  }
0x191: {  	v12 =	vadd.s32 $0x4E20, v2;
	v8 =	vmul.f32 v8, v15;
	_ =	sdelay $0x1  }
0x192: {  	[tilespmem:v9+s1+$0x0] =	vst.idx.add.f32.msk $0xffff, v8;
	v1 =	vmul.f32 v1, v6  }
0x193: {  	v3 =	vld.idx.msk [tilespmem:v3+s11+$0x0], $0xffff;
	v13 =	vand.u32 $0xFFFF, v4  }
0x194: {  	v8 =	vand.u32 $0xFFFF, v10;
	[tilespmem:v11+s1+$0x0] =	vst.idx.add.f32.msk $0xffff, v1  }
0x195: {  	s19 =	simm.s32 $0x197B0;
	v11 =	vadd.s32 $0x2710, v9;
	v12 =	vld.idx.msk [tilespmem:v12+s11+$0x0], $0xffff  }
0x196: {  	v14 =	vadd.s32 $0x4E20, v5;
	v20 =	vadd.s32 $0x7530, v2;
	v2 =	vld [tilespmem:s19+$0xFFFFFFF0]  }
0x197: {  	v17 =	vadd.s32 $0x4E20, v7;
	v1 =	vld [tilespmem:s19+$0x0]  }
0x198: {  	v18 =	vmul.f32 v3, v15;
	v16 =	vld.idx.msk [tilespmem:v13+s11+$0x0], $0xffff  }
0x199: {  	v19 =	vld.idx.msk [tilespmem:v8+s11+$0x0], $0xffff  }
0x19a: {  	v3 =	vshra.s32 v4, $0x10;
	[tilespmem:v11+s1+$0x0] =	vst.idx.add.f32.msk $0xffff, v18;
	v4 =	vmul.f32 v12, v6  }
0x19b: {  	v11 =	vadd.s32 $0x2710, v13;
	v12 =	vld.idx.msk [tilespmem:v14+s11+$0x0], $0xffff  }
0x19c: {  	s20 =	simm.s32 $0x17850;
	[tilespmem:v17+s1+$0x0] =	vst.idx.add.f32.msk $0xffff, v4  }
0x19d: {  	v14 =	vmul.f32 v16, v1;
	v16 =	vshra.s32 v10, $0x10;
	v17 =	vld [tilespmem:s20+$0x0]  }
0x19e: {  	v10 =	vadd.s32 $0x2710, v8;
	v4 =	vld.idx.msk [tilespmem:v20+s11+$0x0], $0xffff  }
0x19f: {  	[tilespmem:v3+s1+$0x0] =	vst.idx.add.f32.msk $0xffff, v14;
	v14 =	vadd.s32 $0x4E20, v9  }
0x1a0: {  	v18 =	vmul.f32 v19, v2;
	v19 =	vadd.s32 $0x7530, v5;
	v11 =	vld.idx.msk [tilespmem:v11+s11+$0x0], $0xffff  }
0x1a1: {  	v7 =	vadd.s32 $0x7530, v7;
	v20 =	vld [tilespmem:s20+$0xFFFFFFF0]  }
0x1a2: {  	v5 =	vmul.f32 v12, v15;
	v12 =	vadd.s32 $0x2710, v3;
	[tilespmem:v16+s1+$0x0] =	vst.idx.add.f32.msk $0xffff, v18  }
0x1a3: {  	v18 =	vadd.s32 $0x4E20, v13;
	v10 =	vld.idx.msk [tilespmem:v10+s11+$0x0], $0xffff  }
0x1a4: {  	v4 =	vmul.f32 v4, v6;
	[tilespmem:v14+s1+$0x0] =	vst.idx.add.f32.msk $0xffff, v5  }
0x1a5: {  	v5 =	vand.u32 $0xFFFF, v17;
	v6 =	vmul.f32 v11, v1;
	v23 =	vld.idx.msk [tilespmem:v19+s11+$0x0], $0xffff  }
0x1a6: {  	[tilespmem:v7+s1+$0x0] =	vst.idx.add.f32.msk $0xffff, v4  }
0x1a7: {  	v22 =	vand.u32 $0xFFFF, v20;
	[tilespmem:v12+s1+$0x0] =	vst.idx.add.f32.msk $0xffff, v6  }
0x1a8: {  	s17 =	simm.s32 $0x197D0;
	v6 =	vadd.s32 $0x2710, v16;
	v7 =	vld.idx.msk [tilespmem:v18+s11+$0x0], $0xffff  }
0x1a9: {  	v11 =	vld [tilespmem:s17+$0x0];
	v12 =	vadd.s32 $0x4E20, v8  }
0x1aa: {  	v18 =	vadd.s32 $0x4E20, v3;
	v14 =	vld.idx.msk [tilespmem:v5+s11+$0x0], $0xffff  }
0x1ab: {  	v13 =	vadd.s32 $0x7530, v13;
	v4 =	vld [tilespmem:s17+$0xFFFFFFF0];
	v10 =	vmul.f32 v10, v2  }
0x1ac: {  	v19 =	vshra.s32 v17, $0x10;
	v24 =	vld.idx.msk [tilespmem:v22+s11+$0x0], $0xffff  }
0x1ad: {  	v25 =	vadd.s32 $0x2710, v5;
	[tilespmem:v6+s1+$0x0] =	vst.idx.add.f32.msk $0xffff, v10;
	v7 =	vmul.f32 v7, v1  }
0x1ae: {  	v17 =	vshra.s32 v20, $0x10;
	v15 =	vmul.f32 v23, v15;
	v21 =	vld.idx.msk [tilespmem:v12+s11+$0x0], $0xffff  }
0x1af: {  	v6 =	vadd.s32 $0x7530, v9;
	v10 =	vadd.s32 $0x7530, v8;
	v8 =	vmul.f32 v14, v11;
	[tilespmem:v18+s1+$0x0] =	vst.idx.add.f32.msk $0xffff, v7  }
0x1b0: {  	v9 =	vadd.s32 $0x4E20, v16;
	v12 =	vadd.s32 $0x7530, v22;
	v14 =	vadd.s32 $0x2710, v17;
	v20 =	vld.idx.msk [tilespmem:v13+s11+$0x0], $0xffff  }
0x1b1: {  	v23 =	vmul.f32 v24, v4;
	v7 =	vadd.s32 $0x7530, v16;
	v18 =	vadd.s32 $0x2710, v22;
	[tilespmem:v19+s1+$0x0] =	vst.idx.add.f32.msk $0xffff, v8  }
0x1b2: {  	s18 =	simm.s32 $0x4;
	s19 =	simm.s32 $0x17870;
	v16 =	vadd.s32 $0x4E20, v17;
	v13 =	vadd.s32 $0x4E20, v22;
	v8 =	vadd.s32 $0x7530, v17;
	v22 =	vld.idx.msk [tilespmem:v25+s11+$0x0], $0xffff  }
.LBB2_13:
0x1b3: {  	v24 =	vld [tilespmem:s19+$0x0];
	s18 =	sadd.s32 $0x2, s18;
	v25 =	vadd.s32 $0x7530, v3;
	v3 =	vmov v19  }
0x1b4: {  	v21 =	vmul.f32 v21, v2;
	v19 =	vld [tilespmem:s19+$0xFFFFFFF0];
	p0 =	slt.u32 s18, $0x1F2  }
0x1b5: {  	[tilespmem:v17+s1+$0x0] =	vst.idx.add.f32.msk $0xffff, v23;
	v23 =	vadd.s32 $0x2710, v3  }
0x1b6: {  	v27 =	vadd.s32 $0x4E20, v5;
	v17 =	vmul.f32 v20, v1;
	v1 =	vmov v11;
	v26 =	vld.idx.msk [tilespmem:v18+s11+$0x0], $0xffff  }
0x1b7: {  	[tilespmem:v9+s1+$0x0] =	vst.idx.add.f32.msk $0xffff, v21;
	v9 =	vmov v16  }
0x1b8: {  	v11 =	vmul.f32 v22, v1;
	v20 =	vand.u32 $0xFFFF, v24;
	[tilespmem:v25+s1+$0x0] =	vst.idx.add.f32.msk $0xffff, v17  }
0x1b9: {  	v21 =	vand.u32 $0xFFFF, v19;
	v17 =	vshra.s32 v19, $0x10;
	v19 =	vld.idx.msk [tilespmem:v10+s11+$0x0], $0xffff;
	v10 =	vmov v12  }
0x1ba: {  	v18 =	vadd.s32 $0x2710, v21;
	v22 =	vadd.s32 $0x2710, v17;
	v25 =	vadd.s32 $0x4E20, v21;
	[tilespmem:v23+s1+$0x0] =	vst.idx.add.f32.msk $0xffff, v11  }
0x1bb: {  	v16 =	vadd.s32 $0x4E20, v17;
	v12 =	vadd.s32 $0x7530, v21;
	v11 =	vadd.s32 $0x7530, v17;
	v23 =	vld.idx.msk [tilespmem:v27+s11+$0x0], $0xffff  }
0x1bc: {  	v26 =	vmul.f32 v26, v4;
	[tilespmem:v6+s1+$0x0] =	vst.idx.add.f32.msk $0xffff, v15;
	v6 =	vmovc v7;
	v7 =	vmov v8;
	v8 =	vmov v11  }
0x1bd: {  	s17 =	sadd.s32 $0x20, s17;
	v27 =	vld.idx.msk [tilespmem:v20+s11+$0x0], $0xffff  }
0x1be: {  	v28 =	vadd.s32 $0x4E20, v3;
	v11 =	vld [tilespmem:s17+$0x0]  }
0x1bf: {  	v30 =	vadd.s32 $0x7530, v5;
	v5 =	vmovc v20;
	v15 =	vmul.f32 v19, v2;
	v2 =	vmov v4;
	v29 =	vld.idx.msk [tilespmem:v21+s11+$0x0], $0xffff  }
0x1c0: {  	v19 =	vshra.s32 v24, $0x10;
	v4 =	vld [tilespmem:s17+$0xFFFFFFF0]  }
0x1c1: {  	v24 =	vadd.s32 $0x2710, v5;
	v20 =	vmul.f32 v23, v1;
	[tilespmem:v14+s1+$0x0] =	vst.idx.add.f32.msk $0xffff, v26;
	v14 =	vmov v22  }
.Ltmp5:
0x1c2: {  	v21 =	vld.idx.msk [tilespmem:v13+s11+$0x0], $0xffff;
	v13 =	vmov v25;
	(pc) =	sbr.rel @p0 .LBB2_13-.Ltmp5, $4  }
0x1c3: {  	v22 =	vmul.f32 v27, v11;
	[tilespmem:v28+s1+$0x0] =	vst.idx.add.f32.msk $0xffff, v20  }
0x1c4: {  	v20 =	vld.idx.msk [tilespmem:v30+s11+$0x0], $0xffff  }
0x1c5: {  	v23 =	vmul.f32 v29, v4;
	[tilespmem:v19+s1+$0x0] =	vst.idx.add.f32.msk $0xffff, v22  }
0x1c6: {  	s19 =	sadd.s32 $0x20, s19;
	v22 =	vld.idx.msk [tilespmem:v24+s11+$0x0], $0xffff  }
0x1c7: {  	_ =	sdelay $0x3  }
0x1c8: {  	[tilespmem:v17+s1+$0x0] =	vst.idx.add.f32.msk $0xffff, v23  }
0x1c9: {  	v54 =	vadd.s32 $0x2710, v19;
	v18 =	vld.idx.msk [tilespmem:v18+s11+$0x0], $0xffff  }
0x1ca: {  	v55 =	vadd.s32 $0x4E20, v5;
	_ =	sdelay $0x1  }
0x1cb: {  	v22 =	vmul.f32 v22, v11;
	_ =	sdelay $0x1  }
0x1cc: {  	[tilespmem:v54+s1+$0x0] =	vst.idx.add.f32.msk $0xffff, v22;
	v56 =	vmul.f32 v18, v4  }
0x1cd: {  	v57 =	vld.idx.msk [tilespmem:v55+s11+$0x0], $0xffff  }
0x1ce: {  	[tilespmem:v14+s1+$0x0] =	vst.idx.add.f32.msk $0xffff, v56  }
0x1cf: {  	v58 =	vadd.s32 $0x4E20, v19;
	v13 =	vld.idx.msk [tilespmem:v13+s11+$0x0], $0xffff  }
0x1d0: {  	v59 =	vmul.f32 v21, v2;
	v60 =	vadd.s32 $0x7530, v5;
	_ =	sdelay $0x1  }
0x1d1: {  	[tilespmem:v9+s1+$0x0] =	vst.idx.add.f32.msk $0xffff, v59;
	v61 =	vmul.f32 v57, v11  }
0x1d2: {  	v10 =	vld.idx.msk [tilespmem:v10+s11+$0x0], $0xffff  }
0x1d3: {  	[tilespmem:v58+s1+$0x0] =	vst.idx.add.f32.msk $0xffff, v61;
	v62 =	vmul.f32 v13, v4  }
0x1d4: {  	v3 =	vadd.s32 $0x7530, v3;
	v5 =	vld.idx.msk [tilespmem:v60+s11+$0x0], $0xffff  }
0x1d5: {  	[tilespmem:v16+s1+$0x0] =	vst.idx.add.f32.msk $0xffff, v62  }
0x1d6: {  	v63 =	vadd.s32 $0x7530, v19;
	v12 =	vld.idx.msk [tilespmem:v12+s11+$0x0], $0xffff  }
0x1d7: {  	s16 =	sadd.s32 $0x1, s16;
	v1 =	vmul.f32 v20, v1  }
0x1d8: {  	p0 =	sne.s32 s16, $0x14  }
.Ltmp6:
0x1d9: {  	[tilespmem:v3+s1+$0x0] =	vst.idx.add.f32.msk $0xffff, v1;
	v1 =	vmul.f32 v5, v11;
	(pc) =	sbr.rel @p0 .LBB2_10-.Ltmp6, $4  }
0x1da: {  	[tilespmem:v6+s1+$0x0] =	vst.idx.add.f32.msk $0xffff, v15;
	v2 =	vmul.f32 v10, v2  }
0x1db: {  	[tilespmem:v63+s1+$0x0] =	vst.idx.add.f32.msk $0xffff, v1;
	v1 =	vmul.f32 v12, v4  }
0x1dc: {  	[tilespmem:v7+s1+$0x0] =	vst.idx.add.f32.msk $0xffff, v2  }
0x1dd: {  	[tilespmem:v8+s1+$0x0] =	vst.idx.add.f32.msk $0xffff, v1  }
0x1de: {  	s16 =	simm.s32 $0x0;
	s17 =	rddreg [dreg:$0xa]  }
0x1df: {  	[hbm4b:s17+s16] =	stream.linear.scatter [tilespmem:s16], [sflag:$0x4], $0x2710, $0x38;
	[tilespmem:$0x1B700] =	vst v63  }
0x1e0: {  	s18 =	rddreg [dreg:$0xb]  }
0x1e1: {  	[hbm4b:s18+s16] =	stream.linear.scatter [tilespmem:s30], [sflag:$0x4], $0x2710, $0x38;
	[tilespmem:$0x1B700] =	vst v63  }
0x1e2: {  	s19 =	rddreg [dreg:$0xc]  }
0x1e3: {  	[hbm4b:s19+s16] =	stream.linear.scatter [tilespmem:s31], [sflag:$0x4], $0x2710, $0x38;
	[tilespmem:$0x1B700] =	vst v63  }
0x1e4: {  	s20 =	rddreg [dreg:$0xd]  }
0x1e5: {  	[hbm4b:s20+s16] =	stream.linear.scatter [tilespmem:s0], [sflag:$0x4], $0x2710, $0x38;
	[tilespmem:$0x1B700] =	vst v63  }
0x1e6: {  	_ =	swait.ge [sflag:s13], $0x2710  }
0x1e7: {  	[sflag:s13] =	ssyncset.done $0x0  }
0x1e8: {  	[sflag:s13] =	ssyncadd.s32 $0xFFFFD8F0  }
0x1e9: {  	_ =	swait.ge [sflag:s13], $0x2710  }
0x1ea: {  	[sflag:s13] =	ssyncset.done $0x0  }
0x1eb: {  	[sflag:s13] =	ssyncadd.s32 $0xFFFFD8F0  }
0x1ec: {  	_ =	swait.ge [sflag:s13], $0x2710  }
0x1ed: {  	[sflag:s13] =	ssyncset.done $0x0  }
0x1ee: {  	[sflag:s13] =	ssyncadd.s32 $0xFFFFD8F0  }
0x1ef: {  	_ =	swait.ge [sflag:s13], $0x2710  }
0x1f0: {  	[sflag:s13] =	ssyncset.done $0x0  }
0x1f1: {  	[sflag:s13] =	ssyncadd.s32 $0xFFFFD8F0  }
0x1f2: {  	[tilespmem:s2], [sflag:$0x1] =	stream.linear.gather [hbm4b:s3+s16], $0x1F40, $0x38;
	[tilespmem:$0x1B700] =	vst v63  }
0x1f3: {  	_ = 	snop  }
0x1f4: {  	[tilespmem:s7], [sflag:$0x1] =	stream.linear.gather [hbm4b:s5+s16], $0x1F40, $0x38;
	[tilespmem:$0x1B700] =	vst v63  }
.LBB2_16:
0x1f5: {  	s17 =	smul.u32 $0x3E80, s16;
	_ =	sdelay $0x1  }
0x1f6: {  	s18 =	sshrl.u32 s17, $0x3  }
0x1f7: {  	s18 =	sadd.s32 $0x3E8, s18  }
0x1f8: {  	s19 =	sadd.s32 s3, s18  }
0x1f9: {  	[tilespmem:s8], [sflag:$0x2] =	stream.linear.gather [hbm4b:s19+s1], $0x1F40, $0x38;
	[tilespmem:$0x1B700] =	vst v63  }
0x1fa: {  	s18 =	sadd.s32 s5, s18  }
0x1fb: {  	[tilespmem:s9], [sflag:$0x2] =	stream.linear.gather [hbm4b:s18+s1], $0x1F40, $0x38;
	[tilespmem:$0x1B700] =	vst v63  }
0x1fc: {  	_ =	swait.ge [sflag:s10], $0x1F40  }
0x1fd: {  	[sflag:s10] =	ssyncset.done $0x0  }
0x1fe: {  	[sflag:s10] =	ssyncadd.s32 $0xFFFFE0C0  }
0x1ff: {  	_ =	swait.ge [sflag:s10], $0x1F40  }
0x200: {  	[sflag:s10] =	ssyncset.done $0x0  }
0x201: {  	s20 =	simm.s32 $0x13910;
	[sflag:s10] =	ssyncadd.s32 $0xFFFFE0C0  }
0x202: {  	v1 =	vld [tilespmem:s20+$0x0];
	_ =	sdelay $0x4  }
0x203: {  	v2 =	vand.u32 $0xFFFF, v1  }
0x204: {  	v3 =	vld [tilespmem:s20+$0xFFFFFFF0];
	_ =	sdelay $0x1  }
0x205: {  	s19 =	simm.s32 $0x15890  }
0x206: {  	v6 =	vld [tilespmem:s19+$0x0]  }
0x207: {  	v4 =	vld.idx.msk [tilespmem:v2+s1+$0x0], $0xffff  }
0x208: {  	v5 =	vand.u32 $0xFFFF, v3  }
0x209: {  	v7 =	vshra.s32 v1, $0x10  }
0x20a: {  	v1 =	vadd.s32 $0x2710, v2;
	_ =	sdelay $0x1  }
0x20b: {  	v15 =	vld [tilespmem:s19+$0xFFFFFFF0];
	v4 =	vmul.f32 v4, v6  }
0x20c: {  	v8 =	vld.idx.msk [tilespmem:v5+s1+$0x0], $0xffff  }
0x20d: {  	[tilespmem:v7+s11+$0x0] =	vst.idx.add.f32.msk $0xffff, v4  }
0x20e: {  	s20 =	simm.s32 $0x13930;
	v9 =	vshra.s32 v3, $0x10;
	v1 =	vld.idx.msk [tilespmem:v1+s1+$0x0], $0xffff  }
0x20f: {  	v3 =	vadd.s32 $0x2710, v5;
	v4 =	vld [tilespmem:s20+$0x0]  }
0x210: {  	v10 =	vld [tilespmem:s20+$0xFFFFFFF0];
	v11 =	vadd.s32 $0x2710, v7  }
0x211: {  	v12 =	vadd.s32 $0x4E20, v2;
	v8 =	vmul.f32 v8, v15;
	_ =	sdelay $0x1  }
0x212: {  	[tilespmem:v9+s11+$0x0] =	vst.idx.add.f32.msk $0xffff, v8;
	v1 =	vmul.f32 v1, v6  }
0x213: {  	v3 =	vld.idx.msk [tilespmem:v3+s1+$0x0], $0xffff;
	v13 =	vand.u32 $0xFFFF, v4  }
0x214: {  	v8 =	vand.u32 $0xFFFF, v10;
	[tilespmem:v11+s11+$0x0] =	vst.idx.add.f32.msk $0xffff, v1  }
0x215: {  	s19 =	simm.s32 $0x158B0;
	v11 =	vadd.s32 $0x2710, v9;
	v12 =	vld.idx.msk [tilespmem:v12+s1+$0x0], $0xffff  }
0x216: {  	v14 =	vadd.s32 $0x4E20, v5;
	v20 =	vadd.s32 $0x7530, v2;
	v2 =	vld [tilespmem:s19+$0xFFFFFFF0]  }
0x217: {  	v17 =	vadd.s32 $0x4E20, v7;
	v1 =	vld [tilespmem:s19+$0x0]  }
0x218: {  	v18 =	vmul.f32 v3, v15;
	v16 =	vld.idx.msk [tilespmem:v13+s1+$0x0], $0xffff  }
0x219: {  	v19 =	vld.idx.msk [tilespmem:v8+s1+$0x0], $0xffff  }
0x21a: {  	v3 =	vshra.s32 v4, $0x10;
	[tilespmem:v11+s11+$0x0] =	vst.idx.add.f32.msk $0xffff, v18;
	v4 =	vmul.f32 v12, v6  }
0x21b: {  	v11 =	vadd.s32 $0x2710, v13;
	v12 =	vld.idx.msk [tilespmem:v14+s1+$0x0], $0xffff  }
0x21c: {  	s20 =	simm.s32 $0x13950;
	[tilespmem:v17+s11+$0x0] =	vst.idx.add.f32.msk $0xffff, v4  }
0x21d: {  	v14 =	vmul.f32 v16, v1;
	v16 =	vshra.s32 v10, $0x10;
	v17 =	vld [tilespmem:s20+$0x0]  }
0x21e: {  	v10 =	vadd.s32 $0x2710, v8;
	v4 =	vld.idx.msk [tilespmem:v20+s1+$0x0], $0xffff  }
0x21f: {  	[tilespmem:v3+s11+$0x0] =	vst.idx.add.f32.msk $0xffff, v14;
	v14 =	vadd.s32 $0x4E20, v9  }
0x220: {  	v18 =	vmul.f32 v19, v2;
	v19 =	vadd.s32 $0x7530, v5;
	v11 =	vld.idx.msk [tilespmem:v11+s1+$0x0], $0xffff  }
0x221: {  	v7 =	vadd.s32 $0x7530, v7;
	v20 =	vld [tilespmem:s20+$0xFFFFFFF0]  }
0x222: {  	v5 =	vmul.f32 v12, v15;
	v12 =	vadd.s32 $0x2710, v3;
	[tilespmem:v16+s11+$0x0] =	vst.idx.add.f32.msk $0xffff, v18  }
0x223: {  	v18 =	vadd.s32 $0x4E20, v13;
	v10 =	vld.idx.msk [tilespmem:v10+s1+$0x0], $0xffff  }
0x224: {  	v4 =	vmul.f32 v4, v6;
	[tilespmem:v14+s11+$0x0] =	vst.idx.add.f32.msk $0xffff, v5  }
0x225: {  	v5 =	vand.u32 $0xFFFF, v17;
	v6 =	vmul.f32 v11, v1;
	v23 =	vld.idx.msk [tilespmem:v19+s1+$0x0], $0xffff  }
0x226: {  	[tilespmem:v7+s11+$0x0] =	vst.idx.add.f32.msk $0xffff, v4  }
0x227: {  	v22 =	vand.u32 $0xFFFF, v20;
	[tilespmem:v12+s11+$0x0] =	vst.idx.add.f32.msk $0xffff, v6  }
0x228: {  	s18 =	simm.s32 $0x158D0;
	v6 =	vadd.s32 $0x2710, v16;
	v7 =	vld.idx.msk [tilespmem:v18+s1+$0x0], $0xffff  }
0x229: {  	v11 =	vld [tilespmem:s18+$0x0];
	v12 =	vadd.s32 $0x4E20, v8  }
0x22a: {  	v18 =	vadd.s32 $0x4E20, v3;
	v14 =	vld.idx.msk [tilespmem:v5+s1+$0x0], $0xffff  }
0x22b: {  	v13 =	vadd.s32 $0x7530, v13;
	v4 =	vld [tilespmem:s18+$0xFFFFFFF0];
	v10 =	vmul.f32 v10, v2  }
0x22c: {  	v19 =	vshra.s32 v17, $0x10;
	v24 =	vld.idx.msk [tilespmem:v22+s1+$0x0], $0xffff  }
0x22d: {  	v25 =	vadd.s32 $0x2710, v5;
	[tilespmem:v6+s11+$0x0] =	vst.idx.add.f32.msk $0xffff, v10;
	v7 =	vmul.f32 v7, v1  }
0x22e: {  	v17 =	vshra.s32 v20, $0x10;
	v15 =	vmul.f32 v23, v15;
	v21 =	vld.idx.msk [tilespmem:v12+s1+$0x0], $0xffff  }
0x22f: {  	v6 =	vadd.s32 $0x7530, v9;
	v10 =	vadd.s32 $0x7530, v8;
	v8 =	vmul.f32 v14, v11;
	[tilespmem:v18+s11+$0x0] =	vst.idx.add.f32.msk $0xffff, v7  }
0x230: {  	v9 =	vadd.s32 $0x4E20, v16;
	v12 =	vadd.s32 $0x7530, v22;
	v14 =	vadd.s32 $0x2710, v17;
	v20 =	vld.idx.msk [tilespmem:v13+s1+$0x0], $0xffff  }
0x231: {  	v23 =	vmul.f32 v24, v4;
	v7 =	vadd.s32 $0x7530, v16;
	v18 =	vadd.s32 $0x2710, v22;
	[tilespmem:v19+s11+$0x0] =	vst.idx.add.f32.msk $0xffff, v8  }
0x232: {  	s19 =	simm.s32 $0x4;
	s20 =	simm.s32 $0x13970;
	v16 =	vadd.s32 $0x4E20, v17;
	v13 =	vadd.s32 $0x4E20, v22;
	v8 =	vadd.s32 $0x7530, v17;
	v22 =	vld.idx.msk [tilespmem:v25+s1+$0x0], $0xffff  }
.LBB2_17:
0x233: {  	v24 =	vld [tilespmem:s20+$0x0];
	s19 =	sadd.s32 $0x2, s19;
	v25 =	vadd.s32 $0x7530, v3;
	v3 =	vmov v19  }
0x234: {  	v21 =	vmul.f32 v21, v2;
	v19 =	vld [tilespmem:s20+$0xFFFFFFF0];
	p0 =	slt.u32 s19, $0x1F2  }
0x235: {  	[tilespmem:v17+s11+$0x0] =	vst.idx.add.f32.msk $0xffff, v23;
	v23 =	vadd.s32 $0x2710, v3  }
0x236: {  	v27 =	vadd.s32 $0x4E20, v5;
	v17 =	vmul.f32 v20, v1;
	v1 =	vmov v11;
	v26 =	vld.idx.msk [tilespmem:v18+s1+$0x0], $0xffff  }
0x237: {  	[tilespmem:v9+s11+$0x0] =	vst.idx.add.f32.msk $0xffff, v21;
	v9 =	vmov v16  }
0x238: {  	v11 =	vmul.f32 v22, v1;
	v20 =	vand.u32 $0xFFFF, v24;
	[tilespmem:v25+s11+$0x0] =	vst.idx.add.f32.msk $0xffff, v17  }
0x239: {  	v21 =	vand.u32 $0xFFFF, v19;
	v17 =	vshra.s32 v19, $0x10;
	v19 =	vld.idx.msk [tilespmem:v10+s1+$0x0], $0xffff;
	v10 =	vmov v12  }
0x23a: {  	v18 =	vadd.s32 $0x2710, v21;
	v22 =	vadd.s32 $0x2710, v17;
	v25 =	vadd.s32 $0x4E20, v21;
	[tilespmem:v23+s11+$0x0] =	vst.idx.add.f32.msk $0xffff, v11  }
0x23b: {  	v16 =	vadd.s32 $0x4E20, v17;
	v12 =	vadd.s32 $0x7530, v21;
	v11 =	vadd.s32 $0x7530, v17;
	v23 =	vld.idx.msk [tilespmem:v27+s1+$0x0], $0xffff  }
0x23c: {  	v26 =	vmul.f32 v26, v4;
	[tilespmem:v6+s11+$0x0] =	vst.idx.add.f32.msk $0xffff, v15;
	v6 =	vmovc v7;
	v7 =	vmov v8;
	v8 =	vmov v11  }
0x23d: {  	s18 =	sadd.s32 $0x20, s18;
	v27 =	vld.idx.msk [tilespmem:v20+s1+$0x0], $0xffff  }
0x23e: {  	v28 =	vadd.s32 $0x4E20, v3;
	v11 =	vld [tilespmem:s18+$0x0]  }
0x23f: {  	v30 =	vadd.s32 $0x7530, v5;
	v5 =	vmovc v20;
	v15 =	vmul.f32 v19, v2;
	v2 =	vmov v4;
	v29 =	vld.idx.msk [tilespmem:v21+s1+$0x0], $0xffff  }
0x240: {  	v19 =	vshra.s32 v24, $0x10;
	v4 =	vld [tilespmem:s18+$0xFFFFFFF0]  }
0x241: {  	v24 =	vadd.s32 $0x2710, v5;
	v20 =	vmul.f32 v23, v1;
	[tilespmem:v14+s11+$0x0] =	vst.idx.add.f32.msk $0xffff, v26;
	v14 =	vmov v22  }
.Ltmp7:
0x242: {  	v21 =	vld.idx.msk [tilespmem:v13+s1+$0x0], $0xffff;
	v13 =	vmov v25;
	(pc) =	sbr.rel @p0 .LBB2_17-.Ltmp7, $4  }
0x243: {  	v22 =	vmul.f32 v27, v11;
	[tilespmem:v28+s11+$0x0] =	vst.idx.add.f32.msk $0xffff, v20  }
0x244: {  	v20 =	vld.idx.msk [tilespmem:v30+s1+$0x0], $0xffff  }
0x245: {  	v23 =	vmul.f32 v29, v4;
	[tilespmem:v19+s11+$0x0] =	vst.idx.add.f32.msk $0xffff, v22  }
0x246: {  	s20 =	sadd.s32 $0x20, s20;
	v22 =	vld.idx.msk [tilespmem:v24+s1+$0x0], $0xffff  }
0x247: {  	_ =	sdelay $0x3  }
0x248: {  	[tilespmem:v17+s11+$0x0] =	vst.idx.add.f32.msk $0xffff, v23  }
0x249: {  	v17 =	vadd.s32 $0x2710, v19;
	v18 =	vld.idx.msk [tilespmem:v18+s1+$0x0], $0xffff  }
0x24a: {  	v23 =	vadd.s32 $0x4E20, v5;
	_ =	sdelay $0x1  }
0x24b: {  	v22 =	vmul.f32 v22, v11;
	_ =	sdelay $0x1  }
0x24c: {  	[tilespmem:v17+s11+$0x0] =	vst.idx.add.f32.msk $0xffff, v22;
	v17 =	vmul.f32 v18, v4  }
0x24d: {  	v18 =	vld.idx.msk [tilespmem:v23+s1+$0x0], $0xffff  }
0x24e: {  	[tilespmem:v14+s11+$0x0] =	vst.idx.add.f32.msk $0xffff, v17  }
0x24f: {  	v14 =	vadd.s32 $0x4E20, v19;
	v13 =	vld.idx.msk [tilespmem:v13+s1+$0x0], $0xffff  }
0x250: {  	v5 =	vadd.s32 $0x7530, v5;
	v17 =	vmul.f32 v21, v2;
	_ =	sdelay $0x1  }
0x251: {  	[tilespmem:v9+s11+$0x0] =	vst.idx.add.f32.msk $0xffff, v17;
	v9 =	vmul.f32 v18, v11  }
0x252: {  	v10 =	vld.idx.msk [tilespmem:v10+s1+$0x0], $0xffff  }
0x253: {  	[tilespmem:v14+s11+$0x0] =	vst.idx.add.f32.msk $0xffff, v9;
	v9 =	vmul.f32 v13, v4  }
0x254: {  	v3 =	vadd.s32 $0x7530, v3;
	v5 =	vld.idx.msk [tilespmem:v5+s1+$0x0], $0xffff  }
0x255: {  	[tilespmem:v16+s11+$0x0] =	vst.idx.add.f32.msk $0xffff, v9  }
0x256: {  	v9 =	vadd.s32 $0x7530, v19;
	v12 =	vld.idx.msk [tilespmem:v12+s1+$0x0], $0xffff  }
0x257: {  	v1 =	vmul.f32 v20, v1;
	_ =	sdelay $0x1  }
0x258: {  	[tilespmem:v3+s11+$0x0] =	vst.idx.add.f32.msk $0xffff, v1;
	v1 =	vmul.f32 v5, v11  }
0x259: {  	[tilespmem:v6+s11+$0x0] =	vst.idx.add.f32.msk $0xffff, v15;
	p0 =	seq.s32 s16, $0x13;
	v2 =	vmul.f32 v10, v2  }
0x25a: {  	s17 =	sshrl.u32 @!p0 s17, $0x3;
	[tilespmem:v9+s11+$0x0] =	vst.idx.add.f32.msk $0xffff, v1;
	v1 =	vmul.f32 v12, v4  }
0x25b: {  	s17 =	sadd.s32 @!p0 $0x7D0, s17;
	[tilespmem:v7+s11+$0x0] =	vst.idx.add.f32.msk $0xffff, v2  }
0x25c: {  	s19 =	simm.s32 @!p0 $0x0;
	s20 =	simm.s32 @!p0 $0x13900;
	s18 =	sadd.s32 @!p0 s3, s17;
	[tilespmem:v8+s11+$0x0] =	vst.idx.add.f32.msk $0xffff, v1  }
0x25d: {  	[tilespmem:s20], [sflag:$0x1] =	stream.linear.gather @!p0 [hbm4b:s18+s19], $0x1F40, $0x38;
	[tilespmem:$0x1B700] =	vst v63  }
0x25e: {  	s17 =	sadd.s32 @!p0 s5, s17;
	s18 =	simm.s32 @!p0 $0x15880  }
0x25f: {  	[tilespmem:s18], [sflag:$0x1] =	stream.linear.gather @!p0 [hbm4b:s17+s19], $0x1F40, $0x38;
	[tilespmem:$0x1B700] =	vst v63  }
0x260: {  	_ =	swait.ge [sflag:s12], $0x1F40  }
0x261: {  	[sflag:s12] =	ssyncset.done $0x0  }
0x262: {  	[sflag:s12] =	ssyncadd.s32 $0xFFFFE0C0  }
0x263: {  	_ =	swait.ge [sflag:s12], $0x1F40  }
0x264: {  	[sflag:s12] =	ssyncset.done $0x0  }
0x265: {  	s19 =	simm.s32 $0x17810;
	[sflag:s12] =	ssyncadd.s32 $0xFFFFE0C0  }
0x266: {  	v1 =	vld [tilespmem:s19+$0x0];
	_ =	sdelay $0x4  }
0x267: {  	v2 =	vand.u32 $0xFFFF, v1  }
0x268: {  	v3 =	vld [tilespmem:s19+$0xFFFFFFF0];
	_ =	sdelay $0x1  }
0x269: {  	s20 =	simm.s32 $0x19790  }
0x26a: {  	v6 =	vld [tilespmem:s20+$0x0]  }
0x26b: {  	v4 =	vld.idx.msk [tilespmem:v2+s1+$0x0], $0xffff  }
0x26c: {  	v5 =	vand.u32 $0xFFFF, v3  }
0x26d: {  	v7 =	vshra.s32 v1, $0x10  }
0x26e: {  	v1 =	vadd.s32 $0x2710, v2;
	_ =	sdelay $0x1  }
0x26f: {  	v15 =	vld [tilespmem:s20+$0xFFFFFFF0];
	v4 =	vmul.f32 v4, v6  }
0x270: {  	v8 =	vld.idx.msk [tilespmem:v5+s1+$0x0], $0xffff  }
0x271: {  	[tilespmem:v7+s11+$0x0] =	vst.idx.add.f32.msk $0xffff, v4  }
0x272: {  	s18 =	simm.s32 $0x17830;
	v9 =	vshra.s32 v3, $0x10;
	v1 =	vld.idx.msk [tilespmem:v1+s1+$0x0], $0xffff  }
0x273: {  	v3 =	vadd.s32 $0x2710, v5;
	v4 =	vld [tilespmem:s18+$0x0]  }
0x274: {  	v10 =	vld [tilespmem:s18+$0xFFFFFFF0];
	v11 =	vadd.s32 $0x2710, v7  }
0x275: {  	v12 =	vadd.s32 $0x4E20, v2;
	v8 =	vmul.f32 v8, v15;
	_ =	sdelay $0x1  }
0x276: {  	[tilespmem:v9+s11+$0x0] =	vst.idx.add.f32.msk $0xffff, v8;
	v1 =	vmul.f32 v1, v6  }
0x277: {  	v3 =	vld.idx.msk [tilespmem:v3+s1+$0x0], $0xffff;
	v13 =	vand.u32 $0xFFFF, v4  }
0x278: {  	v8 =	vand.u32 $0xFFFF, v10;
	[tilespmem:v11+s11+$0x0] =	vst.idx.add.f32.msk $0xffff, v1  }
0x279: {  	s19 =	simm.s32 $0x197B0;
	v11 =	vadd.s32 $0x2710, v9;
	v12 =	vld.idx.msk [tilespmem:v12+s1+$0x0], $0xffff  }
0x27a: {  	v14 =	vadd.s32 $0x4E20, v5;
	v20 =	vadd.s32 $0x7530, v2;
	v2 =	vld [tilespmem:s19+$0xFFFFFFF0]  }
0x27b: {  	v17 =	vadd.s32 $0x4E20, v7;
	v1 =	vld [tilespmem:s19+$0x0]  }
0x27c: {  	v18 =	vmul.f32 v3, v15;
	v16 =	vld.idx.msk [tilespmem:v13+s1+$0x0], $0xffff  }
0x27d: {  	v19 =	vld.idx.msk [tilespmem:v8+s1+$0x0], $0xffff  }
0x27e: {  	v3 =	vshra.s32 v4, $0x10;
	[tilespmem:v11+s11+$0x0] =	vst.idx.add.f32.msk $0xffff, v18;
	v4 =	vmul.f32 v12, v6  }
0x27f: {  	v11 =	vadd.s32 $0x2710, v13;
	v12 =	vld.idx.msk [tilespmem:v14+s1+$0x0], $0xffff  }
0x280: {  	s20 =	simm.s32 $0x17850;
	[tilespmem:v17+s11+$0x0] =	vst.idx.add.f32.msk $0xffff, v4  }
0x281: {  	v14 =	vmul.f32 v16, v1;
	v16 =	vshra.s32 v10, $0x10;
	v17 =	vld [tilespmem:s20+$0x0]  }
0x282: {  	v10 =	vadd.s32 $0x2710, v8;
	v4 =	vld.idx.msk [tilespmem:v20+s1+$0x0], $0xffff  }
0x283: {  	[tilespmem:v3+s11+$0x0] =	vst.idx.add.f32.msk $0xffff, v14;
	v14 =	vadd.s32 $0x4E20, v9  }
0x284: {  	v18 =	vmul.f32 v19, v2;
	v19 =	vadd.s32 $0x7530, v5;
	v11 =	vld.idx.msk [tilespmem:v11+s1+$0x0], $0xffff  }
0x285: {  	v7 =	vadd.s32 $0x7530, v7;
	v20 =	vld [tilespmem:s20+$0xFFFFFFF0]  }
0x286: {  	v5 =	vmul.f32 v12, v15;
	v12 =	vadd.s32 $0x2710, v3;
	[tilespmem:v16+s11+$0x0] =	vst.idx.add.f32.msk $0xffff, v18  }
0x287: {  	v18 =	vadd.s32 $0x4E20, v13;
	v10 =	vld.idx.msk [tilespmem:v10+s1+$0x0], $0xffff  }
0x288: {  	v4 =	vmul.f32 v4, v6;
	[tilespmem:v14+s11+$0x0] =	vst.idx.add.f32.msk $0xffff, v5  }
0x289: {  	v5 =	vand.u32 $0xFFFF, v17;
	v6 =	vmul.f32 v11, v1;
	v23 =	vld.idx.msk [tilespmem:v19+s1+$0x0], $0xffff  }
0x28a: {  	[tilespmem:v7+s11+$0x0] =	vst.idx.add.f32.msk $0xffff, v4  }
0x28b: {  	v22 =	vand.u32 $0xFFFF, v20;
	[tilespmem:v12+s11+$0x0] =	vst.idx.add.f32.msk $0xffff, v6  }
0x28c: {  	s17 =	simm.s32 $0x197D0;
	v6 =	vadd.s32 $0x2710, v16;
	v7 =	vld.idx.msk [tilespmem:v18+s1+$0x0], $0xffff  }
0x28d: {  	v11 =	vld [tilespmem:s17+$0x0];
	v12 =	vadd.s32 $0x4E20, v8  }
0x28e: {  	v18 =	vadd.s32 $0x4E20, v3;
	v14 =	vld.idx.msk [tilespmem:v5+s1+$0x0], $0xffff  }
0x28f: {  	v13 =	vadd.s32 $0x7530, v13;
	v4 =	vld [tilespmem:s17+$0xFFFFFFF0];
	v10 =	vmul.f32 v10, v2  }
0x290: {  	v19 =	vshra.s32 v17, $0x10;
	v24 =	vld.idx.msk [tilespmem:v22+s1+$0x0], $0xffff  }
0x291: {  	v25 =	vadd.s32 $0x2710, v5;
	[tilespmem:v6+s11+$0x0] =	vst.idx.add.f32.msk $0xffff, v10;
	v7 =	vmul.f32 v7, v1  }
0x292: {  	v17 =	vshra.s32 v20, $0x10;
	v15 =	vmul.f32 v23, v15;
	v21 =	vld.idx.msk [tilespmem:v12+s1+$0x0], $0xffff  }
0x293: {  	v6 =	vadd.s32 $0x7530, v9;
	v10 =	vadd.s32 $0x7530, v8;
	v8 =	vmul.f32 v14, v11;
	[tilespmem:v18+s11+$0x0] =	vst.idx.add.f32.msk $0xffff, v7  }
0x294: {  	v9 =	vadd.s32 $0x4E20, v16;
	v12 =	vadd.s32 $0x7530, v22;
	v14 =	vadd.s32 $0x2710, v17;
	v20 =	vld.idx.msk [tilespmem:v13+s1+$0x0], $0xffff  }
0x295: {  	v23 =	vmul.f32 v24, v4;
	v7 =	vadd.s32 $0x7530, v16;
	v18 =	vadd.s32 $0x2710, v22;
	[tilespmem:v19+s11+$0x0] =	vst.idx.add.f32.msk $0xffff, v8  }
0x296: {  	s18 =	simm.s32 $0x4;
	s19 =	simm.s32 $0x17870;
	v16 =	vadd.s32 $0x4E20, v17;
	v13 =	vadd.s32 $0x4E20, v22;
	v8 =	vadd.s32 $0x7530, v17;
	v22 =	vld.idx.msk [tilespmem:v25+s1+$0x0], $0xffff  }
.LBB2_19:
0x297: {  	v24 =	vld [tilespmem:s19+$0x0];
	s18 =	sadd.s32 $0x2, s18;
	v25 =	vadd.s32 $0x7530, v3;
	v3 =	vmov v19  }
0x298: {  	v21 =	vmul.f32 v21, v2;
	v19 =	vld [tilespmem:s19+$0xFFFFFFF0];
	p0 =	slt.u32 s18, $0x1F2  }
0x299: {  	[tilespmem:v17+s11+$0x0] =	vst.idx.add.f32.msk $0xffff, v23;
	v23 =	vadd.s32 $0x2710, v3  }
0x29a: {  	v27 =	vadd.s32 $0x4E20, v5;
	v17 =	vmul.f32 v20, v1;
	v1 =	vmov v11;
	v26 =	vld.idx.msk [tilespmem:v18+s1+$0x0], $0xffff  }
0x29b: {  	[tilespmem:v9+s11+$0x0] =	vst.idx.add.f32.msk $0xffff, v21;
	v9 =	vmov v16  }
0x29c: {  	v11 =	vmul.f32 v22, v1;
	v20 =	vand.u32 $0xFFFF, v24;
	[tilespmem:v25+s11+$0x0] =	vst.idx.add.f32.msk $0xffff, v17  }
0x29d: {  	v21 =	vand.u32 $0xFFFF, v19;
	v17 =	vshra.s32 v19, $0x10;
	v19 =	vld.idx.msk [tilespmem:v10+s1+$0x0], $0xffff;
	v10 =	vmov v12  }
0x29e: {  	v18 =	vadd.s32 $0x2710, v21;
	v22 =	vadd.s32 $0x2710, v17;
	v25 =	vadd.s32 $0x4E20, v21;
	[tilespmem:v23+s11+$0x0] =	vst.idx.add.f32.msk $0xffff, v11  }
0x29f: {  	v16 =	vadd.s32 $0x4E20, v17;
	v12 =	vadd.s32 $0x7530, v21;
	v11 =	vadd.s32 $0x7530, v17;
	v23 =	vld.idx.msk [tilespmem:v27+s1+$0x0], $0xffff  }
0x2a0: {  	v26 =	vmul.f32 v26, v4;
	[tilespmem:v6+s11+$0x0] =	vst.idx.add.f32.msk $0xffff, v15;
	v6 =	vmovc v7;
	v7 =	vmov v8;
	v8 =	vmov v11  }
0x2a1: {  	s17 =	sadd.s32 $0x20, s17;
	v27 =	vld.idx.msk [tilespmem:v20+s1+$0x0], $0xffff  }
0x2a2: {  	v28 =	vadd.s32 $0x4E20, v3;
	v11 =	vld [tilespmem:s17+$0x0]  }
0x2a3: {  	v30 =	vadd.s32 $0x7530, v5;
	v5 =	vmovc v20;
	v15 =	vmul.f32 v19, v2;
	v2 =	vmov v4;
	v29 =	vld.idx.msk [tilespmem:v21+s1+$0x0], $0xffff  }
0x2a4: {  	v19 =	vshra.s32 v24, $0x10;
	v4 =	vld [tilespmem:s17+$0xFFFFFFF0]  }
0x2a5: {  	v24 =	vadd.s32 $0x2710, v5;
	v20 =	vmul.f32 v23, v1;
	[tilespmem:v14+s11+$0x0] =	vst.idx.add.f32.msk $0xffff, v26;
	v14 =	vmov v22  }
.Ltmp8:
0x2a6: {  	v21 =	vld.idx.msk [tilespmem:v13+s1+$0x0], $0xffff;
	v13 =	vmov v25;
	(pc) =	sbr.rel @p0 .LBB2_19-.Ltmp8, $4  }
0x2a7: {  	v22 =	vmul.f32 v27, v11;
	[tilespmem:v28+s11+$0x0] =	vst.idx.add.f32.msk $0xffff, v20  }
0x2a8: {  	v20 =	vld.idx.msk [tilespmem:v30+s1+$0x0], $0xffff  }
0x2a9: {  	v23 =	vmul.f32 v29, v4;
	[tilespmem:v19+s11+$0x0] =	vst.idx.add.f32.msk $0xffff, v22  }
0x2aa: {  	s19 =	sadd.s32 $0x20, s19;
	v22 =	vld.idx.msk [tilespmem:v24+s1+$0x0], $0xffff  }
0x2ab: {  	_ =	sdelay $0x3  }
0x2ac: {  	[tilespmem:v17+s11+$0x0] =	vst.idx.add.f32.msk $0xffff, v23  }
0x2ad: {  	v54 =	vadd.s32 $0x2710, v19;
	v18 =	vld.idx.msk [tilespmem:v18+s1+$0x0], $0xffff  }
0x2ae: {  	v55 =	vadd.s32 $0x4E20, v5;
	_ =	sdelay $0x1  }
0x2af: {  	v22 =	vmul.f32 v22, v11;
	_ =	sdelay $0x1  }
0x2b0: {  	[tilespmem:v54+s11+$0x0] =	vst.idx.add.f32.msk $0xffff, v22;
	v56 =	vmul.f32 v18, v4  }
0x2b1: {  	v57 =	vld.idx.msk [tilespmem:v55+s1+$0x0], $0xffff  }
0x2b2: {  	[tilespmem:v14+s11+$0x0] =	vst.idx.add.f32.msk $0xffff, v56  }
0x2b3: {  	v58 =	vadd.s32 $0x4E20, v19;
	v13 =	vld.idx.msk [tilespmem:v13+s1+$0x0], $0xffff  }
0x2b4: {  	v59 =	vmul.f32 v21, v2;
	v60 =	vadd.s32 $0x7530, v5;
	_ =	sdelay $0x1  }
0x2b5: {  	[tilespmem:v9+s11+$0x0] =	vst.idx.add.f32.msk $0xffff, v59;
	v61 =	vmul.f32 v57, v11  }
0x2b6: {  	v10 =	vld.idx.msk [tilespmem:v10+s1+$0x0], $0xffff  }
0x2b7: {  	[tilespmem:v58+s11+$0x0] =	vst.idx.add.f32.msk $0xffff, v61;
	v62 =	vmul.f32 v13, v4  }
0x2b8: {  	v3 =	vadd.s32 $0x7530, v3;
	v5 =	vld.idx.msk [tilespmem:v60+s1+$0x0], $0xffff  }
0x2b9: {  	[tilespmem:v16+s11+$0x0] =	vst.idx.add.f32.msk $0xffff, v62  }
0x2ba: {  	v63 =	vadd.s32 $0x7530, v19;
	v12 =	vld.idx.msk [tilespmem:v12+s1+$0x0], $0xffff  }
0x2bb: {  	s16 =	sadd.s32 $0x1, s16;
	v1 =	vmul.f32 v20, v1  }
0x2bc: {  	p0 =	sne.s32 s16, $0x14  }
.Ltmp9:
0x2bd: {  	[tilespmem:v3+s11+$0x0] =	vst.idx.add.f32.msk $0xffff, v1;
	v1 =	vmul.f32 v5, v11;
	(pc) =	sbr.rel @p0 .LBB2_16-.Ltmp9, $4  }
0x2be: {  	[tilespmem:v6+s11+$0x0] =	vst.idx.add.f32.msk $0xffff, v15;
	v2 =	vmul.f32 v10, v2  }
0x2bf: {  	[tilespmem:v63+s11+$0x0] =	vst.idx.add.f32.msk $0xffff, v1;
	v1 =	vmul.f32 v12, v4  }
0x2c0: {  	[tilespmem:v7+s11+$0x0] =	vst.idx.add.f32.msk $0xffff, v2  }
0x2c1: {  	[tilespmem:v8+s11+$0x0] =	vst.idx.add.f32.msk $0xffff, v1  }
0x2c2: {  	s16 =	simm.s32 $0x0;
	s17 =	rddreg [dreg:$0xe]  }
0x2c3: {  	[hbm4b:s17+s16] =	stream.linear.scatter [tilespmem:s11], [sflag:$0x3], $0x2710, $0x38;
	[tilespmem:$0x1B700] =	vst v63  }
0x2c4: {  	s20 =	rddreg [dreg:$0xf];
	s18 =	simm.s32 $0xC390  }
0x2c5: {  	[hbm4b:s20+s16] =	stream.linear.scatter [tilespmem:s18], [sflag:$0x3], $0x2710, $0x38;
	[tilespmem:$0x1B700] =	vst v63  }
0x2c6: {  	s19 =	simm.s32 $0xEAA0  }
0x2c7: {  	[hbm4b:s21+s16] =	stream.linear.scatter [tilespmem:s19], [sflag:$0x3], $0x2710, $0x38;
	[tilespmem:$0x1B700] =	vst v63  }
0x2c8: {  	s20 =	simm.s32 $0x111B0  }
0x2c9: {  	[hbm4b:s22+s16] =	stream.linear.scatter [tilespmem:s20], [sflag:$0x3], $0x2710, $0x38;
	[tilespmem:$0x1B700] =	vst v63  }
0x2ca: {  	_ =	swait.ge [sflag:s14], $0x2710  }
0x2cb: {  	[sflag:s14] =	ssyncset.done $0x0  }
0x2cc: {  	[sflag:s14] =	ssyncadd.s32 $0xFFFFD8F0  }
0x2cd: {  	_ =	swait.ge [sflag:s14], $0x2710  }
0x2ce: {  	[sflag:s14] =	ssyncset.done $0x0  }
0x2cf: {  	[sflag:s14] =	ssyncadd.s32 $0xFFFFD8F0  }
0x2d0: {  	_ =	swait.ge [sflag:s14], $0x2710  }
0x2d1: {  	[sflag:s14] =	ssyncset.done $0x0  }
0x2d2: {  	[sflag:s14] =	ssyncadd.s32 $0xFFFFD8F0  }
0x2d3: {  	_ =	swait.ge [sflag:s14], $0x2710  }
0x2d4: {  	[sflag:s14] =	ssyncset.done $0x0  }
0x2d5: {  	[sflag:s14] =	ssyncadd.s32 $0xFFFFD8F0  }
0x2d6: {  	[tilespmem:s2], [sflag:$0x1] =	stream.linear.gather [hbm4b:s3+s16], $0x1F40, $0x38;
	[tilespmem:$0x1B700] =	vst v63  }
0x2d7: {  	_ = 	snop  }
0x2d8: {  	[tilespmem:s7], [sflag:$0x1] =	stream.linear.gather [hbm4b:s6+s16], $0x1F40, $0x38;
	[tilespmem:$0x1B700] =	vst v63  }
.LBB2_22:
0x2d9: {  	s17 =	smul.u32 $0x3E80, s16;
	_ =	sdelay $0x1  }
0x2da: {  	s18 =	sshrl.u32 s17, $0x3  }
0x2db: {  	s18 =	sadd.s32 $0x3E8, s18  }
0x2dc: {  	s19 =	sadd.s32 s3, s18  }
0x2dd: {  	[tilespmem:s8], [sflag:$0x2] =	stream.linear.gather [hbm4b:s19+s1], $0x1F40, $0x38;
	[tilespmem:$0x1B700] =	vst v63  }
0x2de: {  	s18 =	sadd.s32 s6, s18  }
0x2df: {  	[tilespmem:s9], [sflag:$0x2] =	stream.linear.gather [hbm4b:s18+s1], $0x1F40, $0x38;
	[tilespmem:$0x1B700] =	vst v63  }
0x2e0: {  	_ =	swait.ge [sflag:s10], $0x1F40  }
0x2e1: {  	[sflag:s10] =	ssyncset.done $0x0  }
0x2e2: {  	[sflag:s10] =	ssyncadd.s32 $0xFFFFE0C0  }
0x2e3: {  	_ =	swait.ge [sflag:s10], $0x1F40  }
0x2e4: {  	[sflag:s10] =	ssyncset.done $0x0  }
0x2e5: {  	s20 =	simm.s32 $0x13910;
	[sflag:s10] =	ssyncadd.s32 $0xFFFFE0C0  }
0x2e6: {  	v1 =	vld [tilespmem:s20+$0x0];
	_ =	sdelay $0x4  }
0x2e7: {  	v2 =	vand.u32 $0xFFFF, v1  }
0x2e8: {  	v3 =	vld [tilespmem:s20+$0xFFFFFFF0];
	_ =	sdelay $0x1  }
0x2e9: {  	s19 =	simm.s32 $0x15890  }
0x2ea: {  	v6 =	vld [tilespmem:s19+$0x0]  }
0x2eb: {  	v4 =	vld.idx.msk [tilespmem:v2+s11+$0x0], $0xffff  }
0x2ec: {  	v5 =	vand.u32 $0xFFFF, v3  }
0x2ed: {  	v7 =	vshra.s32 v1, $0x10  }
0x2ee: {  	v1 =	vadd.s32 $0x2710, v2;
	_ =	sdelay $0x1  }
0x2ef: {  	v15 =	vld [tilespmem:s19+$0xFFFFFFF0];
	v4 =	vmul.f32 v4, v6  }
0x2f0: {  	v8 =	vld.idx.msk [tilespmem:v5+s11+$0x0], $0xffff  }
0x2f1: {  	[tilespmem:v7+s1+$0x0] =	vst.idx.add.f32.msk $0xffff, v4  }
0x2f2: {  	s20 =	simm.s32 $0x13930;
	v9 =	vshra.s32 v3, $0x10;
	v1 =	vld.idx.msk [tilespmem:v1+s11+$0x0], $0xffff  }
0x2f3: {  	v3 =	vadd.s32 $0x2710, v5;
	v4 =	vld [tilespmem:s20+$0x0]  }
0x2f4: {  	v10 =	vld [tilespmem:s20+$0xFFFFFFF0];
	v11 =	vadd.s32 $0x2710, v7  }
0x2f5: {  	v12 =	vadd.s32 $0x4E20, v2;
	v8 =	vmul.f32 v8, v15;
	_ =	sdelay $0x1  }
0x2f6: {  	[tilespmem:v9+s1+$0x0] =	vst.idx.add.f32.msk $0xffff, v8;
	v1 =	vmul.f32 v1, v6  }
0x2f7: {  	v3 =	vld.idx.msk [tilespmem:v3+s11+$0x0], $0xffff;
	v13 =	vand.u32 $0xFFFF, v4  }
0x2f8: {  	v8 =	vand.u32 $0xFFFF, v10;
	[tilespmem:v11+s1+$0x0] =	vst.idx.add.f32.msk $0xffff, v1  }
0x2f9: {  	s19 =	simm.s32 $0x158B0;
	v11 =	vadd.s32 $0x2710, v9;
	v12 =	vld.idx.msk [tilespmem:v12+s11+$0x0], $0xffff  }
0x2fa: {  	v14 =	vadd.s32 $0x4E20, v5;
	v20 =	vadd.s32 $0x7530, v2;
	v2 =	vld [tilespmem:s19+$0xFFFFFFF0]  }
0x2fb: {  	v17 =	vadd.s32 $0x4E20, v7;
	v1 =	vld [tilespmem:s19+$0x0]  }
0x2fc: {  	v18 =	vmul.f32 v3, v15;
	v16 =	vld.idx.msk [tilespmem:v13+s11+$0x0], $0xffff  }
0x2fd: {  	v19 =	vld.idx.msk [tilespmem:v8+s11+$0x0], $0xffff  }
0x2fe: {  	v3 =	vshra.s32 v4, $0x10;
	[tilespmem:v11+s1+$0x0] =	vst.idx.add.f32.msk $0xffff, v18;
	v4 =	vmul.f32 v12, v6  }
0x2ff: {  	v11 =	vadd.s32 $0x2710, v13;
	v12 =	vld.idx.msk [tilespmem:v14+s11+$0x0], $0xffff  }
0x300: {  	s20 =	simm.s32 $0x13950;
	[tilespmem:v17+s1+$0x0] =	vst.idx.add.f32.msk $0xffff, v4  }
0x301: {  	v14 =	vmul.f32 v16, v1;
	v16 =	vshra.s32 v10, $0x10;
	v17 =	vld [tilespmem:s20+$0x0]  }
0x302: {  	v10 =	vadd.s32 $0x2710, v8;
	v4 =	vld.idx.msk [tilespmem:v20+s11+$0x0], $0xffff  }
0x303: {  	[tilespmem:v3+s1+$0x0] =	vst.idx.add.f32.msk $0xffff, v14;
	v14 =	vadd.s32 $0x4E20, v9  }
0x304: {  	v18 =	vmul.f32 v19, v2;
	v19 =	vadd.s32 $0x7530, v5;
	v11 =	vld.idx.msk [tilespmem:v11+s11+$0x0], $0xffff  }
0x305: {  	v7 =	vadd.s32 $0x7530, v7;
	v20 =	vld [tilespmem:s20+$0xFFFFFFF0]  }
0x306: {  	v5 =	vmul.f32 v12, v15;
	v12 =	vadd.s32 $0x2710, v3;
	[tilespmem:v16+s1+$0x0] =	vst.idx.add.f32.msk $0xffff, v18  }
0x307: {  	v18 =	vadd.s32 $0x4E20, v13;
	v10 =	vld.idx.msk [tilespmem:v10+s11+$0x0], $0xffff  }
0x308: {  	v4 =	vmul.f32 v4, v6;
	[tilespmem:v14+s1+$0x0] =	vst.idx.add.f32.msk $0xffff, v5  }
0x309: {  	v5 =	vand.u32 $0xFFFF, v17;
	v6 =	vmul.f32 v11, v1;
	v23 =	vld.idx.msk [tilespmem:v19+s11+$0x0], $0xffff  }
0x30a: {  	[tilespmem:v7+s1+$0x0] =	vst.idx.add.f32.msk $0xffff, v4  }
0x30b: {  	v22 =	vand.u32 $0xFFFF, v20;
	[tilespmem:v12+s1+$0x0] =	vst.idx.add.f32.msk $0xffff, v6  }
0x30c: {  	s18 =	simm.s32 $0x158D0;
	v6 =	vadd.s32 $0x2710, v16;
	v7 =	vld.idx.msk [tilespmem:v18+s11+$0x0], $0xffff  }
0x30d: {  	v11 =	vld [tilespmem:s18+$0x0];
	v12 =	vadd.s32 $0x4E20, v8  }
0x30e: {  	v18 =	vadd.s32 $0x4E20, v3;
	v14 =	vld.idx.msk [tilespmem:v5+s11+$0x0], $0xffff  }
0x30f: {  	v13 =	vadd.s32 $0x7530, v13;
	v4 =	vld [tilespmem:s18+$0xFFFFFFF0];
	v10 =	vmul.f32 v10, v2  }
0x310: {  	v19 =	vshra.s32 v17, $0x10;
	v24 =	vld.idx.msk [tilespmem:v22+s11+$0x0], $0xffff  }
0x311: {  	v25 =	vadd.s32 $0x2710, v5;
	[tilespmem:v6+s1+$0x0] =	vst.idx.add.f32.msk $0xffff, v10;
	v7 =	vmul.f32 v7, v1  }
0x312: {  	v17 =	vshra.s32 v20, $0x10;
	v15 =	vmul.f32 v23, v15;
	v21 =	vld.idx.msk [tilespmem:v12+s11+$0x0], $0xffff  }
0x313: {  	v6 =	vadd.s32 $0x7530, v9;
	v10 =	vadd.s32 $0x7530, v8;
	v8 =	vmul.f32 v14, v11;
	[tilespmem:v18+s1+$0x0] =	vst.idx.add.f32.msk $0xffff, v7  }
0x314: {  	v9 =	vadd.s32 $0x4E20, v16;
	v12 =	vadd.s32 $0x7530, v22;
	v14 =	vadd.s32 $0x2710, v17;
	v20 =	vld.idx.msk [tilespmem:v13+s11+$0x0], $0xffff  }
0x315: {  	v23 =	vmul.f32 v24, v4;
	v7 =	vadd.s32 $0x7530, v16;
	v18 =	vadd.s32 $0x2710, v22;
	[tilespmem:v19+s1+$0x0] =	vst.idx.add.f32.msk $0xffff, v8  }
0x316: {  	s19 =	simm.s32 $0x4;
	s20 =	simm.s32 $0x13970;
	v16 =	vadd.s32 $0x4E20, v17;
	v13 =	vadd.s32 $0x4E20, v22;
	v8 =	vadd.s32 $0x7530, v17;
	v22 =	vld.idx.msk [tilespmem:v25+s11+$0x0], $0xffff  }
.LBB2_23:
0x317: {  	v24 =	vld [tilespmem:s20+$0x0];
	s19 =	sadd.s32 $0x2, s19;
	v25 =	vadd.s32 $0x7530, v3;
	v3 =	vmov v19  }
0x318: {  	v21 =	vmul.f32 v21, v2;
	v19 =	vld [tilespmem:s20+$0xFFFFFFF0];
	p0 =	slt.u32 s19, $0x1F2  }
0x319: {  	[tilespmem:v17+s1+$0x0] =	vst.idx.add.f32.msk $0xffff, v23;
	v23 =	vadd.s32 $0x2710, v3  }
0x31a: {  	v27 =	vadd.s32 $0x4E20, v5;
	v17 =	vmul.f32 v20, v1;
	v1 =	vmov v11;
	v26 =	vld.idx.msk [tilespmem:v18+s11+$0x0], $0xffff  }
0x31b: {  	[tilespmem:v9+s1+$0x0] =	vst.idx.add.f32.msk $0xffff, v21;
	v9 =	vmov v16  }
0x31c: {  	v11 =	vmul.f32 v22, v1;
	v20 =	vand.u32 $0xFFFF, v24;
	[tilespmem:v25+s1+$0x0] =	vst.idx.add.f32.msk $0xffff, v17  }
0x31d: {  	v21 =	vand.u32 $0xFFFF, v19;
	v17 =	vshra.s32 v19, $0x10;
	v19 =	vld.idx.msk [tilespmem:v10+s11+$0x0], $0xffff;
	v10 =	vmov v12  }
0x31e: {  	v18 =	vadd.s32 $0x2710, v21;
	v22 =	vadd.s32 $0x2710, v17;
	v25 =	vadd.s32 $0x4E20, v21;
	[tilespmem:v23+s1+$0x0] =	vst.idx.add.f32.msk $0xffff, v11  }
0x31f: {  	v16 =	vadd.s32 $0x4E20, v17;
	v12 =	vadd.s32 $0x7530, v21;
	v11 =	vadd.s32 $0x7530, v17;
	v23 =	vld.idx.msk [tilespmem:v27+s11+$0x0], $0xffff  }
0x320: {  	v26 =	vmul.f32 v26, v4;
	[tilespmem:v6+s1+$0x0] =	vst.idx.add.f32.msk $0xffff, v15;
	v6 =	vmovc v7;
	v7 =	vmov v8;
	v8 =	vmov v11  }
0x321: {  	s18 =	sadd.s32 $0x20, s18;
	v27 =	vld.idx.msk [tilespmem:v20+s11+$0x0], $0xffff  }
0x322: {  	v28 =	vadd.s32 $0x4E20, v3;
	v11 =	vld [tilespmem:s18+$0x0]  }
0x323: {  	v30 =	vadd.s32 $0x7530, v5;
	v5 =	vmovc v20;
	v15 =	vmul.f32 v19, v2;
	v2 =	vmov v4;
	v29 =	vld.idx.msk [tilespmem:v21+s11+$0x0], $0xffff  }
0x324: {  	v19 =	vshra.s32 v24, $0x10;
	v4 =	vld [tilespmem:s18+$0xFFFFFFF0]  }
0x325: {  	v24 =	vadd.s32 $0x2710, v5;
	v20 =	vmul.f32 v23, v1;
	[tilespmem:v14+s1+$0x0] =	vst.idx.add.f32.msk $0xffff, v26;
	v14 =	vmov v22  }
.Ltmp10:
0x326: {  	v21 =	vld.idx.msk [tilespmem:v13+s11+$0x0], $0xffff;
	v13 =	vmov v25;
	(pc) =	sbr.rel @p0 .LBB2_23-.Ltmp10, $4  }
0x327: {  	v22 =	vmul.f32 v27, v11;
	[tilespmem:v28+s1+$0x0] =	vst.idx.add.f32.msk $0xffff, v20  }
0x328: {  	v20 =	vld.idx.msk [tilespmem:v30+s11+$0x0], $0xffff  }
0x329: {  	v23 =	vmul.f32 v29, v4;
	[tilespmem:v19+s1+$0x0] =	vst.idx.add.f32.msk $0xffff, v22  }
0x32a: {  	s20 =	sadd.s32 $0x20, s20;
	v22 =	vld.idx.msk [tilespmem:v24+s11+$0x0], $0xffff  }
0x32b: {  	_ =	sdelay $0x3  }
0x32c: {  	[tilespmem:v17+s1+$0x0] =	vst.idx.add.f32.msk $0xffff, v23  }
0x32d: {  	v17 =	vadd.s32 $0x2710, v19;
	v18 =	vld.idx.msk [tilespmem:v18+s11+$0x0], $0xffff  }
0x32e: {  	v23 =	vadd.s32 $0x4E20, v5;
	_ =	sdelay $0x1  }
0x32f: {  	v22 =	vmul.f32 v22, v11;
	_ =	sdelay $0x1  }
0x330: {  	[tilespmem:v17+s1+$0x0] =	vst.idx.add.f32.msk $0xffff, v22;
	v17 =	vmul.f32 v18, v4  }
0x331: {  	v18 =	vld.idx.msk [tilespmem:v23+s11+$0x0], $0xffff  }
0x332: {  	[tilespmem:v14+s1+$0x0] =	vst.idx.add.f32.msk $0xffff, v17  }
0x333: {  	v14 =	vadd.s32 $0x4E20, v19;
	v13 =	vld.idx.msk [tilespmem:v13+s11+$0x0], $0xffff  }
0x334: {  	v5 =	vadd.s32 $0x7530, v5;
	v17 =	vmul.f32 v21, v2;
	_ =	sdelay $0x1  }
0x335: {  	[tilespmem:v9+s1+$0x0] =	vst.idx.add.f32.msk $0xffff, v17;
	v9 =	vmul.f32 v18, v11  }
0x336: {  	v10 =	vld.idx.msk [tilespmem:v10+s11+$0x0], $0xffff  }
0x337: {  	[tilespmem:v14+s1+$0x0] =	vst.idx.add.f32.msk $0xffff, v9;
	v9 =	vmul.f32 v13, v4  }
0x338: {  	v3 =	vadd.s32 $0x7530, v3;
	v5 =	vld.idx.msk [tilespmem:v5+s11+$0x0], $0xffff  }
0x339: {  	[tilespmem:v16+s1+$0x0] =	vst.idx.add.f32.msk $0xffff, v9  }
0x33a: {  	v9 =	vadd.s32 $0x7530, v19;
	v12 =	vld.idx.msk [tilespmem:v12+s11+$0x0], $0xffff  }
0x33b: {  	v1 =	vmul.f32 v20, v1;
	_ =	sdelay $0x1  }
0x33c: {  	[tilespmem:v3+s1+$0x0] =	vst.idx.add.f32.msk $0xffff, v1;
	v1 =	vmul.f32 v5, v11  }
0x33d: {  	[tilespmem:v6+s1+$0x0] =	vst.idx.add.f32.msk $0xffff, v15;
	p0 =	seq.s32 s16, $0x13;
	v2 =	vmul.f32 v10, v2  }
0x33e: {  	s17 =	sshrl.u32 @!p0 s17, $0x3;
	[tilespmem:v9+s1+$0x0] =	vst.idx.add.f32.msk $0xffff, v1;
	v1 =	vmul.f32 v12, v4  }
0x33f: {  	s17 =	sadd.s32 @!p0 $0x7D0, s17;
	[tilespmem:v7+s1+$0x0] =	vst.idx.add.f32.msk $0xffff, v2  }
0x340: {  	s19 =	simm.s32 @!p0 $0x0;
	s20 =	simm.s32 @!p0 $0x13900;
	s18 =	sadd.s32 @!p0 s3, s17;
	[tilespmem:v8+s1+$0x0] =	vst.idx.add.f32.msk $0xffff, v1  }
0x341: {  	[tilespmem:s20], [sflag:$0x1] =	stream.linear.gather @!p0 [hbm4b:s18+s19], $0x1F40, $0x38;
	[tilespmem:$0x1B700] =	vst v63  }
0x342: {  	s17 =	sadd.s32 @!p0 s6, s17;
	s18 =	simm.s32 @!p0 $0x15880  }
0x343: {  	[tilespmem:s18], [sflag:$0x1] =	stream.linear.gather @!p0 [hbm4b:s17+s19], $0x1F40, $0x38;
	[tilespmem:$0x1B700] =	vst v63  }
0x344: {  	_ =	swait.ge [sflag:s12], $0x1F40  }
0x345: {  	[sflag:s12] =	ssyncset.done $0x0  }
0x346: {  	[sflag:s12] =	ssyncadd.s32 $0xFFFFE0C0  }
0x347: {  	_ =	swait.ge [sflag:s12], $0x1F40  }
0x348: {  	[sflag:s12] =	ssyncset.done $0x0  }
0x349: {  	s19 =	simm.s32 $0x17810;
	[sflag:s12] =	ssyncadd.s32 $0xFFFFE0C0  }
0x34a: {  	v1 =	vld [tilespmem:s19+$0x0];
	_ =	sdelay $0x4  }
0x34b: {  	v2 =	vand.u32 $0xFFFF, v1  }
0x34c: {  	v3 =	vld [tilespmem:s19+$0xFFFFFFF0];
	_ =	sdelay $0x1  }
0x34d: {  	s20 =	simm.s32 $0x19790  }
0x34e: {  	v6 =	vld [tilespmem:s20+$0x0]  }
0x34f: {  	v4 =	vld.idx.msk [tilespmem:v2+s11+$0x0], $0xffff  }
0x350: {  	v5 =	vand.u32 $0xFFFF, v3  }
0x351: {  	v7 =	vshra.s32 v1, $0x10  }
0x352: {  	v1 =	vadd.s32 $0x2710, v2;
	_ =	sdelay $0x1  }
0x353: {  	v15 =	vld [tilespmem:s20+$0xFFFFFFF0];
	v4 =	vmul.f32 v4, v6  }
0x354: {  	v8 =	vld.idx.msk [tilespmem:v5+s11+$0x0], $0xffff  }
0x355: {  	[tilespmem:v7+s1+$0x0] =	vst.idx.add.f32.msk $0xffff, v4  }
0x356: {  	s18 =	simm.s32 $0x17830;
	v9 =	vshra.s32 v3, $0x10;
	v1 =	vld.idx.msk [tilespmem:v1+s11+$0x0], $0xffff  }
0x357: {  	v3 =	vadd.s32 $0x2710, v5;
	v4 =	vld [tilespmem:s18+$0x0]  }
0x358: {  	v10 =	vld [tilespmem:s18+$0xFFFFFFF0];
	v11 =	vadd.s32 $0x2710, v7  }
0x359: {  	v12 =	vadd.s32 $0x4E20, v2;
	v8 =	vmul.f32 v8, v15;
	_ =	sdelay $0x1  }
0x35a: {  	[tilespmem:v9+s1+$0x0] =	vst.idx.add.f32.msk $0xffff, v8;
	v1 =	vmul.f32 v1, v6  }
0x35b: {  	v3 =	vld.idx.msk [tilespmem:v3+s11+$0x0], $0xffff;
	v13 =	vand.u32 $0xFFFF, v4  }
0x35c: {  	v8 =	vand.u32 $0xFFFF, v10;
	[tilespmem:v11+s1+$0x0] =	vst.idx.add.f32.msk $0xffff, v1  }
0x35d: {  	s19 =	simm.s32 $0x197B0;
	v11 =	vadd.s32 $0x2710, v9;
	v12 =	vld.idx.msk [tilespmem:v12+s11+$0x0], $0xffff  }
0x35e: {  	v14 =	vadd.s32 $0x4E20, v5;
	v20 =	vadd.s32 $0x7530, v2;
	v2 =	vld [tilespmem:s19+$0xFFFFFFF0]  }
0x35f: {  	v17 =	vadd.s32 $0x4E20, v7;
	v1 =	vld [tilespmem:s19+$0x0]  }
0x360: {  	v18 =	vmul.f32 v3, v15;
	v16 =	vld.idx.msk [tilespmem:v13+s11+$0x0], $0xffff  }
0x361: {  	v19 =	vld.idx.msk [tilespmem:v8+s11+$0x0], $0xffff  }
0x362: {  	v3 =	vshra.s32 v4, $0x10;
	[tilespmem:v11+s1+$0x0] =	vst.idx.add.f32.msk $0xffff, v18;
	v4 =	vmul.f32 v12, v6  }
0x363: {  	v11 =	vadd.s32 $0x2710, v13;
	v12 =	vld.idx.msk [tilespmem:v14+s11+$0x0], $0xffff  }
0x364: {  	s20 =	simm.s32 $0x17850;
	[tilespmem:v17+s1+$0x0] =	vst.idx.add.f32.msk $0xffff, v4  }
0x365: {  	v14 =	vmul.f32 v16, v1;
	v16 =	vshra.s32 v10, $0x10;
	v17 =	vld [tilespmem:s20+$0x0]  }
0x366: {  	v10 =	vadd.s32 $0x2710, v8;
	v4 =	vld.idx.msk [tilespmem:v20+s11+$0x0], $0xffff  }
0x367: {  	[tilespmem:v3+s1+$0x0] =	vst.idx.add.f32.msk $0xffff, v14;
	v14 =	vadd.s32 $0x4E20, v9  }
0x368: {  	v18 =	vmul.f32 v19, v2;
	v19 =	vadd.s32 $0x7530, v5;
	v11 =	vld.idx.msk [tilespmem:v11+s11+$0x0], $0xffff  }
0x369: {  	v7 =	vadd.s32 $0x7530, v7;
	v20 =	vld [tilespmem:s20+$0xFFFFFFF0]  }
0x36a: {  	v5 =	vmul.f32 v12, v15;
	v12 =	vadd.s32 $0x2710, v3;
	[tilespmem:v16+s1+$0x0] =	vst.idx.add.f32.msk $0xffff, v18  }
0x36b: {  	v18 =	vadd.s32 $0x4E20, v13;
	v10 =	vld.idx.msk [tilespmem:v10+s11+$0x0], $0xffff  }
0x36c: {  	v4 =	vmul.f32 v4, v6;
	[tilespmem:v14+s1+$0x0] =	vst.idx.add.f32.msk $0xffff, v5  }
0x36d: {  	v5 =	vand.u32 $0xFFFF, v17;
	v6 =	vmul.f32 v11, v1;
	v23 =	vld.idx.msk [tilespmem:v19+s11+$0x0], $0xffff  }
0x36e: {  	[tilespmem:v7+s1+$0x0] =	vst.idx.add.f32.msk $0xffff, v4  }
0x36f: {  	v22 =	vand.u32 $0xFFFF, v20;
	[tilespmem:v12+s1+$0x0] =	vst.idx.add.f32.msk $0xffff, v6  }
0x370: {  	s17 =	simm.s32 $0x197D0;
	v6 =	vadd.s32 $0x2710, v16;
	v7 =	vld.idx.msk [tilespmem:v18+s11+$0x0], $0xffff  }
0x371: {  	v11 =	vld [tilespmem:s17+$0x0];
	v12 =	vadd.s32 $0x4E20, v8  }
0x372: {  	v18 =	vadd.s32 $0x4E20, v3;
	v14 =	vld.idx.msk [tilespmem:v5+s11+$0x0], $0xffff  }
0x373: {  	v13 =	vadd.s32 $0x7530, v13;
	v4 =	vld [tilespmem:s17+$0xFFFFFFF0];
	v10 =	vmul.f32 v10, v2  }
0x374: {  	v19 =	vshra.s32 v17, $0x10;
	v24 =	vld.idx.msk [tilespmem:v22+s11+$0x0], $0xffff  }
0x375: {  	v25 =	vadd.s32 $0x2710, v5;
	[tilespmem:v6+s1+$0x0] =	vst.idx.add.f32.msk $0xffff, v10;
	v7 =	vmul.f32 v7, v1  }
0x376: {  	v17 =	vshra.s32 v20, $0x10;
	v15 =	vmul.f32 v23, v15;
	v21 =	vld.idx.msk [tilespmem:v12+s11+$0x0], $0xffff  }
0x377: {  	v6 =	vadd.s32 $0x7530, v9;
	v10 =	vadd.s32 $0x7530, v8;
	v8 =	vmul.f32 v14, v11;
	[tilespmem:v18+s1+$0x0] =	vst.idx.add.f32.msk $0xffff, v7  }
0x378: {  	v9 =	vadd.s32 $0x4E20, v16;
	v12 =	vadd.s32 $0x7530, v22;
	v14 =	vadd.s32 $0x2710, v17;
	v20 =	vld.idx.msk [tilespmem:v13+s11+$0x0], $0xffff  }
0x379: {  	v23 =	vmul.f32 v24, v4;
	v7 =	vadd.s32 $0x7530, v16;
	v18 =	vadd.s32 $0x2710, v22;
	[tilespmem:v19+s1+$0x0] =	vst.idx.add.f32.msk $0xffff, v8  }
0x37a: {  	s18 =	simm.s32 $0x4;
	s19 =	simm.s32 $0x17870;
	v16 =	vadd.s32 $0x4E20, v17;
	v13 =	vadd.s32 $0x4E20, v22;
	v8 =	vadd.s32 $0x7530, v17;
	v22 =	vld.idx.msk [tilespmem:v25+s11+$0x0], $0xffff  }
.LBB2_25:
0x37b: {  	v24 =	vld [tilespmem:s19+$0x0];
	s18 =	sadd.s32 $0x2, s18;
	v25 =	vadd.s32 $0x7530, v3;
	v3 =	vmov v19  }
0x37c: {  	v21 =	vmul.f32 v21, v2;
	v19 =	vld [tilespmem:s19+$0xFFFFFFF0];
	p0 =	slt.u32 s18, $0x1F2  }
0x37d: {  	[tilespmem:v17+s1+$0x0] =	vst.idx.add.f32.msk $0xffff, v23;
	v23 =	vadd.s32 $0x2710, v3  }
0x37e: {  	v27 =	vadd.s32 $0x4E20, v5;
	v17 =	vmul.f32 v20, v1;
	v1 =	vmov v11;
	v26 =	vld.idx.msk [tilespmem:v18+s11+$0x0], $0xffff  }
0x37f: {  	[tilespmem:v9+s1+$0x0] =	vst.idx.add.f32.msk $0xffff, v21;
	v9 =	vmov v16  }
0x380: {  	v11 =	vmul.f32 v22, v1;
	v20 =	vand.u32 $0xFFFF, v24;
	[tilespmem:v25+s1+$0x0] =	vst.idx.add.f32.msk $0xffff, v17  }
0x381: {  	v21 =	vand.u32 $0xFFFF, v19;
	v17 =	vshra.s32 v19, $0x10;
	v19 =	vld.idx.msk [tilespmem:v10+s11+$0x0], $0xffff;
	v10 =	vmov v12  }
0x382: {  	v18 =	vadd.s32 $0x2710, v21;
	v22 =	vadd.s32 $0x2710, v17;
	v25 =	vadd.s32 $0x4E20, v21;
	[tilespmem:v23+s1+$0x0] =	vst.idx.add.f32.msk $0xffff, v11  }
0x383: {  	v16 =	vadd.s32 $0x4E20, v17;
	v12 =	vadd.s32 $0x7530, v21;
	v11 =	vadd.s32 $0x7530, v17;
	v23 =	vld.idx.msk [tilespmem:v27+s11+$0x0], $0xffff  }
0x384: {  	v26 =	vmul.f32 v26, v4;
	[tilespmem:v6+s1+$0x0] =	vst.idx.add.f32.msk $0xffff, v15;
	v6 =	vmovc v7;
	v7 =	vmov v8;
	v8 =	vmov v11  }
0x385: {  	s17 =	sadd.s32 $0x20, s17;
	v27 =	vld.idx.msk [tilespmem:v20+s11+$0x0], $0xffff  }
0x386: {  	v28 =	vadd.s32 $0x4E20, v3;
	v11 =	vld [tilespmem:s17+$0x0]  }
0x387: {  	v30 =	vadd.s32 $0x7530, v5;
	v5 =	vmovc v20;
	v15 =	vmul.f32 v19, v2;
	v2 =	vmov v4;
	v29 =	vld.idx.msk [tilespmem:v21+s11+$0x0], $0xffff  }
0x388: {  	v19 =	vshra.s32 v24, $0x10;
	v4 =	vld [tilespmem:s17+$0xFFFFFFF0]  }
0x389: {  	v24 =	vadd.s32 $0x2710, v5;
	v20 =	vmul.f32 v23, v1;
	[tilespmem:v14+s1+$0x0] =	vst.idx.add.f32.msk $0xffff, v26;
	v14 =	vmov v22  }
.Ltmp11:
0x38a: {  	v21 =	vld.idx.msk [tilespmem:v13+s11+$0x0], $0xffff;
	v13 =	vmov v25;
	(pc) =	sbr.rel @p0 .LBB2_25-.Ltmp11, $4  }
0x38b: {  	v22 =	vmul.f32 v27, v11;
	[tilespmem:v28+s1+$0x0] =	vst.idx.add.f32.msk $0xffff, v20  }
0x38c: {  	v20 =	vld.idx.msk [tilespmem:v30+s11+$0x0], $0xffff  }
0x38d: {  	v23 =	vmul.f32 v29, v4;
	[tilespmem:v19+s1+$0x0] =	vst.idx.add.f32.msk $0xffff, v22  }
0x38e: {  	s19 =	sadd.s32 $0x20, s19;
	v22 =	vld.idx.msk [tilespmem:v24+s11+$0x0], $0xffff  }
0x38f: {  	_ =	sdelay $0x3  }
0x390: {  	[tilespmem:v17+s1+$0x0] =	vst.idx.add.f32.msk $0xffff, v23  }
0x391: {  	v54 =	vadd.s32 $0x2710, v19;
	v18 =	vld.idx.msk [tilespmem:v18+s11+$0x0], $0xffff  }
0x392: {  	v55 =	vadd.s32 $0x4E20, v5;
	_ =	sdelay $0x1  }
0x393: {  	v22 =	vmul.f32 v22, v11;
	_ =	sdelay $0x1  }
0x394: {  	[tilespmem:v54+s1+$0x0] =	vst.idx.add.f32.msk $0xffff, v22;
	v56 =	vmul.f32 v18, v4  }
0x395: {  	v57 =	vld.idx.msk [tilespmem:v55+s11+$0x0], $0xffff  }
0x396: {  	[tilespmem:v14+s1+$0x0] =	vst.idx.add.f32.msk $0xffff, v56  }
0x397: {  	v58 =	vadd.s32 $0x4E20, v19;
	v13 =	vld.idx.msk [tilespmem:v13+s11+$0x0], $0xffff  }
0x398: {  	v59 =	vmul.f32 v21, v2;
	v60 =	vadd.s32 $0x7530, v5;
	_ =	sdelay $0x1  }
0x399: {  	[tilespmem:v9+s1+$0x0] =	vst.idx.add.f32.msk $0xffff, v59;
	v61 =	vmul.f32 v57, v11  }
0x39a: {  	v10 =	vld.idx.msk [tilespmem:v10+s11+$0x0], $0xffff  }
0x39b: {  	[tilespmem:v58+s1+$0x0] =	vst.idx.add.f32.msk $0xffff, v61;
	v62 =	vmul.f32 v13, v4  }
0x39c: {  	v3 =	vadd.s32 $0x7530, v3;
	v5 =	vld.idx.msk [tilespmem:v60+s11+$0x0], $0xffff  }
0x39d: {  	[tilespmem:v16+s1+$0x0] =	vst.idx.add.f32.msk $0xffff, v62  }
0x39e: {  	v63 =	vadd.s32 $0x7530, v19;
	v12 =	vld.idx.msk [tilespmem:v12+s11+$0x0], $0xffff  }
0x39f: {  	s16 =	sadd.s32 $0x1, s16;
	v1 =	vmul.f32 v20, v1  }
0x3a0: {  	p0 =	sne.s32 s16, $0x14  }
.Ltmp12:
0x3a1: {  	[tilespmem:v3+s1+$0x0] =	vst.idx.add.f32.msk $0xffff, v1;
	v1 =	vmul.f32 v5, v11;
	(pc) =	sbr.rel @p0 .LBB2_22-.Ltmp12, $4  }
0x3a2: {  	[tilespmem:v6+s1+$0x0] =	vst.idx.add.f32.msk $0xffff, v15;
	v2 =	vmul.f32 v10, v2  }
0x3a3: {  	[tilespmem:v63+s1+$0x0] =	vst.idx.add.f32.msk $0xffff, v1;
	v1 =	vmul.f32 v12, v4  }
0x3a4: {  	[tilespmem:v7+s1+$0x0] =	vst.idx.add.f32.msk $0xffff, v2  }
0x3a5: {  	[tilespmem:v8+s1+$0x0] =	vst.idx.add.f32.msk $0xffff, v1  }
0x3a6: {  	[hbm4b:s23+s1] =	stream.linear.scatter [tilespmem:s1], [sflag:$0x4], $0x2710, $0x38;
	[tilespmem:$0x1B700] =	vst v63  }
0x3a7: {  	_ = 	snop  }
0x3a8: {  	[hbm4b:s24+s1] =	stream.linear.scatter [tilespmem:s30], [sflag:$0x4], $0x2710, $0x38;
	[tilespmem:$0x1B700] =	vst v63  }
0x3a9: {  	_ = 	snop  }
0x3aa: {  	[hbm4b:s25+s1] =	stream.linear.scatter [tilespmem:s31], [sflag:$0x4], $0x2710, $0x38;
	[tilespmem:$0x1B700] =	vst v63  }
0x3ab: {  	_ = 	snop  }
0x3ac: {  	[hbm4b:s26+s1] =	stream.linear.scatter [tilespmem:s0], [sflag:$0x4], $0x2710, $0x38;
	[tilespmem:$0x1B700] =	vst v63  }
0x3ad: {  	_ =	swait.ge [sflag:s13], $0x2710  }
0x3ae: {  	[sflag:s13] =	ssyncset.done $0x0  }
0x3af: {  	[sflag:s13] =	ssyncadd.s32 $0xFFFFD8F0  }
0x3b0: {  	_ =	swait.ge [sflag:s14], $0x2710  }
0x3b1: {  	[sflag:s14] =	ssyncset.done $0x0  }
0x3b2: {  	[sflag:s14] =	ssyncadd.s32 $0xFFFFD8F0  }
0x3b3: {  	_ =	swait.ge [sflag:s13], $0x2710  }
0x3b4: {  	[sflag:s13] =	ssyncset.done $0x0  }
0x3b5: {  	[sflag:s13] =	ssyncadd.s32 $0xFFFFD8F0  }
0x3b6: {  	_ =	swait.ge [sflag:s14], $0x2710  }
0x3b7: {  	[sflag:s14] =	ssyncset.done $0x0  }
0x3b8: {  	[sflag:s14] =	ssyncadd.s32 $0xFFFFD8F0  }
0x3b9: {  	_ =	swait.ge [sflag:s13], $0x2710  }
0x3ba: {  	[sflag:s13] =	ssyncset.done $0x0  }
0x3bb: {  	[sflag:s13] =	ssyncadd.s32 $0xFFFFD8F0  }
0x3bc: {  	_ =	swait.ge [sflag:s14], $0x2710  }
0x3bd: {  	[sflag:s14] =	ssyncset.done $0x0  }
0x3be: {  	s15 =	sadd.s32 $0x1, s15;
	[sflag:s14] =	ssyncadd.s32 $0xFFFFD8F0  }
0x3bf: {  	p0 =	sne.s32 s15, s28;
	_ =	swait.ge [sflag:s13], $0x2710  }
.Ltmp13:
0x3c0: {  	[sflag:s13] =	ssyncset.done $0x0;
	(pc) =	sbr.rel @p0 .LBB2_1-.Ltmp13, $4  }
0x3c1: {  	[sflag:s13] =	ssyncadd.s32 $0xFFFFD8F0  }
0x3c2: {  	_ =	swait.ge [sflag:s14], $0x2710  }
0x3c3: {  	[sflag:s14] =	ssyncset.done $0x0  }
0x3c4: {  	[sflag:s14] =	ssyncadd.s32 $0xFFFFD8F0  }
0x3c5: {  	_ =	sfence.sel $0x180000  }
0x3c6: {  	[bflag:$0x0] =	sbarrier.arrive $0xFFFF  }
0x3c7: {  	_ =	strace $0x9000004A  }
0x3c8: {  	s0 =	stileid.u32;
	[bflag:$0x2] =	sbarrier.arrive $0xFFFF  }
0x3c9: {  	p0 =	sne.s32 s0, $0x0;
	s0 =	rddreg [dreg:$0x1]  }
0x3ca: {  	s0 =	sadd.s32 @!p0 $0x100000, s0  }
0x3cb: {  	[sflag:s0] =	ssyncadd.tile.s32 @!p0 $0x1;
	_ =	shalt  }
.Lfunc_end2:
_tile_overlayer_lowered:
.L_overlay_start_2:
0x3cc: {  	(tag) =	ssettag $0x2  }
0x3cd: {  	s0 =	rddreg [dreg:$0x0];
	s2 =	stileid.u32  }
0x3ce: {  	s1 =	rddreg [dreg:$0x1];
	p0 =	sne.s32 s2, $0x0  }
0x3cf: {  	s3 =	rddreg [dreg:$0x2];
	[bflag:$0x3] =	sbarrier.arrive $0xFFFF;
	s2 =	simm.s32 @!p0 $0x1C05  }
0x3d0: {  	[timem:s3], [sflag:s2] =	dma.local @!p0 [hbm:s0], s1  }
0x3d1: {  	s0 =	simm.s32 @!p0 $0x5  }
0x3d2: {  	_ =	swait.ge @!p0 [sflag:s0], s1  }
0x3d3: {  	s1 =	ssub.s32 @!p0 $0x0, s1;
	[sflag:s0] =	ssyncset.done @!p0 $0x0  }
0x3d4: {  	[sflag:s0] =	ssyncadd.s32 @!p0 s1  }
0x3d5: {  	[bflag:$0x3] =	sbarrier.arrive $0xFFFF  }
0x3d6: {  	_ =	shalt  }

// kernel: kernel.13.cloned.1.call-start
scs
__scs_entry_jumppad:
0x0: {  	(pc) =	sbr.rel $0x88, $3  }
0x1: {  	(tag) =	ssettag $0x0;
	lr =	simm.s32 $0x1  }
0x2: {  	[smem:$0x3F7C] =	sst lr;
	_ =	strace $0xD0000000  }
0x3: {  	_ = 	snop  }
0x4: {  	_ = 	snop  }
0x5: {  	_ = 	snop  }
0x6: {  	_ = 	snop  }
0x7: {  	_ = 	snop  }
__scs_overlays_trampoline_lowered:
0x8: {  	[smem:$0x3F8B] =	sst s0  }
0x9: {  	[smem:$0x3F8C] =	sst s1  }
0xa: {  	[smem:$0x3F8D] =	sst s2  }
0xb: {  	[smem:$0x3F8E] =	sst s3  }
0xc: {  	[smem:$0x3F8F] =	sst s4  }
0xd: {  	[smem:$0x3F90] =	sst s5  }
0xe: {  	[smem:$0x3F91] =	sst s6  }
0xf: {  	[smem:$0x3F92] =	sst s7  }
0x10: {  	[smem:$0x3F93] =	sst s8  }
0x11: {  	[smem:$0x3F94] =	sst s9;
	s0 =	simm.s32 @!p0 $0x0  }
0x12: {  	s1 =	sld [smem:$0x3F7A];
	s0 =	simm.s32 @p0 $0x1  }
0x13: {  	[smem:$0x3F95] =	sst s0;
	s0 =	simm.s32 @!p1 $0x0  }
0x14: {  	s2 =	sld [smem:$0x3F79];
	s0 =	simm.s32 @p1 $0x1  }
0x15: {  	[smem:$0x3F96] =	sst s0;
	s0 =	simm.s32 @!p2 $0x0  }
0x16: {  	s3 =	sld [smem:$0x3FDB];
	s0 =	simm.s32 @p2 $0x1  }
0x17: {  	s4 =	simm.s32 $0x1BF5;
	[smem:$0x3F98] =	sst s0  }
0x18: {  	s0 =	sld [smem:$0x3F7B];
	_ =	swait.ge [sflag:s4], $0x0  }
0x19: {  	s7 =	sld [smem:$0x3F7C]  }
0x1a: {  	s8 =	sadd.s32 $0xFFFFE003, lr  }
0x1b: {  	s9 =	sadd.s32 $0xFFFFFEF7, lr;
	s5 =	simm.s32 $0xFFFFFFFF;
	p2 =	slt.u32 s8, $0xFFFFF086  }
0x1c: {  	p1 =	slt.u32 s9, $0xF7A;
	s5 =	simm.s32 @!p2 $0x0  }
0x1d: {  	s5 =	simm.s32 @p1 $0x1;
	p0 =	seq.s32 s7, s2  }
0x1e: {  	s7 =	smul.u32 @!p0 $0xF7A, s2;
	p2 =	seq.s32 @!p0 s5, $0x0  }
0x1f: {  	s9 =	smul.u32 $0xF7A, s1;
	s8 =	simm.s32 @!p0 $0x1BF5;
	p2 =	por !p2, p0  }
0x20: {  	[sflag:s8] =	ssyncset.s32 @!p0 $0xFFFFF086;
	s6 =	sadd.s32 @!p0 s3, s7;
	s7 =	simm.s32 @!p0 $0x108  }
0x21: {  	s3 =	sadd.s32 s3, s9;
	s6 =	sadd.s32 @!p0 $0x88, s6;
	s7 =	simm.s32 @p2 $0x1082  }
0x22: {  	[simem:s7], [sflag:s8] =	dma.local @!p0 [hbm:s6], $0xF7A  }
0x23: {  	s9 =	sor.u32 $0xD0000000, s2;
	s6 =	simm.s32 $0x108;
	_ =	swait.ge @!p0 [sflag:s8], $0x0  }
0x24: {  	s3 =	sadd.s32 $0x88, s3;
	s6 =	simm.s32 @!p1 $0x1082;
	[sflag:s4] =	ssyncset.s32 $0xFFFFF086  }
0x25: {  	[simem:s6], [sflag:s4] =	dma.local [hbm:s3], $0xF7A  }
0x26: {  	[smem:$0x3F7C] =	sst s1;
	(tag) =	ssettag s2;
	_ =	strace s9  }
0x27: {  	s1 =	sld [smem:$0x3F8C]  }
0x28: {  	s2 =	sld [smem:$0x3F8D]  }
0x29: {  	s4 =	sld [smem:$0x3F8F]  }
0x2a: {  	p0 =	seq.s32 s5, $0x0;
	s5 =	sld [smem:$0x3F90]  }
0x2b: {  	s6 =	sld [smem:$0x3F91]  }
0x2c: {  	s7 =	sld [smem:$0x3F92]  }
0x2d: {  	s3 =	simm.s32 $0x108;
	s8 =	sld [smem:$0x3F93]  }
0x2e: {  	s3 =	simm.s32 @!p0 $0x1082;
	s9 =	sld [smem:$0x3F94]  }
0x2f: {  	lr =	sadd.s32 s0, s3;
	s0 =	sld [smem:$0x3F8B]  }
0x30: {  	s3 =	sld [smem:$0x3F8E]  }
0x31: {  	[smem:$0x3F97] =	sst s10  }
0x32: {  	s10 =	sld [smem:$0x3F95];
	_ =	sdelay $0x3  }
0x33: {  	p0 =	seq.s32 s10, $0x1;
	s10 =	sld [smem:$0x3F97];
	_ =	sdelay $0x3  }
0x34: {  	[smem:$0x3F97] =	sst s10  }
0x35: {  	s10 =	sld [smem:$0x3F96];
	_ =	sdelay $0x3  }
0x36: {  	p1 =	seq.s32 s10, $0x1;
	s10 =	sld [smem:$0x3F97];
	_ =	sdelay $0x3  }
0x37: {  	[smem:$0x3F97] =	sst s10  }
0x38: {  	s10 =	sld [smem:$0x3F98]  }
0x39: {  	_ = 	snop;
	(pc) =	sbr.ind lr, $3  }
0x3a: {  	_ = 	snop  }
0x3b: {  	_ = 	snop  }
0x3c: {  	p2 =	seq.s32 s10, $0x1;
	s10 =	sld [smem:$0x3F97]  }
0x3d: {  	_ =	shalt  }
0x3e: {  	_ =	shalt  }
0x3f: {  	_ =	shalt  }
0x40: {  	_ =	shalt  }
0x41: {  	_ =	shalt  }
0x42: {  	_ =	shalt  }
0x43: {  	_ =	shalt  }
0x44: {  	_ =	shalt  }
0x45: {  	_ =	shalt  }
0x46: {  	_ =	shalt  }
0x47: {  	_ =	shalt  }
0x48: {  	_ =	shalt  }
0x49: {  	_ =	shalt  }
0x4a: {  	_ =	shalt  }
0x4b: {  	_ =	shalt  }
0x4c: {  	_ =	shalt  }
0x4d: {  	_ =	shalt  }
0x4e: {  	_ =	shalt  }
0x4f: {  	_ =	shalt  }
0x50: {  	_ =	shalt  }
0x51: {  	_ =	shalt  }
0x52: {  	_ =	shalt  }
0x53: {  	_ =	shalt  }
0x54: {  	_ =	shalt  }
0x55: {  	_ =	shalt  }
0x56: {  	_ =	shalt  }
0x57: {  	_ =	shalt  }
0x58: {  	_ =	shalt  }
0x59: {  	_ =	shalt  }
0x5a: {  	_ =	shalt  }
0x5b: {  	_ =	shalt  }
0x5c: {  	_ =	shalt  }
0x5d: {  	_ =	shalt  }
0x5e: {  	_ =	shalt  }
0x5f: {  	_ =	shalt  }
0x60: {  	_ =	shalt  }
0x61: {  	_ =	shalt  }
0x62: {  	_ =	shalt  }
0x63: {  	_ =	shalt  }
0x64: {  	_ =	shalt  }
0x65: {  	_ =	shalt  }
0x66: {  	_ =	shalt  }
0x67: {  	_ =	shalt  }
0x68: {  	_ =	shalt  }
0x69: {  	_ =	shalt  }
0x6a: {  	_ =	shalt  }
0x6b: {  	_ =	shalt  }
0x6c: {  	_ =	shalt  }
0x6d: {  	_ =	shalt  }
0x6e: {  	_ =	shalt  }
0x6f: {  	_ =	shalt  }
0x70: {  	_ =	shalt  }
0x71: {  	_ =	shalt  }
0x72: {  	_ =	shalt  }
0x73: {  	_ =	shalt  }
0x74: {  	_ =	shalt  }
0x75: {  	_ =	shalt  }
0x76: {  	_ =	shalt  }
0x77: {  	_ =	shalt  }
0x78: {  	_ =	shalt  }
0x79: {  	_ =	shalt  }
0x7a: {  	_ =	shalt  }
0x7b: {  	_ =	shalt  }
0x7c: {  	_ =	shalt  }
0x7d: {  	_ =	shalt  }
0x7e: {  	_ =	shalt  }
0x7f: {  	_ =	shalt  }
0x80: {  	_ =	shalt  }
0x81: {  	_ =	shalt  }
0x82: {  	_ =	shalt  }
0x83: {  	_ =	shalt  }
0x84: {  	_ =	shalt  }
0x85: {  	_ =	shalt  }
0x86: {  	_ =	shalt  }
0x87: {  	_ =	shalt  }
.Lfunc_end0:
.L_simem_size_0:
called_computation.2_lowered:
.L_overlay_start_0:
0x88: {  	s2 =	sld [smem:$0x3FD9]  }
0x89: {  	s3 =	sld [smem:$0x3FFE];
	_ =	sdelay $0x1  }
0x8a: {  	s1 =	srdreg.scid  }
0x8b: {  	s0 =	sand.u32 $0x1, s1  }
0x8c: {  	s16 =	sshll.u32 s0, $0xA;
	s2 =	sadd.s32 s3, s2  }
0x8d: {  	s2 =	sadd.s32 s2, s16  }
0x8e: {  	[smem:$0x3FA3] =	sst s2  }
0x8f: {  	_ = 	snop  }
0x90: {  	(tm) =	ssettm $0x1  }
0x91: {  	s17 =	sld [smem:$0x3FFB];
	_ =	sdelay $0x3  }
0x92: {  	_ =	strace s17  }
0x93: {  	s2 =	sld [smem:$0x3FFC];
	_ =	sdelay $0x3  }
0x94: {  	_ =	strace s2  }
0x95: {  	s2 =	sld [smem:$0x3FFD];
	_ =	sdelay $0x3  }
0x96: {  	_ =	strace s2  }
0x97: {  	_ =	strace $0x8FFFFFFF  }
0x98: {  	s18 =	sld [smem:$0x3FDB];
	_ =	sdelay $0x1  }
0x99: {  	s19 =	simm.s32 $_scs_section_size  }
0x9a: {  	s4 =	simm.s32 $_size__tile_overlayer_lowered;
	s5 =	simm.s32 $_tile_overlayer_lowered  }
0x9b: {  	s22 =	simm.s32 $0x1BFF;
	s21 =	sshll.u32 s5, $0x1;
	s2 =	sadd.s32 s19, s18  }
0x9c: {  	s6 =	simm.s32 $0x0;
	s20 =	sshll.u32 s4, $0x1;
	s4 =	sadd.s32 s21, s2  }
0x9d: {  	[timem:s6], [sflag:s22] =	dma.local [hbm:s4], s20  }
0x9e: {  	_ =	swait.ge [sflag:s22], s20  }
0x9f: {  	s3 =	ssub.s32 $0x0, s20;
	[sflag:s22] =	ssyncset.done $0x0  }
0xa0: {  	[sflag:s22] =	ssyncadd.s32 s3;
	_ =	sdelay $0x1  }
0xa1: {  	s23 =	simm.s32 $0x1B8B  }
0xa2: {  	_ =	swait.ge [sflag:s23], $0x1  }
0xa3: {  	[sflag:s23] =	ssyncset.done $0x0  }
0xa4: {  	s25 =	simm.s32 $0x1B8E;
	s24 =	sld [smem:$0x3FFE];
	[sflag:s23] =	ssyncadd.s32 $0xFFFFFFFF  }
0xa5: {  	s26 =	simm.s32 $execute0_lowered;
	[smem:$0x3FD2] =	sst s25  }
0xa6: {  	s4 =	sshll.u32 s26, $0x1;
	_ =	strace $0x8000004C;
	[dreg:$0x1] =	wrdreg $0xFFFFFFFF  }
0xa7: {  	s28 =	simm.s32 $_size_execute0_lowered;
	s2 =	sadd.s32 s2, s4;
	[dreg:$0x0] =	wrdreg $0x0  }
0xa8: {  	s4 =	sshll.u32 s28, $0x1;
	[dreg:$0x2] =	wrdreg s2  }
0xa9: {  	[dreg:$0x3] =	wrdreg s4  }
0xaa: {  	[dreg:$0x4] =	wrdreg $0xC0  }
0xab: {  	_ =	task [dreg:s6], $0x5FFFF  }
0xac: {  	[dreg:$0x1] =	wrdreg $0xFFFFFFFF  }
0xad: {  	[dreg:$0x0] =	wrdreg $0x60  }
0xae: {  	[dreg:$0x2] =	wrdreg s24  }
0xaf: {  	[dreg:$0x3] =	wrdreg $0x9  }
0xb0: {  	_ =	task.clear_ibuf [dreg:s6], $0x4FFFF;
	_ =	strace $0x9000004C  }
0xb1: {  	s29 =	simm.s32 $0x9;
	_ =	strace $0x8000004E  }
0xb2: {  	_ =	swait.ge [sflag:s29], $0x1  }
0xb3: {  	[sflag:s29] =	ssyncadd.s32 $0xFFFFFFFF  }
0xb4: {  	_ =	strace $0x9000004E  }
0xb5: {  	_ =	sfence  }
0xb6: {  	s30 =	sld [smem:$0x0];
	_ =	sdelay $0x2  }
0xb7: {  	s31 =	sshll.u32 s1, $0xD;
	s1 =	sshrl.u32 s1, $0x2  }
0xb8: {  	s3 =	sand.u32 $0x4000, s31;
	s1 =	sadd.s32 s1, s30  }
0xb9: {  	s0 =	sor.u32 s3, s0;
	s1 =	sshll.u32 s1, $0x11  }
0xba: {  	s0 =	sor.u32 s1, s0  }
0xbb: {  	s0 =	sadd.s32 $0x8F2B, s0  }
0xbc: {  	[sflag:s0] =	ssyncadd.remote.s32 $0x1  }
0xbd: {  	_ =	sfence.sel $0xFFFF  }
0xbe: {  	[dreg:$0x0] =	wrdreg $0xFFFFFFFF;
	(pc) =	sbr.abs _section_cstart, $3  }
0xbf: {  	[dreg:$0x1] =	wrdreg $0xFFFFFFFF  }
0xc0: {  	_ =	task.clear_ibuf [dreg:s6], $0x2FFFF;
	_ =	strace $0x9FFFFFFF  }
0xc1: {  	(tm) =	ssettm $0x7FFFFFFF  }
tec
execute0_lowered:
.L_overlay_start_1:
0x0: {  	(tag) =	ssettag $0x1  }
0x1: {  	s0 =	srdreg.scid  }
0x2: {  	s7 =	rddreg [dreg:$0x0];
	s2 =	simm.s32 $0x0;
	s14 =	simm.s32 $0x4F00  }
0x3: {  	s15 =	simm.s32 $0x8D80;
	s16 =	simm.s32 $0xCC00;
	s17 =	simm.s32 $0x10A80  }
0x4: {  	s18 =	simm.s32 $0x1;
	s19 =	simm.s32 $0x2780;
	s20 =	simm.s32 $0x2  }
0x5: {  	s21 =	simm.s32 $0x3;
	s22 =	simm.s32 $0x4;
	s23 =	simm.s32 $0x0  }
0x6: {  	s5 =	sand.u32 $0x1, s0;
	s0 =	stileid.u32;
	[smem:$0x7FF] =	sst s2  }
0x7: {  	s3 =	sadd.s32 $0x19600, s7;
	s4 =	sadd.s32 $0x23400, s7;
	s1 =	sshll.u32 s5, $0x4  }
0x8: {  	s13 =	sadd.s32 $0x40E00, s7;
	s10 =	ssub.s32 $0x2, s5;
	s6 =	sor.u32 s0, s1  }
0x9: {  	s5 =	sadd.s32 $0x2D200, s7;
	s12 =	sshrl.u32 s10, $0x1;
	s8 =	smul.u32 $0x500, s6  }
0xa: {  	s1 =	rddreg [dreg:$0x1];
	s11 =	smul.u32 $0x2800, s6;
	s12 =	ssub.s32 s10, s12  }
0xb: {  	_ =	strace $0x8000004D;
	s6 =	sadd.s32 $0x37000, s7;
	s12 =	smax.u32 s12, $0x1  }
0xc: {  	s9 =	sadd.s32 s8, s7;
	s31 =	sshrl.u32 s11, $0x3;
	s8 =	sadd.s32 s13, s8  }
0xd: {  	s7 =	sadd.s32 $0x5A00, s9;
	s11 =	sadd.s32 s13, s31;
	s13 =	simm.s32 $0x5  }
0xe: {  	v0 =	vimm.f32 $0.0e+00;
	s9 =	sadd.s32 $0xA000, s11;
	s10 =	sadd.s32 $0x14000, s11;
	s11 =	sadd.s32 $0x1E000, s11  }
.LBB2_1:
0xf: {  	[tilespmem:s2], [sflag:$0x5] =	stream.linear.gather [hbm4b:s7+s2], $0x2710, $0x38;
	[tilespmem:$0x14900] =	vst v63  }
0x10: {  	_ =	swait.ge [sflag:s13], $0x2710  }
0x11: {  	[sflag:s13] =	ssyncset.done $0x0  }
0x12: {  	s24 =	simm.s32 $0x27A0;
	[sflag:s13] =	ssyncadd.s32 $0xFFFFD8F0  }
0x13: {  	[tilespmem:s24+$0xFFFFFFE0] =	vst v0  }
0x14: {  	[tilespmem:s24+$0x10] =	vst v0  }
0x15: {  	s25 =	simm.s32 $0x0;
	[tilespmem:s24+$0x0] =	vst v0  }
.LBB2_2:
0x16: {  	s25 =	sadd.s32 $0x4, s25  }
0x17: {  	[tilespmem:s24+$0xFFFFFFF0] =	vst v0;
	s24 =	sadd.s32 $0x40, s24;
	p0 =	slt.u32 s25, $0x26C  }
.Ltmp0:
0x18: {  	[tilespmem:s24+$0xFFFFFFE0] =	vst v0;
	(pc) =	sbr.rel @p0 .LBB2_2-.Ltmp0, $3  }
0x19: {  	_ =	sdelay $0x1  }
0x1a: {  	[tilespmem:s24+$0x10] =	vst v0  }
0x1b: {  	[tilespmem:s24+$0x0] =	vst v0  }
0x1c: {  	[tilespmem:s24+$0xFFFFFFF0] =	vst v0  }
0x1d: {  	s24 =	simm.s32 $0x0;
	[tilespmem:$0x4E80] =	vst v0  }
0x1e: {  	[tilespmem:s14], [sflag:$0x1] =	stream.linear.gather [hbm4b:s3+s24], $0x3E80, $0x38;
	[tilespmem:$0x14900] =	vst v63  }
0x1f: {  	_ = 	snop  }
0x20: {  	[tilespmem:s15], [sflag:$0x1] =	stream.linear.gather [hbm4b:s4+s24], $0x3E80, $0x38;
	[tilespmem:$0x14900] =	vst v63  }
.LBB2_4:
0x21: {  	s25 =	smul.u32 $0x7D00, s24;
	_ =	sdelay $0x1  }
0x22: {  	s26 =	sshrl.u32 s25, $0x3  }
0x23: {  	s26 =	sadd.s32 $0x7D0, s26  }
0x24: {  	s28 =	sadd.s32 s3, s26  }
0x25: {  	[tilespmem:s16], [sflag:$0x2] =	stream.linear.gather [hbm4b:s28+s2], $0x3E80, $0x38;
	[tilespmem:$0x14900] =	vst v63  }
0x26: {  	s26 =	sadd.s32 s4, s26  }
0x27: {  	[tilespmem:s17], [sflag:$0x2] =	stream.linear.gather [hbm4b:s26+s2], $0x3E80, $0x38;
	[tilespmem:$0x14900] =	vst v63  }
0x28: {  	_ =	swait.ge [sflag:s18], $0x3E80  }
0x29: {  	[sflag:s18] =	ssyncset.done $0x0  }
0x2a: {  	[sflag:s18] =	ssyncadd.s32 $0xFFFFC180  }
0x2b: {  	_ =	swait.ge [sflag:s18], $0x3E80  }
0x2c: {  	[sflag:s18] =	ssyncset.done $0x0  }
0x2d: {  	s30 =	simm.s32 $0x4F10;
	[sflag:s18] =	ssyncadd.s32 $0xFFFFC180  }
0x2e: {  	v10 =	vld [tilespmem:s30+$0x0];
	_ =	sdelay $0x1  }
0x2f: {  	v1 =	vld [tilespmem:s30+$0xFFFFFFF0];
	_ =	sdelay $0x2  }
0x30: {  	s31 =	simm.s32 $0x4F30;
	v2 =	vand.u32 $0xFFFF, v10  }
0x31: {  	v3 =	vld [tilespmem:s31+$0x0]  }
0x32: {  	v6 =	vand.u32 $0xFFFF, v1  }
0x33: {  	s26 =	simm.s32 $0x8D90;
	v7 =	vld [tilespmem:s31+$0xFFFFFFF0]  }
0x34: {  	v5 =	vld [tilespmem:s26+$0x0]  }
0x35: {  	v4 =	vld.idx.msk [tilespmem:v2+s2+$0x0], $0xffff  }
0x36: {  	v9 =	vld [tilespmem:s26+$0xFFFFFFF0];
	v8 =	vand.u32 $0xFFFF, v3  }
0x37: {  	v10 =	vshra.s32 v10, $0x10;
	v6 =	vld.idx.msk [tilespmem:v6+s2+$0x0], $0xffff  }
0x38: {  	s29 =	simm.s32 $0x4F50;
	s28 =	simm.s32 $0x2;
	v2 =	vshra.s32 v1, $0x10;
	v1 =	vshra.s32 v7, $0x10;
	v7 =	vand.u32 $0xFFFF, v7  }
.LBB2_5:
0x39: {  	v11 =	vld [tilespmem:s29+$0x0]  }
0x3a: {  	s28 =	sadd.s32 $0x2, s28;
	v12 =	vld [tilespmem:s29+$0xFFFFFFF0];
	v5 =	vmul.f32 v4, v5  }
0x3b: {  	p0 =	slt.u32 s28, $0x3E6;
	v4 =	vld.idx.msk [tilespmem:v8+s2+$0x0], $0xffff  }
.Ltmp1:
0x3c: {  	s26 =	sadd.s32 $0x20, s26;
	v13 =	vmul.f32 v6, v9;
	[tilespmem:v10+s19+$0x0] =	vst.idx.add.f32.msk $0xffff, v5;
	(pc) =	sbr.rel @p0 .LBB2_5-.Ltmp1, $4  }
0x3d: {  	v5 =	vld [tilespmem:s26+$0x0]  }
0x3e: {  	v8 =	vand.u32 $0xFFFF, v11;
	v6 =	vld.idx.msk [tilespmem:v7+s2+$0x0], $0xffff  }
0x3f: {  	v10 =	vshra.s32 v3, $0x10;
	v3 =	vmovc v11;
	v14 =	vshra.s32 v12, $0x10;
	v7 =	vand.u32 $0xFFFF, v12;
	v9 =	vld [tilespmem:s26+$0xFFFFFFF0]  }
0x40: {  	s29 =	sadd.s32 $0x20, s29;
	[tilespmem:v2+s19+$0x0] =	vst.idx.add.f32.msk $0xffff, v13;
	v2 =	vmov v1;
	v1 =	vmov v14  }
0x41: {  	_ =	sdelay $0x3  }
0x42: {  	v8 =	vld.idx.msk [tilespmem:v8+s2+$0x0], $0xffff  }
0x43: {  	s26 =	sadd.s32 $0x20, s26;
	v7 =	vld.idx.msk [tilespmem:v7+s2+$0x0], $0xffff  }
0x44: {  	v11 =	vld [tilespmem:s26+$0x0]  }
0x45: {  	v12 =	vld [tilespmem:s26+$0xFFFFFFF0]  }
0x46: {  	v3 =	vshra.s32 v3, $0x10  }
0x47: {  	v4 =	vmul.f32 v4, v5  }
0x48: {  	v5 =	vmul.f32 v6, v9  }
0x49: {  	p0 =	seq.s32 s24, $0x9;
	[tilespmem:v10+s19+$0x0] =	vst.idx.add.f32.msk $0xffff, v4;
	v4 =	vmul.f32 v8, v11  }
0x4a: {  	s25 =	sshrl.u32 @!p0 s25, $0x3;
	[tilespmem:v2+s19+$0x0] =	vst.idx.add.f32.msk $0xffff, v5;
	v2 =	vmul.f32 v7, v12  }
0x4b: {  	s25 =	sadd.s32 @!p0 $0xFA0, s25;
	[tilespmem:v3+s19+$0x0] =	vst.idx.add.f32.msk $0xffff, v4  }
0x4c: {  	s28 =	simm.s32 @!p0 $0x0;
	s29 =	simm.s32 @!p0 $0x4F00;
	s26 =	sadd.s32 @!p0 s3, s25;
	[tilespmem:v1+s19+$0x0] =	vst.idx.add.f32.msk $0xffff, v2  }
0x4d: {  	[tilespmem:s29], [sflag:$0x1] =	stream.linear.gather @!p0 [hbm4b:s26+s28], $0x3E80, $0x38;
	[tilespmem:$0x14900] =	vst v63  }
0x4e: {  	s25 =	sadd.s32 @!p0 s4, s25;
	s26 =	simm.s32 @!p0 $0x8D80  }
0x4f: {  	[tilespmem:s26], [sflag:$0x1] =	stream.linear.gather @!p0 [hbm4b:s25+s28], $0x3E80, $0x38;
	[tilespmem:$0x14900] =	vst v63  }
0x50: {  	_ =	swait.ge [sflag:s20], $0x3E80  }
0x51: {  	[sflag:s20] =	ssyncset.done $0x0  }
0x52: {  	[sflag:s20] =	ssyncadd.s32 $0xFFFFC180  }
0x53: {  	_ =	swait.ge [sflag:s20], $0x3E80  }
0x54: {  	[sflag:s20] =	ssyncset.done $0x0  }
0x55: {  	s30 =	simm.s32 $0xCC10;
	[sflag:s20] =	ssyncadd.s32 $0xFFFFC180  }
0x56: {  	v10 =	vld [tilespmem:s30+$0x0];
	_ =	sdelay $0x1  }
0x57: {  	v1 =	vld [tilespmem:s30+$0xFFFFFFF0];
	_ =	sdelay $0x2  }
0x58: {  	s31 =	simm.s32 $0xCC30;
	v3 =	vand.u32 $0xFFFF, v10  }
0x59: {  	v2 =	vld [tilespmem:s31+$0x0]  }
0x5a: {  	v6 =	vand.u32 $0xFFFF, v1  }
0x5b: {  	s25 =	simm.s32 $0x10A90;
	v7 =	vld [tilespmem:s31+$0xFFFFFFF0]  }
0x5c: {  	v5 =	vld [tilespmem:s25+$0x0]  }
0x5d: {  	v4 =	vld.idx.msk [tilespmem:v3+s2+$0x0], $0xffff  }
0x5e: {  	v9 =	vld [tilespmem:s25+$0xFFFFFFF0];
	v8 =	vand.u32 $0xFFFF, v2  }
0x5f: {  	v10 =	vshra.s32 v10, $0x10;
	v6 =	vld.idx.msk [tilespmem:v6+s2+$0x0], $0xffff  }
0x60: {  	s26 =	simm.s32 $0x2;
	s28 =	simm.s32 $0xCC50;
	v3 =	vshra.s32 v1, $0x10;
	v1 =	vshra.s32 v7, $0x10;
	v7 =	vand.u32 $0xFFFF, v7  }
.LBB2_7:
0x61: {  	v11 =	vld [tilespmem:s28+$0x0]  }
0x62: {  	s26 =	sadd.s32 $0x2, s26;
	v12 =	vld [tilespmem:s28+$0xFFFFFFF0];
	v5 =	vmul.f32 v4, v5  }
0x63: {  	p0 =	slt.u32 s26, $0x3E6;
	v4 =	vld.idx.msk [tilespmem:v8+s2+$0x0], $0xffff  }
.Ltmp2:
0x64: {  	s25 =	sadd.s32 $0x20, s25;
	v13 =	vmul.f32 v6, v9;
	[tilespmem:v10+s19+$0x0] =	vst.idx.add.f32.msk $0xffff, v5;
	(pc) =	sbr.rel @p0 .LBB2_7-.Ltmp2, $4  }
0x65: {  	v5 =	vld [tilespmem:s25+$0x0]  }
0x66: {  	v8 =	vand.u32 $0xFFFF, v11;
	v6 =	vld.idx.msk [tilespmem:v7+s2+$0x0], $0xffff  }
0x67: {  	v10 =	vshra.s32 v2, $0x10;
	v2 =	vmovc v11;
	v14 =	vshra.s32 v12, $0x10;
	v7 =	vand.u32 $0xFFFF, v12;
	v9 =	vld [tilespmem:s25+$0xFFFFFFF0]  }
0x68: {  	s28 =	sadd.s32 $0x20, s28;
	[tilespmem:v3+s19+$0x0] =	vst.idx.add.f32.msk $0xffff, v13;
	v3 =	vmov v1;
	v1 =	vmov v14  }
0x69: {  	_ =	sdelay $0x3  }
0x6a: {  	v8 =	vld.idx.msk [tilespmem:v8+s2+$0x0], $0xffff  }
0x6b: {  	s25 =	sadd.s32 $0x20, s25;
	v7 =	vld.idx.msk [tilespmem:v7+s2+$0x0], $0xffff  }
0x6c: {  	v11 =	vld [tilespmem:s25+$0x0]  }
0x6d: {  	v12 =	vld [tilespmem:s25+$0xFFFFFFF0]  }
0x6e: {  	v2 =	vshra.s32 v2, $0x10;
	s24 =	sadd.s32 $0x1, s24  }
0x6f: {  	v4 =	vmul.f32 v4, v5;
	p0 =	sne.s32 s24, $0xA  }
.Ltmp3:
0x70: {  	v62 =	vmul.f32 v6, v9;
	(pc) =	sbr.rel @p0 .LBB2_4-.Ltmp3, $4  }
0x71: {  	[tilespmem:v10+s19+$0x0] =	vst.idx.add.f32.msk $0xffff, v4;
	v63 =	vmul.f32 v8, v11  }
0x72: {  	[tilespmem:v3+s19+$0x0] =	vst.idx.add.f32.msk $0xffff, v62;
	v3 =	vmul.f32 v7, v12  }
0x73: {  	[tilespmem:v2+s19+$0x0] =	vst.idx.add.f32.msk $0xffff, v63  }
0x74: {  	[tilespmem:v1+s19+$0x0] =	vst.idx.add.f32.msk $0xffff, v3  }
0x75: {  	s24 =	simm.s32 $0x0  }
0x76: {  	[hbm4b:s8+s24] =	stream.linear.scatter [tilespmem:s19], [sflag:$0x3], $0x2710, $0x38;
	[tilespmem:$0x14900] =	vst v63  }
0x77: {  	_ = 	snop  }
0x78: {  	[tilespmem:s14], [sflag:$0x1] =	stream.linear.gather [hbm4b:s3+s24], $0x3E80, $0x38;
	[tilespmem:$0x14900] =	vst v63  }
0x79: {  	_ = 	snop  }
0x7a: {  	[tilespmem:s15], [sflag:$0x1] =	stream.linear.gather [hbm4b:s6+s24], $0x3E80, $0x38;
	[tilespmem:$0x14900] =	vst v63  }
.LBB2_10:
0x7b: {  	s25 =	smul.u32 $0x7D00, s24;
	_ =	sdelay $0x1  }
0x7c: {  	s26 =	sshrl.u32 s25, $0x3  }
0x7d: {  	s26 =	sadd.s32 $0x7D0, s26  }
0x7e: {  	s28 =	sadd.s32 s3, s26  }
0x7f: {  	[tilespmem:s16], [sflag:$0x2] =	stream.linear.gather [hbm4b:s28+s2], $0x3E80, $0x38;
	[tilespmem:$0x14900] =	vst v63  }
0x80: {  	s26 =	sadd.s32 s6, s26  }
0x81: {  	[tilespmem:s17], [sflag:$0x2] =	stream.linear.gather [hbm4b:s26+s2], $0x3E80, $0x38;
	[tilespmem:$0x14900] =	vst v63  }
0x82: {  	_ =	swait.ge [sflag:s18], $0x3E80  }
0x83: {  	[sflag:s18] =	ssyncset.done $0x0  }
0x84: {  	[sflag:s18] =	ssyncadd.s32 $0xFFFFC180  }
0x85: {  	_ =	swait.ge [sflag:s18], $0x3E80  }
0x86: {  	[sflag:s18] =	ssyncset.done $0x0  }
0x87: {  	s30 =	simm.s32 $0x4F10;
	[sflag:s18] =	ssyncadd.s32 $0xFFFFC180  }
0x88: {  	v10 =	vld [tilespmem:s30+$0x0];
	_ =	sdelay $0x1  }
0x89: {  	v1 =	vld [tilespmem:s30+$0xFFFFFFF0];
	_ =	sdelay $0x2  }
0x8a: {  	s31 =	simm.s32 $0x4F30;
	v2 =	vand.u32 $0xFFFF, v10  }
0x8b: {  	v3 =	vld [tilespmem:s31+$0x0]  }
0x8c: {  	v6 =	vand.u32 $0xFFFF, v1  }
0x8d: {  	s26 =	simm.s32 $0x8D90;
	v7 =	vld [tilespmem:s31+$0xFFFFFFF0]  }
0x8e: {  	v5 =	vld [tilespmem:s26+$0x0]  }
0x8f: {  	v4 =	vld.idx.msk [tilespmem:v2+s19+$0x0], $0xffff  }
0x90: {  	v9 =	vld [tilespmem:s26+$0xFFFFFFF0];
	v8 =	vand.u32 $0xFFFF, v3  }
0x91: {  	v10 =	vshra.s32 v10, $0x10;
	v6 =	vld.idx.msk [tilespmem:v6+s19+$0x0], $0xffff  }
0x92: {  	s29 =	simm.s32 $0x4F50;
	s28 =	simm.s32 $0x2;
	v2 =	vshra.s32 v1, $0x10;
	v1 =	vshra.s32 v7, $0x10;
	v7 =	vand.u32 $0xFFFF, v7  }
.LBB2_11:
0x93: {  	v11 =	vld [tilespmem:s29+$0x0]  }
0x94: {  	s28 =	sadd.s32 $0x2, s28;
	v12 =	vld [tilespmem:s29+$0xFFFFFFF0];
	v5 =	vmul.f32 v4, v5  }
0x95: {  	p0 =	slt.u32 s28, $0x3E6;
	v4 =	vld.idx.msk [tilespmem:v8+s19+$0x0], $0xffff  }
.Ltmp4:
0x96: {  	s26 =	sadd.s32 $0x20, s26;
	v13 =	vmul.f32 v6, v9;
	[tilespmem:v10+s2+$0x0] =	vst.idx.add.f32.msk $0xffff, v5;
	(pc) =	sbr.rel @p0 .LBB2_11-.Ltmp4, $4  }
0x97: {  	v5 =	vld [tilespmem:s26+$0x0]  }
0x98: {  	v8 =	vand.u32 $0xFFFF, v11;
	v6 =	vld.idx.msk [tilespmem:v7+s19+$0x0], $0xffff  }
0x99: {  	v10 =	vshra.s32 v3, $0x10;
	v3 =	vmovc v11;
	v14 =	vshra.s32 v12, $0x10;
	v7 =	vand.u32 $0xFFFF, v12;
	v9 =	vld [tilespmem:s26+$0xFFFFFFF0]  }
0x9a: {  	s29 =	sadd.s32 $0x20, s29;
	[tilespmem:v2+s2+$0x0] =	vst.idx.add.f32.msk $0xffff, v13;
	v2 =	vmov v1;
	v1 =	vmov v14  }
0x9b: {  	_ =	sdelay $0x3  }
0x9c: {  	v8 =	vld.idx.msk [tilespmem:v8+s19+$0x0], $0xffff  }
0x9d: {  	s26 =	sadd.s32 $0x20, s26;
	v7 =	vld.idx.msk [tilespmem:v7+s19+$0x0], $0xffff  }
0x9e: {  	v11 =	vld [tilespmem:s26+$0x0]  }
0x9f: {  	v12 =	vld [tilespmem:s26+$0xFFFFFFF0]  }
0xa0: {  	v3 =	vshra.s32 v3, $0x10  }
0xa1: {  	v4 =	vmul.f32 v4, v5  }
0xa2: {  	v5 =	vmul.f32 v6, v9  }
0xa3: {  	p0 =	seq.s32 s24, $0x9;
	[tilespmem:v10+s2+$0x0] =	vst.idx.add.f32.msk $0xffff, v4;
	v4 =	vmul.f32 v8, v11  }
0xa4: {  	s25 =	sshrl.u32 @!p0 s25, $0x3;
	[tilespmem:v2+s2+$0x0] =	vst.idx.add.f32.msk $0xffff, v5;
	v2 =	vmul.f32 v7, v12  }
0xa5: {  	s25 =	sadd.s32 @!p0 $0xFA0, s25;
	[tilespmem:v3+s2+$0x0] =	vst.idx.add.f32.msk $0xffff, v4  }
0xa6: {  	s28 =	simm.s32 @!p0 $0x0;
	s29 =	simm.s32 @!p0 $0x4F00;
	s26 =	sadd.s32 @!p0 s3, s25;
	[tilespmem:v1+s2+$0x0] =	vst.idx.add.f32.msk $0xffff, v2  }
0xa7: {  	[tilespmem:s29], [sflag:$0x1] =	stream.linear.gather @!p0 [hbm4b:s26+s28], $0x3E80, $0x38;
	[tilespmem:$0x14900] =	vst v63  }
0xa8: {  	s25 =	sadd.s32 @!p0 s6, s25;
	s26 =	simm.s32 @!p0 $0x8D80  }
0xa9: {  	[tilespmem:s26], [sflag:$0x1] =	stream.linear.gather @!p0 [hbm4b:s25+s28], $0x3E80, $0x38;
	[tilespmem:$0x14900] =	vst v63  }
0xaa: {  	_ =	swait.ge [sflag:s20], $0x3E80  }
0xab: {  	[sflag:s20] =	ssyncset.done $0x0  }
0xac: {  	[sflag:s20] =	ssyncadd.s32 $0xFFFFC180  }
0xad: {  	_ =	swait.ge [sflag:s20], $0x3E80  }
0xae: {  	[sflag:s20] =	ssyncset.done $0x0  }
0xaf: {  	s30 =	simm.s32 $0xCC10;
	[sflag:s20] =	ssyncadd.s32 $0xFFFFC180  }
0xb0: {  	v10 =	vld [tilespmem:s30+$0x0];
	_ =	sdelay $0x1  }
0xb1: {  	v1 =	vld [tilespmem:s30+$0xFFFFFFF0];
	_ =	sdelay $0x2  }
0xb2: {  	s31 =	simm.s32 $0xCC30;
	v3 =	vand.u32 $0xFFFF, v10  }
0xb3: {  	v2 =	vld [tilespmem:s31+$0x0]  }
0xb4: {  	v6 =	vand.u32 $0xFFFF, v1  }
0xb5: {  	s25 =	simm.s32 $0x10A90;
	v7 =	vld [tilespmem:s31+$0xFFFFFFF0]  }
0xb6: {  	v5 =	vld [tilespmem:s25+$0x0]  }
0xb7: {  	v4 =	vld.idx.msk [tilespmem:v3+s19+$0x0], $0xffff  }
0xb8: {  	v9 =	vld [tilespmem:s25+$0xFFFFFFF0];
	v8 =	vand.u32 $0xFFFF, v2  }
0xb9: {  	v10 =	vshra.s32 v10, $0x10;
	v6 =	vld.idx.msk [tilespmem:v6+s19+$0x0], $0xffff  }
0xba: {  	s26 =	simm.s32 $0x2;
	s28 =	simm.s32 $0xCC50;
	v3 =	vshra.s32 v1, $0x10;
	v1 =	vshra.s32 v7, $0x10;
	v7 =	vand.u32 $0xFFFF, v7  }
.LBB2_13:
0xbb: {  	v11 =	vld [tilespmem:s28+$0x0]  }
0xbc: {  	s26 =	sadd.s32 $0x2, s26;
	v12 =	vld [tilespmem:s28+$0xFFFFFFF0];
	v5 =	vmul.f32 v4, v5  }
0xbd: {  	p0 =	slt.u32 s26, $0x3E6;
	v4 =	vld.idx.msk [tilespmem:v8+s19+$0x0], $0xffff  }
.Ltmp5:
0xbe: {  	s25 =	sadd.s32 $0x20, s25;
	v13 =	vmul.f32 v6, v9;
	[tilespmem:v10+s2+$0x0] =	vst.idx.add.f32.msk $0xffff, v5;
	(pc) =	sbr.rel @p0 .LBB2_13-.Ltmp5, $4  }
0xbf: {  	v5 =	vld [tilespmem:s25+$0x0]  }
0xc0: {  	v8 =	vand.u32 $0xFFFF, v11;
	v6 =	vld.idx.msk [tilespmem:v7+s19+$0x0], $0xffff  }
0xc1: {  	v10 =	vshra.s32 v2, $0x10;
	v2 =	vmovc v11;
	v14 =	vshra.s32 v12, $0x10;
	v7 =	vand.u32 $0xFFFF, v12;
	v9 =	vld [tilespmem:s25+$0xFFFFFFF0]  }
0xc2: {  	s28 =	sadd.s32 $0x20, s28;
	[tilespmem:v3+s2+$0x0] =	vst.idx.add.f32.msk $0xffff, v13;
	v3 =	vmov v1;
	v1 =	vmov v14  }
0xc3: {  	_ =	sdelay $0x3  }
0xc4: {  	v8 =	vld.idx.msk [tilespmem:v8+s19+$0x0], $0xffff  }
0xc5: {  	s25 =	sadd.s32 $0x20, s25;
	v7 =	vld.idx.msk [tilespmem:v7+s19+$0x0], $0xffff  }
0xc6: {  	v11 =	vld [tilespmem:s25+$0x0]  }
0xc7: {  	v12 =	vld [tilespmem:s25+$0xFFFFFFF0]  }
0xc8: {  	v2 =	vshra.s32 v2, $0x10;
	s24 =	sadd.s32 $0x1, s24  }
0xc9: {  	v4 =	vmul.f32 v4, v5;
	p0 =	sne.s32 s24, $0xA  }
.Ltmp6:
0xca: {  	v62 =	vmul.f32 v6, v9;
	(pc) =	sbr.rel @p0 .LBB2_10-.Ltmp6, $4  }
0xcb: {  	[tilespmem:v10+s2+$0x0] =	vst.idx.add.f32.msk $0xffff, v4;
	v63 =	vmul.f32 v8, v11  }
0xcc: {  	[tilespmem:v3+s2+$0x0] =	vst.idx.add.f32.msk $0xffff, v62;
	v3 =	vmul.f32 v7, v12  }
0xcd: {  	[tilespmem:v2+s2+$0x0] =	vst.idx.add.f32.msk $0xffff, v63  }
0xce: {  	[tilespmem:v1+s2+$0x0] =	vst.idx.add.f32.msk $0xffff, v3  }
0xcf: {  	s24 =	simm.s32 $0x0  }
0xd0: {  	[hbm4b:s9+s24] =	stream.linear.scatter [tilespmem:s24], [sflag:$0x4], $0x2710, $0x38;
	[tilespmem:$0x14900] =	vst v63  }
0xd1: {  	_ =	swait.ge [sflag:s21], $0x2710  }
0xd2: {  	[sflag:s21] =	ssyncset.done $0x0  }
0xd3: {  	[sflag:s21] =	ssyncadd.s32 $0xFFFFD8F0  }
0xd4: {  	[tilespmem:s14], [sflag:$0x1] =	stream.linear.gather [hbm4b:s3+s24], $0x3E80, $0x38;
	[tilespmem:$0x14900] =	vst v63  }
0xd5: {  	_ = 	snop  }
0xd6: {  	[tilespmem:s15], [sflag:$0x1] =	stream.linear.gather [hbm4b:s5+s24], $0x3E80, $0x38;
	[tilespmem:$0x14900] =	vst v63  }
.LBB2_16:
0xd7: {  	s25 =	smul.u32 $0x7D00, s24;
	_ =	sdelay $0x1  }
0xd8: {  	s26 =	sshrl.u32 s25, $0x3  }
0xd9: {  	s26 =	sadd.s32 $0x7D0, s26  }
0xda: {  	s28 =	sadd.s32 s3, s26  }
0xdb: {  	[tilespmem:s16], [sflag:$0x2] =	stream.linear.gather [hbm4b:s28+s2], $0x3E80, $0x38;
	[tilespmem:$0x14900] =	vst v63  }
0xdc: {  	s26 =	sadd.s32 s5, s26  }
0xdd: {  	[tilespmem:s17], [sflag:$0x2] =	stream.linear.gather [hbm4b:s26+s2], $0x3E80, $0x38;
	[tilespmem:$0x14900] =	vst v63  }
0xde: {  	_ =	swait.ge [sflag:s18], $0x3E80  }
0xdf: {  	[sflag:s18] =	ssyncset.done $0x0  }
0xe0: {  	[sflag:s18] =	ssyncadd.s32 $0xFFFFC180  }
0xe1: {  	_ =	swait.ge [sflag:s18], $0x3E80  }
0xe2: {  	[sflag:s18] =	ssyncset.done $0x0  }
0xe3: {  	s30 =	simm.s32 $0x4F10;
	[sflag:s18] =	ssyncadd.s32 $0xFFFFC180  }
0xe4: {  	v10 =	vld [tilespmem:s30+$0x0];
	_ =	sdelay $0x1  }
0xe5: {  	v1 =	vld [tilespmem:s30+$0xFFFFFFF0];
	_ =	sdelay $0x2  }
0xe6: {  	s31 =	simm.s32 $0x4F30;
	v2 =	vand.u32 $0xFFFF, v10  }
0xe7: {  	v3 =	vld [tilespmem:s31+$0x0]  }
0xe8: {  	v6 =	vand.u32 $0xFFFF, v1  }
0xe9: {  	s26 =	simm.s32 $0x8D90;
	v7 =	vld [tilespmem:s31+$0xFFFFFFF0]  }
0xea: {  	v5 =	vld [tilespmem:s26+$0x0]  }
0xeb: {  	v4 =	vld.idx.msk [tilespmem:v2+s2+$0x0], $0xffff  }
0xec: {  	v9 =	vld [tilespmem:s26+$0xFFFFFFF0];
	v8 =	vand.u32 $0xFFFF, v3  }
0xed: {  	v10 =	vshra.s32 v10, $0x10;
	v6 =	vld.idx.msk [tilespmem:v6+s2+$0x0], $0xffff  }
0xee: {  	s29 =	simm.s32 $0x4F50;
	s28 =	simm.s32 $0x2;
	v2 =	vshra.s32 v1, $0x10;
	v1 =	vshra.s32 v7, $0x10;
	v7 =	vand.u32 $0xFFFF, v7  }
.LBB2_17:
0xef: {  	v11 =	vld [tilespmem:s29+$0x0]  }
0xf0: {  	s28 =	sadd.s32 $0x2, s28;
	v12 =	vld [tilespmem:s29+$0xFFFFFFF0];
	v5 =	vmul.f32 v4, v5  }
0xf1: {  	p0 =	slt.u32 s28, $0x3E6;
	v4 =	vld.idx.msk [tilespmem:v8+s2+$0x0], $0xffff  }
.Ltmp7:
0xf2: {  	s26 =	sadd.s32 $0x20, s26;
	v13 =	vmul.f32 v6, v9;
	[tilespmem:v10+s19+$0x0] =	vst.idx.add.f32.msk $0xffff, v5;
	(pc) =	sbr.rel @p0 .LBB2_17-.Ltmp7, $4  }
0xf3: {  	v5 =	vld [tilespmem:s26+$0x0]  }
0xf4: {  	v8 =	vand.u32 $0xFFFF, v11;
	v6 =	vld.idx.msk [tilespmem:v7+s2+$0x0], $0xffff  }
0xf5: {  	v10 =	vshra.s32 v3, $0x10;
	v3 =	vmovc v11;
	v14 =	vshra.s32 v12, $0x10;
	v7 =	vand.u32 $0xFFFF, v12;
	v9 =	vld [tilespmem:s26+$0xFFFFFFF0]  }
0xf6: {  	s29 =	sadd.s32 $0x20, s29;
	[tilespmem:v2+s19+$0x0] =	vst.idx.add.f32.msk $0xffff, v13;
	v2 =	vmov v1;
	v1 =	vmov v14  }
0xf7: {  	_ =	sdelay $0x3  }
0xf8: {  	v8 =	vld.idx.msk [tilespmem:v8+s2+$0x0], $0xffff  }
0xf9: {  	s26 =	sadd.s32 $0x20, s26;
	v7 =	vld.idx.msk [tilespmem:v7+s2+$0x0], $0xffff  }
0xfa: {  	v11 =	vld [tilespmem:s26+$0x0]  }
0xfb: {  	v12 =	vld [tilespmem:s26+$0xFFFFFFF0]  }
0xfc: {  	v3 =	vshra.s32 v3, $0x10  }
0xfd: {  	v4 =	vmul.f32 v4, v5  }
0xfe: {  	v5 =	vmul.f32 v6, v9  }
0xff: {  	p0 =	seq.s32 s24, $0x9;
	[tilespmem:v10+s19+$0x0] =	vst.idx.add.f32.msk $0xffff, v4;
	v4 =	vmul.f32 v8, v11  }
0x100: {  	s25 =	sshrl.u32 @!p0 s25, $0x3;
	[tilespmem:v2+s19+$0x0] =	vst.idx.add.f32.msk $0xffff, v5;
	v2 =	vmul.f32 v7, v12  }
0x101: {  	s25 =	sadd.s32 @!p0 $0xFA0, s25;
	[tilespmem:v3+s19+$0x0] =	vst.idx.add.f32.msk $0xffff, v4  }
0x102: {  	s28 =	simm.s32 @!p0 $0x0;
	s29 =	simm.s32 @!p0 $0x4F00;
	s26 =	sadd.s32 @!p0 s3, s25;
	[tilespmem:v1+s19+$0x0] =	vst.idx.add.f32.msk $0xffff, v2  }
0x103: {  	[tilespmem:s29], [sflag:$0x1] =	stream.linear.gather @!p0 [hbm4b:s26+s28], $0x3E80, $0x38;
	[tilespmem:$0x14900] =	vst v63  }
0x104: {  	s25 =	sadd.s32 @!p0 s5, s25;
	s26 =	simm.s32 @!p0 $0x8D80  }
0x105: {  	[tilespmem:s26], [sflag:$0x1] =	stream.linear.gather @!p0 [hbm4b:s25+s28], $0x3E80, $0x38;
	[tilespmem:$0x14900] =	vst v63  }
0x106: {  	_ =	swait.ge [sflag:s20], $0x3E80  }
0x107: {  	[sflag:s20] =	ssyncset.done $0x0  }
0x108: {  	[sflag:s20] =	ssyncadd.s32 $0xFFFFC180  }
0x109: {  	_ =	swait.ge [sflag:s20], $0x3E80  }
0x10a: {  	[sflag:s20] =	ssyncset.done $0x0  }
0x10b: {  	s30 =	simm.s32 $0xCC10;
	[sflag:s20] =	ssyncadd.s32 $0xFFFFC180  }
0x10c: {  	v10 =	vld [tilespmem:s30+$0x0];
	_ =	sdelay $0x1  }
0x10d: {  	v1 =	vld [tilespmem:s30+$0xFFFFFFF0];
	_ =	sdelay $0x2  }
0x10e: {  	s31 =	simm.s32 $0xCC30;
	v3 =	vand.u32 $0xFFFF, v10  }
0x10f: {  	v2 =	vld [tilespmem:s31+$0x0]  }
0x110: {  	v6 =	vand.u32 $0xFFFF, v1  }
0x111: {  	s25 =	simm.s32 $0x10A90;
	v7 =	vld [tilespmem:s31+$0xFFFFFFF0]  }
0x112: {  	v5 =	vld [tilespmem:s25+$0x0]  }
0x113: {  	v4 =	vld.idx.msk [tilespmem:v3+s2+$0x0], $0xffff  }
0x114: {  	v9 =	vld [tilespmem:s25+$0xFFFFFFF0];
	v8 =	vand.u32 $0xFFFF, v2  }
0x115: {  	v10 =	vshra.s32 v10, $0x10;
	v6 =	vld.idx.msk [tilespmem:v6+s2+$0x0], $0xffff  }
0x116: {  	s26 =	simm.s32 $0x2;
	s28 =	simm.s32 $0xCC50;
	v3 =	vshra.s32 v1, $0x10;
	v1 =	vshra.s32 v7, $0x10;
	v7 =	vand.u32 $0xFFFF, v7  }
.LBB2_19:
0x117: {  	v11 =	vld [tilespmem:s28+$0x0]  }
0x118: {  	s26 =	sadd.s32 $0x2, s26;
	v12 =	vld [tilespmem:s28+$0xFFFFFFF0];
	v5 =	vmul.f32 v4, v5  }
0x119: {  	p0 =	slt.u32 s26, $0x3E6;
	v4 =	vld.idx.msk [tilespmem:v8+s2+$0x0], $0xffff  }
.Ltmp8:
0x11a: {  	s25 =	sadd.s32 $0x20, s25;
	v13 =	vmul.f32 v6, v9;
	[tilespmem:v10+s19+$0x0] =	vst.idx.add.f32.msk $0xffff, v5;
	(pc) =	sbr.rel @p0 .LBB2_19-.Ltmp8, $4  }
0x11b: {  	v5 =	vld [tilespmem:s25+$0x0]  }
0x11c: {  	v8 =	vand.u32 $0xFFFF, v11;
	v6 =	vld.idx.msk [tilespmem:v7+s2+$0x0], $0xffff  }
0x11d: {  	v10 =	vshra.s32 v2, $0x10;
	v2 =	vmovc v11;
	v14 =	vshra.s32 v12, $0x10;
	v7 =	vand.u32 $0xFFFF, v12;
	v9 =	vld [tilespmem:s25+$0xFFFFFFF0]  }
0x11e: {  	s28 =	sadd.s32 $0x20, s28;
	[tilespmem:v3+s19+$0x0] =	vst.idx.add.f32.msk $0xffff, v13;
	v3 =	vmov v1;
	v1 =	vmov v14  }
0x11f: {  	_ =	sdelay $0x3  }
0x120: {  	v8 =	vld.idx.msk [tilespmem:v8+s2+$0x0], $0xffff  }
0x121: {  	s25 =	sadd.s32 $0x20, s25;
	v7 =	vld.idx.msk [tilespmem:v7+s2+$0x0], $0xffff  }
0x122: {  	v11 =	vld [tilespmem:s25+$0x0]  }
0x123: {  	v12 =	vld [tilespmem:s25+$0xFFFFFFF0]  }
0x124: {  	v2 =	vshra.s32 v2, $0x10;
	s24 =	sadd.s32 $0x1, s24  }
0x125: {  	v4 =	vmul.f32 v4, v5;
	p0 =	sne.s32 s24, $0xA  }
.Ltmp9:
0x126: {  	v62 =	vmul.f32 v6, v9;
	(pc) =	sbr.rel @p0 .LBB2_16-.Ltmp9, $4  }
0x127: {  	[tilespmem:v10+s19+$0x0] =	vst.idx.add.f32.msk $0xffff, v4;
	v63 =	vmul.f32 v8, v11  }
0x128: {  	[tilespmem:v3+s19+$0x0] =	vst.idx.add.f32.msk $0xffff, v62;
	v3 =	vmul.f32 v7, v12  }
0x129: {  	[tilespmem:v2+s19+$0x0] =	vst.idx.add.f32.msk $0xffff, v63  }
0x12a: {  	[tilespmem:v1+s19+$0x0] =	vst.idx.add.f32.msk $0xffff, v3  }
0x12b: {  	s24 =	simm.s32 $0x0  }
0x12c: {  	[hbm4b:s10+s24] =	stream.linear.scatter [tilespmem:s19], [sflag:$0x3], $0x2710, $0x38;
	[tilespmem:$0x14900] =	vst v63  }
0x12d: {  	_ =	swait.ge [sflag:s22], $0x2710  }
0x12e: {  	[sflag:s22] =	ssyncset.done $0x0  }
0x12f: {  	[sflag:s22] =	ssyncadd.s32 $0xFFFFD8F0  }
0x130: {  	[tilespmem:s14], [sflag:$0x1] =	stream.linear.gather [hbm4b:s3+s24], $0x3E80, $0x38;
	[tilespmem:$0x14900] =	vst v63  }
0x131: {  	_ = 	snop  }
0x132: {  	[tilespmem:s15], [sflag:$0x1] =	stream.linear.gather [hbm4b:s6+s24], $0x3E80, $0x38;
	[tilespmem:$0x14900] =	vst v63  }
.LBB2_22:
0x133: {  	s25 =	smul.u32 $0x7D00, s24;
	_ =	sdelay $0x1  }
0x134: {  	s26 =	sshrl.u32 s25, $0x3  }
0x135: {  	s26 =	sadd.s32 $0x7D0, s26  }
0x136: {  	s28 =	sadd.s32 s3, s26  }
0x137: {  	[tilespmem:s16], [sflag:$0x2] =	stream.linear.gather [hbm4b:s28+s2], $0x3E80, $0x38;
	[tilespmem:$0x14900] =	vst v63  }
0x138: {  	s26 =	sadd.s32 s6, s26  }
0x139: {  	[tilespmem:s17], [sflag:$0x2] =	stream.linear.gather [hbm4b:s26+s2], $0x3E80, $0x38;
	[tilespmem:$0x14900] =	vst v63  }
0x13a: {  	_ =	swait.ge [sflag:s18], $0x3E80  }
0x13b: {  	[sflag:s18] =	ssyncset.done $0x0  }
0x13c: {  	[sflag:s18] =	ssyncadd.s32 $0xFFFFC180  }
0x13d: {  	_ =	swait.ge [sflag:s18], $0x3E80  }
0x13e: {  	[sflag:s18] =	ssyncset.done $0x0  }
0x13f: {  	s30 =	simm.s32 $0x4F10;
	[sflag:s18] =	ssyncadd.s32 $0xFFFFC180  }
0x140: {  	v10 =	vld [tilespmem:s30+$0x0];
	_ =	sdelay $0x1  }
0x141: {  	v1 =	vld [tilespmem:s30+$0xFFFFFFF0];
	_ =	sdelay $0x2  }
0x142: {  	s31 =	simm.s32 $0x4F30;
	v2 =	vand.u32 $0xFFFF, v10  }
0x143: {  	v3 =	vld [tilespmem:s31+$0x0]  }
0x144: {  	v6 =	vand.u32 $0xFFFF, v1  }
0x145: {  	s26 =	simm.s32 $0x8D90;
	v7 =	vld [tilespmem:s31+$0xFFFFFFF0]  }
0x146: {  	v5 =	vld [tilespmem:s26+$0x0]  }
0x147: {  	v4 =	vld.idx.msk [tilespmem:v2+s19+$0x0], $0xffff  }
0x148: {  	v9 =	vld [tilespmem:s26+$0xFFFFFFF0];
	v8 =	vand.u32 $0xFFFF, v3  }
0x149: {  	v10 =	vshra.s32 v10, $0x10;
	v6 =	vld.idx.msk [tilespmem:v6+s19+$0x0], $0xffff  }
0x14a: {  	s29 =	simm.s32 $0x4F50;
	s28 =	simm.s32 $0x2;
	v2 =	vshra.s32 v1, $0x10;
	v1 =	vshra.s32 v7, $0x10;
	v7 =	vand.u32 $0xFFFF, v7  }
.LBB2_23:
0x14b: {  	v11 =	vld [tilespmem:s29+$0x0]  }
0x14c: {  	s28 =	sadd.s32 $0x2, s28;
	v12 =	vld [tilespmem:s29+$0xFFFFFFF0];
	v5 =	vmul.f32 v4, v5  }
0x14d: {  	p0 =	slt.u32 s28, $0x3E6;
	v4 =	vld.idx.msk [tilespmem:v8+s19+$0x0], $0xffff  }
.Ltmp10:
0x14e: {  	s26 =	sadd.s32 $0x20, s26;
	v13 =	vmul.f32 v6, v9;
	[tilespmem:v10+s2+$0x0] =	vst.idx.add.f32.msk $0xffff, v5;
	(pc) =	sbr.rel @p0 .LBB2_23-.Ltmp10, $4  }
0x14f: {  	v5 =	vld [tilespmem:s26+$0x0]  }
0x150: {  	v8 =	vand.u32 $0xFFFF, v11;
	v6 =	vld.idx.msk [tilespmem:v7+s19+$0x0], $0xffff  }
0x151: {  	v10 =	vshra.s32 v3, $0x10;
	v3 =	vmovc v11;
	v14 =	vshra.s32 v12, $0x10;
	v7 =	vand.u32 $0xFFFF, v12;
	v9 =	vld [tilespmem:s26+$0xFFFFFFF0]  }
0x152: {  	s29 =	sadd.s32 $0x20, s29;
	[tilespmem:v2+s2+$0x0] =	vst.idx.add.f32.msk $0xffff, v13;
	v2 =	vmov v1;
	v1 =	vmov v14  }
0x153: {  	_ =	sdelay $0x3  }
0x154: {  	v8 =	vld.idx.msk [tilespmem:v8+s19+$0x0], $0xffff  }
0x155: {  	s26 =	sadd.s32 $0x20, s26;
	v7 =	vld.idx.msk [tilespmem:v7+s19+$0x0], $0xffff  }
0x156: {  	v11 =	vld [tilespmem:s26+$0x0]  }
0x157: {  	v12 =	vld [tilespmem:s26+$0xFFFFFFF0]  }
0x158: {  	v3 =	vshra.s32 v3, $0x10  }
0x159: {  	v4 =	vmul.f32 v4, v5  }
0x15a: {  	v5 =	vmul.f32 v6, v9  }
0x15b: {  	p0 =	seq.s32 s24, $0x9;
	[tilespmem:v10+s2+$0x0] =	vst.idx.add.f32.msk $0xffff, v4;
	v4 =	vmul.f32 v8, v11  }
0x15c: {  	s25 =	sshrl.u32 @!p0 s25, $0x3;
	[tilespmem:v2+s2+$0x0] =	vst.idx.add.f32.msk $0xffff, v5;
	v2 =	vmul.f32 v7, v12  }
0x15d: {  	s25 =	sadd.s32 @!p0 $0xFA0, s25;
	[tilespmem:v3+s2+$0x0] =	vst.idx.add.f32.msk $0xffff, v4  }
0x15e: {  	s28 =	simm.s32 @!p0 $0x0;
	s29 =	simm.s32 @!p0 $0x4F00;
	s26 =	sadd.s32 @!p0 s3, s25;
	[tilespmem:v1+s2+$0x0] =	vst.idx.add.f32.msk $0xffff, v2  }
0x15f: {  	[tilespmem:s29], [sflag:$0x1] =	stream.linear.gather @!p0 [hbm4b:s26+s28], $0x3E80, $0x38;
	[tilespmem:$0x14900] =	vst v63  }
0x160: {  	s25 =	sadd.s32 @!p0 s6, s25;
	s26 =	simm.s32 @!p0 $0x8D80  }
0x161: {  	[tilespmem:s26], [sflag:$0x1] =	stream.linear.gather @!p0 [hbm4b:s25+s28], $0x3E80, $0x38;
	[tilespmem:$0x14900] =	vst v63  }
0x162: {  	_ =	swait.ge [sflag:s20], $0x3E80  }
0x163: {  	[sflag:s20] =	ssyncset.done $0x0  }
0x164: {  	[sflag:s20] =	ssyncadd.s32 $0xFFFFC180  }
0x165: {  	_ =	swait.ge [sflag:s20], $0x3E80  }
0x166: {  	[sflag:s20] =	ssyncset.done $0x0  }
0x167: {  	s30 =	simm.s32 $0xCC10;
	[sflag:s20] =	ssyncadd.s32 $0xFFFFC180  }
0x168: {  	v10 =	vld [tilespmem:s30+$0x0];
	_ =	sdelay $0x1  }
0x169: {  	v1 =	vld [tilespmem:s30+$0xFFFFFFF0];
	_ =	sdelay $0x2  }
0x16a: {  	s31 =	simm.s32 $0xCC30;
	v3 =	vand.u32 $0xFFFF, v10  }
0x16b: {  	v2 =	vld [tilespmem:s31+$0x0]  }
0x16c: {  	v6 =	vand.u32 $0xFFFF, v1  }
0x16d: {  	s25 =	simm.s32 $0x10A90;
	v7 =	vld [tilespmem:s31+$0xFFFFFFF0]  }
0x16e: {  	v5 =	vld [tilespmem:s25+$0x0]  }
0x16f: {  	v4 =	vld.idx.msk [tilespmem:v3+s19+$0x0], $0xffff  }
0x170: {  	v9 =	vld [tilespmem:s25+$0xFFFFFFF0];
	v8 =	vand.u32 $0xFFFF, v2  }
0x171: {  	v10 =	vshra.s32 v10, $0x10;
	v6 =	vld.idx.msk [tilespmem:v6+s19+$0x0], $0xffff  }
0x172: {  	s26 =	simm.s32 $0x2;
	s28 =	simm.s32 $0xCC50;
	v3 =	vshra.s32 v1, $0x10;
	v1 =	vshra.s32 v7, $0x10;
	v7 =	vand.u32 $0xFFFF, v7  }
.LBB2_25:
0x173: {  	v11 =	vld [tilespmem:s28+$0x0]  }
0x174: {  	s26 =	sadd.s32 $0x2, s26;
	v12 =	vld [tilespmem:s28+$0xFFFFFFF0];
	v5 =	vmul.f32 v4, v5  }
0x175: {  	p0 =	slt.u32 s26, $0x3E6;
	v4 =	vld.idx.msk [tilespmem:v8+s19+$0x0], $0xffff  }
.Ltmp11:
0x176: {  	s25 =	sadd.s32 $0x20, s25;
	v13 =	vmul.f32 v6, v9;
	[tilespmem:v10+s2+$0x0] =	vst.idx.add.f32.msk $0xffff, v5;
	(pc) =	sbr.rel @p0 .LBB2_25-.Ltmp11, $4  }
0x177: {  	v5 =	vld [tilespmem:s25+$0x0]  }
0x178: {  	v8 =	vand.u32 $0xFFFF, v11;
	v6 =	vld.idx.msk [tilespmem:v7+s19+$0x0], $0xffff  }
0x179: {  	v10 =	vshra.s32 v2, $0x10;
	v2 =	vmovc v11;
	v14 =	vshra.s32 v12, $0x10;
	v7 =	vand.u32 $0xFFFF, v12;
	v9 =	vld [tilespmem:s25+$0xFFFFFFF0]  }
0x17a: {  	s28 =	sadd.s32 $0x20, s28;
	[tilespmem:v3+s2+$0x0] =	vst.idx.add.f32.msk $0xffff, v13;
	v3 =	vmov v1;
	v1 =	vmov v14  }
0x17b: {  	_ =	sdelay $0x3  }
0x17c: {  	v8 =	vld.idx.msk [tilespmem:v8+s19+$0x0], $0xffff  }
0x17d: {  	s25 =	sadd.s32 $0x20, s25;
	v7 =	vld.idx.msk [tilespmem:v7+s19+$0x0], $0xffff  }
0x17e: {  	v11 =	vld [tilespmem:s25+$0x0]  }
0x17f: {  	v12 =	vld [tilespmem:s25+$0xFFFFFFF0]  }
0x180: {  	v2 =	vshra.s32 v2, $0x10;
	s24 =	sadd.s32 $0x1, s24  }
0x181: {  	v4 =	vmul.f32 v4, v5;
	p0 =	sne.s32 s24, $0xA  }
.Ltmp12:
0x182: {  	v62 =	vmul.f32 v6, v9;
	(pc) =	sbr.rel @p0 .LBB2_22-.Ltmp12, $4  }
0x183: {  	[tilespmem:v10+s2+$0x0] =	vst.idx.add.f32.msk $0xffff, v4;
	v63 =	vmul.f32 v8, v11  }
0x184: {  	[tilespmem:v3+s2+$0x0] =	vst.idx.add.f32.msk $0xffff, v62;
	v3 =	vmul.f32 v7, v12  }
0x185: {  	[tilespmem:v2+s2+$0x0] =	vst.idx.add.f32.msk $0xffff, v63  }
0x186: {  	[tilespmem:v1+s2+$0x0] =	vst.idx.add.f32.msk $0xffff, v3  }
0x187: {  	[hbm4b:s11+s2] =	stream.linear.scatter [tilespmem:s2], [sflag:$0x4], $0x2710, $0x38;
	[tilespmem:$0x14900] =	vst v63  }
0x188: {  	s23 =	sadd.s32 $0x1, s23  }
0x189: {  	_ =	swait.ge [sflag:s21], $0x2710;
	p0 =	sne.s32 s23, s12  }
.Ltmp13:
0x18a: {  	[sflag:s21] =	ssyncset.done $0x0;
	(pc) =	sbr.rel @p0 .LBB2_1-.Ltmp13, $4  }
0x18b: {  	[sflag:s21] =	ssyncadd.s32 $0xFFFFD8F0  }
0x18c: {  	_ =	swait.ge [sflag:s22], $0x2710  }
0x18d: {  	[sflag:s22] =	ssyncset.done $0x0  }
0x18e: {  	[sflag:s22] =	ssyncadd.s32 $0xFFFFD8F0  }
0x18f: {  	_ =	sfence.sel $0x180000  }
0x190: {  	[bflag:$0x0] =	sbarrier.arrive $0xFFFF  }
0x191: {  	p0 =	sne.s32 s0, $0x0;
	_ =	strace $0x9000004D  }
0x192: {  	s0 =	sadd.s32 @!p0 $0x100000, s1;
	[bflag:$0x2] =	sbarrier.arrive $0xFFFF  }
0x193: {  	[sflag:s0] =	ssyncadd.tile.s32 @!p0 $0x1;
	_ =	shalt  }
.Lfunc_end2:
_tile_overlayer_lowered:
.L_overlay_start_2:
0x194: {  	(tag) =	ssettag $0x2  }
0x195: {  	s0 =	rddreg [dreg:$0x0];
	s2 =	stileid.u32  }
0x196: {  	s1 =	rddreg [dreg:$0x1];
	p0 =	sne.s32 s2, $0x0  }
0x197: {  	s3 =	rddreg [dreg:$0x2];
	[bflag:$0x3] =	sbarrier.arrive $0xFFFF;
	s2 =	simm.s32 @!p0 $0x1C05  }
0x198: {  	[timem:s3], [sflag:s2] =	dma.local @!p0 [hbm:s0], s1  }
0x199: {  	s0 =	simm.s32 @!p0 $0x5  }
0x19a: {  	_ =	swait.ge @!p0 [sflag:s0], s1  }
0x19b: {  	s1 =	ssub.s32 @!p0 $0x0, s1;
	[sflag:s0] =	ssyncset.done @!p0 $0x0  }
0x19c: {  	[sflag:s0] =	ssyncadd.s32 @!p0 s1  }
0x19d: {  	[bflag:$0x3] =	sbarrier.arrive $0xFFFF  }
0x19e: {  	_ =	shalt  }

// kernel: kernel.7.cloned.1.call-start
scs
__scs_entry_jumppad:
0x0: {  	(pc) =	sbr.rel $0x88, $3  }
0x1: {  	(tag) =	ssettag $0x0;
	lr =	simm.s32 $0x1  }
0x2: {  	[smem:$0x3F7C] =	sst lr;
	_ =	strace $0xD0000000  }
0x3: {  	_ = 	snop  }
0x4: {  	_ = 	snop  }
0x5: {  	_ = 	snop  }
0x6: {  	_ = 	snop  }
0x7: {  	_ = 	snop  }
__scs_overlays_trampoline_lowered:
0x8: {  	[smem:$0x3F8B] =	sst s0  }
0x9: {  	[smem:$0x3F8C] =	sst s1  }
0xa: {  	[smem:$0x3F8D] =	sst s2  }
0xb: {  	[smem:$0x3F8E] =	sst s3  }
0xc: {  	[smem:$0x3F8F] =	sst s4  }
0xd: {  	[smem:$0x3F90] =	sst s5  }
0xe: {  	[smem:$0x3F91] =	sst s6  }
0xf: {  	[smem:$0x3F92] =	sst s7  }
0x10: {  	[smem:$0x3F93] =	sst s8  }
0x11: {  	[smem:$0x3F94] =	sst s9;
	s0 =	simm.s32 @!p0 $0x0  }
0x12: {  	s1 =	sld [smem:$0x3F7A];
	s0 =	simm.s32 @p0 $0x1  }
0x13: {  	[smem:$0x3F95] =	sst s0;
	s0 =	simm.s32 @!p1 $0x0  }
0x14: {  	s2 =	sld [smem:$0x3F79];
	s0 =	simm.s32 @p1 $0x1  }
0x15: {  	[smem:$0x3F96] =	sst s0;
	s0 =	simm.s32 @!p2 $0x0  }
0x16: {  	s3 =	sld [smem:$0x3FDB];
	s0 =	simm.s32 @p2 $0x1  }
0x17: {  	s4 =	simm.s32 $0x1BF5;
	[smem:$0x3F98] =	sst s0  }
0x18: {  	s0 =	sld [smem:$0x3F7B];
	_ =	swait.ge [sflag:s4], $0x0  }
0x19: {  	s7 =	sld [smem:$0x3F7C]  }
0x1a: {  	s8 =	sadd.s32 $0xFFFFE003, lr  }
0x1b: {  	s9 =	sadd.s32 $0xFFFFFEF7, lr;
	s5 =	simm.s32 $0xFFFFFFFF;
	p2 =	slt.u32 s8, $0xFFFFF086  }
0x1c: {  	p1 =	slt.u32 s9, $0xF7A;
	s5 =	simm.s32 @!p2 $0x0  }
0x1d: {  	s5 =	simm.s32 @p1 $0x1;
	p0 =	seq.s32 s7, s2  }
0x1e: {  	s7 =	smul.u32 @!p0 $0xF7A, s2;
	p2 =	seq.s32 @!p0 s5, $0x0  }
0x1f: {  	s9 =	smul.u32 $0xF7A, s1;
	s8 =	simm.s32 @!p0 $0x1BF5;
	p2 =	por !p2, p0  }
0x20: {  	[sflag:s8] =	ssyncset.s32 @!p0 $0xFFFFF086;
	s6 =	sadd.s32 @!p0 s3, s7;
	s7 =	simm.s32 @!p0 $0x108  }
0x21: {  	s3 =	sadd.s32 s3, s9;
	s6 =	sadd.s32 @!p0 $0x88, s6;
	s7 =	simm.s32 @p2 $0x1082  }
0x22: {  	[simem:s7], [sflag:s8] =	dma.local @!p0 [hbm:s6], $0xF7A  }
0x23: {  	s9 =	sor.u32 $0xD0000000, s2;
	s6 =	simm.s32 $0x108;
	_ =	swait.ge @!p0 [sflag:s8], $0x0  }
0x24: {  	s3 =	sadd.s32 $0x88, s3;
	s6 =	simm.s32 @!p1 $0x1082;
	[sflag:s4] =	ssyncset.s32 $0xFFFFF086  }
0x25: {  	[simem:s6], [sflag:s4] =	dma.local [hbm:s3], $0xF7A  }
0x26: {  	[smem:$0x3F7C] =	sst s1;
	(tag) =	ssettag s2;
	_ =	strace s9  }
0x27: {  	s1 =	sld [smem:$0x3F8C]  }
0x28: {  	s2 =	sld [smem:$0x3F8D]  }
0x29: {  	s4 =	sld [smem:$0x3F8F]  }
0x2a: {  	p0 =	seq.s32 s5, $0x0;
	s5 =	sld [smem:$0x3F90]  }
0x2b: {  	s6 =	sld [smem:$0x3F91]  }
0x2c: {  	s7 =	sld [smem:$0x3F92]  }
0x2d: {  	s3 =	simm.s32 $0x108;
	s8 =	sld [smem:$0x3F93]  }
0x2e: {  	s3 =	simm.s32 @!p0 $0x1082;
	s9 =	sld [smem:$0x3F94]  }
0x2f: {  	lr =	sadd.s32 s0, s3;
	s0 =	sld [smem:$0x3F8B]  }
0x30: {  	s3 =	sld [smem:$0x3F8E]  }
0x31: {  	[smem:$0x3F97] =	sst s10  }
0x32: {  	s10 =	sld [smem:$0x3F95];
	_ =	sdelay $0x3  }
0x33: {  	p0 =	seq.s32 s10, $0x1;
	s10 =	sld [smem:$0x3F97];
	_ =	sdelay $0x3  }
0x34: {  	[smem:$0x3F97] =	sst s10  }
0x35: {  	s10 =	sld [smem:$0x3F96];
	_ =	sdelay $0x3  }
0x36: {  	p1 =	seq.s32 s10, $0x1;
	s10 =	sld [smem:$0x3F97];
	_ =	sdelay $0x3  }
0x37: {  	[smem:$0x3F97] =	sst s10  }
0x38: {  	s10 =	sld [smem:$0x3F98]  }
0x39: {  	_ = 	snop;
	(pc) =	sbr.ind lr, $3  }
0x3a: {  	_ = 	snop  }
0x3b: {  	_ = 	snop  }
0x3c: {  	p2 =	seq.s32 s10, $0x1;
	s10 =	sld [smem:$0x3F97]  }
0x3d: {  	_ =	shalt  }
0x3e: {  	_ =	shalt  }
0x3f: {  	_ =	shalt  }
0x40: {  	_ =	shalt  }
0x41: {  	_ =	shalt  }
0x42: {  	_ =	shalt  }
0x43: {  	_ =	shalt  }
0x44: {  	_ =	shalt  }
0x45: {  	_ =	shalt  }
0x46: {  	_ =	shalt  }
0x47: {  	_ =	shalt  }
0x48: {  	_ =	shalt  }
0x49: {  	_ =	shalt  }
0x4a: {  	_ =	shalt  }
0x4b: {  	_ =	shalt  }
0x4c: {  	_ =	shalt  }
0x4d: {  	_ =	shalt  }
0x4e: {  	_ =	shalt  }
0x4f: {  	_ =	shalt  }
0x50: {  	_ =	shalt  }
0x51: {  	_ =	shalt  }
0x52: {  	_ =	shalt  }
0x53: {  	_ =	shalt  }
0x54: {  	_ =	shalt  }
0x55: {  	_ =	shalt  }
0x56: {  	_ =	shalt  }
0x57: {  	_ =	shalt  }
0x58: {  	_ =	shalt  }
0x59: {  	_ =	shalt  }
0x5a: {  	_ =	shalt  }
0x5b: {  	_ =	shalt  }
0x5c: {  	_ =	shalt  }
0x5d: {  	_ =	shalt  }
0x5e: {  	_ =	shalt  }
0x5f: {  	_ =	shalt  }
0x60: {  	_ =	shalt  }
0x61: {  	_ =	shalt  }
0x62: {  	_ =	shalt  }
0x63: {  	_ =	shalt  }
0x64: {  	_ =	shalt  }
0x65: {  	_ =	shalt  }
0x66: {  	_ =	shalt  }
0x67: {  	_ =	shalt  }
0x68: {  	_ =	shalt  }
0x69: {  	_ =	shalt  }
0x6a: {  	_ =	shalt  }
0x6b: {  	_ =	shalt  }
0x6c: {  	_ =	shalt  }
0x6d: {  	_ =	shalt  }
0x6e: {  	_ =	shalt  }
0x6f: {  	_ =	shalt  }
0x70: {  	_ =	shalt  }
0x71: {  	_ =	shalt  }
0x72: {  	_ =	shalt  }
0x73: {  	_ =	shalt  }
0x74: {  	_ =	shalt  }
0x75: {  	_ =	shalt  }
0x76: {  	_ =	shalt  }
0x77: {  	_ =	shalt  }
0x78: {  	_ =	shalt  }
0x79: {  	_ =	shalt  }
0x7a: {  	_ =	shalt  }
0x7b: {  	_ =	shalt  }
0x7c: {  	_ =	shalt  }
0x7d: {  	_ =	shalt  }
0x7e: {  	_ =	shalt  }
0x7f: {  	_ =	shalt  }
0x80: {  	_ =	shalt  }
0x81: {  	_ =	shalt  }
0x82: {  	_ =	shalt  }
0x83: {  	_ =	shalt  }
0x84: {  	_ =	shalt  }
0x85: {  	_ =	shalt  }
0x86: {  	_ =	shalt  }
0x87: {  	_ =	shalt  }
.Lfunc_end0:
.L_simem_size_0:
called_computation_lowered:
.L_overlay_start_0:
0x88: {  	s2 =	sld [smem:$0x3FD9]  }
0x89: {  	s3 =	sld [smem:$0x3FFE];
	_ =	sdelay $0x1  }
0x8a: {  	s1 =	srdreg.scid  }
0x8b: {  	s0 =	sand.u32 $0x1, s1  }
0x8c: {  	s17 =	sshll.u32 s0, $0xA;
	s2 =	sadd.s32 s3, s2  }
0x8d: {  	s2 =	sadd.s32 s2, s17  }
0x8e: {  	[smem:$0x3FA3] =	sst s2  }
0x8f: {  	_ = 	snop  }
0x90: {  	s2 =	sld [smem:$0x3FC7];
	(tm) =	ssettm $0x1  }
0x91: {  	s18 =	sld [smem:$0x3FFB];
	_ =	sdelay $0x3  }
0x92: {  	_ =	strace s18  }
0x93: {  	s3 =	sld [smem:$0x3FFC];
	_ =	sdelay $0x3  }
0x94: {  	_ =	strace s3  }
0x95: {  	s3 =	sld [smem:$0x3FFD];
	_ =	sdelay $0x3  }
0x96: {  	_ =	strace s3  }
0x97: {  	_ =	strace $0x8FFFFFFF  }
0x98: {  	s19 =	sld [smem:$0x3FDB];
	_ =	sdelay $0x1  }
0x99: {  	s4 =	simm.s32 $_scs_section_size  }
0x9a: {  	s5 =	simm.s32 $_size__tile_overlayer_lowered;
	s6 =	simm.s32 $_tile_overlayer_lowered  }
0x9b: {  	s22 =	simm.s32 $0x1BFF;
	s21 =	sshll.u32 s6, $0x1;
	s3 =	sadd.s32 s4, s19  }
0x9c: {  	s7 =	simm.s32 $0x0;
	s20 =	sshll.u32 s5, $0x1;
	s5 =	sadd.s32 s21, s3  }
0x9d: {  	[timem:s7], [sflag:s22] =	dma.local [hbm:s5], s20  }
0x9e: {  	_ =	swait.ge [sflag:s22], s20  }
0x9f: {  	s4 =	ssub.s32 $0x0, s20;
	[sflag:s22] =	ssyncset.done $0x0  }
0xa0: {  	[sflag:s22] =	ssyncadd.s32 s4;
	_ =	sdelay $0x1  }
0xa1: {  	s23 =	simm.s32 $0x1B8B  }
0xa2: {  	_ =	swait.ge [sflag:s23], $0x1  }
0xa3: {  	[sflag:s23] =	ssyncset.done $0x0  }
0xa4: {  	s25 =	simm.s32 $0x1B8E;
	s24 =	sld [smem:$0x3FFE];
	[sflag:s23] =	ssyncadd.s32 $0xFFFFFFFF  }
0xa5: {  	s26 =	simm.s32 $execute0_lowered;
	[smem:$0x3FD2] =	sst s25  }
0xa6: {  	s5 =	sshll.u32 s26, $0x1;
	_ =	strace $0x80000046;
	[dreg:$0x1] =	wrdreg $0xFFFFFFFF  }
0xa7: {  	s28 =	simm.s32 $_size_execute0_lowered;
	s3 =	sadd.s32 s3, s5;
	[dreg:$0x0] =	wrdreg $0x0  }
0xa8: {  	s5 =	sshll.u32 s28, $0x1;
	[dreg:$0x2] =	wrdreg s3  }
0xa9: {  	[dreg:$0x3] =	wrdreg s5  }
0xaa: {  	[dreg:$0x4] =	wrdreg $0xC0  }
0xab: {  	_ =	task [dreg:s7], $0x5FFFF  }
0xac: {  	[dreg:$0x1] =	wrdreg $0xFFFFFFFF  }
0xad: {  	[dreg:$0x0] =	wrdreg $0x60  }
0xae: {  	[dreg:$0x2] =	wrdreg s24  }
0xaf: {  	[dreg:$0x3] =	wrdreg s2  }
0xb0: {  	[dreg:$0x4] =	wrdreg $0x9D000  }
0xb1: {  	[dreg:$0x5] =	wrdreg $0xC5000  }
0xb2: {  	[dreg:$0x6] =	wrdreg $0x9  }
0xb3: {  	_ =	task.clear_ibuf [dreg:s7], $0x7FFFF;
	_ =	strace $0x90000046  }
0xb4: {  	s29 =	simm.s32 $0x9;
	_ =	strace $0x80000048  }
0xb5: {  	_ =	swait.ge [sflag:s29], $0x1  }
0xb6: {  	[sflag:s29] =	ssyncadd.s32 $0xFFFFFFFF  }
0xb7: {  	_ =	strace $0x90000048  }
0xb8: {  	_ =	sfence  }
0xb9: {  	s30 =	sld [smem:$0x0];
	_ =	sdelay $0x2  }
0xba: {  	s31 =	sshll.u32 s1, $0xD;
	s1 =	sshrl.u32 s1, $0x2  }
0xbb: {  	s3 =	sand.u32 $0x4000, s31;
	s1 =	sadd.s32 s1, s30  }
0xbc: {  	s0 =	sor.u32 s3, s0;
	s1 =	sshll.u32 s1, $0x11  }
0xbd: {  	s0 =	sor.u32 s1, s0  }
0xbe: {  	s0 =	sadd.s32 $0x8F2B, s0  }
0xbf: {  	[sflag:s0] =	ssyncadd.remote.s32 $0x1  }
0xc0: {  	_ =	sfence.sel $0xFFFF  }
0xc1: {  	[dreg:$0x0] =	wrdreg $0xFFFFFFFF;
	(pc) =	sbr.abs _section_cstart, $3  }
0xc2: {  	[dreg:$0x1] =	wrdreg $0xFFFFFFFF  }
0xc3: {  	_ =	task.clear_ibuf [dreg:s7], $0x2FFFF;
	_ =	strace $0x9FFFFFFF  }
0xc4: {  	(tm) =	ssettm $0x7FFFFFFF  }
0xc5: {  	_ =	shalt  }
tec
execute0_lowered:
.L_overlay_start_1:
0x0: {  	(tag) =	ssettag $0x1  }
0x1: {  	s0 =	rddreg [dreg:$0x0]  }
0x2: {  	s1 =	rddreg [dreg:$0x1]  }
0x3: {  	s2 =	rddreg [dreg:$0x2]  }
0x4: {  	s16 =	rddreg [dreg:$0x3];
	s3 =	simm.s32 $0x0  }
0x5: {  	s5 =	srdreg.scid;
	s17 =	stileid.u32;
	s18 =	simm.s32 $0x1  }
0x6: {  	s19 =	simm.s32 $0x6500;
	s20 =	simm.s32 $0x80;
	s21 =	simm.s32 $0x400  }
0x7: {  	s22 =	simm.s32 $0x2A80;
	s23 =	simm.s32 $0x2D00;
	s28 =	simm.s32 $0x8D00  }
0x8: {  	s29 =	simm.s32 $0x9500;
	[smem:$0x7FF] =	sst s3;
	s4 =	sadd.s32 $0xF800, s0  }
0x9: {  	s6 =	sadd.s32 $0x5A00, s0;
	s7 =	sadd.s32 $0x19600, s0;
	s8 =	sadd.s32 $0x23400, s0  }
0xa: {  	s5 =	sand.u32 $0x1, s5;
	s9 =	sadd.s32 $0x2D200, s0;
	s12 =	sshrl.u32 s17, $0x3  }
0xb: {  	s10 =	sadd.s32 $0x37000, s0;
	s13 =	smul.u32 $0x5000, s17;
	s14 =	sshll.u32 s17, $0x7  }
0xc: {  	s15 =	smul.u32 $0xA00, s17;
	_ =	strace $0x80000047;
	s11 =	ssub.s32 $0x2, s5  }
0xd: {  	s12 =	smul.u32 $0x50000, s12;
	s5 =	sshll.u32 s5, $0x4;
	s14 =	sand.u32 $0x380, s14  }
0xe: {  	s30 =	sshrl.u32 s11, $0x1;
	s5 =	sor.u32 s17, s5;
	s13 =	sshrl.u32 s13, $0x2  }
0xf: {  	s15 =	sshrl.u32 s15, $0x2;
	s0 =	ssub.s32 s11, s30;
	s11 =	smul.u32 $0x4E20, s17  }
0x10: {  	s12 =	sshrl.u32 s12, $0x2;
	s13 =	sadd.s32 s13, s2;
	s31 =	sadd.s32 s15, s16  }
0x11: {  	s12 =	sadd.s32 s12, s2;
	[dreg:$0x6] =	wrdreg s31;
	s0 =	smax.u32 s0, $0x1  }
0x12: {  	s15 =	smul.u32 $0x2710, s5;
	s12 =	sadd.s32 s14, s12;
	[dreg:$0x7] =	wrdreg s0  }
0x13: {  	v0 =	vimm.f32 $0.0e+00;
	s17 =	simm.s32 $0x5500;
	s2 =	simm.s32 $0x0;
	[dreg:$0x5] =	wrdreg s12  }
.LBB2_1:
0x14: {  	[dreg:$0x8] =	wrdreg s2;
	s0 =	simm.s32 $0x0  }
.LBB2_2:
0x15: {  	p0 =	sne.s32 s0, $0x9FC0  }
.Ltmp0:
0x16: {  	_ = 	snop;
	(pc) =	sbr.rel @p0 .LBB2_2-.Ltmp0, $3  }
0x17: {  	_ =	sdelay $0x1  }
0x18: {  	s2 =	sshra.s32 s0, $0x2  }
0x19: {  	s0 =	sadd.s32 $0x40, s0;
	[tilespmem:s2+$0x0] =	vst v0  }
0x1a: {  	s0 =	simm.s32 $0x0  }
.LBB2_4:
0x1b: {  	s2 =	smul.u32 $0xFA0, s0;
	_ =	sdelay $0x1  }
0x1c: {  	s2 =	sadd.s32 s11, s2  }
0x1d: {  	s2 =	sshrl.u32 s2, $0x3  }
0x1e: {  	s5 =	sadd.s32 s4, s2  }
0x1f: {  	[tilespmem:s17], [sflag:$0x1] =	stream.linear.gather [hbm4b:s5+s3], $0xFA0, $0x38;
	[tilespmem:$0xC780] =	vst v63  }
0x20: {  	_ =	swait.ge [sflag:s18], $0xFA0  }
0x21: {  	[sflag:s18] =	ssyncset.done $0x0  }
0x22: {  	s2 =	sadd.s32 s1, s2;
	[sflag:s18] =	ssyncadd.s32 $0xFFFFF060  }
0x23: {  	[tilespmem:s19], [sflag:$0x1] =	stream.linear.gather [hbm4b:s2+s3], $0xFA0, $0x38;
	[tilespmem:$0xC780] =	vst v63  }
0x24: {  	_ =	swait.ge [sflag:s18], $0xFA0  }
0x25: {  	[sflag:s18] =	ssyncset.done $0x0  }
0x26: {  	s31 =	simm.s32 $0x5510;
	[sflag:s18] =	ssyncadd.s32 $0xFFFFF060  }
0x27: {  	v3 =	vld [tilespmem:s31+$0x0]  }
0x28: {  	s2 =	simm.s32 $0x6510  }
0x29: {  	v4 =	vld [tilespmem:s2+$0x0]  }
0x2a: {  	v2 =	vld [tilespmem:s31+$0xFFFFFFF0];
	_ =	sdelay $0x2  }
0x2b: {  	v1 =	vld [tilespmem:s2+$0xFFFFFFF0];
	_ =	sdelay $0x1  }
0x2c: {  	s12 =	simm.s32 $0x5530;
	s5 =	simm.s32 $0x0;
	[tilespmem:v3+s3+$0x0] =	vst.idx.add.f32.msk $0xffff, v4  }
.LBB2_5:
0x2d: {  	v3 =	vld [tilespmem:s12+$0x0];
	s5 =	sadd.s32 $0x2, s5  }
0x2e: {  	v4 =	vld [tilespmem:s12+$0xFFFFFFF0];
	p0 =	slt.u32 s5, $0xF8  }
0x2f: {  	s2 =	sadd.s32 $0x20, s2;
	[tilespmem:v2+s3+$0x0] =	vst.idx.add.f32.msk $0xffff, v1  }
0x30: {  	v5 =	vld [tilespmem:s2+$0x0]  }
.Ltmp1:
0x31: {  	v1 =	vld [tilespmem:s2+$0xFFFFFFF0];
	(pc) =	sbr.rel @p0 .LBB2_5-.Ltmp1, $3  }
0x32: {  	_ = 	snop  }
0x33: {  	v2 =	vmov v4;
	_ =	sdelay $0x1  }
0x34: {  	s12 =	sadd.s32 $0x20, s12;
	[tilespmem:v3+s3+$0x0] =	vst.idx.add.f32.msk $0xffff, v5  }
0x35: {  	s0 =	sadd.s32 $0x1, s0  }
0x36: {  	p0 =	sne.s32 s0, $0x5  }
.Ltmp2:
0x37: {  	_ = 	snop;
	(pc) =	sbr.rel @p0 .LBB2_4-.Ltmp2, $2  }
0x38: {  	_ =	sdelay $0x2  }
0x39: {  	[tilespmem:v2+s3+$0x0] =	vst.idx.add.f32.msk $0xffff, v1  }
0x3a: {  	s0 =	simm.s32 $0x0;
	s2 =	rddreg [dreg:$0x5]  }
0x3b: {  	[spmem:s2] =	stream.strided.scatter [tilespmem:s0], [sflag:$0x1], $0x2800, s21, s20, $0x38;
	[tilespmem:$0xC780] =	vst v63  }
0x3c: {  	_ =	swait.ge [sflag:s18], $0x2800  }
0x3d: {  	[sflag:s18] =	ssyncset.done $0x0  }
0x3e: {  	[sflag:s18] =	ssyncadd.s32 $0xFFFFD800  }
0x3f: {  	[bflag:$0x0] =	sbarrier.arrive $0xFFFF  }
0x40: {  	[tilespmem:$0x2800] =	vst v0  }
0x41: {  	[tilespmem:$0x2810] =	vst v0  }
0x42: {  	[tilespmem:$0x2820] =	vst v0  }
0x43: {  	[tilespmem:$0x2830] =	vst v0  }
0x44: {  	[tilespmem:$0x2840] =	vst v0  }
0x45: {  	[tilespmem:$0x2850] =	vst v0  }
0x46: {  	[tilespmem:$0x2860] =	vst v0  }
0x47: {  	[tilespmem:$0x2870] =	vst v0  }
0x48: {  	[tilespmem:$0x2880] =	vst v0  }
0x49: {  	[tilespmem:$0x2890] =	vst v0  }
0x4a: {  	[tilespmem:$0x28A0] =	vst v0  }
0x4b: {  	[tilespmem:$0x28B0] =	vst v0  }
0x4c: {  	[tilespmem:$0x28C0] =	vst v0  }
0x4d: {  	[tilespmem:$0x28D0] =	vst v0  }
0x4e: {  	[tilespmem:$0x28E0] =	vst v0  }
0x4f: {  	[tilespmem:$0x28F0] =	vst v0  }
0x50: {  	[tilespmem:$0x2900] =	vst v0  }
0x51: {  	[tilespmem:$0x2910] =	vst v0  }
0x52: {  	[tilespmem:$0x2920] =	vst v0  }
0x53: {  	[tilespmem:$0x2930] =	vst v0  }
0x54: {  	[tilespmem:$0x2940] =	vst v0  }
0x55: {  	[tilespmem:$0x2950] =	vst v0  }
0x56: {  	[tilespmem:$0x2960] =	vst v0  }
0x57: {  	[tilespmem:$0x2970] =	vst v0  }
0x58: {  	[tilespmem:$0x2980] =	vst v0  }
0x59: {  	[tilespmem:$0x2990] =	vst v0  }
0x5a: {  	[tilespmem:$0x29A0] =	vst v0  }
0x5b: {  	[tilespmem:$0x29B0] =	vst v0  }
0x5c: {  	[tilespmem:$0x29C0] =	vst v0  }
0x5d: {  	[tilespmem:$0x29D0] =	vst v0  }
0x5e: {  	[tilespmem:$0x29E0] =	vst v0  }
0x5f: {  	[tilespmem:$0x29F0] =	vst v0  }
0x60: {  	[tilespmem:$0x2A00] =	vst v0  }
0x61: {  	[tilespmem:$0x2A10] =	vst v0  }
0x62: {  	[tilespmem:$0x2A20] =	vst v0  }
0x63: {  	[tilespmem:$0x2A30] =	vst v0  }
0x64: {  	[tilespmem:$0x2A40] =	vst v0  }
0x65: {  	[tilespmem:$0x2A50] =	vst v0  }
0x66: {  	[tilespmem:$0x2A60] =	vst v0  }
0x67: {  	[tilespmem:$0x2A70] =	vst v0  }
.LBB2_8:
0x68: {  	s2 =	sshrl.u32 s0, $0x3  }
0x69: {  	s2 =	smul.u32 $0x50000, s2;
	_ =	sdelay $0x1  }
0x6a: {  	s5 =	sshll.u32 s0, $0x7;
	s2 =	sshra.s32 s2, $0x2  }
0x6b: {  	s5 =	sand.u32 $0x380, s5;
	s2 =	sadd.s32 s2, s13  }
0x6c: {  	s2 =	sadd.s32 s5, s2  }
0x6d: {  	[tilespmem:s22], [sflag:$0x1] =	stream.strided.gather [spmem:s2], $0x280, s21, s20, $0x38;
	[tilespmem:$0xC780] =	vst v63  }
0x6e: {  	_ =	swait.ge [sflag:s18], $0x280  }
0x6f: {  	[sflag:s18] =	ssyncset.done $0x0  }
0x70: {  	s2 =	simm.s32 $0x0;
	[sflag:s18] =	ssyncadd.s32 $0xFFFFFD80  }
0x71: {  	s5 =	simm.s32 $0x40;
	v1 =	vld [tilespmem:s2+$0x2A80]  }
.LBB2_9:
0x72: {  	p0 =	sne.s32 s5, $0x9C0;
	v2 =	vld [tilespmem:s2+$0x2800];
	_ =	sdelay $0x2  }
.Ltmp3:
0x73: {  	(pc) =	sbr.rel @p0 .LBB2_9-.Ltmp3, $4  }
0x74: {  	_ = 	snop  }
0x75: {  	v2 =	vadd.f32 v1, v2  }
0x76: {  	s12 =	sshra.s32 s5, $0x2  }
0x77: {  	s5 =	sadd.s32 $0x40, s5;
	v1 =	vld [tilespmem:s12+$0x2A80];
	[tilespmem:s2+$0x2800] =	vst v2;
	s2 =	smov.u32 s12  }
0x78: {  	v2 =	vld [tilespmem:s2+$0x2800]  }
0x79: {  	s0 =	sadd.s32 $0x1, s0  }
0x7a: {  	p0 =	sne.s32 s0, $0x10  }
.Ltmp4:
0x7b: {  	_ = 	snop;
	(pc) =	sbr.rel @p0 .LBB2_8-.Ltmp4, $3  }
0x7c: {  	_ = 	snop  }
0x7d: {  	v1 =	vadd.f32 v1, v2;
	_ =	sdelay $0x1  }
0x7e: {  	[tilespmem:s2+$0x2800] =	vst v1  }
0x7f: {  	s31 =	simm.s32 $0x0  }
0x80: {  	v3 =	vld [tilespmem:s31+$0x2800];
	_ =	sdelay $0x4  }
0x81: {  	v1 =	vshra.s32 v3, $0x1  }
0x82: {  	s0 =	simm.s32 $0x10;
	v4 =	vsub.s32 $0x5F3759DF, v1  }
0x83: {  	v2 =	vld [tilespmem:s0+$0x2800];
	v1 =	vmul.f32 v4, v3;
	_ =	sdelay $0x1  }
0x84: {  	v1 =	vmul.f32 v4, v1;
	_ =	sdelay $0x1  }
0x85: {  	v1 =	vmul.f32 $5.000000000e-01, v1  }
0x86: {  	v5 =	vshra.s32 v2, $0x1  }
0x87: {  	s5 =	simm.s32 $0x20;
	v5 =	vsub.s32 $0x5F3759DF, v5;
	v6 =	vsub.f32 $1.500000000e+00, v1  }
0x88: {  	v7 =	vmul.f32 v5, v2;
	v1 =	vld [tilespmem:s5+$0x2800]  }
0x89: {  	v6 =	vmul.f32 v4, v6  }
0x8a: {  	v4 =	vmul.f32 v5, v7  }
0x8b: {  	v7 =	vmul.f32 v6, v3  }
0x8c: {  	v4 =	vmul.f32 $5.000000000e-01, v4  }
0x8d: {  	v8 =	vshra.s32 v1, $0x1;
	v7 =	vmul.f32 v7, v6  }
0x8e: {  	s2 =	simm.s32 $0x30;
	v8 =	vsub.s32 $0x5F3759DF, v8;
	v9 =	vsub.f32 $1.500000000e+00, v4  }
0x8f: {  	v4 =	vld [tilespmem:s2+$0x2800];
	v10 =	vmul.f32 v8, v1;
	v7 =	vmul.f32 $5.000000000e-01, v7  }
0x90: {  	v9 =	vmul.f32 v5, v9  }
0x91: {  	v5 =	vmul.f32 v8, v10;
	v7 =	vsub.f32 $1.500000000e+00, v7  }
0x92: {  	v10 =	vmul.f32 v9, v2  }
0x93: {  	v11 =	vmul.f32 $5.000000000e-01, v5;
	v7 =	vmul.f32 v7, v6  }
0x94: {  	s12 =	simm.s32 $0x40;
	v5 =	vshra.s32 v4, $0x1;
	v6 =	vmul.f32 v10, v9  }
0x95: {  	v10 =	vsub.s32 $0x5F3759DF, v5;
	v5 =	vld [tilespmem:s12+$0x2800];
	v11 =	vsub.f32 $1.500000000e+00, v11;
	v12 =	vmul.f32 v7, v3  }
0x96: {  	v13 =	vmul.f32 v10, v4;
	v6 =	vmul.f32 $5.000000000e-01, v6  }
0x97: {  	v8 =	vmul.f32 v8, v11;
	v11 =	vmul.f32 v12, v7  }
0x98: {  	v12 =	vmul.f32 v10, v13;
	v6 =	vsub.f32 $1.500000000e+00, v6  }
0x99: {  	v13 =	vmul.f32 v8, v1;
	v11 =	vmul.f32 $5.000000000e-01, v11  }
0x9a: {  	v14 =	vshra.s32 v5, $0x1;
	v16 =	vmul.f32 $5.000000000e-01, v12;
	v9 =	vmul.f32 v6, v9  }
0x9b: {  	s14 =	simm.s32 $0x50;
	v12 =	vsub.s32 $0x5F3759DF, v14;
	v13 =	vmul.f32 v13, v8;
	v11 =	vsub.f32 $1.500000000e+00, v11  }
0x9c: {  	s16 =	simm.s32 $0x180;
	v6 =	vld [tilespmem:s14+$0x2800];
	v15 =	vmul.f32 v12, v5;
	v16 =	vsub.f32 $1.500000000e+00, v16;
	v14 =	vmul.f32 v9, v2  }
.LBB2_12:
0x9d: {  	p0 =	sne.s32 s16, $0x9C0;
	v13 =	vmul.f32 $5.000000000e-01, v13;
	v11 =	vmul.f32 v11, v7;
	v7 =	vmov v9  }
0x9e: {  	vm0 =	vgt.f32 v3, $0.0e+00;
	v3 =	vmovc v2;
	v16 =	vmul.f32 v10, v16;
	v9 =	vmul.f32 v14, v7;
	v10 =	vmovc v12  }
.Ltmp5:
0x9f: {  	v2 =	vmovc v1;
	v1 =	vmovc v4;
	v12 =	vmul.f32 v10, v15;
	v13 =	vsub.f32 $1.500000000e+00, v13;
	v11 =	vnsel vm0, $0x0, v11;
	(pc) =	sbr.rel @p0 .LBB2_12-.Ltmp5, $4  }
0xa0: {  	v4 =	vmov v5;
	v14 =	vmul.f32 v16, v1;
	v15 =	vmul.f32 $5.000000000e-01, v9;
	[tilespmem:s31+$0x2A80] =	vst v11;
	s31 =	smov.u32 s0;
	s0 =	smov.u32 s5;
	s5 =	smov.u32 s2  }
0xa1: {  	s2 =	smov.u32 s12;
	s12 =	smov.u32 s14;
	v11 =	vshra.s32 v6, $0x1;
	v17 =	vmul.f32 $5.000000000e-01, v12;
	v9 =	vmul.f32 v13, v8;
	v8 =	vmovc v16;
	v5 =	vmovc v6  }
0xa2: {  	s14 =	sshra.s32 s16, $0x2;
	v12 =	vsub.s32 $0x5F3759DF, v11;
	v13 =	vmul.f32 v14, v8;
	v11 =	vsub.f32 $1.500000000e+00, v15  }
0xa3: {  	s16 =	sadd.s32 $0x40, s16;
	v6 =	vld [tilespmem:s14+$0x2800];
	v15 =	vmul.f32 v12, v5;
	v16 =	vsub.f32 $1.500000000e+00, v17;
	v14 =	vmul.f32 v9, v2  }
0xa4: {  	_ =	sdelay $0x3  }
0xa5: {  	v17 =	vshra.s32 v6, $0x1  }
0xa6: {  	v17 =	vsub.s32 $0x5F3759DF, v17  }
0xa7: {  	v18 =	vmul.f32 v17, v6  }
0xa8: {  	v15 =	vmul.f32 v12, v15  }
0xa9: {  	v18 =	vmul.f32 v17, v18  }
0xaa: {  	v15 =	vmul.f32 $5.000000000e-01, v15  }
0xab: {  	v18 =	vmul.f32 $5.000000000e-01, v18  }
0xac: {  	v15 =	vsub.f32 $1.500000000e+00, v15  }
0xad: {  	v10 =	vmul.f32 v10, v16;
	v47 =	vsub.f32 $1.500000000e+00, v18  }
0xae: {  	v48 =	vmul.f32 v12, v15  }
0xaf: {  	v49 =	vmul.f32 v10, v4;
	v16 =	vmul.f32 v17, v47  }
0xb0: {  	v50 =	vmul.f32 v48, v5  }
0xb1: {  	v15 =	vmul.f32 v49, v10;
	v51 =	vmul.f32 v16, v6  }
0xb2: {  	v13 =	vmul.f32 $5.000000000e-01, v13;
	v17 =	vmul.f32 v50, v48  }
0xb3: {  	v15 =	vmul.f32 $5.000000000e-01, v15;
	v18 =	vmul.f32 v51, v16  }
0xb4: {  	v13 =	vsub.f32 $1.500000000e+00, v13;
	v17 =	vmul.f32 $5.000000000e-01, v17  }
0xb5: {  	v14 =	vmul.f32 v14, v9;
	v15 =	vsub.f32 $1.500000000e+00, v15;
	v18 =	vmul.f32 $5.000000000e-01, v18  }
0xb6: {  	v7 =	vmul.f32 v11, v7;
	v8 =	vmul.f32 v13, v8;
	v52 =	vsub.f32 $1.500000000e+00, v17  }
0xb7: {  	v53 =	vmul.f32 $5.000000000e-01, v14;
	v10 =	vmul.f32 v15, v10;
	v54 =	vsub.f32 $1.500000000e+00, v18  }
0xb8: {  	v55 =	vmul.f32 v8, v1;
	v11 =	vmul.f32 v52, v48  }
0xb9: {  	v56 =	vmul.f32 v10, v4;
	v14 =	vmul.f32 v54, v16  }
0xba: {  	v15 =	vmul.f32 v55, v8;
	v57 =	vmul.f32 v11, v5  }
0xbb: {  	vm0 =	vgt.f32 v3, $0.0e+00;
	v3 =	vmul.f32 v56, v10;
	v58 =	vmul.f32 v14, v6  }
0xbc: {  	vm11 =	vgt.f32 v2, $0.0e+00;
	v15 =	vmul.f32 $5.000000000e-01, v15;
	v16 =	vmul.f32 v57, v11  }
0xbd: {  	v13 =	vsub.f32 $1.500000000e+00, v53;
	v3 =	vmul.f32 $5.000000000e-01, v3;
	v12 =	vmul.f32 v58, v14  }
0xbe: {  	vm12 =	vgt.f32 v1, $0.0e+00;
	v60 =	vsub.f32 $1.500000000e+00, v15;
	v61 =	vmul.f32 $5.000000000e-01, v16  }
0xbf: {  	v59 =	vmul.f32 v13, v9;
	v2 =	vsub.f32 $1.500000000e+00, v3;
	v3 =	vmul.f32 $5.000000000e-01, v12  }
0xc0: {  	v7 =	vnsel vm0, $0x0, v7;
	v8 =	vmul.f32 v60, v8;
	v62 =	vsub.f32 $1.500000000e+00, v61  }
0xc1: {  	[tilespmem:s31+$0x2A80] =	vst v7;
	v9 =	vnsel vm11, $0x0, v59;
	v1 =	vmul.f32 v2, v10;
	v2 =	vsub.f32 $1.500000000e+00, v3  }
0xc2: {  	vm13 =	vgt.f32 v4, $0.0e+00;
	[tilespmem:s0+$0x2A80] =	vst v9;
	v63 =	vmul.f32 v62, v11;
	v3 =	vnsel vm12, $0x0, v8  }
0xc3: {  	vm14 =	vgt.f32 v5, $0.0e+00;
	v1 =	vnsel vm13, $0x0, v1;
	[tilespmem:s5+$0x2A80] =	vst v3;
	v2 =	vmul.f32 v2, v14  }
0xc4: {  	vm15 =	vgt.f32 v6, $0.0e+00;
	[tilespmem:s2+$0x2A80] =	vst v1;
	v1 =	vnsel vm14, $0x0, v63  }
0xc5: {  	[tilespmem:s12+$0x2A80] =	vst v1;
	v1 =	vnsel vm15, $0x0, v2  }
0xc6: {  	s26 =	rddreg [dreg:$0x6];
	[tilespmem:s14+$0x2A80] =	vst v1  }
0xc7: {  	[spmem:s26] =	stream.linear.scatter [tilespmem:s22], [sflag:$0x1], $0x280, $0x38;
	[tilespmem:$0xC780] =	vst v63  }
0xc8: {  	_ =	swait.ge [sflag:s18], $0x280  }
0xc9: {  	[sflag:s18] =	ssyncset.done $0x0  }
0xca: {  	[sflag:s18] =	ssyncadd.s32 $0xFFFFFD80  }
0xcb: {  	[bflag:$0x0] =	sbarrier.arrive $0xFFFF  }
0xcc: {  	s30 =	rddreg [dreg:$0x3]  }
0xcd: {  	[tilespmem:s23], [sflag:$0x1] =	stream.linear.gather [spmem:s30], $0x2800, $0x38;
	[tilespmem:$0xC780] =	vst v63  }
0xce: {  	_ =	swait.ge [sflag:s18], $0x2800  }
0xcf: {  	[sflag:s18] =	ssyncset.done $0x0  }
0xd0: {  	s31 =	simm.s32 $0x0;
	[sflag:s18] =	ssyncadd.s32 $0xFFFFD800  }
.LBB2_14:
0xd1: {  	s0 =	smul.u32 $0x7D0, s31;
	_ =	sdelay $0x1  }
0xd2: {  	s0 =	sadd.s32 s15, s0  }
0xd3: {  	s0 =	sshrl.u32 s0, $0x3  }
0xd4: {  	s2 =	sadd.s32 s4, s0  }
0xd5: {  	[tilespmem:s17], [sflag:$0x1] =	stream.linear.gather [hbm4b:s2+s3], $0x7D0, $0x38;
	[tilespmem:$0xC780] =	vst v63  }
0xd6: {  	_ =	swait.ge [sflag:s18], $0x7D0  }
0xd7: {  	[sflag:s18] =	ssyncset.done $0x0  }
0xd8: {  	s5 =	simm.s32 $0x7500;
	s26 =	sadd.s32 s6, s0;
	[sflag:s18] =	ssyncadd.s32 $0xFFFFF830  }
0xd9: {  	[tilespmem:s5], [sflag:$0x1] =	stream.linear.gather [hbm4b:s26+s3], $0x7D0, $0x38;
	[tilespmem:$0xC780] =	vst v63  }
0xda: {  	_ =	swait.ge [sflag:s18], $0x7D0  }
0xdb: {  	[sflag:s18] =	ssyncset.done $0x0  }
0xdc: {  	s12 =	sadd.s32 s1, s0;
	[sflag:s18] =	ssyncadd.s32 $0xFFFFF830  }
0xdd: {  	[tilespmem:s19], [sflag:$0x1] =	stream.linear.gather [hbm4b:s12+s3], $0x7D0, $0x38;
	[tilespmem:$0xC780] =	vst v63  }
0xde: {  	_ =	swait.ge [sflag:s18], $0x7D0  }
0xdf: {  	[sflag:s18] =	ssyncset.done $0x0  }
0xe0: {  	s14 =	simm.s32 $0x5510;
	[sflag:s18] =	ssyncadd.s32 $0xFFFFF830  }
0xe1: {  	s16 =	simm.s32 $0x7510;
	v3 =	vld [tilespmem:s14+$0x0]  }
0xe2: {  	v6 =	vld [tilespmem:s16+$0x0];
	_ =	sdelay $0x1  }
0xe3: {  	v9 =	vld [tilespmem:s16+$0xFFFFFFF0]  }
0xe4: {  	s24 =	simm.s32 $0x5530;
	v7 =	vld [tilespmem:s14+$0xFFFFFFF0]  }
0xe5: {  	s25 =	simm.s32 $0x7530;
	v4 =	vld [tilespmem:s24+$0x0]  }
0xe6: {  	s12 =	simm.s32 $0x6510;
	v5 =	vld [tilespmem:s25+$0x0]  }
0xe7: {  	v8 =	vld [tilespmem:s12+$0x0]  }
0xe8: {  	v1 =	vld.idx.msk [tilespmem:v3+s23+$0x0], $0xffff  }
0xe9: {  	v2 =	vld.idx.msk [tilespmem:v6+s23+$0x0], $0xffff  }
0xea: {  	v10 =	vld [tilespmem:s25+$0xFFFFFFF0]  }
0xeb: {  	v12 =	vld [tilespmem:s24+$0xFFFFFFF0]  }
0xec: {  	v14 =	vld [tilespmem:s12+$0xFFFFFFF0]  }
0xed: {  	v11 =	vld.idx.msk [tilespmem:v7+s23+$0x0], $0xffff  }
0xee: {  	v13 =	vld.idx.msk [tilespmem:v9+s23+$0x0], $0xffff;
	v1 =	vmul.f32 v2, v1  }
0xef: {  	v15 =	vld.idx.msk [tilespmem:v4+s23+$0x0], $0xffff  }
0xf0: {  	s26 =	simm.s32 $0x5550;
	v16 =	vld.idx.msk [tilespmem:v5+s23+$0x0], $0xffff;
	v1 =	vmul.f32 v1, v8  }
0xf1: {  	s5 =	simm.s32 $0x7550;
	v2 =	vld [tilespmem:s26+$0x0]  }
0xf2: {  	s16 =	simm.s32 $0x6530;
	v17 =	vsub.f32 $0.0e+00, v1;
	v1 =	vld [tilespmem:s5+$0x0]  }
0xf3: {  	v18 =	vld [tilespmem:s16+$0x0];
	v3 =	vshll.u32 v3, $0x10;
	v11 =	vmul.f32 v13, v11  }
0xf4: {  	s2 =	simm.s32 $0x7D10;
	v6 =	vor.u32 v6, v3;
	v3 =	vld [tilespmem:s5+$0xFFFFFFF0];
	v13 =	vshll.u32 v7, $0x10  }
0xf5: {  	[tilespmem:s2+$0x0] =	vst v6;
	v13 =	vor.u32 v9, v13;
	v8 =	vld [tilespmem:s26+$0xFFFFFFF0];
	v14 =	vmul.f32 v11, v14;
	v19 =	vadd.f32 v17, v17  }
0xf6: {  	s14 =	simm.s32 $0x8510;
	v7 =	vld.idx.msk [tilespmem:v12+s23+$0x0], $0xffff;
	v15 =	vmul.f32 v16, v15;
	[tilespmem:s2+$0xFFFFFFF0] =	vst v13  }
0xf7: {  	s12 =	simm.s32 $0x8D10;
	v9 =	vld [tilespmem:s16+$0xFFFFFFF0];
	v16 =	vsub.f32 $0.0e+00, v14;
	[tilespmem:s14+$0x0] =	vst v17;
	v6 =	vsub.f32 $0.0e+00, v19  }
0xf8: {  	s30 =	simm.s32 $0x9510;
	v12 =	vshll.u32 v12, $0x10;
	v11 =	vld.idx.msk [tilespmem:v10+s23+$0x0], $0xffff;
	v15 =	vmul.f32 v15, v18;
	[tilespmem:s12+$0x0] =	vst v19  }
0xf9: {  	v14 =	vadd.f32 v16, v16;
	[tilespmem:s30+$0x0] =	vst v6;
	v6 =	vor.u32 v10, v12;
	v10 =	vld.idx.msk [tilespmem:v2+s23+$0x0], $0xffff  }
0xfa: {  	s25 =	simm.s32 $0x4;
	s24 =	simm.s32 $0x9510;
	s26 =	simm.s32 $0x5570;
	v15 =	vsub.f32 $0.0e+00, v15;
	[tilespmem:s14+$0xFFFFFFF0] =	vst v16;
	v13 =	vshll.u32 v8, $0x10;
	v12 =	vld.idx.msk [tilespmem:v1+s23+$0x0], $0xffff  }
.LBB2_15:
0xfb: {  	v13 =	vor.u32 v3, v13;
	s5 =	sadd.s32 $0x20, s5;
	v16 =	vshll.u32 v4, $0x10;
	[tilespmem:s12+$0xFFFFFFF0] =	vst v14;
	v14 =	vsub.f32 $0.0e+00, v14;
	v4 =	vmovc v2;
	v2 =	vld [tilespmem:s26+$0x0]  }
0xfc: {  	s25 =	sadd.s32 $0x2, s25;
	s16 =	sadd.s32 $0x20, s16;
	s2 =	sadd.s32 $0x20, s2;
	v17 =	vadd.f32 v15, v15;
	v16 =	vor.u32 v5, v16;
	v5 =	vmov v1;
	v1 =	vld [tilespmem:s5+$0x0]  }
0xfd: {  	s14 =	sadd.s32 $0x20, s14;
	p0 =	slt.u32 s25, $0x7A;
	v7 =	vmul.f32 v11, v7;
	v18 =	vld [tilespmem:s16+$0x0];
	[tilespmem:s2+$0x0] =	vst v16  }
0xfe: {  	s12 =	sadd.s32 $0x20, s12;
	v16 =	vld [tilespmem:s5+$0xFFFFFFF0];
	[tilespmem:s14+$0x0] =	vst v15;
	v11 =	vsub.f32 $0.0e+00, v17  }
0xff: {  	s30 =	sadd.s32 $0x20, s30;
	v9 =	vmul.f32 v7, v9;
	v19 =	vld [tilespmem:s26+$0xFFFFFFF0];
	[tilespmem:s12+$0x0] =	vst v17  }
.Ltmp6:
0x100: {  	v7 =	vld.idx.msk [tilespmem:v8+s23+$0x0], $0xffff;
	v8 =	vmul.f32 v12, v10;
	[tilespmem:s30+$0x0] =	vst v11;
	(pc) =	sbr.rel @p0 .LBB2_15-.Ltmp6, $4  }
0x101: {  	v12 =	vsub.f32 $0.0e+00, v9;
	v11 =	vld.idx.msk [tilespmem:v3+s23+$0x0], $0xffff;
	[tilespmem:s2+$0xFFFFFFF0] =	vst v6;
	v6 =	vmov v13  }
0x102: {  	v9 =	vld [tilespmem:s16+$0xFFFFFFF0];
	v17 =	vmul.f32 v8, v18;
	[tilespmem:s24+$0xFFFFFFF0] =	vst v14;
	s24 =	smov.u32 s30  }
0x103: {  	v14 =	vadd.f32 v12, v12;
	v10 =	vld.idx.msk [tilespmem:v2+s23+$0x0], $0xffff;
	[tilespmem:s14+$0xFFFFFFF0] =	vst v12;
	v3 =	vmov v16  }
0x104: {  	s26 =	sadd.s32 $0x20, s26;
	v13 =	vshll.u32 v19, $0x10;
	v12 =	vld.idx.msk [tilespmem:v1+s23+$0x0], $0xffff;
	v15 =	vsub.f32 $0.0e+00, v17;
	v8 =	vmov v19  }
0x105: {  	_ =	sdelay $0x1  }
0x106: {  	s5 =	sadd.s32 $0x20, s16  }
0x107: {  	v4 =	vshll.u32 v4, $0x10;
	[tilespmem:s12+$0xFFFFFFF0] =	vst v14;
	s2 =	sadd.s32 $0x20, s2;
	v16 =	vld [tilespmem:s5+$0x0]  }
0x108: {  	v52 =	vld.idx.msk [tilespmem:v8+s23+$0x0], $0xffff;
	v56 =	vsub.f32 $0.0e+00, v14;
	v4 =	vor.u32 v5, v4;
	[tilespmem:s2+$0xFFFFFFF0] =	vst v6  }
0x109: {  	v55 =	vld.idx.msk [tilespmem:v3+s23+$0x0], $0xffff;
	v7 =	vmul.f32 v11, v7;
	[tilespmem:s2+$0x0] =	vst v4  }
0x10a: {  	s14 =	sadd.s32 $0x20, s14;
	v2 =	vshll.u32 v2, $0x10;
	[tilespmem:s24+$0xFFFFFFF0] =	vst v56;
	v54 =	vmul.f32 v12, v10  }
0x10b: {  	v51 =	vadd.f32 v15, v15;
	v57 =	vld [tilespmem:s5+$0xFFFFFFF0];
	v1 =	vor.u32 v1, v2;
	s2 =	sadd.s32 $0x20, s2;
	[tilespmem:s14+$0x0] =	vst v15;
	v7 =	vmul.f32 v7, v9  }
0x10c: {  	v3 =	vor.u32 v3, v13;
	[tilespmem:s2+$0x0] =	vst v1;
	v9 =	vmul.f32 v54, v16  }
0x10d: {  	s16 =	sadd.s32 $0x20, s12;
	v53 =	vsub.f32 $0.0e+00, v51;
	[tilespmem:s2+$0xFFFFFFF0] =	vst v3;
	v7 =	vsub.f32 $0.0e+00, v7  }
0x10e: {  	s25 =	sadd.s32 $0x20, s30;
	[tilespmem:s16+$0x0] =	vst v51;
	v4 =	vmul.f32 v55, v52;
	v59 =	vsub.f32 $0.0e+00, v9  }
0x10f: {  	[tilespmem:s25+$0x0] =	vst v53;
	v58 =	vadd.f32 v7, v7  }
0x110: {  	[tilespmem:s14+$0xFFFFFFF0] =	vst v7;
	v1 =	vmul.f32 v4, v57;
	v60 =	vadd.f32 v59, v59  }
0x111: {  	s26 =	sadd.s32 $0x20, s14;
	[tilespmem:s16+$0xFFFFFFF0] =	vst v58  }
0x112: {  	s12 =	sadd.s32 $0x20, s16;
	v1 =	vsub.f32 $0.0e+00, v1;
	[tilespmem:s26+$0x0] =	vst v59;
	v2 =	vsub.f32 $0.0e+00, v60  }
0x113: {  	s30 =	sadd.s32 $0x20, s25;
	v61 =	vsub.f32 $0.0e+00, v58;
	[tilespmem:s12+$0x0] =	vst v60  }
0x114: {  	[tilespmem:s30+$0x0] =	vst v2;
	v2 =	vadd.f32 v1, v1  }
0x115: {  	[tilespmem:s25+$0xFFFFFFF0] =	vst v61  }
0x116: {  	[tilespmem:s26+$0xFFFFFFF0] =	vst v1;
	v1 =	vsub.f32 $0.0e+00, v2  }
0x117: {  	[tilespmem:s12+$0xFFFFFFF0] =	vst v2  }
0x118: {  	[tilespmem:s30+$0xFFFFFFF0] =	vst v1  }
0x119: {  	v1 =	vld [tilespmem:$0x5CC0]  }
0x11a: {  	v2 =	vld [tilespmem:$0x7CC0];
	_ =	sdelay $0x6  }
0x11b: {  	v3 =	vld.idx.msk [tilespmem:v1+s23+$0x0], $0xffff  }
0x11c: {  	v4 =	vld.idx.msk [tilespmem:v2+s23+$0x0], $0xffff;
	_ =	sdelay $0x1  }
0x11d: {  	v62 =	vld [tilespmem:$0x6CC0];
	_ =	sdelay $0x2  }
0x11e: {  	v3 =	vmul.f32 v4, v3;
	_ =	sdelay $0x1  }
0x11f: {  	v3 =	vmul.f32 v3, v62;
	_ =	sdelay $0x1  }
0x120: {  	v3 =	vsub.f32 $0.0e+00, v3  }
0x121: {  	v1 =	vshll.u32 v1, $0x10  }
0x122: {  	v1 =	vor.u32 v2, v1;
	v63 =	vadd.f32 v3, v3  }
0x123: {  	[tilespmem:$0x84C0] =	vst v1  }
0x124: {  	[tilespmem:$0x8CC0] =	vst v3;
	v1 =	vsub.f32 $0.0e+00, v63  }
0x125: {  	[tilespmem:$0x94C0] =	vst v63  }
0x126: {  	s14 =	sadd.s32 s7, s0;
	s16 =	simm.s32 $0x7D00;
	[tilespmem:$0x9CC0] =	vst v1  }
0x127: {  	[hbm4b:s14+s3] =	stream.linear.scatter [tilespmem:s16], [sflag:$0x1], $0x7D0, $0x38;
	[tilespmem:$0xC780] =	vst v63  }
0x128: {  	_ =	swait.ge [sflag:s18], $0x7D0  }
0x129: {  	[sflag:s18] =	ssyncset.done $0x0  }
0x12a: {  	s24 =	sadd.s32 s8, s0;
	s25 =	simm.s32 $0x8500;
	[sflag:s18] =	ssyncadd.s32 $0xFFFFF830  }
0x12b: {  	[hbm4b:s24+s3] =	stream.linear.scatter [tilespmem:s25], [sflag:$0x1], $0x7D0, $0x38;
	[tilespmem:$0xC780] =	vst v63  }
0x12c: {  	_ =	swait.ge [sflag:s18], $0x7D0  }
0x12d: {  	[sflag:s18] =	ssyncset.done $0x0  }
0x12e: {  	s26 =	sadd.s32 s9, s0;
	[sflag:s18] =	ssyncadd.s32 $0xFFFFF830  }
0x12f: {  	[hbm4b:s26+s3] =	stream.linear.scatter [tilespmem:s28], [sflag:$0x1], $0x7D0, $0x38;
	[tilespmem:$0xC780] =	vst v63  }
0x130: {  	s31 =	sadd.s32 $0x1, s31;
	_ =	swait.ge [sflag:s18], $0x7D0  }
0x131: {  	p0 =	sne.s32 s31, $0x5;
	[sflag:s18] =	ssyncset.done $0x0  }
.Ltmp7:
0x132: {  	s30 =	sadd.s32 s10, s0;
	[sflag:s18] =	ssyncadd.s32 $0xFFFFF830;
	(pc) =	sbr.rel @p0 .LBB2_14-.Ltmp7, $4  }
0x133: {  	[hbm4b:s30+s3] =	stream.linear.scatter [tilespmem:s29], [sflag:$0x1], $0x7D0, $0x38;
	[tilespmem:$0xC780] =	vst v63  }
0x134: {  	_ =	swait.ge [sflag:s18], $0x7D0  }
0x135: {  	[sflag:s18] =	ssyncset.done $0x0  }
0x136: {  	[sflag:s18] =	ssyncadd.s32 $0xFFFFF830  }
0x137: {  	s2 =	rddreg [dreg:$0x8]  }
0x138: {  	s0 =	rddreg [dreg:$0x7];
	s2 =	sadd.s32 $0x1, s2  }
0x139: {  	p0 =	sne.s32 s2, s0  }
.Ltmp8:
0x13a: {  	_ = 	snop;
	(pc) =	sbr.rel @p0 .LBB2_1-.Ltmp8, $1  }
0x13b: {  	_ =	sdelay $0x3  }
0x13c: {  	_ =	sfence.sel $0x180000  }
0x13d: {  	[bflag:$0x0] =	sbarrier.arrive $0xFFFF  }
0x13e: {  	_ =	strace $0x90000047  }
0x13f: {  	s0 =	stileid.u32;
	[bflag:$0x2] =	sbarrier.arrive $0xFFFF  }
0x140: {  	p0 =	sne.s32 s0, $0x0;
	s0 =	rddreg [dreg:$0x4]  }
0x141: {  	s0 =	sadd.s32 @!p0 $0x100000, s0  }
0x142: {  	[sflag:s0] =	ssyncadd.tile.s32 @!p0 $0x1;
	_ =	shalt  }
.Lfunc_end2:
_tile_overlayer_lowered:
.L_overlay_start_2:
0x143: {  	(tag) =	ssettag $0x2  }
0x144: {  	s0 =	rddreg [dreg:$0x0];
	s2 =	stileid.u32  }
0x145: {  	s1 =	rddreg [dreg:$0x1];
	p0 =	sne.s32 s2, $0x0  }
0x146: {  	s3 =	rddreg [dreg:$0x2];
	[bflag:$0x3] =	sbarrier.arrive $0xFFFF;
	s2 =	simm.s32 @!p0 $0x1C01  }
0x147: {  	[timem:s3], [sflag:s2] =	dma.local @!p0 [hbm:s0], s1  }
0x148: {  	s0 =	simm.s32 @!p0 $0x1  }
0x149: {  	_ =	swait.ge @!p0 [sflag:s0], s1  }
0x14a: {  	s1 =	ssub.s32 @!p0 $0x0, s1;
	[sflag:s0] =	ssyncset.done @!p0 $0x0  }
0x14b: {  	[sflag:s0] =	ssyncadd.s32 @!p0 s1  }
0x14c: {  	[bflag:$0x3] =	sbarrier.arrive $0xFFFF  }
0x14d: {  	_ =	shalt  }

</sc_bundles>
